<compile_context>
chip_gen: v7x
topology: tpu7x:2x2x1
jax: 0.10.2.dev20260603
libtpu: 0.0.44.dev20260713+nightly
codegen_flags: <defaults>
</compile_context>

<pallas_src>
import functools

import jax
import jax.numpy as jnp
from jax import lax
from jax.experimental import pallas as pl
from jax.experimental.pallas import tpu as pltpu
from jax.experimental.pallas import tpu_sc as plsc

NC = 21
NOBJ = 1000
NDET = 20000
OP = 1000
P = 1408
DP = 20480
NW = 32
DCH = DP // NW
RS = P + 1
LP = 960
NEGF = -3.4e38


def _prep_body(glr_ref, gll_ref, gbt_ref, dl_ref,
               sx1_ref, sy1_ref, sx2_ref, sy2_ref,
               dpk_ref, nmat_ref):
    glr = glr_ref[...]
    gll = gll_ref[...]
    gbt = gbt_ref[...]
    dl = dl_ref[...]

    base = jnp.int32(0)
    amap = jnp.zeros((1, OP), jnp.int32)
    dbase = jnp.zeros(dl.shape, jnp.int32)
    dcnt = jnp.zeros(dl.shape, jnp.int32)
    nmat = jnp.int32(0)
    for c in range(NC):
        cmask = gll == c
        cnt = jnp.sum(cmask.astype(jnp.int32))
        ng = (cnt + 15) // 16
        amap = jnp.where(cmask, base, amap)
        dmask = dl == c
        hist = jnp.sum(dmask.astype(jnp.int32))
        dbase = jnp.where(dmask, base, dbase)
        dcnt = jnp.where(dmask, cnt, dcnt)
        nmat = nmat + jnp.where(hist > 0, cnt, 0)
        base = base + 16 * ng

    ir = lax.broadcasted_iota(jnp.int32, (OP, OP), 0)
    il = lax.broadcasted_iota(jnp.int32, (OP, OP), 1)
    same = glr == gll
    before = ir < il
    rank = jnp.sum((same & before).astype(jnp.int32), axis=0, keepdims=True)

    pos = amap + rank

    rows = lax.broadcasted_iota(jnp.int32, (P, OP), 0)
    oh = rows == pos
    zero = jnp.float32(0.0)
    sx1_ref[...] = jnp.sum(jnp.where(oh, gbt[0:1, :], zero), axis=1, keepdims=True)
    sy1_ref[...] = jnp.sum(jnp.where(oh, gbt[1:2, :], zero), axis=1, keepdims=True)
    sx2_ref[...] = jnp.sum(jnp.where(oh, gbt[2:3, :], zero), axis=1, keepdims=True)
    sy2_ref[...] = jnp.sum(jnp.where(oh, gbt[3:4, :], zero), axis=1, keepdims=True)
    dpk_ref[...] = (dbase << 11) | dcnt
    nmat_ref[0, 0] = nmat.astype(jnp.float32)


def _sc_body(sx1_h, sy1_h, sx2_h, sy2_h,
             dbt_h, dlab_h, dpk_h,
             out_h,
             sx1, sy1, sx2, sy2, vx1, vy1, vx2, vy2, vlab, vpk,
             lx1, ly1, lx2, ly2, lpk, cnthist, basearr, best2, best, sem):
    wid = lax.axis_index("s") * 2 + lax.axis_index("c")
    dlo = jnp.minimum(wid * DCH, NDET - DCH)

    descs = [
        pltpu.async_copy(sx1_h, sx1, sem),
        pltpu.async_copy(sy1_h, sy1, sem),
        pltpu.async_copy(sx2_h, sx2, sem),
        pltpu.async_copy(sy2_h, sy2, sem),
        pltpu.async_copy(dbt_h.at[pl.ds(dlo, DCH)], vx1, sem),
        pltpu.async_copy(dbt_h.at[pl.ds(NDET + dlo, DCH)], vy1, sem),
        pltpu.async_copy(dbt_h.at[pl.ds(2 * NDET + dlo, DCH)], vx2, sem),
        pltpu.async_copy(dbt_h.at[pl.ds(3 * NDET + dlo, DCH)], vy2, sem),
        pltpu.async_copy(dlab_h.at[pl.ds(dlo, DCH)], vlab, sem),
        pltpu.async_copy(dpk_h.at[pl.ds(dlo, DCH)], vpk, sem),
    ]

    zeros16 = jnp.zeros((16,), jnp.float32)
    zeros16i = jnp.zeros((16,), jnp.int32)

    @plsc.parallel_loop(0, 16 * RS // 16, 1, unroll=4)
    def zbody(i):
        best2[pl.ds(i * 16, 16)] = zeros16

    @plsc.parallel_loop(0, LP // 16, 1, unroll=4)
    def zlbody(i):
        lpk[pl.ds(i * 16, 16)] = zeros16i

    cnthist[pl.ds(0, 16)] = zeros16i
    cnthist[pl.ds(16, 16)] = zeros16i

    for d in descs:
        d.wait()

    def h1body(g, carry):
        lv = vlab[pl.ds(g * 16, 16)]
        scan, lmask = plsc.scan_count(lv)
        cur = plsc.load_gather(cnthist, [lv])
        plsc.store_scatter(cnthist, [lv], cur + scan, mask=lmask)
        return carry
    lax.fori_loop(0, DCH // 16, h1body, 0)

    h0 = cnthist[pl.ds(0, 16)]
    h1 = cnthist[pl.ds(16, 16)]
    ha0 = ((h0 + 15) >> 4) << 4
    ha1 = ((h1 + 15) >> 4) << 4
    e0 = plsc.cumsum(ha0) - ha0
    tot0 = jnp.sum(ha0)
    e1 = plsc.cumsum(ha1) - ha1 + tot0
    basearr[pl.ds(0, 16)] = e0
    basearr[pl.ds(16, 16)] = e1

    cnthist[pl.ds(0, 16)] = zeros16i
    cnthist[pl.ds(16, 16)] = zeros16i

    def s2body(g, carry):
        o = g * 16
        lv = vlab[pl.ds(o, 16)]
        scan, lmask = plsc.scan_count(lv)
        cur = plsc.load_gather(cnthist, [lv])
        bse = plsc.load_gather(basearr, [lv])
        pos = bse + cur + scan - 1
        plsc.store_scatter(lx1, [pos], vx1[pl.ds(o, 16)])
        plsc.store_scatter(ly1, [pos], vy1[pl.ds(o, 16)])
        plsc.store_scatter(lx2, [pos], vx2[pl.ds(o, 16)])
        plsc.store_scatter(ly2, [pos], vy2[pl.ds(o, 16)])
        plsc.store_scatter(lpk, [pos], vpk[pl.ds(o, 16)])
        plsc.store_scatter(cnthist, [lv], cur + scan, mask=lmask)
        return carry
    lax.fori_loop(0, DCH // 16, s2body, 0)

    lanerow = lax.broadcasted_iota(jnp.int32, (16,), 0) * RS
    k16 = [jnp.full((16,), k, jnp.int32) for k in range(16)]

    def gbody(g, carry):
        b16 = g * 16
        cx1 = lx1[pl.ds(b16, 16)]
        cy1 = ly1[pl.ds(b16, 16)]
        cx2 = lx2[pl.ds(b16, 16)]
        cy2 = ly2[pl.ds(b16, 16)]
        pk = lpk[pl.ds(b16, 16)]
        cnv = pk & 2047
        da = (cx2 - cx1) * (cy2 - cy1)
        pks = jnp.max(pk)
        bks = pks >> 11
        cs = pks & 2047
        nt = (cs + 15) >> 4

        @plsc.parallel_loop(0, nt, 1, unroll=1)
        def wbody(tt):
            o = bks + tt * 16
            wx1 = sx1[pl.ds(o, 16)]
            wy1 = sy1[pl.ds(o, 16)]
            wx2 = sx2[pl.ds(o, 16)]
            wy2 = sy2[pl.ds(o, 16)]
            for k in range(16):
                t = tt * 16 + k
                m = cnv > t
                g1x = jnp.take(wx1, k16[k])
                g1y = jnp.take(wy1, k16[k])
                g2x = jnp.take(wx2, k16[k])
                g2y = jnp.take(wy2, k16[k])
                ga = (g2x - g1x) * (g2y - g1y)
                lox = jnp.maximum(g1x, cx1)
                loy = jnp.maximum(g1y, cy1)
                hix = jnp.minimum(g2x, cx2)
                hiy = jnp.minimum(g2y, cy2)
                ww = jnp.maximum(hix - lox, 0.0)
                hh = jnp.maximum(hiy - loy, 0.0)
                inter = ww * hh
                uni = ga + da - inter
                iou = inter / uni
                bidx = lanerow + (o + k)
                cur = plsc.load_gather(best2, [bidx], mask=m)
                plsc.store_scatter(best2, [bidx], jnp.maximum(cur, iou), mask=m)
        return carry

    lax.fori_loop(0, LP // 16, gbody, 0)

    @plsc.parallel_loop(0, P // 16, 1, unroll=2)
    def rbody(i):
        o = i * 16
        acc = best2[pl.ds(o, 16)]
        for r in range(1, 16):
            acc = jnp.maximum(acc, best2[pl.ds(r * RS + o, 16)])
        best[pl.ds(o, 16)] = acc

    pltpu.sync_copy(best, out_h.at[wid])


def _fin_body(parts_ref, nmat_ref, out_ref):
    parts = parts_ref[...]
    best = jnp.max(parts, axis=0)
    s = jnp.sum(best)
    n = nmat_ref[0, 0]
    out_ref[0, 0] = (n - s) / n


def kernel(det_boxes, det_scores, det_labels, boxes, labels):
    del det_scores
    db = det_boxes[0]
    dl = det_labels[0].astype(jnp.int32)
    gb = boxes[0]
    gl = labels[0].astype(jnp.int32)

    gbt_gt = gb.T

    dlp = jnp.full((DP,), -1, jnp.int32).at[:NDET].set(dl)
    dbt = db.T.reshape(4 * NDET)

    _vmem = pl.BlockSpec(memory_space=pltpu.VMEM)
    _smem = pl.BlockSpec(memory_space=pltpu.SMEM)
    prep = pl.pallas_call(
        _prep_body,
        out_shape=[
            jax.ShapeDtypeStruct((P, 1), jnp.float32),
            jax.ShapeDtypeStruct((P, 1), jnp.float32),
            jax.ShapeDtypeStruct((P, 1), jnp.float32),
            jax.ShapeDtypeStruct((P, 1), jnp.float32),
            jax.ShapeDtypeStruct((DP // 128, 128), jnp.int32),
            jax.ShapeDtypeStruct((1, 1), jnp.float32),
        ],
        out_specs=[_vmem] * 5 + [_smem],
    )(gl.reshape(OP, 1), gl.reshape(1, OP), gbt_gt,
      dlp.reshape(DP // 128, 128))
    sx1, sy1, sx2, sy2, dpk, nmat = prep

    mesh = plsc.VectorSubcoreMesh(core_axis_name="c", subcore_axis_name="s")
    sc_main = functools.partial(
        pl.kernel,
        out_type=jax.ShapeDtypeStruct((NW, P), jnp.float32),
        mesh=mesh,
        compiler_params=pltpu.CompilerParams(needs_layout_passes=False),
        scratch_types=[
            pltpu.VMEM((P,), jnp.float32),
            pltpu.VMEM((P,), jnp.float32),
            pltpu.VMEM((P,), jnp.float32),
            pltpu.VMEM((P,), jnp.float32),
            pltpu.VMEM((DCH,), jnp.float32),
            pltpu.VMEM((DCH,), jnp.float32),
            pltpu.VMEM((DCH,), jnp.float32),
            pltpu.VMEM((DCH,), jnp.float32),
            pltpu.VMEM((DCH,), jnp.int32),
            pltpu.VMEM((DCH,), jnp.int32),
            pltpu.VMEM((LP,), jnp.float32),
            pltpu.VMEM((LP,), jnp.float32),
            pltpu.VMEM((LP,), jnp.float32),
            pltpu.VMEM((LP,), jnp.float32),
            pltpu.VMEM((LP,), jnp.int32),
            pltpu.VMEM((32,), jnp.int32),
            pltpu.VMEM((32,), jnp.int32),
            pltpu.VMEM((16 * RS,), jnp.float32),
            pltpu.VMEM((P,), jnp.float32),
            pltpu.SemaphoreType.DMA,
        ],
    )(_sc_body)
    parts = sc_main(sx1.reshape(P), sy1.reshape(P), sx2.reshape(P), sy2.reshape(P),
                    dbt, dl, dpk.reshape(DP))

    loss = pl.pallas_call(
        _fin_body,
        out_shape=jax.ShapeDtypeStruct((1, 1), jnp.float32),
        in_specs=[_vmem, _smem],
        out_specs=_smem,
    )(parts, nmat)
    return loss.reshape(())

# --- scband reference (transcript-rebuilt; emitter-appended) ---
"""Pipeline reference for scband-attack-loss-31619549233713 (READ-ONLY COPY).

The authoritative reference and input builder live on the scoring server;
editing this copy changes nothing except your own understanding.
"""

import jax, jax.numpy as jnp
import numpy as np


def _find_jaccard_overlap(a, b):
    # a: [Na,4], b: [Nb,4] in boundary coords (xmin,ymin,xmax,ymax)
    lo = jnp.maximum(a[:, None, :2], b[None, :, :2])
    hi = jnp.minimum(a[:, None, 2:], b[None, :, 2:])
    wh = jnp.clip(hi - lo, 0.0, None)
    inter = wh[..., 0] * wh[..., 1]
    area_a = (a[:, 2] - a[:, 0]) * (a[:, 3] - a[:, 1])
    area_b = (b[:, 2] - b[:, 0]) * (b[:, 3] - b[:, 1])
    union = area_a[:, None] + area_b[None, :] - inter
    return inter / union


def _make_boxes(key, n):
    base = jax.random.uniform(key, (1, n, 4), dtype=jnp.float32)
    xy = base[..., :2] * 0.8
    wh = base[..., 2:] * 0.2 + 0.01
    return jnp.concatenate([xy, xy + wh], axis=-1)


def setup_inputs(seed: int = 0) -> dict:
    key = jax.random.key(seed)
    k1, k2, k3, k4, k5 = jax.random.split(key, 5)
    det_boxes = _make_boxes(k1, 20000)
    boxes = _make_boxes(k2, 1000)
    det_scores = jax.random.uniform(k3, (1, 20000), dtype=jnp.float32)
    det_labels = jax.random.randint(k4, (1, 20000), 0, 21, dtype=jnp.int64) if jax.config.jax_enable_x64 else jax.random.randint(k4, (1, 20000), 0, 21).astype(jnp.int32)
    labels = jax.random.randint(k5, (1, 1000), 0, 21, dtype=jnp.int64) if jax.config.jax_enable_x64 else jax.random.randint(k5, (1, 1000), 0, 21).astype(jnp.int32)
    return {"det_boxes": det_boxes, "det_scores": det_scores, "det_labels": det_labels, "boxes": boxes, "labels": labels}


def reference(det_boxes, det_scores, det_labels, boxes, labels):
    # batch_id = 0 only, as in the original forward
    db = det_boxes[0]
    ds = det_scores[0]
    dl = det_labels[0]
    gb = boxes[0]
    gl = labels[0]
    overlap = _find_jaccard_overlap(gb, db)  # [n_objects, n_detection]
    # Due to the occupancy bug (== instead of =), occupancy never updates, so the loop
    # reduces to: for each object, pick the matching-label detection with max overlap.
    match = gl[:, None] == dl[None, :]
    neg = jnp.finfo(overlap.dtype).min
    masked = jnp.where(match, overlap, neg)
    best_idx = jnp.argmax(masked, axis=1)
    best_ov = jnp.take_along_axis(masked, best_idx[:, None], axis=1)[:, 0]
    has_match = jnp.any(match, axis=1)
    w = has_match.astype(overlap.dtype)
    best_ov = jnp.where(has_match, best_ov, 0.0)
    best_score = jnp.where(has_match, ds[best_idx], 0.0)
    n = jnp.sum(w)
    con_loss_all = jnp.sum(w * (1.0 - best_score)) / n  # computed but unused, as in original
    loc_loss_all = jnp.sum(w * (1.0 - best_ov)) / n
    return loc_loss_all

if __name__ == "__main__":
    import jax
    _d = setup_inputs()
    print(jax.jit(kernel)(*tuple(_d.values())))

</pallas_src>

<mosaic_0001>
#map = affine_map<(d0, d1) -> (0)>
#map1 = affine_map<(d0, d1) -> (0, 0)>
module attributes {stable_mosaic.version = 14 : i64} {
  func.func @_sc_body(%arg0: i32, %arg1: i32, %arg2: memref<1408xf32, #tpu.memory_space<hbm>>, %arg3: memref<1408xf32, #tpu.memory_space<hbm>>, %arg4: memref<1408xf32, #tpu.memory_space<hbm>>, %arg5: memref<1408xf32, #tpu.memory_space<hbm>>, %arg6: memref<80000xf32, #tpu.memory_space<hbm>>, %arg7: memref<20000xi32, #tpu.memory_space<hbm>>, %arg8: memref<20480xi32, #tpu.memory_space<hbm>>, %arg9: memref<32x1408xf32, #tpu.memory_space<hbm>>, %arg10: memref<1408xf32, #tpu.memory_space<vmem>>, %arg11: memref<1408xf32, #tpu.memory_space<vmem>>, %arg12: memref<1408xf32, #tpu.memory_space<vmem>>, %arg13: memref<1408xf32, #tpu.memory_space<vmem>>, %arg14: memref<640xf32, #tpu.memory_space<vmem>>, %arg15: memref<640xf32, #tpu.memory_space<vmem>>, %arg16: memref<640xf32, #tpu.memory_space<vmem>>, %arg17: memref<640xf32, #tpu.memory_space<vmem>>, %arg18: memref<640xi32, #tpu.memory_space<vmem>>, %arg19: memref<640xi32, #tpu.memory_space<vmem>>, %arg20: memref<960xf32, #tpu.memory_space<vmem>>, %arg21: memref<960xf32, #tpu.memory_space<vmem>>, %arg22: memref<960xf32, #tpu.memory_space<vmem>>, %arg23: memref<960xf32, #tpu.memory_space<vmem>>, %arg24: memref<960xi32, #tpu.memory_space<vmem>>, %arg25: memref<32xi32, #tpu.memory_space<vmem>>, %arg26: memref<32xi32, #tpu.memory_space<vmem>>, %arg27: memref<22544xf32, #tpu.memory_space<vmem>>, %arg28: memref<1408xf32, #tpu.memory_space<vmem>>, %arg29: memref<!tpu.dma_semaphore, #tpu.memory_space<semaphore_mem>>) attributes {dimension_semantics = [#tpu.dimension_semantics<core_parallel>, #tpu.dimension_semantics<subcore_parallel>], iteration_bounds = array<i64: 2, 16>, scalar_prefetch = 0 : i64, scratch_operands = 20 : i64, tpu.core_type = #tpu.core_type<sc_vector_subcore>, window_params = [{transform_indices = #map}, {transform_indices = #map}, {transform_indices = #map}, {transform_indices = #map}, {transform_indices = #map}, {transform_indices = #map}, {transform_indices = #map}, {transform_indices = #map1}]} {
    %mul3A = arith.constant 2 : i32
    %mul3A_0 = arith.muli %arg1, %mul3A : i32
    %add3A = arith.addi %mul3A_0, %arg0 : i32
    %mul3A_1 = arith.constant 640 : i32
    %mul3A_2 = arith.muli %add3A, %mul3A_1 : i32
    %min3A = arith.constant 19360 : i32
    %min3A_3 = arith.minsi %mul3A_2, %min3A : i32
    tpu.enqueue_dma source(%arg2 : memref<1408xf32, #tpu.memory_space<hbm>>) target(%arg10 : memref<1408xf32, #tpu.memory_space<vmem>>) target_semaphore(%arg29 : memref<!tpu.dma_semaphore, #tpu.memory_space<semaphore_mem>>)
    tpu.enqueue_dma source(%arg3 : memref<1408xf32, #tpu.memory_space<hbm>>) target(%arg11 : memref<1408xf32, #tpu.memory_space<vmem>>) target_semaphore(%arg29 : memref<!tpu.dma_semaphore, #tpu.memory_space<semaphore_mem>>)
    tpu.enqueue_dma source(%arg4 : memref<1408xf32, #tpu.memory_space<hbm>>) target(%arg12 : memref<1408xf32, #tpu.memory_space<vmem>>) target_semaphore(%arg29 : memref<!tpu.dma_semaphore, #tpu.memory_space<semaphore_mem>>)
    tpu.enqueue_dma source(%arg5 : memref<1408xf32, #tpu.memory_space<hbm>>) target(%arg13 : memref<1408xf32, #tpu.memory_space<vmem>>) target_semaphore(%arg29 : memref<!tpu.dma_semaphore, #tpu.memory_space<semaphore_mem>>)
    %dma_start3A = tpu.memref_slice %arg6[%min3A_3] : memref<80000xf32, #tpu.memory_space<hbm>> -> memref<640xf32, #tpu.memory_space<hbm>>
    %dma_start3A_4 = tpu.memref_slice %arg6[%min3A_3] : memref<80000xf32, #tpu.memory_space<hbm>> -> memref<640xf32, #tpu.memory_space<hbm>>
    tpu.enqueue_dma source(%dma_start3A_4 : memref<640xf32, #tpu.memory_space<hbm>>) target(%arg14 : memref<640xf32, #tpu.memory_space<vmem>>) target_semaphore(%arg29 : memref<!tpu.dma_semaphore, #tpu.memory_space<semaphore_mem>>)
    %add3A_5 = arith.constant 20000 : i32
    %add3A_6 = arith.addi %add3A_5, %min3A_3 : i32
    %dma_start3A_7 = tpu.memref_slice %arg6[%add3A_6] : memref<80000xf32, #tpu.memory_space<hbm>> -> memref<640xf32, #tpu.memory_space<hbm>>
    %dma_start3A_8 = tpu.memref_slice %arg6[%add3A_6] : memref<80000xf32, #tpu.memory_space<hbm>> -> memref<640xf32, #tpu.memory_space<hbm>>
    tpu.enqueue_dma source(%dma_start3A_8 : memref<640xf32, #tpu.memory_space<hbm>>) target(%arg15 : memref<640xf32, #tpu.memory_space<vmem>>) target_semaphore(%arg29 : memref<!tpu.dma_semaphore, #tpu.memory_space<semaphore_mem>>)
    %add3A_9 = arith.constant 40000 : i32
    %add3A_10 = arith.addi %add3A_9, %min3A_3 : i32
    %dma_start3A_11 = tpu.memref_slice %arg6[%add3A_10] : memref<80000xf32, #tpu.memory_space<hbm>> -> memref<640xf32, #tpu.memory_space<hbm>>
    %dma_start3A_12 = tpu.memref_slice %arg6[%add3A_10] : memref<80000xf32, #tpu.memory_space<hbm>> -> memref<640xf32, #tpu.memory_space<hbm>>
    tpu.enqueue_dma source(%dma_start3A_12 : memref<640xf32, #tpu.memory_space<hbm>>) target(%arg16 : memref<640xf32, #tpu.memory_space<vmem>>) target_semaphore(%arg29 : memref<!tpu.dma_semaphore, #tpu.memory_space<semaphore_mem>>)
    %add3A_13 = arith.constant 60000 : i32
    %add3A_14 = arith.addi %add3A_13, %min3A_3 : i32
    %dma_start3A_15 = tpu.memref_slice %arg6[%add3A_14] : memref<80000xf32, #tpu.memory_space<hbm>> -> memref<640xf32, #tpu.memory_space<hbm>>
    %dma_start3A_16 = tpu.memref_slice %arg6[%add3A_14] : memref<80000xf32, #tpu.memory_space<hbm>> -> memref<640xf32, #tpu.memory_space<hbm>>
    tpu.enqueue_dma source(%dma_start3A_16 : memref<640xf32, #tpu.memory_space<hbm>>) target(%arg17 : memref<640xf32, #tpu.memory_space<vmem>>) target_semaphore(%arg29 : memref<!tpu.dma_semaphore, #tpu.memory_space<semaphore_mem>>)
    %dma_start3A_17 = tpu.memref_slice %arg7[%min3A_3] : memref<20000xi32, #tpu.memory_space<hbm>> -> memref<640xi32, #tpu.memory_space<hbm>>
    %dma_start3A_18 = tpu.memref_slice %arg7[%min3A_3] : memref<20000xi32, #tpu.memory_space<hbm>> -> memref<640xi32, #tpu.memory_space<hbm>>
    tpu.enqueue_dma source(%dma_start3A_18 : memref<640xi32, #tpu.memory_space<hbm>>) target(%arg18 : memref<640xi32, #tpu.memory_space<vmem>>) target_semaphore(%arg29 : memref<!tpu.dma_semaphore, #tpu.memory_space<semaphore_mem>>)
    %dma_start3A_19 = tpu.memref_slice %arg8[%min3A_3] : memref<20480xi32, #tpu.memory_space<hbm>> -> memref<640xi32, #tpu.memory_space<hbm>>
    %dma_start3A_20 = tpu.memref_slice %arg8[%min3A_3] : memref<20480xi32, #tpu.memory_space<hbm>> -> memref<640xi32, #tpu.memory_space<hbm>>
    tpu.enqueue_dma source(%dma_start3A_20 : memref<640xi32, #tpu.memory_space<hbm>>) target(%arg19 : memref<640xi32, #tpu.memory_space<vmem>>) target_semaphore(%arg29 : memref<!tpu.dma_semaphore, #tpu.memory_space<semaphore_mem>>)
    %broadcast_in_dim3A = arith.constant 0.000000e+00 : f32
    %broadcast_in_dim3A_21 = vector.broadcast %broadcast_in_dim3A : f32 to vector<16xf32>
    %broadcast_in_dim3A_22 = arith.constant 0 : i32
    %broadcast_in_dim3A_23 = vector.broadcast %broadcast_in_dim3A_22 : i32 to vector<16xi32>
    %parallel_loop3A = arith.constant 0 : i32
    %parallel_loop3A_24 = arith.constant 1409 : i32
    %parallel_loop3A_25 = arith.constant 1 : i32
    scf.for %parallel_loop3A_136 = %parallel_loop3A to %parallel_loop3A_24 step %parallel_loop3A_25  : i32 {
      %parallel_loop3A_137 = arith.constant 16 : i32
      %parallel_loop3A_138 = arith.muli %parallel_loop3A_136, %parallel_loop3A_137 : i32
      %parallel_loop3A_139 = arith.index_cast %parallel_loop3A_138 : i32 to index
      %parallel_loop3A_140 = tpu.vector_load %arg27[%parallel_loop3A_139] {strides = array<i32>} : memref<22544xf32, #tpu.memory_space<vmem>>, vector<16xf32>,
      tpu.vector_store %arg27[%parallel_loop3A_139], %broadcast_in_dim3A_21 {strides = array<i32>} : memref<22544xf32, #tpu.memory_space<vmem>>, vector<16xf32>,
    } {sc.loop_unroll_factor = 4 : i64, sc.parallel_access}
    %parallel_loop3A_26 = arith.constant 0 : i32
    %parallel_loop3A_27 = arith.constant 60 : i32
    %parallel_loop3A_28 = arith.constant 1 : i32
    scf.for %parallel_loop3A_136 = %parallel_loop3A_26 to %parallel_loop3A_27 step %parallel_loop3A_28  : i32 {
      %parallel_loop3A_137 = arith.constant 16 : i32
      %parallel_loop3A_138 = arith.muli %parallel_loop3A_136, %parallel_loop3A_137 : i32
      %parallel_loop3A_139 = arith.index_cast %parallel_loop3A_138 : i32 to index
      %parallel_loop3A_140 = tpu.vector_load %arg24[%parallel_loop3A_139] {strides = array<i32>} : memref<960xi32, #tpu.memory_space<vmem>>, vector<16xi32>,
      tpu.vector_store %arg24[%parallel_loop3A_139], %broadcast_in_dim3A_23 {strides = array<i32>} : memref<960xi32, #tpu.memory_space<vmem>>, vector<16xi32>,
    } {sc.loop_unroll_factor = 4 : i64, sc.parallel_access}
    %swap3A = arith.constant 0 : index
    %swap3A_29 = tpu.vector_load %arg25[%swap3A] {strides = array<i32>} : memref<32xi32, #tpu.memory_space<vmem>>, vector<16xi32>,
    tpu.vector_store %arg25[%swap3A], %broadcast_in_dim3A_23 {strides = array<i32>} : memref<32xi32, #tpu.memory_space<vmem>>, vector<16xi32>,
    %swap3A_30 = arith.constant 16 : index
    %swap3A_31 = tpu.vector_load %arg25[%swap3A_30] {strides = array<i32>} : memref<32xi32, #tpu.memory_space<vmem>>, vector<16xi32>,
    tpu.vector_store %arg25[%swap3A_30], %broadcast_in_dim3A_23 {strides = array<i32>} : memref<32xi32, #tpu.memory_space<vmem>>, vector<16xi32>,
    tpu.wait_dma2 semaphore(%arg29 : memref<!tpu.dma_semaphore, #tpu.memory_space<semaphore_mem>>) src(%arg2 : memref<1408xf32, #tpu.memory_space<hbm>>) dst(%arg10 : memref<1408xf32, #tpu.memory_space<vmem>>)
    tpu.wait_dma2 semaphore(%arg29 : memref<!tpu.dma_semaphore, #tpu.memory_space<semaphore_mem>>) src(%arg3 : memref<1408xf32, #tpu.memory_space<hbm>>) dst(%arg11 : memref<1408xf32, #tpu.memory_space<vmem>>)
    tpu.wait_dma2 semaphore(%arg29 : memref<!tpu.dma_semaphore, #tpu.memory_space<semaphore_mem>>) src(%arg4 : memref<1408xf32, #tpu.memory_space<hbm>>) dst(%arg12 : memref<1408xf32, #tpu.memory_space<vmem>>)
    tpu.wait_dma2 semaphore(%arg29 : memref<!tpu.dma_semaphore, #tpu.memory_space<semaphore_mem>>) src(%arg5 : memref<1408xf32, #tpu.memory_space<hbm>>) dst(%arg13 : memref<1408xf32, #tpu.memory_space<vmem>>)
    %dma_wait3A = tpu.memref_slice %arg6[%min3A_3] : memref<80000xf32, #tpu.memory_space<hbm>> -> memref<640xf32, #tpu.memory_space<hbm>>
    %dma_wait3A_32 = tpu.memref_slice %arg6[%min3A_3] : memref<80000xf32, #tpu.memory_space<hbm>> -> memref<640xf32, #tpu.memory_space<hbm>>
    tpu.wait_dma2 semaphore(%arg29 : memref<!tpu.dma_semaphore, #tpu.memory_space<semaphore_mem>>) src(%dma_wait3A_32 : memref<640xf32, #tpu.memory_space<hbm>>) dst(%arg14 : memref<640xf32, #tpu.memory_space<vmem>>)
    %dma_wait3A_33 = tpu.memref_slice %arg6[%add3A_6] : memref<80000xf32, #tpu.memory_space<hbm>> -> memref<640xf32, #tpu.memory_space<hbm>>
    %dma_wait3A_34 = tpu.memref_slice %arg6[%add3A_6] : memref<80000xf32, #tpu.memory_space<hbm>> -> memref<640xf32, #tpu.memory_space<hbm>>
    tpu.wait_dma2 semaphore(%arg29 : memref<!tpu.dma_semaphore, #tpu.memory_space<semaphore_mem>>) src(%dma_wait3A_34 : memref<640xf32, #tpu.memory_space<hbm>>) dst(%arg15 : memref<640xf32, #tpu.memory_space<vmem>>)
    %dma_wait3A_35 = tpu.memref_slice %arg6[%add3A_10] : memref<80000xf32, #tpu.memory_space<hbm>> -> memref<640xf32, #tpu.memory_space<hbm>>
    %dma_wait3A_36 = tpu.memref_slice %arg6[%add3A_10] : memref<80000xf32, #tpu.memory_space<hbm>> -> memref<640xf32, #tpu.memory_space<hbm>>
    tpu.wait_dma2 semaphore(%arg29 : memref<!tpu.dma_semaphore, #tpu.memory_space<semaphore_mem>>) src(%dma_wait3A_36 : memref<640xf32, #tpu.memory_space<hbm>>) dst(%arg16 : memref<640xf32, #tpu.memory_space<vmem>>)
    %dma_wait3A_37 = tpu.memref_slice %arg6[%add3A_14] : memref<80000xf32, #tpu.memory_space<hbm>> -> memref<640xf32, #tpu.memory_space<hbm>>
    %dma_wait3A_38 = tpu.memref_slice %arg6[%add3A_14] : memref<80000xf32, #tpu.memory_space<hbm>> -> memref<640xf32, #tpu.memory_space<hbm>>
    tpu.wait_dma2 semaphore(%arg29 : memref<!tpu.dma_semaphore, #tpu.memory_space<semaphore_mem>>) src(%dma_wait3A_38 : memref<640xf32, #tpu.memory_space<hbm>>) dst(%arg17 : memref<640xf32, #tpu.memory_space<vmem>>)
    %dma_wait3A_39 = tpu.memref_slice %arg7[%min3A_3] : memref<20000xi32, #tpu.memory_space<hbm>> -> memref<640xi32, #tpu.memory_space<hbm>>
    %dma_wait3A_40 = tpu.memref_slice %arg7[%min3A_3] : memref<20000xi32, #tpu.memory_space<hbm>> -> memref<640xi32, #tpu.memory_space<hbm>>
    tpu.wait_dma2 semaphore(%arg29 : memref<!tpu.dma_semaphore, #tpu.memory_space<semaphore_mem>>) src(%dma_wait3A_40 : memref<640xi32, #tpu.memory_space<hbm>>) dst(%arg18 : memref<640xi32, #tpu.memory_space<vmem>>)
    %dma_wait3A_41 = tpu.memref_slice %arg8[%min3A_3] : memref<20480xi32, #tpu.memory_space<hbm>> -> memref<640xi32, #tpu.memory_space<hbm>>
    %dma_wait3A_42 = tpu.memref_slice %arg8[%min3A_3] : memref<20480xi32, #tpu.memory_space<hbm>> -> memref<640xi32, #tpu.memory_space<hbm>>
    tpu.wait_dma2 semaphore(%arg29 : memref<!tpu.dma_semaphore, #tpu.memory_space<semaphore_mem>>) src(%dma_wait3A_42 : memref<640xi32, #tpu.memory_space<hbm>>) dst(%arg19 : memref<640xi32, #tpu.memory_space<vmem>>)
    %scan3A = arith.constant 0 : i32
    %scan3A_43 = arith.constant 0 : i32
    %scan3A_44 = arith.constant 40 : i32
    %scan3A_45 = arith.addi %scan3A_43, %scan3A_44 : i32
    %scan3A_46 = arith.constant 1 : i32
    scf.for %scan3A_136 = %scan3A_43 to %scan3A_45 step %scan3A_46  : i32 {
      %mul3A_137 = arith.constant 16 : i32
      %mul3A_138 = arith.muli %scan3A_136, %mul3A_137 : i32
      %get3A_139 = arith.index_cast %mul3A_138 : i32 to index
      %get3A_140 = tpu.vector_load %arg18[%get3A_139] {strides = array<i32>} : memref<640xi32, #tpu.memory_space<vmem>>, vector<16xi32>,
      %broadcast_in_dim3A_141 = arith.constant true
      %broadcast_in_dim3A_142 = vector.broadcast %broadcast_in_dim3A_141 : i1 to vector<16xi1>
      %unique3A, %unique3A_143 = tpu.scan_count mask(%broadcast_in_dim3A_142 : vector<16xi1>) value(%get3A_140 : vector<16xi32>) : vector<16xi1>, vector<16xi32>
      %gather3A = tpu.vector_load_idx %arg25[%get3A_140] : memref<32xi32, #tpu.memory_space<vmem>>[vector<16xi32>], vector<16xi32>,
      %add3A_144 = arith.addi %gather3A, %unique3A_143 : vector<16xi32>
      tpu.vector_store_idx %arg25[%get3A_140], %add3A_144 masked %unique3A : memref<32xi32, #tpu.memory_space<vmem>>[vector<16xi32>], vector<16xi32>, vector<16xi1>
    }
    %scan3A_47 = arith.constant 40 : i32
    %get3A = arith.constant 0 : index
    %get3A_48 = tpu.vector_load %arg25[%get3A] {strides = array<i32>} : memref<32xi32, #tpu.memory_space<vmem>>, vector<16xi32>,
    %get3A_49 = arith.constant 16 : index
    %get3A_50 = tpu.vector_load %arg25[%get3A_49] {strides = array<i32>} : memref<32xi32, #tpu.memory_space<vmem>>, vector<16xi32>,
    %add3A_51 = arith.constant 15 : i32
    %add3A_52 = vector.broadcast %add3A_51 : i32 to vector<16xi32>
    %add3A_53 = arith.addi %get3A_48, %add3A_52 : vector<16xi32>
    %shift_right_arithmetic3A = arith.constant 4 : i32
    %shift_right_arithmetic3A_54 = vector.broadcast %shift_right_arithmetic3A : i32 to vector<16xi32>
    %shift_right_arithmetic3A_55 = arith.shrsi %add3A_53, %shift_right_arithmetic3A_54 : vector<16xi32>
    %shift_left3A = arith.constant 4 : i32
    %shift_left3A_56 = vector.broadcast %shift_left3A : i32 to vector<16xi32>
    %shift_left3A_57 = arith.shli %shift_right_arithmetic3A_55, %shift_left3A_56 : vector<16xi32>
    %add3A_58 = arith.constant 15 : i32
    %add3A_59 = vector.broadcast %add3A_58 : i32 to vector<16xi32>
    %add3A_60 = arith.addi %get3A_50, %add3A_59 : vector<16xi32>
    %shift_right_arithmetic3A_61 = arith.constant 4 : i32
    %shift_right_arithmetic3A_62 = vector.broadcast %shift_right_arithmetic3A_61 : i32 to vector<16xi32>
    %shift_right_arithmetic3A_63 = arith.shrsi %add3A_60, %shift_right_arithmetic3A_62 : vector<16xi32>
    %shift_left3A_64 = arith.constant 4 : i32
    %shift_left3A_65 = vector.broadcast %shift_left3A_64 : i32 to vector<16xi32>
    %shift_left3A_66 = arith.shli %shift_right_arithmetic3A_63, %shift_left3A_65 : vector<16xi32>
    %broadcast_in_dim3A_67 = arith.constant true
    %broadcast_in_dim3A_68 = vector.broadcast %broadcast_in_dim3A_67 : i1 to vector<16xi1>
    %masked_cumsum3A = tpu.scan <sum>, %shift_left3A_57 masked %broadcast_in_dim3A_68 : vector<16xi32>, vector<16xi1> -> vector<16xi32>
    %sub3A = arith.subi %masked_cumsum3A, %shift_left3A_57 : vector<16xi32>
    %reduce_sum3A = arith.constant true
    %reduce_sum3A_69 = vector.broadcast %reduce_sum3A : i1 to vector<16xi1>
    %reduce_sum3A_70 = tpu.scan <sum>, %shift_left3A_57 masked %reduce_sum3A_69 : vector<16xi32>, vector<16xi1> -> vector<16xi32>
    %reduce_sum3A_71 = vector.extract %reduce_sum3A_70[15] : i32 from vector<16xi32>
    %broadcast_in_dim3A_72 = arith.constant true
    %broadcast_in_dim3A_73 = vector.broadcast %broadcast_in_dim3A_72 : i1 to vector<16xi1>
    %masked_cumsum3A_74 = tpu.scan <sum>, %shift_left3A_66 masked %broadcast_in_dim3A_73 : vector<16xi32>, vector<16xi1> -> vector<16xi32>
    %sub3A_75 = arith.subi %masked_cumsum3A_74, %shift_left3A_66 : vector<16xi32>
    %add3A_76 = vector.broadcast %reduce_sum3A_71 : i32 to vector<16xi32>
    %add3A_77 = arith.addi %sub3A_75, %add3A_76 : vector<16xi32>
    %swap3A_78 = arith.constant 0 : index
    %swap3A_79 = tpu.vector_load %arg26[%swap3A_78] {strides = array<i32>} : memref<32xi32, #tpu.memory_space<vmem>>, vector<16xi32>,
    tpu.vector_store %arg26[%swap3A_78], %sub3A {strides = array<i32>} : memref<32xi32, #tpu.memory_space<vmem>>, vector<16xi32>,
    %swap3A_80 = arith.constant 16 : index
    %swap3A_81 = tpu.vector_load %arg26[%swap3A_80] {strides = array<i32>} : memref<32xi32, #tpu.memory_space<vmem>>, vector<16xi32>,
    tpu.vector_store %arg26[%swap3A_80], %add3A_77 {strides = array<i32>} : memref<32xi32, #tpu.memory_space<vmem>>, vector<16xi32>,
    %swap3A_82 = arith.constant 0 : index
    %swap3A_83 = tpu.vector_load %arg25[%swap3A_82] {strides = array<i32>} : memref<32xi32, #tpu.memory_space<vmem>>, vector<16xi32>,
    tpu.vector_store %arg25[%swap3A_82], %broadcast_in_dim3A_23 {strides = array<i32>} : memref<32xi32, #tpu.memory_space<vmem>>, vector<16xi32>,
    %swap3A_84 = arith.constant 16 : index
    %swap3A_85 = tpu.vector_load %arg25[%swap3A_84] {strides = array<i32>} : memref<32xi32, #tpu.memory_space<vmem>>, vector<16xi32>,
    tpu.vector_store %arg25[%swap3A_84], %broadcast_in_dim3A_23 {strides = array<i32>} : memref<32xi32, #tpu.memory_space<vmem>>, vector<16xi32>,
    %scan3A_86 = arith.constant 0 : i32
    %scan3A_87 = arith.constant 0 : i32
    %scan3A_88 = arith.constant 40 : i32
    %scan3A_89 = arith.addi %scan3A_87, %scan3A_88 : i32
    %scan3A_90 = arith.constant 1 : i32
    scf.for %scan3A_136 = %scan3A_87 to %scan3A_89 step %scan3A_90  : i32 {
      %mul3A_137 = arith.constant 16 : i32
      %mul3A_138 = arith.muli %scan3A_136, %mul3A_137 : i32
      %get3A_139 = arith.index_cast %mul3A_138 : i32 to index
      %get3A_140 = tpu.vector_load %arg18[%get3A_139] {strides = array<i32>} : memref<640xi32, #tpu.memory_space<vmem>>, vector<16xi32>,
      %broadcast_in_dim3A_141 = arith.constant true
      %broadcast_in_dim3A_142 = vector.broadcast %broadcast_in_dim3A_141 : i1 to vector<16xi1>
      %unique3A, %unique3A_143 = tpu.scan_count mask(%broadcast_in_dim3A_142 : vector<16xi1>) value(%get3A_140 : vector<16xi32>) : vector<16xi1>, vector<16xi32>
      %gather3A = tpu.vector_load_idx %arg25[%get3A_140] : memref<32xi32, #tpu.memory_space<vmem>>[vector<16xi32>], vector<16xi32>,
      %gather3A_144 = tpu.vector_load_idx %arg26[%get3A_140] : memref<32xi32, #tpu.memory_space<vmem>>[vector<16xi32>], vector<16xi32>,
      %add3A_145 = arith.addi %gather3A_144, %gather3A : vector<16xi32>
      %add3A_146 = arith.addi %add3A_145, %unique3A_143 : vector<16xi32>
      %sub3A_147 = arith.constant 1 : i32
      %sub3A_148 = vector.broadcast %sub3A_147 : i32 to vector<16xi32>
      %sub3A_149 = arith.subi %add3A_146, %sub3A_148 : vector<16xi32>
      %get3A_150 = arith.index_cast %mul3A_138 : i32 to index
      %get3A_151 = tpu.vector_load %arg14[%get3A_150] {strides = array<i32>} : memref<640xf32, #tpu.memory_space<vmem>>, vector<16xf32>,
      tpu.vector_store_idx %arg20[%sub3A_149], %get3A_151 : memref<960xf32, #tpu.memory_space<vmem>>[vector<16xi32>], vector<16xf32>,
      %get3A_152 = arith.index_cast %mul3A_138 : i32 to index
      %get3A_153 = tpu.vector_load %arg15[%get3A_152] {strides = array<i32>} : memref<640xf32, #tpu.memory_space<vmem>>, vector<16xf32>,
      tpu.vector_store_idx %arg21[%sub3A_149], %get3A_153 : memref<960xf32, #tpu.memory_space<vmem>>[vector<16xi32>], vector<16xf32>,
      %get3A_154 = arith.index_cast %mul3A_138 : i32 to index
      %get3A_155 = tpu.vector_load %arg16[%get3A_154] {strides = array<i32>} : memref<640xf32, #tpu.memory_space<vmem>>, vector<16xf32>,
      tpu.vector_store_idx %arg22[%sub3A_149], %get3A_155 : memref<960xf32, #tpu.memory_space<vmem>>[vector<16xi32>], vector<16xf32>,
      %get3A_156 = arith.index_cast %mul3A_138 : i32 to index
      %get3A_157 = tpu.vector_load %arg17[%get3A_156] {strides = array<i32>} : memref<640xf32, #tpu.memory_space<vmem>>, vector<16xf32>,
      tpu.vector_store_idx %arg23[%sub3A_149], %get3A_157 : memref<960xf32, #tpu.memory_space<vmem>>[vector<16xi32>], vector<16xf32>,
      %get3A_158 = arith.index_cast %mul3A_138 : i32 to index
      %get3A_159 = tpu.vector_load %arg19[%get3A_158] {strides = array<i32>} : memref<640xi32, #tpu.memory_space<vmem>>, vector<16xi32>,
      tpu.vector_store_idx %arg24[%sub3A_149], %get3A_159 : memref<960xi32, #tpu.memory_space<vmem>>[vector<16xi32>], vector<16xi32>,
      %add3A_160 = arith.addi %gather3A, %unique3A_143 : vector<16xi32>
      tpu.vector_store_idx %arg25[%get3A_140], %add3A_160 masked %unique3A : memref<32xi32, #tpu.memory_space<vmem>>[vector<16xi32>], vector<16xi32>, vector<16xi1>
    }
    %scan3A_91 = arith.constant 40 : i32
    %iota3A = tpu.iota {dimensions = array<i32: 0>} : vector<16xi32>
    %mul3A_92 = arith.constant 1409 : i32
    %mul3A_93 = vector.broadcast %mul3A_92 : i32 to vector<16xi32>
    %mul3A_94 = arith.muli %iota3A, %mul3A_93 : vector<16xi32>
    %broadcast_in_dim3A_95 = arith.constant 0 : i32
    %broadcast_in_dim3A_96 = vector.broadcast %broadcast_in_dim3A_95 : i32 to vector<16xi32>
    %broadcast_in_dim3A_97 = arith.constant 1 : i32
    %broadcast_in_dim3A_98 = vector.broadcast %broadcast_in_dim3A_97 : i32 to vector<16xi32>
    %broadcast_in_dim3A_99 = arith.constant 2 : i32
    %broadcast_in_dim3A_100 = vector.broadcast %broadcast_in_dim3A_99 : i32 to vector<16xi32>
    %broadcast_in_dim3A_101 = arith.constant 3 : i32
    %broadcast_in_dim3A_102 = vector.broadcast %broadcast_in_dim3A_101 : i32 to vector<16xi32>
    %broadcast_in_dim3A_103 = arith.constant 4 : i32
    %broadcast_in_dim3A_104 = vector.broadcast %broadcast_in_dim3A_103 : i32 to vector<16xi32>
    %broadcast_in_dim3A_105 = arith.constant 5 : i32
    %broadcast_in_dim3A_106 = vector.broadcast %broadcast_in_dim3A_105 : i32 to vector<16xi32>
    %broadcast_in_dim3A_107 = arith.constant 6 : i32
    %broadcast_in_dim3A_108 = vector.broadcast %broadcast_in_dim3A_107 : i32 to vector<16xi32>
    %broadcast_in_dim3A_109 = arith.constant 7 : i32
    %broadcast_in_dim3A_110 = vector.broadcast %broadcast_in_dim3A_109 : i32 to vector<16xi32>
    %broadcast_in_dim3A_111 = arith.constant 8 : i32
    %broadcast_in_dim3A_112 = vector.broadcast %broadcast_in_dim3A_111 : i32 to vector<16xi32>
    %broadcast_in_dim3A_113 = arith.constant 9 : i32
    %broadcast_in_dim3A_114 = vector.broadcast %broadcast_in_dim3A_113 : i32 to vector<16xi32>
    %broadcast_in_dim3A_115 = arith.constant 10 : i32
    %broadcast_in_dim3A_116 = vector.broadcast %broadcast_in_dim3A_115 : i32 to vector<16xi32>
    %broadcast_in_dim3A_117 = arith.constant 11 : i32
    %broadcast_in_dim3A_118 = vector.broadcast %broadcast_in_dim3A_117 : i32 to vector<16xi32>
    %broadcast_in_dim3A_119 = arith.constant 12 : i32
    %broadcast_in_dim3A_120 = vector.broadcast %broadcast_in_dim3A_119 : i32 to vector<16xi32>
    %broadcast_in_dim3A_121 = arith.constant 13 : i32
    %broadcast_in_dim3A_122 = vector.broadcast %broadcast_in_dim3A_121 : i32 to vector<16xi32>
    %broadcast_in_dim3A_123 = arith.constant 14 : i32
    %broadcast_in_dim3A_124 = vector.broadcast %broadcast_in_dim3A_123 : i32 to vector<16xi32>
    %broadcast_in_dim3A_125 = arith.constant 15 : i32
    %broadcast_in_dim3A_126 = vector.broadcast %broadcast_in_dim3A_125 : i32 to vector<16xi32>
    %scan3A_127 = arith.constant 0 : i32
    %scan3A_128 = arith.constant 0 : i32
    %scan3A_129 = arith.constant 60 : i32
    %scan3A_130 = arith.addi %scan3A_128, %scan3A_129 : i32
    %scan3A_131 = arith.constant 1 : i32
    scf.for %scan3A_136 = %scan3A_128 to %scan3A_130 step %scan3A_131  : i32 {
      %mul3A_137 = arith.constant 16 : i32
      %mul3A_138 = arith.muli %scan3A_136, %mul3A_137 : i32
      %get3A_139 = arith.index_cast %mul3A_138 : i32 to index
      %get3A_140 = tpu.vector_load %arg20[%get3A_139] {strides = array<i32>} : memref<960xf32, #tpu.memory_space<vmem>>, vector<16xf32>,
      %get3A_141 = arith.index_cast %mul3A_138 : i32 to index
      %get3A_142 = tpu.vector_load %arg21[%get3A_141] {strides = array<i32>} : memref<960xf32, #tpu.memory_space<vmem>>, vector<16xf32>,
      %get3A_143 = arith.index_cast %mul3A_138 : i32 to index
      %get3A_144 = tpu.vector_load %arg22[%get3A_143] {strides = array<i32>} : memref<960xf32, #tpu.memory_space<vmem>>, vector<16xf32>,
      %get3A_145 = arith.index_cast %mul3A_138 : i32 to index
      %get3A_146 = tpu.vector_load %arg23[%get3A_145] {strides = array<i32>} : memref<960xf32, #tpu.memory_space<vmem>>, vector<16xf32>,
      %get3A_147 = arith.index_cast %mul3A_138 : i32 to index
      %get3A_148 = tpu.vector_load %arg24[%get3A_147] {strides = array<i32>} : memref<960xi32, #tpu.memory_space<vmem>>, vector<16xi32>,
      %and3A = arith.constant 2047 : i32
      %and3A_149 = vector.broadcast %and3A : i32 to vector<16xi32>
      %and3A_150 = arith.andi %get3A_148, %and3A_149 : vector<16xi32>
      %sub3A_151 = arith.subf %get3A_144, %get3A_140 : vector<16xf32>
      %sub3A_152 = arith.subf %get3A_146, %get3A_142 : vector<16xf32>
      %mul3A_153 = arith.mulf %sub3A_151, %sub3A_152 : vector<16xf32>
      %reduce_max3A = arith.constant true
      %reduce_max3A_154 = vector.broadcast %reduce_max3A : i1 to vector<16xi1>
      %reduce_max3A_155 = arith.constant -2147483648 : i32
      %reduce_max3A_156 = vector.broadcast %reduce_max3A_155 : i32 to vector<16xi32>
      %reduce_max3A_157 = arith.xori %get3A_148, %reduce_max3A_156 : vector<16xi32>
      %reduce_max3A_158 = tpu.scan <max>, %reduce_max3A_157 masked %reduce_max3A_154 : vector<16xi32>, vector<16xi1> -> vector<16xi32>
      %reduce_max3A_159 = arith.xori %reduce_max3A_158, %reduce_max3A_156 : vector<16xi32>
      %reduce_max3A_160 = vector.extract %reduce_max3A_159[15] : i32 from vector<16xi32>
      %shift_right_arithmetic3A_161 = arith.constant 11 : i32
      %shift_right_arithmetic3A_162 = arith.shrsi %reduce_max3A_160, %shift_right_arithmetic3A_161 : i32
      %and3A_163 = arith.constant 2047 : i32
      %and3A_164 = arith.andi %reduce_max3A_160, %and3A_163 : i32
      %add3A_165 = arith.constant 15 : i32
      %add3A_166 = arith.addi %and3A_164, %add3A_165 : i32
      %shift_right_arithmetic3A_167 = arith.constant 4 : i32
      %shift_right_arithmetic3A_168 = arith.shrsi %add3A_166, %shift_right_arithmetic3A_167 : i32
      %parallel_loop3A_169 = arith.constant 0 : i32
      %parallel_loop3A_170 = arith.constant 1 : i32
      scf.for %parallel_loop3A_171 = %parallel_loop3A_169 to %shift_right_arithmetic3A_168 step %parallel_loop3A_170  : i32 {
        %parallel_loop3A_172 = arith.constant 16 : i32
        %parallel_loop3A_173 = arith.muli %parallel_loop3A_171, %parallel_loop3A_172 : i32
        %parallel_loop3A_174 = arith.addi %shift_right_arithmetic3A_162, %parallel_loop3A_173 : i32
        %parallel_loop3A_175 = arith.index_cast %parallel_loop3A_174 : i32 to index
        %parallel_loop3A_176 = tpu.vector_load %arg10[%parallel_loop3A_175] {strides = array<i32>} : memref<1408xf32, #tpu.memory_space<vmem>>, vector<16xf32>,
        %parallel_loop3A_177 = arith.index_cast %parallel_loop3A_174 : i32 to index
        %parallel_loop3A_178 = tpu.vector_load %arg11[%parallel_loop3A_177] {strides = array<i32>} : memref<1408xf32, #tpu.memory_space<vmem>>, vector<16xf32>,
        %parallel_loop3A_179 = arith.index_cast %parallel_loop3A_174 : i32 to index
        %parallel_loop3A_180 = tpu.vector_load %arg12[%parallel_loop3A_179] {strides = array<i32>} : memref<1408xf32, #tpu.memory_space<vmem>>, vector<16xf32>,
        %parallel_loop3A_181 = arith.index_cast %parallel_loop3A_174 : i32 to index
        %parallel_loop3A_182 = tpu.vector_load %arg13[%parallel_loop3A_181] {strides = array<i32>} : memref<1408xf32, #tpu.memory_space<vmem>>, vector<16xf32>,
        %parallel_loop3A_183 = arith.constant 16 : i32
        %parallel_loop3A_184 = arith.muli %parallel_loop3A_171, %parallel_loop3A_183 : i32
        %parallel_loop3A_185 = arith.constant 0 : i32
        %parallel_loop3A_186 = arith.addi %parallel_loop3A_184, %parallel_loop3A_185 : i32
        %parallel_loop3A_187 = vector.broadcast %parallel_loop3A_186 : i32 to vector<16xi32>
        %parallel_loop3A_188 = arith.cmpi sgt, %and3A_150, %parallel_loop3A_187 : vector<16xi32>
        %parallel_loop3A_189 = arith.constant 0 : i32
        %parallel_loop3A_190 = vector.broadcast %parallel_loop3A_189 : i32 to vector<16xi32>
        %parallel_loop3A_191 = arith.cmpi slt, %broadcast_in_dim3A_96, %parallel_loop3A_190 : vector<16xi32>
        %parallel_loop3A_192 = arith.constant 16 : i32
        %parallel_loop3A_193 = vector.broadcast %parallel_loop3A_192 : i32 to vector<16xi32>
        %parallel_loop3A_194 = arith.addi %broadcast_in_dim3A_96, %parallel_loop3A_193 : vector<16xi32>
        %parallel_loop3A_195 = arith.select %parallel_loop3A_191, %parallel_loop3A_194, %broadcast_in_dim3A_96 : vector<16xi1>, vector<16xi32>
        %parallel_loop3A_196 = vector.shape_cast %parallel_loop3A_195 : vector<16xi32> to vector<16x1xi32>
        %parallel_loop3A_197 = vector.shape_cast %parallel_loop3A_196 : vector<16x1xi32> to vector<16xi32>
        %parallel_loop3A_198 = tpu.dynamic_gather %parallel_loop3A_176[%parallel_loop3A_197] in [0] : vector<16xf32>, vector<16xi32> -> vector<16xf32>
        %parallel_loop3A_199 = arith.constant 0 : i32
        %parallel_loop3A_200 = vector.broadcast %parallel_loop3A_199 : i32 to vector<16xi32>
        %parallel_loop3A_201 = arith.cmpi slt, %broadcast_in_dim3A_96, %parallel_loop3A_200 : vector<16xi32>
        %parallel_loop3A_202 = arith.constant 16 : i32
        %parallel_loop3A_203 = vector.broadcast %parallel_loop3A_202 : i32 to vector<16xi32>
        %parallel_loop3A_204 = arith.addi %broadcast_in_dim3A_96, %parallel_loop3A_203 : vector<16xi32>
        %parallel_loop3A_205 = arith.select %parallel_loop3A_201, %parallel_loop3A_204, %broadcast_in_dim3A_96 : vector<16xi1>, vector<16xi32>
        %parallel_loop3A_206 = vector.shape_cast %parallel_loop3A_205 : vector<16xi32> to vector<16x1xi32>
        %parallel_loop3A_207 = vector.shape_cast %parallel_loop3A_206 : vector<16x1xi32> to vector<16xi32>
        %parallel_loop3A_208 = tpu.dynamic_gather %parallel_loop3A_178[%parallel_loop3A_207] in [0] : vector<16xf32>, vector<16xi32> -> vector<16xf32>
        %parallel_loop3A_209 = arith.constant 0 : i32
        %parallel_loop3A_210 = vector.broadcast %parallel_loop3A_209 : i32 to vector<16xi32>
        %parallel_loop3A_211 = arith.cmpi slt, %broadcast_in_dim3A_96, %parallel_loop3A_210 : vector<16xi32>
        %parallel_loop3A_212 = arith.constant 16 : i32
        %parallel_loop3A_213 = vector.broadcast %parallel_loop3A_212 : i32 to vector<16xi32>
        %parallel_loop3A_214 = arith.addi %broadcast_in_dim3A_96, %parallel_loop3A_213 : vector<16xi32>
        %parallel_loop3A_215 = arith.select %parallel_loop3A_211, %parallel_loop3A_214, %broadcast_in_dim3A_96 : vector<16xi1>, vector<16xi32>
        %parallel_loop3A_216 = vector.shape_cast %parallel_loop3A_215 : vector<16xi32> to vector<16x1xi32>
        %parallel_loop3A_217 = vector.shape_cast %parallel_loop3A_216 : vector<16x1xi32> to vector<16xi32>
        %parallel_loop3A_218 = tpu.dynamic_gather %parallel_loop3A_180[%parallel_loop3A_217] in [0] : vector<16xf32>, vector<16xi32> -> vector<16xf32>
        %parallel_loop3A_219 = arith.constant 0 : i32
        %parallel_loop3A_220 = vector.broadcast %parallel_loop3A_219 : i32 to vector<16xi32>
        %parallel_loop3A_221 = arith.cmpi slt, %broadcast_in_dim3A_96, %parallel_loop3A_220 : vector<16xi32>
        %parallel_loop3A_222 = arith.constant 16 : i32
        %parallel_loop3A_223 = vector.broadcast %parallel_loop3A_222 : i32 to vector<16xi32>
        %parallel_loop3A_224 = arith.addi %broadcast_in_dim3A_96, %parallel_loop3A_223 : vector<16xi32>
        %parallel_loop3A_225 = arith.select %parallel_loop3A_221, %parallel_loop3A_224, %broadcast_in_dim3A_96 : vector<16xi1>, vector<16xi32>
        %parallel_loop3A_226 = vector.shape_cast %parallel_loop3A_225 : vector<16xi32> to vector<16x1xi32>
        %parallel_loop3A_227 = vector.shape_cast %parallel_loop3A_226 : vector<16x1xi32> to vector<16xi32>
        %parallel_loop3A_228 = tpu.dynamic_gather %parallel_loop3A_182[%parallel_loop3A_227] in [0] : vector<16xf32>, vector<16xi32> -> vector<16xf32>
        %parallel_loop3A_229 = arith.subf %parallel_loop3A_218, %parallel_loop3A_198 : vector<16xf32>
        %parallel_loop3A_230 = arith.subf %parallel_loop3A_228, %parallel_loop3A_208 : vector<16xf32>
        %parallel_loop3A_231 = arith.mulf %parallel_loop3A_229, %parallel_loop3A_230 : vector<16xf32>
        %parallel_loop3A_232 = arith.maximumf %parallel_loop3A_198, %get3A_140 : vector<16xf32>
        %parallel_loop3A_233 = arith.maximumf %parallel_loop3A_208, %get3A_142 : vector<16xf32>
        %parallel_loop3A_234 = arith.minimumf %parallel_loop3A_218, %get3A_144 : vector<16xf32>
        %parallel_loop3A_235 = arith.minimumf %parallel_loop3A_228, %get3A_146 : vector<16xf32>
        %parallel_loop3A_236 = arith.subf %parallel_loop3A_234, %parallel_loop3A_232 : vector<16xf32>
        %parallel_loop3A_237 = arith.constant 0.000000e+00 : f32
        %parallel_loop3A_238 = vector.broadcast %parallel_loop3A_237 : f32 to vector<16xf32>
        %parallel_loop3A_239 = arith.maximumf %parallel_loop3A_236, %parallel_loop3A_238 : vector<16xf32>
        %parallel_loop3A_240 = arith.subf %parallel_loop3A_235, %parallel_loop3A_233 : vector<16xf32>
        %parallel_loop3A_241 = arith.constant 0.000000e+00 : f32
        %parallel_loop3A_242 = vector.broadcast %parallel_loop3A_241 : f32 to vector<16xf32>
        %parallel_loop3A_243 = arith.maximumf %parallel_loop3A_240, %parallel_loop3A_242 : vector<16xf32>
        %parallel_loop3A_244 = arith.mulf %parallel_loop3A_239, %parallel_loop3A_243 : vector<16xf32>
        %parallel_loop3A_245 = arith.addf %parallel_loop3A_231, %mul3A_153 : vector<16xf32>
        %parallel_loop3A_246 = arith.subf %parallel_loop3A_245, %parallel_loop3A_244 : vector<16xf32>
        %parallel_loop3A_247 = arith.divf %parallel_loop3A_244, %parallel_loop3A_246 : vector<16xf32>
        %parallel_loop3A_248 = arith.constant 0 : i32
        %parallel_loop3A_249 = arith.addi %parallel_loop3A_174, %parallel_loop3A_248 : i32
        %parallel_loop3A_250 = vector.broadcast %parallel_loop3A_249 : i32 to vector<16xi32>
        %parallel_loop3A_251 = arith.addi %mul3A_94, %parallel_loop3A_250 : vector<16xi32>
        %parallel_loop3A_252 = tpu.vector_load_idx %arg27[%parallel_loop3A_251] masked %parallel_loop3A_188 : memref<22544xf32, #tpu.memory_space<vmem>>[vector<16xi32>], vector<16xf32>, vector<16xi1>
        %parallel_loop3A_253 = arith.maximumf %parallel_loop3A_252, %parallel_loop3A_247 : vector<16xf32>
        tpu.vector_store_idx %arg27[%parallel_loop3A_251], %parallel_loop3A_253 masked %parallel_loop3A_188 : memref<22544xf32, #tpu.memory_space<vmem>>[vector<16xi32>], vector<16xf32>, vector<16xi1>
        %parallel_loop3A_254 = arith.constant 16 : i32
        %parallel_loop3A_255 = arith.muli %parallel_loop3A_171, %parallel_loop3A_254 : i32
        %parallel_loop3A_256 = arith.constant 1 : i32
        %parallel_loop3A_257 = arith.addi %parallel_loop3A_255, %parallel_loop3A_256 : i32
        %parallel_loop3A_258 = vector.broadcast %parallel_loop3A_257 : i32 to vector<16xi32>
        %parallel_loop3A_259 = arith.cmpi sgt, %and3A_150, %parallel_loop3A_258 : vector<16xi32>
        %parallel_loop3A_260 = arith.constant 0 : i32
        %parallel_loop3A_261 = vector.broadcast %parallel_loop3A_260 : i32 to vector<16xi32>
        %parallel_loop3A_262 = arith.cmpi slt, %broadcast_in_dim3A_98, %parallel_loop3A_261 : vector<16xi32>
        %parallel_loop3A_263 = arith.constant 16 : i32
        %parallel_loop3A_264 = vector.broadcast %parallel_loop3A_263 : i32 to vector<16xi32>
        %parallel_loop3A_265 = arith.addi %broadcast_in_dim3A_98, %parallel_loop3A_264 : vector<16xi32>
        %parallel_loop3A_266 = arith.select %parallel_loop3A_262, %parallel_loop3A_265, %broadcast_in_dim3A_98 : vector<16xi1>, vector<16xi32>
        %parallel_loop3A_267 = vector.shape_cast %parallel_loop3A_266 : vector<16xi32> to vector<16x1xi32>
        %parallel_loop3A_268 = vector.shape_cast %parallel_loop3A_267 : vector<16x1xi32> to vector<16xi32>
        %parallel_loop3A_269 = tpu.dynamic_gather %parallel_loop3A_176[%parallel_loop3A_268] in [0] : vector<16xf32>, vector<16xi32> -> vector<16xf32>
        %parallel_loop3A_270 = arith.constant 0 : i32
        %parallel_loop3A_271 = vector.broadcast %parallel_loop3A_270 : i32 to vector<16xi32>
        %parallel_loop3A_272 = arith.cmpi slt, %broadcast_in_dim3A_98, %parallel_loop3A_271 : vector<16xi32>
        %parallel_loop3A_273 = arith.constant 16 : i32
        %parallel_loop3A_274 = vector.broadcast %parallel_loop3A_273 : i32 to vector<16xi32>
        %parallel_loop3A_275 = arith.addi %broadcast_in_dim3A_98, %parallel_loop3A_274 : vector<16xi32>
        %parallel_loop3A_276 = arith.select %parallel_loop3A_272, %parallel_loop3A_275, %broadcast_in_dim3A_98 : vector<16xi1>, vector<16xi32>
        %parallel_loop3A_277 = vector.shape_cast %parallel_loop3A_276 : vector<16xi32> to vector<16x1xi32>
        %parallel_loop3A_278 = vector.shape_cast %parallel_loop3A_277 : vector<16x1xi32> to vector<16xi32>
        %parallel_loop3A_279 = tpu.dynamic_gather %parallel_loop3A_178[%parallel_loop3A_278] in [0] : vector<16xf32>, vector<16xi32> -> vector<16xf32>
        %parallel_loop3A_280 = arith.constant 0 : i32
        %parallel_loop3A_281 = vector.broadcast %parallel_loop3A_280 : i32 to vector<16xi32>
        %parallel_loop3A_282 = arith.cmpi slt, %broadcast_in_dim3A_98, %parallel_loop3A_281 : vector<16xi32>
        %parallel_loop3A_283 = arith.constant 16 : i32
        %parallel_loop3A_284 = vector.broadcast %parallel_loop3A_283 : i32 to vector<16xi32>
        %parallel_loop3A_285 = arith.addi %broadcast_in_dim3A_98, %parallel_loop3A_284 : vector<16xi32>
        %parallel_loop3A_286 = arith.select %parallel_loop3A_282, %parallel_loop3A_285, %broadcast_in_dim3A_98 : vector<16xi1>, vector<16xi32>
        %parallel_loop3A_287 = vector.shape_cast %parallel_loop3A_286 : vector<16xi32> to vector<16x1xi32>
        %parallel_loop3A_288 = vector.shape_cast %parallel_loop3A_287 : vector<16x1xi32> to vector<16xi32>
        %parallel_loop3A_289 = tpu.dynamic_gather %parallel_loop3A_180[%parallel_loop3A_288] in [0] : vector<16xf32>, vector<16xi32> -> vector<16xf32>
        %parallel_loop3A_290 = arith.constant 0 : i32
        %parallel_loop3A_291 = vector.broadcast %parallel_loop3A_290 : i32 to vector<16xi32>
        %parallel_loop3A_292 = arith.cmpi slt, %broadcast_in_dim3A_98, %parallel_loop3A_291 : vector<16xi32>
        %parallel_loop3A_293 = arith.constant 16 : i32
        %parallel_loop3A_294 = vector.broadcast %parallel_loop3A_293 : i32 to vector<16xi32>
        %parallel_loop3A_295 = arith.addi %broadcast_in_dim3A_98, %parallel_loop3A_294 : vector<16xi32>
        %parallel_loop3A_296 = arith.select %parallel_loop3A_292, %parallel_loop3A_295, %broadcast_in_dim3A_98 : vector<16xi1>, vector<16xi32>
        %parallel_loop3A_297 = vector.shape_cast %parallel_loop3A_296 : vector<16xi32> to vector<16x1xi32>
        %parallel_loop3A_298 = vector.shape_cast %parallel_loop3A_297 : vector<16x1xi32> to vector<16xi32>
        %parallel_loop3A_299 = tpu.dynamic_gather %parallel_loop3A_182[%parallel_loop3A_298] in [0] : vector<16xf32>, vector<16xi32> -> vector<16xf32>
        %parallel_loop3A_300 = arith.subf %parallel_loop3A_289, %parallel_loop3A_269 : vector<16xf32>
        %parallel_loop3A_301 = arith.subf %parallel_loop3A_299, %parallel_loop3A_279 : vector<16xf32>
        %parallel_loop3A_302 = arith.mulf %parallel_loop3A_300, %parallel_loop3A_301 : vector<16xf32>
        %parallel_loop3A_303 = arith.maximumf %parallel_loop3A_269, %get3A_140 : vector<16xf32>
        %parallel_loop3A_304 = arith.maximumf %parallel_loop3A_279, %get3A_142 : vector<16xf32>
        %parallel_loop3A_305 = arith.minimumf %parallel_loop3A_289, %get3A_144 : vector<16xf32>
        %parallel_loop3A_306 = arith.minimumf %parallel_loop3A_299, %get3A_146 : vector<16xf32>
        %parallel_loop3A_307 = arith.subf %parallel_loop3A_305, %parallel_loop3A_303 : vector<16xf32>
        %parallel_loop3A_308 = arith.constant 0.000000e+00 : f32
        %parallel_loop3A_309 = vector.broadcast %parallel_loop3A_308 : f32 to vector<16xf32>
        %parallel_loop3A_310 = arith.maximumf %parallel_loop3A_307, %parallel_loop3A_309 : vector<16xf32>
        %parallel_loop3A_311 = arith.subf %parallel_loop3A_306, %parallel_loop3A_304 : vector<16xf32>
        %parallel_loop3A_312 = arith.constant 0.000000e+00 : f32
        %parallel_loop3A_313 = vector.broadcast %parallel_loop3A_312 : f32 to vector<16xf32>
        %parallel_loop3A_314 = arith.maximumf %parallel_loop3A_311, %parallel_loop3A_313 : vector<16xf32>
        %parallel_loop3A_315 = arith.mulf %parallel_loop3A_310, %parallel_loop3A_314 : vector<16xf32>
        %parallel_loop3A_316 = arith.addf %parallel_loop3A_302, %mul3A_153 : vector<16xf32>
        %parallel_loop3A_317 = arith.subf %parallel_loop3A_316, %parallel_loop3A_315 : vector<16xf32>
        %parallel_loop3A_318 = arith.divf %parallel_loop3A_315, %parallel_loop3A_317 : vector<16xf32>
        %parallel_loop3A_319 = arith.constant 1 : i32
        %parallel_loop3A_320 = arith.addi %parallel_loop3A_174, %parallel_loop3A_319 : i32
        %parallel_loop3A_321 = vector.broadcast %parallel_loop3A_320 : i32 to vector<16xi32>
        %parallel_loop3A_322 = arith.addi %mul3A_94, %parallel_loop3A_321 : vector<16xi32>
        %parallel_loop3A_323 = tpu.vector_load_idx %arg27[%parallel_loop3A_322] masked %parallel_loop3A_259 : memref<22544xf32, #tpu.memory_space<vmem>>[vector<16xi32>], vector<16xf32>, vector<16xi1>
        %parallel_loop3A_324 = arith.maximumf %parallel_loop3A_323, %parallel_loop3A_318 : vector<16xf32>
        tpu.vector_store_idx %arg27[%parallel_loop3A_322], %parallel_loop3A_324 masked %parallel_loop3A_259 : memref<22544xf32, #tpu.memory_space<vmem>>[vector<16xi32>], vector<16xf32>, vector<16xi1>
        %parallel_loop3A_325 = arith.constant 16 : i32
        %parallel_loop3A_326 = arith.muli %parallel_loop3A_171, %parallel_loop3A_325 : i32
        %parallel_loop3A_327 = arith.constant 2 : i32
        %parallel_loop3A_328 = arith.addi %parallel_loop3A_326, %parallel_loop3A_327 : i32
        %parallel_loop3A_329 = vector.broadcast %parallel_loop3A_328 : i32 to vector<16xi32>
        %parallel_loop3A_330 = arith.cmpi sgt, %and3A_150, %parallel_loop3A_329 : vector<16xi32>
        %parallel_loop3A_331 = arith.constant 0 : i32
        %parallel_loop3A_332 = vector.broadcast %parallel_loop3A_331 : i32 to vector<16xi32>
        %parallel_loop3A_333 = arith.cmpi slt, %broadcast_in_dim3A_100, %parallel_loop3A_332 : vector<16xi32>
        %parallel_loop3A_334 = arith.constant 16 : i32
        %parallel_loop3A_335 = vector.broadcast %parallel_loop3A_334 : i32 to vector<16xi32>
        %parallel_loop3A_336 = arith.addi %broadcast_in_dim3A_100, %parallel_loop3A_335 : vector<16xi32>
        %parallel_loop3A_337 = arith.select %parallel_loop3A_333, %parallel_loop3A_336, %broadcast_in_dim3A_100 : vector<16xi1>, vector<16xi32>
        %parallel_loop3A_338 = vector.shape_cast %parallel_loop3A_337 : vector<16xi32> to vector<16x1xi32>
        %parallel_loop3A_339 = vector.shape_cast %parallel_loop3A_338 : vector<16x1xi32> to vector<16xi32>
        %parallel_loop3A_340 = tpu.dynamic_gather %parallel_loop3A_176[%parallel_loop3A_339] in [0] : vector<16xf32>, vector<16xi32> -> vector<16xf32>
        %parallel_loop3A_341 = arith.constant 0 : i32
        %parallel_loop3A_342 = vector.broadcast %parallel_loop3A_341 : i32 to vector<16xi32>
        %parallel_loop3A_343 = arith.cmpi slt, %broadcast_in_dim3A_100, %parallel_loop3A_342 : vector<16xi32>
        %parallel_loop3A_344 = arith.constant 16 : i32
        %parallel_loop3A_345 = vector.broadcast %parallel_loop3A_344 : i32 to vector<16xi32>
        %parallel_loop3A_346 = arith.addi %broadcast_in_dim3A_100, %parallel_loop3A_345 : vector<16xi32>
        %parallel_loop3A_347 = arith.select %parallel_loop3A_343, %parallel_loop3A_346, %broadcast_in_dim3A_100 : vector<16xi1>, vector<16xi32>
        %parallel_loop3A_348 = vector.shape_cast %parallel_loop3A_347 : vector<16xi32> to vector<16x1xi32>
        %parallel_loop3A_349 = vector.shape_cast %parallel_loop3A_348 : vector<16x1xi32> to vector<16xi32>
        %parallel_loop3A_350 = tpu.dynamic_gather %parallel_loop3A_178[%parallel_loop3A_349] in [0] : vector<16xf32>, vector<16xi32> -> vector<16xf32>
        %parallel_loop3A_351 = arith.constant 0 : i32
        %parallel_loop3A_352 = vector.broadcast %parallel_loop3A_351 : i32 to vector<16xi32>
        %parallel_loop3A_353 = arith.cmpi slt, %broadcast_in_dim3A_100, %parallel_loop3A_352 : vector<16xi32>
        %parallel_loop3A_354 = arith.constant 16 : i32
        %parallel_loop3A_355 = vector.broadcast %parallel_loop3A_354 : i32 to vector<16xi32>
        %parallel_loop3A_356 = arith.addi %broadcast_in_dim3A_100, %parallel_loop3A_355 : vector<16xi32>
        %parallel_loop3A_357 = arith.select %parallel_loop3A_353, %parallel_loop3A_356, %broadcast_in_dim3A_100 : vector<16xi1>, vector<16xi32>
        %parallel_loop3A_358 = vector.shape_cast %parallel_loop3A_357 : vector<16xi32> to vector<16x1xi32>
        %parallel_loop3A_359 = vector.shape_cast %parallel_loop3A_358 : vector<16x1xi32> to vector<16xi32>
        %parallel_loop3A_360 = tpu.dynamic_gather %parallel_loop3A_180[%parallel_loop3A_359] in [0] : vector<16xf32>, vector<16xi32> -> vector<16xf32>
        %parallel_loop3A_361 = arith.constant 0 : i32
        %parallel_loop3A_362 = vector.broadcast %parallel_loop3A_361 : i32 to vector<16xi32>
        %parallel_loop3A_363 = arith.cmpi slt, %broadcast_in_dim3A_100, %parallel_loop3A_362 : vector<16xi32>
        %parallel_loop3A_364 = arith.constant 16 : i32
        %parallel_loop3A_365 = vector.broadcast %parallel_loop3A_364 : i32 to vector<16xi32>
        %parallel_loop3A_366 = arith.addi %broadcast_in_dim3A_100, %parallel_loop3A_365 : vector<16xi32>
        %parallel_loop3A_367 = arith.select %parallel_loop3A_363, %parallel_loop3A_366, %broadcast_in_dim3A_100 : vector<16xi1>, vector<16xi32>
        %parallel_loop3A_368 = vector.shape_cast %parallel_loop3A_367 : vector<16xi32> to vector<16x1xi32>
        %parallel_loop3A_369 = vector.shape_cast %parallel_loop3A_368 : vector<16x1xi32> to vector<16xi32>
        %parallel_loop3A_370 = tpu.dynamic_gather %parallel_loop3A_182[%parallel_loop3A_369] in [0] : vector<16xf32>, vector<16xi32> -> vector<16xf32>
        %parallel_loop3A_371 = arith.subf %parallel_loop3A_360, %parallel_loop3A_340 : vector<16xf32>
        %parallel_loop3A_372 = arith.subf %parallel_loop3A_370, %parallel_loop3A_350 : vector<16xf32>
        %parallel_loop3A_373 = arith.mulf %parallel_loop3A_371, %parallel_loop3A_372 : vector<16xf32>
        %parallel_loop3A_374 = arith.maximumf %parallel_loop3A_340, %get3A_140 : vector<16xf32>
        %parallel_loop3A_375 = arith.maximumf %parallel_loop3A_350, %get3A_142 : vector<16xf32>
        %parallel_loop3A_376 = arith.minimumf %parallel_loop3A_360, %get3A_144 : vector<16xf32>
        %parallel_loop3A_377 = arith.minimumf %parallel_loop3A_370, %get3A_146 : vector<16xf32>
        %parallel_loop3A_378 = arith.subf %parallel_loop3A_376, %parallel_loop3A_374 : vector<16xf32>
        %parallel_loop3A_379 = arith.constant 0.000000e+00 : f32
        %parallel_loop3A_380 = vector.broadcast %parallel_loop3A_379 : f32 to vector<16xf32>
        %parallel_loop3A_381 = arith.maximumf %parallel_loop3A_378, %parallel_loop3A_380 : vector<16xf32>
        %parallel_loop3A_382 = arith.subf %parallel_loop3A_377, %parallel_loop3A_375 : vector<16xf32>
        %parallel_loop3A_383 = arith.constant 0.000000e+00 : f32
        %parallel_loop3A_384 = vector.broadcast %parallel_loop3A_383 : f32 to vector<16xf32>
        %parallel_loop3A_385 = arith.maximumf %parallel_loop3A_382, %parallel_loop3A_384 : vector<16xf32>
        %parallel_loop3A_386 = arith.mulf %parallel_loop3A_381, %parallel_loop3A_385 : vector<16xf32>
        %parallel_loop3A_387 = arith.addf %parallel_loop3A_373, %mul3A_153 : vector<16xf32>
        %parallel_loop3A_388 = arith.subf %parallel_loop3A_387, %parallel_loop3A_386 : vector<16xf32>
        %parallel_loop3A_389 = arith.divf %parallel_loop3A_386, %parallel_loop3A_388 : vector<16xf32>
        %parallel_loop3A_390 = arith.constant 2 : i32
        %parallel_loop3A_391 = arith.addi %parallel_loop3A_174, %parallel_loop3A_390 : i32
        %parallel_loop3A_392 = vector.broadcast %parallel_loop3A_391 : i32 to vector<16xi32>
        %parallel_loop3A_393 = arith.addi %mul3A_94, %parallel_loop3A_392 : vector<16xi32>
        %parallel_loop3A_394 = tpu.vector_load_idx %arg27[%parallel_loop3A_393] masked %parallel_loop3A_330 : memref<22544xf32, #tpu.memory_space<vmem>>[vector<16xi32>], vector<16xf32>, vector<16xi1>
        %parallel_loop3A_395 = arith.maximumf %parallel_loop3A_394, %parallel_loop3A_389 : vector<16xf32>
        tpu.vector_store_idx %arg27[%parallel_loop3A_393], %parallel_loop3A_395 masked %parallel_loop3A_330 : memref<22544xf32, #tpu.memory_space<vmem>>[vector<16xi32>], vector<16xf32>, vector<16xi1>
        %parallel_loop3A_396 = arith.constant 16 : i32
        %parallel_loop3A_397 = arith.muli %parallel_loop3A_171, %parallel_loop3A_396 : i32
        %parallel_loop3A_398 = arith.constant 3 : i32
        %parallel_loop3A_399 = arith.addi %parallel_loop3A_397, %parallel_loop3A_398 : i32
        %parallel_loop3A_400 = vector.broadcast %parallel_loop3A_399 : i32 to vector<16xi32>
        %parallel_loop3A_401 = arith.cmpi sgt, %and3A_150, %parallel_loop3A_400 : vector<16xi32>
        %parallel_loop3A_402 = arith.constant 0 : i32
        %parallel_loop3A_403 = vector.broadcast %parallel_loop3A_402 : i32 to vector<16xi32>
        %parallel_loop3A_404 = arith.cmpi slt, %broadcast_in_dim3A_102, %parallel_loop3A_403 : vector<16xi32>
        %parallel_loop3A_405 = arith.constant 16 : i32
        %parallel_loop3A_406 = vector.broadcast %parallel_loop3A_405 : i32 to vector<16xi32>
        %parallel_loop3A_407 = arith.addi %broadcast_in_dim3A_102, %parallel_loop3A_406 : vector<16xi32>
        %parallel_loop3A_408 = arith.select %parallel_loop3A_404, %parallel_loop3A_407, %broadcast_in_dim3A_102 : vector<16xi1>, vector<16xi32>
        %parallel_loop3A_409 = vector.shape_cast %parallel_loop3A_408 : vector<16xi32> to vector<16x1xi32>
        %parallel_loop3A_410 = vector.shape_cast %parallel_loop3A_409 : vector<16x1xi32> to vector<16xi32>
        %parallel_loop3A_411 = tpu.dynamic_gather %parallel_loop3A_176[%parallel_loop3A_410] in [0] : vector<16xf32>, vector<16xi32> -> vector<16xf32>
        %parallel_loop3A_412 = arith.constant 0 : i32
        %parallel_loop3A_413 = vector.broadcast %parallel_loop3A_412 : i32 to vector<16xi32>
        %parallel_loop3A_414 = arith.cmpi slt, %broadcast_in_dim3A_102, %parallel_loop3A_413 : vector<16xi32>
        %parallel_loop3A_415 = arith.constant 16 : i32
        %parallel_loop3A_416 = vector.broadcast %parallel_loop3A_415 : i32 to vector<16xi32>
        %parallel_loop3A_417 = arith.addi %broadcast_in_dim3A_102, %parallel_loop3A_416 : vector<16xi32>
        %parallel_loop3A_418 = arith.select %parallel_loop3A_414, %parallel_loop3A_417, %broadcast_in_dim3A_102 : vector<16xi1>, vector<16xi32>
        %parallel_loop3A_419 = vector.shape_cast %parallel_loop3A_418 : vector<16xi32> to vector<16x1xi32>
        %parallel_loop3A_420 = vector.shape_cast %parallel_loop3A_419 : vector<16x1xi32> to vector<16xi32>
        %parallel_loop3A_421 = tpu.dynamic_gather %parallel_loop3A_178[%parallel_loop3A_420] in [0] : vector<16xf32>, vector<16xi32> -> vector<16xf32>
        %parallel_loop3A_422 = arith.constant 0 : i32
        %parallel_loop3A_423 = vector.broadcast %parallel_loop3A_422 : i32 to vector<16xi32>
        %parallel_loop3A_424 = arith.cmpi slt, %broadcast_in_dim3A_102, %parallel_loop3A_423 : vector<16xi32>
        %parallel_loop3A_425 = arith.constant 16 : i32
        %parallel_loop3A_426 = vector.broadcast %parallel_loop3A_425 : i32 to vector<16xi32>
        %parallel_loop3A_427 = arith.addi %broadcast_in_dim3A_102, %parallel_loop3A_426 : vector<16xi32>
        %parallel_loop3A_428 = arith.select %parallel_loop3A_424, %parallel_loop3A_427, %broadcast_in_dim3A_102 : vector<16xi1>, vector<16xi32>
        %parallel_loop3A_429 = vector.shape_cast %parallel_loop3A_428 : vector<16xi32> to vector<16x1xi32>
        %parallel_loop3A_430 = vector.shape_cast %parallel_loop3A_429 : vector<16x1xi32> to vector<16xi32>
        %parallel_loop3A_431 = tpu.dynamic_gather %parallel_loop3A_180[%parallel_loop3A_430] in [0] : vector<16xf32>, vector<16xi32> -> vector<16xf32>
        %parallel_loop3A_432 = arith.constant 0 : i32
        %parallel_loop3A_433 = vector.broadcast %parallel_loop3A_432 : i32 to vector<16xi32>
        %parallel_loop3A_434 = arith.cmpi slt, %broadcast_in_dim3A_102, %parallel_loop3A_433 : vector<16xi32>
        %parallel_loop3A_435 = arith.constant 16 : i32
        %parallel_loop3A_436 = vector.broadcast %parallel_loop3A_435 : i32 to vector<16xi32>
        %parallel_loop3A_437 = arith.addi %broadcast_in_dim3A_102, %parallel_loop3A_436 : vector<16xi32>
        %parallel_loop3A_438 = arith.select %parallel_loop3A_434, %parallel_loop3A_437, %broadcast_in_dim3A_102 : vector<16xi1>, vector<16xi32>
        %parallel_loop3A_439 = vector.shape_cast %parallel_loop3A_438 : vector<16xi32> to vector<16x1xi32>
        %parallel_loop3A_440 = vector.shape_cast %parallel_loop3A_439 : vector<16x1xi32> to vector<16xi32>
        %parallel_loop3A_441 = tpu.dynamic_gather %parallel_loop3A_182[%parallel_loop3A_440] in [0] : vector<16xf32>, vector<16xi32> -> vector<16xf32>
        %parallel_loop3A_442 = arith.subf %parallel_loop3A_431, %parallel_loop3A_411 : vector<16xf32>
        %parallel_loop3A_443 = arith.subf %parallel_loop3A_441, %parallel_loop3A_421 : vector<16xf32>
        %parallel_loop3A_444 = arith.mulf %parallel_loop3A_442, %parallel_loop3A_443 : vector<16xf32>
        %parallel_loop3A_445 = arith.maximumf %parallel_loop3A_411, %get3A_140 : vector<16xf32>
        %parallel_loop3A_446 = arith.maximumf %parallel_loop3A_421, %get3A_142 : vector<16xf32>
        %parallel_loop3A_447 = arith.minimumf %parallel_loop3A_431, %get3A_144 : vector<16xf32>
        %parallel_loop3A_448 = arith.minimumf %parallel_loop3A_441, %get3A_146 : vector<16xf32>
        %parallel_loop3A_449 = arith.subf %parallel_loop3A_447, %parallel_loop3A_445 : vector<16xf32>
        %parallel_loop3A_450 = arith.constant 0.000000e+00 : f32
        %parallel_loop3A_451 = vector.broadcast %parallel_loop3A_450 : f32 to vector<16xf32>
        %parallel_loop3A_452 = arith.maximumf %parallel_loop3A_449, %parallel_loop3A_451 : vector<16xf32>
        %parallel_loop3A_453 = arith.subf %parallel_loop3A_448, %parallel_loop3A_446 : vector<16xf32>
        %parallel_loop3A_454 = arith.constant 0.000000e+00 : f32
        %parallel_loop3A_455 = vector.broadcast %parallel_loop3A_454 : f32 to vector<16xf32>
        %parallel_loop3A_456 = arith.maximumf %parallel_loop3A_453, %parallel_loop3A_455 : vector<16xf32>
        %parallel_loop3A_457 = arith.mulf %parallel_loop3A_452, %parallel_loop3A_456 : vector<16xf32>
        %parallel_loop3A_458 = arith.addf %parallel_loop3A_444, %mul3A_153 : vector<16xf32>
        %parallel_loop3A_459 = arith.subf %parallel_loop3A_458, %parallel_loop3A_457 : vector<16xf32>
        %parallel_loop3A_460 = arith.divf %parallel_loop3A_457, %parallel_loop3A_459 : vector<16xf32>
        %parallel_loop3A_461 = arith.constant 3 : i32
        %parallel_loop3A_462 = arith.addi %parallel_loop3A_174, %parallel_loop3A_461 : i32
        %parallel_loop3A_463 = vector.broadcast %parallel_loop3A_462 : i32 to vector<16xi32>
        %parallel_loop3A_464 = arith.addi %mul3A_94, %parallel_loop3A_463 : vector<16xi32>
        %parallel_loop3A_465 = tpu.vector_load_idx %arg27[%parallel_loop3A_464] masked %parallel_loop3A_401 : memref<22544xf32, #tpu.memory_space<vmem>>[vector<16xi32>], vector<16xf32>, vector<16xi1>
        %parallel_loop3A_466 = arith.maximumf %parallel_loop3A_465, %parallel_loop3A_460 : vector<16xf32>
        tpu.vector_store_idx %arg27[%parallel_loop3A_464], %parallel_loop3A_466 masked %parallel_loop3A_401 : memref<22544xf32, #tpu.memory_space<vmem>>[vector<16xi32>], vector<16xf32>, vector<16xi1>
        %parallel_loop3A_467 = arith.constant 16 : i32
        %parallel_loop3A_468 = arith.muli %parallel_loop3A_171, %parallel_loop3A_467 : i32
        %parallel_loop3A_469 = arith.constant 4 : i32
        %parallel_loop3A_470 = arith.addi %parallel_loop3A_468, %parallel_loop3A_469 : i32
        %parallel_loop3A_471 = vector.broadcast %parallel_loop3A_470 : i32 to vector<16xi32>
        %parallel_loop3A_472 = arith.cmpi sgt, %and3A_150, %parallel_loop3A_471 : vector<16xi32>
        %parallel_loop3A_473 = arith.constant 0 : i32
        %parallel_loop3A_474 = vector.broadcast %parallel_loop3A_473 : i32 to vector<16xi32>
        %parallel_loop3A_475 = arith.cmpi slt, %broadcast_in_dim3A_104, %parallel_loop3A_474 : vector<16xi32>
        %parallel_loop3A_476 = arith.constant 16 : i32
        %parallel_loop3A_477 = vector.broadcast %parallel_loop3A_476 : i32 to vector<16xi32>
        %parallel_loop3A_478 = arith.addi %broadcast_in_dim3A_104, %parallel_loop3A_477 : vector<16xi32>
        %parallel_loop3A_479 = arith.select %parallel_loop3A_475, %parallel_loop3A_478, %broadcast_in_dim3A_104 : vector<16xi1>, vector<16xi32>
        %parallel_loop3A_480 = vector.shape_cast %parallel_loop3A_479 : vector<16xi32> to vector<16x1xi32>
        %parallel_loop3A_481 = vector.shape_cast %parallel_loop3A_480 : vector<16x1xi32> to vector<16xi32>
        %parallel_loop3A_482 = tpu.dynamic_gather %parallel_loop3A_176[%parallel_loop3A_481] in [0] : vector<16xf32>, vector<16xi32> -> vector<16xf32>
        %parallel_loop3A_483 = arith.constant 0 : i32
        %parallel_loop3A_484 = vector.broadcast %parallel_loop3A_483 : i32 to vector<16xi32>
        %parallel_loop3A_485 = arith.cmpi slt, %broadcast_in_dim3A_104, %parallel_loop3A_484 : vector<16xi32>
        %parallel_loop3A_486 = arith.constant 16 : i32
        %parallel_loop3A_487 = vector.broadcast %parallel_loop3A_486 : i32 to vector<16xi32>
        %parallel_loop3A_488 = arith.addi %broadcast_in_dim3A_104, %parallel_loop3A_487 : vector<16xi32>
        %parallel_loop3A_489 = arith.select %parallel_loop3A_485, %parallel_loop3A_488, %broadcast_in_dim3A_104 : vector<16xi1>, vector<16xi32>
        %parallel_loop3A_490 = vector.shape_cast %parallel_loop3A_489 : vector<16xi32> to vector<16x1xi32>
        %parallel_loop3A_491 = vector.shape_cast %parallel_loop3A_490 : vector<16x1xi32> to vector<16xi32>
        %parallel_loop3A_492 = tpu.dynamic_gather %parallel_loop3A_178[%parallel_loop3A_491] in [0] : vector<16xf32>, vector<16xi32> -> vector<16xf32>
        %parallel_loop3A_493 = arith.constant 0 : i32
        %parallel_loop3A_494 = vector.broadcast %parallel_loop3A_493 : i32 to vector<16xi32>
        %parallel_loop3A_495 = arith.cmpi slt, %broadcast_in_dim3A_104, %parallel_loop3A_494 : vector<16xi32>
        %parallel_loop3A_496 = arith.constant 16 : i32
        %parallel_loop3A_497 = vector.broadcast %parallel_loop3A_496 : i32 to vector<16xi32>
        %parallel_loop3A_498 = arith.addi %broadcast_in_dim3A_104, %parallel_loop3A_497 : vector<16xi32>
        %parallel_loop3A_499 = arith.select %parallel_loop3A_495, %parallel_loop3A_498, %broadcast_in_dim3A_104 : vector<16xi1>, vector<16xi32>
        %parallel_loop3A_500 = vector.shape_cast %parallel_loop3A_499 : vector<16xi32> to vector<16x1xi32>
        %parallel_loop3A_501 = vector.shape_cast %parallel_loop3A_500 : vector<16x1xi32> to vector<16xi32>
        %parallel_loop3A_502 = tpu.dynamic_gather %parallel_loop3A_180[%parallel_loop3A_501] in [0] : vector<16xf32>, vector<16xi32> -> vector<16xf32>
        %parallel_loop3A_503 = arith.constant 0 : i32
        %parallel_loop3A_504 = vector.broadcast %parallel_loop3A_503 : i32 to vector<16xi32>
        %parallel_loop3A_505 = arith.cmpi slt, %broadcast_in_dim3A_104, %parallel_loop3A_504 : vector<16xi32>
        %parallel_loop3A_506 = arith.constant 16 : i32
        %parallel_loop3A_507 = vector.broadcast %parallel_loop3A_506 : i32 to vector<16xi32>
        %parallel_loop3A_508 = arith.addi %broadcast_in_dim3A_104, %parallel_loop3A_507 : vector<16xi32>
        %parallel_loop3A_509 = arith.select %parallel_loop3A_505, %parallel_loop3A_508, %broadcast_in_dim3A_104 : vector<16xi1>, vector<16xi32>
        %parallel_loop3A_510 = vector.shape_cast %parallel_loop3A_509 : vector<16xi32> to vector<16x1xi32>
        %parallel_loop3A_511 = vector.shape_cast %parallel_loop3A_510 : vector<16x1xi32> to vector<16xi32>
        %parallel_loop3A_512 = tpu.dynamic_gather %parallel_loop3A_182[%parallel_loop3A_511] in [0] : vector<16xf32>, vector<16xi32> -> vector<16xf32>
        %parallel_loop3A_513 = arith.subf %parallel_loop3A_502, %parallel_loop3A_482 : vector<16xf32>
        %parallel_loop3A_514 = arith.subf %parallel_loop3A_512, %parallel_loop3A_492 : vector<16xf32>
        %parallel_loop3A_515 = arith.mulf %parallel_loop3A_513, %parallel_loop3A_514 : vector<16xf32>
        %parallel_loop3A_516 = arith.maximumf %parallel_loop3A_482, %get3A_140 : vector<16xf32>
        %parallel_loop3A_517 = arith.maximumf %parallel_loop3A_492, %get3A_142 : vector<16xf32>
        %parallel_loop3A_518 = arith.minimumf %parallel_loop3A_502, %get3A_144 : vector<16xf32>
        %parallel_loop3A_519 = arith.minimumf %parallel_loop3A_512, %get3A_146 : vector<16xf32>
        %parallel_loop3A_520 = arith.subf %parallel_loop3A_518, %parallel_loop3A_516 : vector<16xf32>
        %parallel_loop3A_521 = arith.constant 0.000000e+00 : f32
        %parallel_loop3A_522 = vector.broadcast %parallel_loop3A_521 : f32 to vector<16xf32>
        %parallel_loop3A_523 = arith.maximumf %parallel_loop3A_520, %parallel_loop3A_522 : vector<16xf32>
        %parallel_loop3A_524 = arith.subf %parallel_loop3A_519, %parallel_loop3A_517 : vector<16xf32>
        %parallel_loop3A_525 = arith.constant 0.000000e+00 : f32
        %parallel_loop3A_526 = vector.broadcast %parallel_loop3A_525 : f32 to vector<16xf32>
        %parallel_loop3A_527 = arith.maximumf %parallel_loop3A_524, %parallel_loop3A_526 : vector<16xf32>
        %parallel_loop3A_528 = arith.mulf %parallel_loop3A_523, %parallel_loop3A_527 : vector<16xf32>
        %parallel_loop3A_529 = arith.addf %parallel_loop3A_515, %mul3A_153 : vector<16xf32>
        %parallel_loop3A_530 = arith.subf %parallel_loop3A_529, %parallel_loop3A_528 : vector<16xf32>
        %parallel_loop3A_531 = arith.divf %parallel_loop3A_528, %parallel_loop3A_530 : vector<16xf32>
        %parallel_loop3A_532 = arith.constant 4 : i32
        %parallel_loop3A_533 = arith.addi %parallel_loop3A_174, %parallel_loop3A_532 : i32
        %parallel_loop3A_534 = vector.broadcast %parallel_loop3A_533 : i32 to vector<16xi32>
        %parallel_loop3A_535 = arith.addi %mul3A_94, %parallel_loop3A_534 : vector<16xi32>
        %parallel_loop3A_536 = tpu.vector_load_idx %arg27[%parallel_loop3A_535] masked %parallel_loop3A_472 : memref<22544xf32, #tpu.memory_space<vmem>>[vector<16xi32>], vector<16xf32>, vector<16xi1>
        %parallel_loop3A_537 = arith.maximumf %parallel_loop3A_536, %parallel_loop3A_531 : vector<16xf32>
        tpu.vector_store_idx %arg27[%parallel_loop3A_535], %parallel_loop3A_537 masked %parallel_loop3A_472 : memref<22544xf32, #tpu.memory_space<vmem>>[vector<16xi32>], vector<16xf32>, vector<16xi1>
        %parallel_loop3A_538 = arith.constant 16 : i32
        %parallel_loop3A_539 = arith.muli %parallel_loop3A_171, %parallel_loop3A_538 : i32
        %parallel_loop3A_540 = arith.constant 5 : i32
        %parallel_loop3A_541 = arith.addi %parallel_loop3A_539, %parallel_loop3A_540 : i32
        %parallel_loop3A_542 = vector.broadcast %parallel_loop3A_541 : i32 to vector<16xi32>
        %parallel_loop3A_543 = arith.cmpi sgt, %and3A_150, %parallel_loop3A_542 : vector<16xi32>
        %parallel_loop3A_544 = arith.constant 0 : i32
        %parallel_loop3A_545 = vector.broadcast %parallel_loop3A_544 : i32 to vector<16xi32>
        %parallel_loop3A_546 = arith.cmpi slt, %broadcast_in_dim3A_106, %parallel_loop3A_545 : vector<16xi32>
        %parallel_loop3A_547 = arith.constant 16 : i32
        %parallel_loop3A_548 = vector.broadcast %parallel_loop3A_547 : i32 to vector<16xi32>
        %parallel_loop3A_549 = arith.addi %broadcast_in_dim3A_106, %parallel_loop3A_548 : vector<16xi32>
        %parallel_loop3A_550 = arith.select %parallel_loop3A_546, %parallel_loop3A_549, %broadcast_in_dim3A_106 : vector<16xi1>, vector<16xi32>
        %parallel_loop3A_551 = vector.shape_cast %parallel_loop3A_550 : vector<16xi32> to vector<16x1xi32>
        %parallel_loop3A_552 = vector.shape_cast %parallel_loop3A_551 : vector<16x1xi32> to vector<16xi32>
        %parallel_loop3A_553 = tpu.dynamic_gather %parallel_loop3A_176[%parallel_loop3A_552] in [0] : vector<16xf32>, vector<16xi32> -> vector<16xf32>
        %parallel_loop3A_554 = arith.constant 0 : i32
        %parallel_loop3A_555 = vector.broadcast %parallel_loop3A_554 : i32 to vector<16xi32>
        %parallel_loop3A_556 = arith.cmpi slt, %broadcast_in_dim3A_106, %parallel_loop3A_555 : vector<16xi32>
        %parallel_loop3A_557 = arith.constant 16 : i32
        %parallel_loop3A_558 = vector.broadcast %parallel_loop3A_557 : i32 to vector<16xi32>
        %parallel_loop3A_559 = arith.addi %broadcast_in_dim3A_106, %parallel_loop3A_558 : vector<16xi32>
        %parallel_loop3A_560 = arith.select %parallel_loop3A_556, %parallel_loop3A_559, %broadcast_in_dim3A_106 : vector<16xi1>, vector<16xi32>
        %parallel_loop3A_561 = vector.shape_cast %parallel_loop3A_560 : vector<16xi32> to vector<16x1xi32>
        %parallel_loop3A_562 = vector.shape_cast %parallel_loop3A_561 : vector<16x1xi32> to vector<16xi32>
        %parallel_loop3A_563 = tpu.dynamic_gather %parallel_loop3A_178[%parallel_loop3A_562] in [0] : vector<16xf32>, vector<16xi32> -> vector<16xf32>
        %parallel_loop3A_564 = arith.constant 0 : i32
        %parallel_loop3A_565 = vector.broadcast %parallel_loop3A_564 : i32 to vector<16xi32>
        %parallel_loop3A_566 = arith.cmpi slt, %broadcast_in_dim3A_106, %parallel_loop3A_565 : vector<16xi32>
        %parallel_loop3A_567 = arith.constant 16 : i32
        %parallel_loop3A_568 = vector.broadcast %parallel_loop3A_567 : i32 to vector<16xi32>
        %parallel_loop3A_569 = arith.addi %broadcast_in_dim3A_106, %parallel_loop3A_568 : vector<16xi32>
        %parallel_loop3A_570 = arith.select %parallel_loop3A_566, %parallel_loop3A_569, %broadcast_in_dim3A_106 : vector<16xi1>, vector<16xi32>
        %parallel_loop3A_571 = vector.shape_cast %parallel_loop3A_570 : vector<16xi32> to vector<16x1xi32>
        %parallel_loop3A_572 = vector.shape_cast %parallel_loop3A_571 : vector<16x1xi32> to vector<16xi32>
        %parallel_loop3A_573 = tpu.dynamic_gather %parallel_loop3A_180[%parallel_loop3A_572] in [0] : vector<16xf32>, vector<16xi32> -> vector<16xf32>
        %parallel_loop3A_574 = arith.constant 0 : i32
        %parallel_loop3A_575 = vector.broadcast %parallel_loop3A_574 : i32 to vector<16xi32>
        %parallel_loop3A_576 = arith.cmpi slt, %broadcast_in_dim3A_106, %parallel_loop3A_575 : vector<16xi32>
        %parallel_loop3A_577 = arith.constant 16 : i32
        %parallel_loop3A_578 = vector.broadcast %parallel_loop3A_577 : i32 to vector<16xi32>
        %parallel_loop3A_579 = arith.addi %broadcast_in_dim3A_106, %parallel_loop3A_578 : vector<16xi32>
        %parallel_loop3A_580 = arith.select %parallel_loop3A_576, %parallel_loop3A_579, %broadcast_in_dim3A_106 : vector<16xi1>, vector<16xi32>
        %parallel_loop3A_581 = vector.shape_cast %parallel_loop3A_580 : vector<16xi32> to vector<16x1xi32>
        %parallel_loop3A_582 = vector.shape_cast %parallel_loop3A_581 : vector<16x1xi32> to vector<16xi32>
        %parallel_loop3A_583 = tpu.dynamic_gather %parallel_loop3A_182[%parallel_loop3A_582] in [0] : vector<16xf32>, vector<16xi32> -> vector<16xf32>
        %parallel_loop3A_584 = arith.subf %parallel_loop3A_573, %parallel_loop3A_553 : vector<16xf32>
        %parallel_loop3A_585 = arith.subf %parallel_loop3A_583, %parallel_loop3A_563 : vector<16xf32>
        %parallel_loop3A_586 = arith.mulf %parallel_loop3A_584, %parallel_loop3A_585 : vector<16xf32>
        %parallel_loop3A_587 = arith.maximumf %parallel_loop3A_553, %get3A_140 : vector<16xf32>
        %parallel_loop3A_588 = arith.maximumf %parallel_loop3A_563, %get3A_142 : vector<16xf32>
        %parallel_loop3A_589 = arith.minimumf %parallel_loop3A_573, %get3A_144 : vector<16xf32>
        %parallel_loop3A_590 = arith.minimumf %parallel_loop3A_583, %get3A_146 : vector<16xf32>
        %parallel_loop3A_591 = arith.subf %parallel_loop3A_589, %parallel_loop3A_587 : vector<16xf32>
        %parallel_loop3A_592 = arith.constant 0.000000e+00 : f32
        %parallel_loop3A_593 = vector.broadcast %parallel_loop3A_592 : f32 to vector<16xf32>
        %parallel_loop3A_594 = arith.maximumf %parallel_loop3A_591, %parallel_loop3A_593 : vector<16xf32>
        %parallel_loop3A_595 = arith.subf %parallel_loop3A_590, %parallel_loop3A_588 : vector<16xf32>
        %parallel_loop3A_596 = arith.constant 0.000000e+00 : f32
        %parallel_loop3A_597 = vector.broadcast %parallel_loop3A_596 : f32 to vector<16xf32>
        %parallel_loop3A_598 = arith.maximumf %parallel_loop3A_595, %parallel_loop3A_597 : vector<16xf32>
        %parallel_loop3A_599 = arith.mulf %parallel_loop3A_594, %parallel_loop3A_598 : vector<16xf32>
        %parallel_loop3A_600 = arith.addf %parallel_loop3A_586, %mul3A_153 : vector<16xf32>
        %parallel_loop3A_601 = arith.subf %parallel_loop3A_600, %parallel_loop3A_599 : vector<16xf32>
        %parallel_loop3A_602 = arith.divf %parallel_loop3A_599, %parallel_loop3A_601 : vector<16xf32>
        %parallel_loop3A_603 = arith.constant 5 : i32
        %parallel_loop3A_604 = arith.addi %parallel_loop3A_174, %parallel_loop3A_603 : i32
        %parallel_loop3A_605 = vector.broadcast %parallel_loop3A_604 : i32 to vector<16xi32>
        %parallel_loop3A_606 = arith.addi %mul3A_94, %parallel_loop3A_605 : vector<16xi32>
        %parallel_loop3A_607 = tpu.vector_load_idx %arg27[%parallel_loop3A_606] masked %parallel_loop3A_543 : memref<22544xf32, #tpu.memory_space<vmem>>[vector<16xi32>], vector<16xf32>, vector<16xi1>
        %parallel_loop3A_608 = arith.maximumf %parallel_loop3A_607, %parallel_loop3A_602 : vector<16xf32>
        tpu.vector_store_idx %arg27[%parallel_loop3A_606], %parallel_loop3A_608 masked %parallel_loop3A_543 : memref<22544xf32, #tpu.memory_space<vmem>>[vector<16xi32>], vector<16xf32>, vector<16xi1>
        %parallel_loop3A_609 = arith.constant 16 : i32
        %parallel_loop3A_610 = arith.muli %parallel_loop3A_171, %parallel_loop3A_609 : i32
        %parallel_loop3A_611 = arith.constant 6 : i32
        %parallel_loop3A_612 = arith.addi %parallel_loop3A_610, %parallel_loop3A_611 : i32
        %parallel_loop3A_613 = vector.broadcast %parallel_loop3A_612 : i32 to vector<16xi32>
        %parallel_loop3A_614 = arith.cmpi sgt, %and3A_150, %parallel_loop3A_613 : vector<16xi32>
        %parallel_loop3A_615 = arith.constant 0 : i32
        %parallel_loop3A_616 = vector.broadcast %parallel_loop3A_615 : i32 to vector<16xi32>
        %parallel_loop3A_617 = arith.cmpi slt, %broadcast_in_dim3A_108, %parallel_loop3A_616 : vector<16xi32>
        %parallel_loop3A_618 = arith.constant 16 : i32
        %parallel_loop3A_619 = vector.broadcast %parallel_loop3A_618 : i32 to vector<16xi32>
        %parallel_loop3A_620 = arith.addi %broadcast_in_dim3A_108, %parallel_loop3A_619 : vector<16xi32>
        %parallel_loop3A_621 = arith.select %parallel_loop3A_617, %parallel_loop3A_620, %broadcast_in_dim3A_108 : vector<16xi1>, vector<16xi32>
        %parallel_loop3A_622 = vector.shape_cast %parallel_loop3A_621 : vector<16xi32> to vector<16x1xi32>
        %parallel_loop3A_623 = vector.shape_cast %parallel_loop3A_622 : vector<16x1xi32> to vector<16xi32>
        %parallel_loop3A_624 = tpu.dynamic_gather %parallel_loop3A_176[%parallel_loop3A_623] in [0] : vector<16xf32>, vector<16xi32> -> vector<16xf32>
        %parallel_loop3A_625 = arith.constant 0 : i32
        %parallel_loop3A_626 = vector.broadcast %parallel_loop3A_625 : i32 to vector<16xi32>
        %parallel_loop3A_627 = arith.cmpi slt, %broadcast_in_dim3A_108, %parallel_loop3A_626 : vector<16xi32>
        %parallel_loop3A_628 = arith.constant 16 : i32
        %parallel_loop3A_629 = vector.broadcast %parallel_loop3A_628 : i32 to vector<16xi32>
        %parallel_loop3A_630 = arith.addi %broadcast_in_dim3A_108, %parallel_loop3A_629 : vector<16xi32>
        %parallel_loop3A_631 = arith.select %parallel_loop3A_627, %parallel_loop3A_630, %broadcast_in_dim3A_108 : vector<16xi1>, vector<16xi32>
        %parallel_loop3A_632 = vector.shape_cast %parallel_loop3A_631 : vector<16xi32> to vector<16x1xi32>
        %parallel_loop3A_633 = vector.shape_cast %parallel_loop3A_632 : vector<16x1xi32> to vector<16xi32>
        %parallel_loop3A_634 = tpu.dynamic_gather %parallel_loop3A_178[%parallel_loop3A_633] in [0] : vector<16xf32>, vector<16xi32> -> vector<16xf32>
        %parallel_loop3A_635 = arith.constant 0 : i32
        %parallel_loop3A_636 = vector.broadcast %parallel_loop3A_635 : i32 to vector<16xi32>
        %parallel_loop3A_637 = arith.cmpi slt, %broadcast_in_dim3A_108, %parallel_loop3A_636 : vector<16xi32>
        %parallel_loop3A_638 = arith.constant 16 : i32
        %parallel_loop3A_639 = vector.broadcast %parallel_loop3A_638 : i32 to vector<16xi32>
        %parallel_loop3A_640 = arith.addi %broadcast_in_dim3A_108, %parallel_loop3A_639 : vector<16xi32>
        %parallel_loop3A_641 = arith.select %parallel_loop3A_637, %parallel_loop3A_640, %broadcast_in_dim3A_108 : vector<16xi1>, vector<16xi32>
        %parallel_loop3A_642 = vector.shape_cast %parallel_loop3A_641 : vector<16xi32> to vector<16x1xi32>
        %parallel_loop3A_643 = vector.shape_cast %parallel_loop3A_642 : vector<16x1xi32> to vector<16xi32>
        %parallel_loop3A_644 = tpu.dynamic_gather %parallel_loop3A_180[%parallel_loop3A_643] in [0] : vector<16xf32>, vector<16xi32> -> vector<16xf32>
        %parallel_loop3A_645 = arith.constant 0 : i32
        %parallel_loop3A_646 = vector.broadcast %parallel_loop3A_645 : i32 to vector<16xi32>
        %parallel_loop3A_647 = arith.cmpi slt, %broadcast_in_dim3A_108, %parallel_loop3A_646 : vector<16xi32>
        %parallel_loop3A_648 = arith.constant 16 : i32
        %parallel_loop3A_649 = vector.broadcast %parallel_loop3A_648 : i32 to vector<16xi32>
        %parallel_loop3A_650 = arith.addi %broadcast_in_dim3A_108, %parallel_loop3A_649 : vector<16xi32>
        %parallel_loop3A_651 = arith.select %parallel_loop3A_647, %parallel_loop3A_650, %broadcast_in_dim3A_108 : vector<16xi1>, vector<16xi32>
        %parallel_loop3A_652 = vector.shape_cast %parallel_loop3A_651 : vector<16xi32> to vector<16x1xi32>
        %parallel_loop3A_653 = vector.shape_cast %parallel_loop3A_652 : vector<16x1xi32> to vector<16xi32>
        %parallel_loop3A_654 = tpu.dynamic_gather %parallel_loop3A_182[%parallel_loop3A_653] in [0] : vector<16xf32>, vector<16xi32> -> vector<16xf32>
        %parallel_loop3A_655 = arith.subf %parallel_loop3A_644, %parallel_loop3A_624 : vector<16xf32>
        %parallel_loop3A_656 = arith.subf %parallel_loop3A_654, %parallel_loop3A_634 : vector<16xf32>
        %parallel_loop3A_657 = arith.mulf %parallel_loop3A_655, %parallel_loop3A_656 : vector<16xf32>
        %parallel_loop3A_658 = arith.maximumf %parallel_loop3A_624, %get3A_140 : vector<16xf32>
        %parallel_loop3A_659 = arith.maximumf %parallel_loop3A_634, %get3A_142 : vector<16xf32>
        %parallel_loop3A_660 = arith.minimumf %parallel_loop3A_644, %get3A_144 : vector<16xf32>
        %parallel_loop3A_661 = arith.minimumf %parallel_loop3A_654, %get3A_146 : vector<16xf32>
        %parallel_loop3A_662 = arith.subf %parallel_loop3A_660, %parallel_loop3A_658 : vector<16xf32>
        %parallel_loop3A_663 = arith.constant 0.000000e+00 : f32
        %parallel_loop3A_664 = vector.broadcast %parallel_loop3A_663 : f32 to vector<16xf32>
        %parallel_loop3A_665 = arith.maximumf %parallel_loop3A_662, %parallel_loop3A_664 : vector<16xf32>
        %parallel_loop3A_666 = arith.subf %parallel_loop3A_661, %parallel_loop3A_659 : vector<16xf32>
        %parallel_loop3A_667 = arith.constant 0.000000e+00 : f32
        %parallel_loop3A_668 = vector.broadcast %parallel_loop3A_667 : f32 to vector<16xf32>
        %parallel_loop3A_669 = arith.maximumf %parallel_loop3A_666, %parallel_loop3A_668 : vector<16xf32>
        %parallel_loop3A_670 = arith.mulf %parallel_loop3A_665, %parallel_loop3A_669 : vector<16xf32>
        %parallel_loop3A_671 = arith.addf %parallel_loop3A_657, %mul3A_153 : vector<16xf32>
        %parallel_loop3A_672 = arith.subf %parallel_loop3A_671, %parallel_loop3A_670 : vector<16xf32>
        %parallel_loop3A_673 = arith.divf %parallel_loop3A_670, %parallel_loop3A_672 : vector<16xf32>
        %parallel_loop3A_674 = arith.constant 6 : i32
        %parallel_loop3A_675 = arith.addi %parallel_loop3A_174, %parallel_loop3A_674 : i32
        %parallel_loop3A_676 = vector.broadcast %parallel_loop3A_675 : i32 to vector<16xi32>
        %parallel_loop3A_677 = arith.addi %mul3A_94, %parallel_loop3A_676 : vector<16xi32>
        %parallel_loop3A_678 = tpu.vector_load_idx %arg27[%parallel_loop3A_677] masked %parallel_loop3A_614 : memref<22544xf32, #tpu.memory_space<vmem>>[vector<16xi32>], vector<16xf32>, vector<16xi1>
        %parallel_loop3A_679 = arith.maximumf %parallel_loop3A_678, %parallel_loop3A_673 : vector<16xf32>
        tpu.vector_store_idx %arg27[%parallel_loop3A_677], %parallel_loop3A_679 masked %parallel_loop3A_614 : memref<22544xf32, #tpu.memory_space<vmem>>[vector<16xi32>], vector<16xf32>, vector<16xi1>
        %parallel_loop3A_680 = arith.constant 16 : i32
        %parallel_loop3A_681 = arith.muli %parallel_loop3A_171, %parallel_loop3A_680 : i32
        %parallel_loop3A_682 = arith.constant 7 : i32
        %parallel_loop3A_683 = arith.addi %parallel_loop3A_681, %parallel_loop3A_682 : i32
        %parallel_loop3A_684 = vector.broadcast %parallel_loop3A_683 : i32 to vector<16xi32>
        %parallel_loop3A_685 = arith.cmpi sgt, %and3A_150, %parallel_loop3A_684 : vector<16xi32>
        %parallel_loop3A_686 = arith.constant 0 : i32
        %parallel_loop3A_687 = vector.broadcast %parallel_loop3A_686 : i32 to vector<16xi32>
        %parallel_loop3A_688 = arith.cmpi slt, %broadcast_in_dim3A_110, %parallel_loop3A_687 : vector<16xi32>
        %parallel_loop3A_689 = arith.constant 16 : i32
        %parallel_loop3A_690 = vector.broadcast %parallel_loop3A_689 : i32 to vector<16xi32>
        %parallel_loop3A_691 = arith.addi %broadcast_in_dim3A_110, %parallel_loop3A_690 : vector<16xi32>
        %parallel_loop3A_692 = arith.select %parallel_loop3A_688, %parallel_loop3A_691, %broadcast_in_dim3A_110 : vector<16xi1>, vector<16xi32>
        %parallel_loop3A_693 = vector.shape_cast %parallel_loop3A_692 : vector<16xi32> to vector<16x1xi32>
        %parallel_loop3A_694 = vector.shape_cast %parallel_loop3A_693 : vector<16x1xi32> to vector<16xi32>
        %parallel_loop3A_695 = tpu.dynamic_gather %parallel_loop3A_176[%parallel_loop3A_694] in [0] : vector<16xf32>, vector<16xi32> -> vector<16xf32>
        %parallel_loop3A_696 = arith.constant 0 : i32
        %parallel_loop3A_697 = vector.broadcast %parallel_loop3A_696 : i32 to vector<16xi32>
        %parallel_loop3A_698 = arith.cmpi slt, %broadcast_in_dim3A_110, %parallel_loop3A_697 : vector<16xi32>
        %parallel_loop3A_699 = arith.constant 16 : i32
        %parallel_loop3A_700 = vector.broadcast %parallel_loop3A_699 : i32 to vector<16xi32>
        %parallel_loop3A_701 = arith.addi %broadcast_in_dim3A_110, %parallel_loop3A_700 : vector<16xi32>
        %parallel_loop3A_702 = arith.select %parallel_loop3A_698, %parallel_loop3A_701, %broadcast_in_dim3A_110 : vector<16xi1>, vector<16xi32>
        %parallel_loop3A_703 = vector.shape_cast %parallel_loop3A_702 : vector<16xi32> to vector<16x1xi32>
        %parallel_loop3A_704 = vector.shape_cast %parallel_loop3A_703 : vector<16x1xi32> to vector<16xi32>
        %parallel_loop3A_705 = tpu.dynamic_gather %parallel_loop3A_178[%parallel_loop3A_704] in [0] : vector<16xf32>, vector<16xi32> -> vector<16xf32>
        %parallel_loop3A_706 = arith.constant 0 : i32
        %parallel_loop3A_707 = vector.broadcast %parallel_loop3A_706 : i32 to vector<16xi32>
        %parallel_loop3A_708 = arith.cmpi slt, %broadcast_in_dim3A_110, %parallel_loop3A_707 : vector<16xi32>
        %parallel_loop3A_709 = arith.constant 16 : i32
        %parallel_loop3A_710 = vector.broadcast %parallel_loop3A_709 : i32 to vector<16xi32>
        %parallel_loop3A_711 = arith.addi %broadcast_in_dim3A_110, %parallel_loop3A_710 : vector<16xi32>
        %parallel_loop3A_712 = arith.select %parallel_loop3A_708, %parallel_loop3A_711, %broadcast_in_dim3A_110 : vector<16xi1>, vector<16xi32>
        %parallel_loop3A_713 = vector.shape_cast %parallel_loop3A_712 : vector<16xi32> to vector<16x1xi32>
        %parallel_loop3A_714 = vector.shape_cast %parallel_loop3A_713 : vector<16x1xi32> to vector<16xi32>
        %parallel_loop3A_715 = tpu.dynamic_gather %parallel_loop3A_180[%parallel_loop3A_714] in [0] : vector<16xf32>, vector<16xi32> -> vector<16xf32>
        %parallel_loop3A_716 = arith.constant 0 : i32
        %parallel_loop3A_717 = vector.broadcast %parallel_loop3A_716 : i32 to vector<16xi32>
        %parallel_loop3A_718 = arith.cmpi slt, %broadcast_in_dim3A_110, %parallel_loop3A_717 : vector<16xi32>
        %parallel_loop3A_719 = arith.constant 16 : i32
        %parallel_loop3A_720 = vector.broadcast %parallel_loop3A_719 : i32 to vector<16xi32>
        %parallel_loop3A_721 = arith.addi %broadcast_in_dim3A_110, %parallel_loop3A_720 : vector<16xi32>
        %parallel_loop3A_722 = arith.select %parallel_loop3A_718, %parallel_loop3A_721, %broadcast_in_dim3A_110 : vector<16xi1>, vector<16xi32>
        %parallel_loop3A_723 = vector.shape_cast %parallel_loop3A_722 : vector<16xi32> to vector<16x1xi32>
        %parallel_loop3A_724 = vector.shape_cast %parallel_loop3A_723 : vector<16x1xi32> to vector<16xi32>
        %parallel_loop3A_725 = tpu.dynamic_gather %parallel_loop3A_182[%parallel_loop3A_724] in [0] : vector<16xf32>, vector<16xi32> -> vector<16xf32>
        %parallel_loop3A_726 = arith.subf %parallel_loop3A_715, %parallel_loop3A_695 : vector<16xf32>
        %parallel_loop3A_727 = arith.subf %parallel_loop3A_725, %parallel_loop3A_705 : vector<16xf32>
        %parallel_loop3A_728 = arith.mulf %parallel_loop3A_726, %parallel_loop3A_727 : vector<16xf32>
        %parallel_loop3A_729 = arith.maximumf %parallel_loop3A_695, %get3A_140 : vector<16xf32>
        %parallel_loop3A_730 = arith.maximumf %parallel_loop3A_705, %get3A_142 : vector<16xf32>
        %parallel_loop3A_731 = arith.minimumf %parallel_loop3A_715, %get3A_144 : vector<16xf32>
        %parallel_loop3A_732 = arith.minimumf %parallel_loop3A_725, %get3A_146 : vector<16xf32>
        %parallel_loop3A_733 = arith.subf %parallel_loop3A_731, %parallel_loop3A_729 : vector<16xf32>
        %parallel_loop3A_734 = arith.constant 0.000000e+00 : f32
        %parallel_loop3A_735 = vector.broadcast %parallel_loop3A_734 : f32 to vector<16xf32>
        %parallel_loop3A_736 = arith.maximumf %parallel_loop3A_733, %parallel_loop3A_735 : vector<16xf32>
        %parallel_loop3A_737 = arith.subf %parallel_loop3A_732, %parallel_loop3A_730 : vector<16xf32>
        %parallel_loop3A_738 = arith.constant 0.000000e+00 : f32
        %parallel_loop3A_739 = vector.broadcast %parallel_loop3A_738 : f32 to vector<16xf32>
        %parallel_loop3A_740 = arith.maximumf %parallel_loop3A_737, %parallel_loop3A_739 : vector<16xf32>
        %parallel_loop3A_741 = arith.mulf %parallel_loop3A_736, %parallel_loop3A_740 : vector<16xf32>
        %parallel_loop3A_742 = arith.addf %parallel_loop3A_728, %mul3A_153 : vector<16xf32>
        %parallel_loop3A_743 = arith.subf %parallel_loop3A_742, %parallel_loop3A_741 : vector<16xf32>
        %parallel_loop3A_744 = arith.divf %parallel_loop3A_741, %parallel_loop3A_743 : vector<16xf32>
        %parallel_loop3A_745 = arith.constant 7 : i32
        %parallel_loop3A_746 = arith.addi %parallel_loop3A_174, %parallel_loop3A_745 : i32
        %parallel_loop3A_747 = vector.broadcast %parallel_loop3A_746 : i32 to vector<16xi32>
        %parallel_loop3A_748 = arith.addi %mul3A_94, %parallel_loop3A_747 : vector<16xi32>
        %parallel_loop3A_749 = tpu.vector_load_idx %arg27[%parallel_loop3A_748] masked %parallel_loop3A_685 : memref<22544xf32, #tpu.memory_space<vmem>>[vector<16xi32>], vector<16xf32>, vector<16xi1>
        %parallel_loop3A_750 = arith.maximumf %parallel_loop3A_749, %parallel_loop3A_744 : vector<16xf32>
        tpu.vector_store_idx %arg27[%parallel_loop3A_748], %parallel_loop3A_750 masked %parallel_loop3A_685 : memref<22544xf32, #tpu.memory_space<vmem>>[vector<16xi32>], vector<16xf32>, vector<16xi1>
        %parallel_loop3A_751 = arith.constant 16 : i32
        %parallel_loop3A_752 = arith.muli %parallel_loop3A_171, %parallel_loop3A_751 : i32
        %parallel_loop3A_753 = arith.constant 8 : i32
        %parallel_loop3A_754 = arith.addi %parallel_loop3A_752, %parallel_loop3A_753 : i32
        %parallel_loop3A_755 = vector.broadcast %parallel_loop3A_754 : i32 to vector<16xi32>
        %parallel_loop3A_756 = arith.cmpi sgt, %and3A_150, %parallel_loop3A_755 : vector<16xi32>
        %parallel_loop3A_757 = arith.constant 0 : i32
        %parallel_loop3A_758 = vector.broadcast %parallel_loop3A_757 : i32 to vector<16xi32>
        %parallel_loop3A_759 = arith.cmpi slt, %broadcast_in_dim3A_112, %parallel_loop3A_758 : vector<16xi32>
        %parallel_loop3A_760 = arith.constant 16 : i32
        %parallel_loop3A_761 = vector.broadcast %parallel_loop3A_760 : i32 to vector<16xi32>
        %parallel_loop3A_762 = arith.addi %broadcast_in_dim3A_112, %parallel_loop3A_761 : vector<16xi32>
        %parallel_loop3A_763 = arith.select %parallel_loop3A_759, %parallel_loop3A_762, %broadcast_in_dim3A_112 : vector<16xi1>, vector<16xi32>
        %parallel_loop3A_764 = vector.shape_cast %parallel_loop3A_763 : vector<16xi32> to vector<16x1xi32>
        %parallel_loop3A_765 = vector.shape_cast %parallel_loop3A_764 : vector<16x1xi32> to vector<16xi32>
        %parallel_loop3A_766 = tpu.dynamic_gather %parallel_loop3A_176[%parallel_loop3A_765] in [0] : vector<16xf32>, vector<16xi32> -> vector<16xf32>
        %parallel_loop3A_767 = arith.constant 0 : i32
        %parallel_loop3A_768 = vector.broadcast %parallel_loop3A_767 : i32 to vector<16xi32>
        %parallel_loop3A_769 = arith.cmpi slt, %broadcast_in_dim3A_112, %parallel_loop3A_768 : vector<16xi32>
        %parallel_loop3A_770 = arith.constant 16 : i32
        %parallel_loop3A_771 = vector.broadcast %parallel_loop3A_770 : i32 to vector<16xi32>
        %parallel_loop3A_772 = arith.addi %broadcast_in_dim3A_112, %parallel_loop3A_771 : vector<16xi32>
        %parallel_loop3A_773 = arith.select %parallel_loop3A_769, %parallel_loop3A_772, %broadcast_in_dim3A_112 : vector<16xi1>, vector<16xi32>
        %parallel_loop3A_774 = vector.shape_cast %parallel_loop3A_773 : vector<16xi32> to vector<16x1xi32>
        %parallel_loop3A_775 = vector.shape_cast %parallel_loop3A_774 : vector<16x1xi32> to vector<16xi32>
        %parallel_loop3A_776 = tpu.dynamic_gather %parallel_loop3A_178[%parallel_loop3A_775] in [0] : vector<16xf32>, vector<16xi32> -> vector<16xf32>
        %parallel_loop3A_777 = arith.constant 0 : i32
        %parallel_loop3A_778 = vector.broadcast %parallel_loop3A_777 : i32 to vector<16xi32>
        %parallel_loop3A_779 = arith.cmpi slt, %broadcast_in_dim3A_112, %parallel_loop3A_778 : vector<16xi32>
        %parallel_loop3A_780 = arith.constant 16 : i32
        %parallel_loop3A_781 = vector.broadcast %parallel_loop3A_780 : i32 to vector<16xi32>
        %parallel_loop3A_782 = arith.addi %broadcast_in_dim3A_112, %parallel_loop3A_781 : vector<16xi32>
        %parallel_loop3A_783 = arith.select %parallel_loop3A_779, %parallel_loop3A_782, %broadcast_in_dim3A_112 : vector<16xi1>, vector<16xi32>
        %parallel_loop3A_784 = vector.shape_cast %parallel_loop3A_783 : vector<16xi32> to vector<16x1xi32>
        %parallel_loop3A_785 = vector.shape_cast %parallel_loop3A_784 : vector<16x1xi32> to vector<16xi32>
        %parallel_loop3A_786 = tpu.dynamic_gather %parallel_loop3A_180[%parallel_loop3A_785] in [0] : vector<16xf32>, vector<16xi32> -> vector<16xf32>
        %parallel_loop3A_787 = arith.constant 0 : i32
        %parallel_loop3A_788 = vector.broadcast %parallel_loop3A_787 : i32 to vector<16xi32>
        %parallel_loop3A_789 = arith.cmpi slt, %broadcast_in_dim3A_112, %parallel_loop3A_788 : vector<16xi32>
        %parallel_loop3A_790 = arith.constant 16 : i32
        %parallel_loop3A_791 = vector.broadcast %parallel_loop3A_790 : i32 to vector<16xi32>
        %parallel_loop3A_792 = arith.addi %broadcast_in_dim3A_112, %parallel_loop3A_791 : vector<16xi32>
        %parallel_loop3A_793 = arith.select %parallel_loop3A_789, %parallel_loop3A_792, %broadcast_in_dim3A_112 : vector<16xi1>, vector<16xi32>
        %parallel_loop3A_794 = vector.shape_cast %parallel_loop3A_793 : vector<16xi32> to vector<16x1xi32>
        %parallel_loop3A_795 = vector.shape_cast %parallel_loop3A_794 : vector<16x1xi32> to vector<16xi32>
        %parallel_loop3A_796 = tpu.dynamic_gather %parallel_loop3A_182[%parallel_loop3A_795] in [0] : vector<16xf32>, vector<16xi32> -> vector<16xf32>
        %parallel_loop3A_797 = arith.subf %parallel_loop3A_786, %parallel_loop3A_766 : vector<16xf32>
        %parallel_loop3A_798 = arith.subf %parallel_loop3A_796, %parallel_loop3A_776 : vector<16xf32>
        %parallel_loop3A_799 = arith.mulf %parallel_loop3A_797, %parallel_loop3A_798 : vector<16xf32>
        %parallel_loop3A_800 = arith.maximumf %parallel_loop3A_766, %get3A_140 : vector<16xf32>
        %parallel_loop3A_801 = arith.maximumf %parallel_loop3A_776, %get3A_142 : vector<16xf32>
        %parallel_loop3A_802 = arith.minimumf %parallel_loop3A_786, %get3A_144 : vector<16xf32>
        %parallel_loop3A_803 = arith.minimumf %parallel_loop3A_796, %get3A_146 : vector<16xf32>
        %parallel_loop3A_804 = arith.subf %parallel_loop3A_802, %parallel_loop3A_800 : vector<16xf32>
        %parallel_loop3A_805 = arith.constant 0.000000e+00 : f32
        %parallel_loop3A_806 = vector.broadcast %parallel_loop3A_805 : f32 to vector<16xf32>
        %parallel_loop3A_807 = arith.maximumf %parallel_loop3A_804, %parallel_loop3A_806 : vector<16xf32>
        %parallel_loop3A_808 = arith.subf %parallel_loop3A_803, %parallel_loop3A_801 : vector<16xf32>
        %parallel_loop3A_809 = arith.constant 0.000000e+00 : f32
        %parallel_loop3A_810 = vector.broadcast %parallel_loop3A_809 : f32 to vector<16xf32>
        %parallel_loop3A_811 = arith.maximumf %parallel_loop3A_808, %parallel_loop3A_810 : vector<16xf32>
        %parallel_loop3A_812 = arith.mulf %parallel_loop3A_807, %parallel_loop3A_811 : vector<16xf32>
        %parallel_loop3A_813 = arith.addf %parallel_loop3A_799, %mul3A_153 : vector<16xf32>
        %parallel_loop3A_814 = arith.subf %parallel_loop3A_813, %parallel_loop3A_812 : vector<16xf32>
        %parallel_loop3A_815 = arith.divf %parallel_loop3A_812, %parallel_loop3A_814 : vector<16xf32>
        %parallel_loop3A_816 = arith.constant 8 : i32
        %parallel_loop3A_817 = arith.addi %parallel_loop3A_174, %parallel_loop3A_816 : i32
        %parallel_loop3A_818 = vector.broadcast %parallel_loop3A_817 : i32 to vector<16xi32>
        %parallel_loop3A_819 = arith.addi %mul3A_94, %parallel_loop3A_818 : vector<16xi32>
        %parallel_loop3A_820 = tpu.vector_load_idx %arg27[%parallel_loop3A_819] masked %parallel_loop3A_756 : memref<22544xf32, #tpu.memory_space<vmem>>[vector<16xi32>], vector<16xf32>, vector<16xi1>
        %parallel_loop3A_821 = arith.maximumf %parallel_loop3A_820, %parallel_loop3A_815 : vector<16xf32>
        tpu.vector_store_idx %arg27[%parallel_loop3A_819], %parallel_loop3A_821 masked %parallel_loop3A_756 : memref<22544xf32, #tpu.memory_space<vmem>>[vector<16xi32>], vector<16xf32>, vector<16xi1>
        %parallel_loop3A_822 = arith.constant 16 : i32
        %parallel_loop3A_823 = arith.muli %parallel_loop3A_171, %parallel_loop3A_822 : i32
        %parallel_loop3A_824 = arith.constant 9 : i32
        %parallel_loop3A_825 = arith.addi %parallel_loop3A_823, %parallel_loop3A_824 : i32
        %parallel_loop3A_826 = vector.broadcast %parallel_loop3A_825 : i32 to vector<16xi32>
        %parallel_loop3A_827 = arith.cmpi sgt, %and3A_150, %parallel_loop3A_826 : vector<16xi32>
        %parallel_loop3A_828 = arith.constant 0 : i32
        %parallel_loop3A_829 = vector.broadcast %parallel_loop3A_828 : i32 to vector<16xi32>
        %parallel_loop3A_830 = arith.cmpi slt, %broadcast_in_dim3A_114, %parallel_loop3A_829 : vector<16xi32>
        %parallel_loop3A_831 = arith.constant 16 : i32
        %parallel_loop3A_832 = vector.broadcast %parallel_loop3A_831 : i32 to vector<16xi32>
        %parallel_loop3A_833 = arith.addi %broadcast_in_dim3A_114, %parallel_loop3A_832 : vector<16xi32>
        %parallel_loop3A_834 = arith.select %parallel_loop3A_830, %parallel_loop3A_833, %broadcast_in_dim3A_114 : vector<16xi1>, vector<16xi32>
        %parallel_loop3A_835 = vector.shape_cast %parallel_loop3A_834 : vector<16xi32> to vector<16x1xi32>
        %parallel_loop3A_836 = vector.shape_cast %parallel_loop3A_835 : vector<16x1xi32> to vector<16xi32>
        %parallel_loop3A_837 = tpu.dynamic_gather %parallel_loop3A_176[%parallel_loop3A_836] in [0] : vector<16xf32>, vector<16xi32> -> vector<16xf32>
        %parallel_loop3A_838 = arith.constant 0 : i32
        %parallel_loop3A_839 = vector.broadcast %parallel_loop3A_838 : i32 to vector<16xi32>
        %parallel_loop3A_840 = arith.cmpi slt, %broadcast_in_dim3A_114, %parallel_loop3A_839 : vector<16xi32>
        %parallel_loop3A_841 = arith.constant 16 : i32
        %parallel_loop3A_842 = vector.broadcast %parallel_loop3A_841 : i32 to vector<16xi32>
        %parallel_loop3A_843 = arith.addi %broadcast_in_dim3A_114, %parallel_loop3A_842 : vector<16xi32>
        %parallel_loop3A_844 = arith.select %parallel_loop3A_840, %parallel_loop3A_843, %broadcast_in_dim3A_114 : vector<16xi1>, vector<16xi32>
        %parallel_loop3A_845 = vector.shape_cast %parallel_loop3A_844 : vector<16xi32> to vector<16x1xi32>
        %parallel_loop3A_846 = vector.shape_cast %parallel_loop3A_845 : vector<16x1xi32> to vector<16xi32>
        %parallel_loop3A_847 = tpu.dynamic_gather %parallel_loop3A_178[%parallel_loop3A_846] in [0] : vector<16xf32>, vector<16xi32> -> vector<16xf32>
        %parallel_loop3A_848 = arith.constant 0 : i32
        %parallel_loop3A_849 = vector.broadcast %parallel_loop3A_848 : i32 to vector<16xi32>
        %parallel_loop3A_850 = arith.cmpi slt, %broadcast_in_dim3A_114, %parallel_loop3A_849 : vector<16xi32>
        %parallel_loop3A_851 = arith.constant 16 : i32
        %parallel_loop3A_852 = vector.broadcast %parallel_loop3A_851 : i32 to vector<16xi32>
        %parallel_loop3A_853 = arith.addi %broadcast_in_dim3A_114, %parallel_loop3A_852 : vector<16xi32>
        %parallel_loop3A_854 = arith.select %parallel_loop3A_850, %parallel_loop3A_853, %broadcast_in_dim3A_114 : vector<16xi1>, vector<16xi32>
        %parallel_loop3A_855 = vector.shape_cast %parallel_loop3A_854 : vector<16xi32> to vector<16x1xi32>
        %parallel_loop3A_856 = vector.shape_cast %parallel_loop3A_855 : vector<16x1xi32> to vector<16xi32>
        %parallel_loop3A_857 = tpu.dynamic_gather %parallel_loop3A_180[%parallel_loop3A_856] in [0] : vector<16xf32>, vector<16xi32> -> vector<16xf32>
        %parallel_loop3A_858 = arith.constant 0 : i32
        %parallel_loop3A_859 = vector.broadcast %parallel_loop3A_858 : i32 to vector<16xi32>
        %parallel_loop3A_860 = arith.cmpi slt, %broadcast_in_dim3A_114, %parallel_loop3A_859 : vector<16xi32>
        %parallel_loop3A_861 = arith.constant 16 : i32
        %parallel_loop3A_862 = vector.broadcast %parallel_loop3A_861 : i32 to vector<16xi32>
        %parallel_loop3A_863 = arith.addi %broadcast_in_dim3A_114, %parallel_loop3A_862 : vector<16xi32>
        %parallel_loop3A_864 = arith.select %parallel_loop3A_860, %parallel_loop3A_863, %broadcast_in_dim3A_114 : vector<16xi1>, vector<16xi32>
        %parallel_loop3A_865 = vector.shape_cast %parallel_loop3A_864 : vector<16xi32> to vector<16x1xi32>
        %parallel_loop3A_866 = vector.shape_cast %parallel_loop3A_865 : vector<16x1xi32> to vector<16xi32>
        %parallel_loop3A_867 = tpu.dynamic_gather %parallel_loop3A_182[%parallel_loop3A_866] in [0] : vector<16xf32>, vector<16xi32> -> vector<16xf32>
        %parallel_loop3A_868 = arith.subf %parallel_loop3A_857, %parallel_loop3A_837 : vector<16xf32>
        %parallel_loop3A_869 = arith.subf %parallel_loop3A_867, %parallel_loop3A_847 : vector<16xf32>
        %parallel_loop3A_870 = arith.mulf %parallel_loop3A_868, %parallel_loop3A_869 : vector<16xf32>
        %parallel_loop3A_871 = arith.maximumf %parallel_loop3A_837, %get3A_140 : vector<16xf32>
        %parallel_loop3A_872 = arith.maximumf %parallel_loop3A_847, %get3A_142 : vector<16xf32>
        %parallel_loop3A_873 = arith.minimumf %parallel_loop3A_857, %get3A_144 : vector<16xf32>
        %parallel_loop3A_874 = arith.minimumf %parallel_loop3A_867, %get3A_146 : vector<16xf32>
        %parallel_loop3A_875 = arith.subf %parallel_loop3A_873, %parallel_loop3A_871 : vector<16xf32>
        %parallel_loop3A_876 = arith.constant 0.000000e+00 : f32
        %parallel_loop3A_877 = vector.broadcast %parallel_loop3A_876 : f32 to vector<16xf32>
        %parallel_loop3A_878 = arith.maximumf %parallel_loop3A_875, %parallel_loop3A_877 : vector<16xf32>
        %parallel_loop3A_879 = arith.subf %parallel_loop3A_874, %parallel_loop3A_872 : vector<16xf32>
        %parallel_loop3A_880 = arith.constant 0.000000e+00 : f32
        %parallel_loop3A_881 = vector.broadcast %parallel_loop3A_880 : f32 to vector<16xf32>
        %parallel_loop3A_882 = arith.maximumf %parallel_loop3A_879, %parallel_loop3A_881 : vector<16xf32>
        %parallel_loop3A_883 = arith.mulf %parallel_loop3A_878, %parallel_loop3A_882 : vector<16xf32>
        %parallel_loop3A_884 = arith.addf %parallel_loop3A_870, %mul3A_153 : vector<16xf32>
        %parallel_loop3A_885 = arith.subf %parallel_loop3A_884, %parallel_loop3A_883 : vector<16xf32>
        %parallel_loop3A_886 = arith.divf %parallel_loop3A_883, %parallel_loop3A_885 : vector<16xf32>
        %parallel_loop3A_887 = arith.constant 9 : i32
        %parallel_loop3A_888 = arith.addi %parallel_loop3A_174, %parallel_loop3A_887 : i32
        %parallel_loop3A_889 = vector.broadcast %parallel_loop3A_888 : i32 to vector<16xi32>
        %parallel_loop3A_890 = arith.addi %mul3A_94, %parallel_loop3A_889 : vector<16xi32>
        %parallel_loop3A_891 = tpu.vector_load_idx %arg27[%parallel_loop3A_890] masked %parallel_loop3A_827 : memref<22544xf32, #tpu.memory_space<vmem>>[vector<16xi32>], vector<16xf32>, vector<16xi1>
        %parallel_loop3A_892 = arith.maximumf %parallel_loop3A_891, %parallel_loop3A_886 : vector<16xf32>
        tpu.vector_store_idx %arg27[%parallel_loop3A_890], %parallel_loop3A_892 masked %parallel_loop3A_827 : memref<22544xf32, #tpu.memory_space<vmem>>[vector<16xi32>], vector<16xf32>, vector<16xi1>
        %parallel_loop3A_893 = arith.constant 16 : i32
        %parallel_loop3A_894 = arith.muli %parallel_loop3A_171, %parallel_loop3A_893 : i32
        %parallel_loop3A_895 = arith.constant 10 : i32
        %parallel_loop3A_896 = arith.addi %parallel_loop3A_894, %parallel_loop3A_895 : i32
        %parallel_loop3A_897 = vector.broadcast %parallel_loop3A_896 : i32 to vector<16xi32>
        %parallel_loop3A_898 = arith.cmpi sgt, %and3A_150, %parallel_loop3A_897 : vector<16xi32>
        %parallel_loop3A_899 = arith.constant 0 : i32
        %parallel_loop3A_900 = vector.broadcast %parallel_loop3A_899 : i32 to vector<16xi32>
        %parallel_loop3A_901 = arith.cmpi slt, %broadcast_in_dim3A_116, %parallel_loop3A_900 : vector<16xi32>
        %parallel_loop3A_902 = arith.constant 16 : i32
        %parallel_loop3A_903 = vector.broadcast %parallel_loop3A_902 : i32 to vector<16xi32>
        %parallel_loop3A_904 = arith.addi %broadcast_in_dim3A_116, %parallel_loop3A_903 : vector<16xi32>
        %parallel_loop3A_905 = arith.select %parallel_loop3A_901, %parallel_loop3A_904, %broadcast_in_dim3A_116 : vector<16xi1>, vector<16xi32>
        %parallel_loop3A_906 = vector.shape_cast %parallel_loop3A_905 : vector<16xi32> to vector<16x1xi32>
        %parallel_loop3A_907 = vector.shape_cast %parallel_loop3A_906 : vector<16x1xi32> to vector<16xi32>
        %parallel_loop3A_908 = tpu.dynamic_gather %parallel_loop3A_176[%parallel_loop3A_907] in [0] : vector<16xf32>, vector<16xi32> -> vector<16xf32>
        %parallel_loop3A_909 = arith.constant 0 : i32
        %parallel_loop3A_910 = vector.broadcast %parallel_loop3A_909 : i32 to vector<16xi32>
        %parallel_loop3A_911 = arith.cmpi slt, %broadcast_in_dim3A_116, %parallel_loop3A_910 : vector<16xi32>
        %parallel_loop3A_912 = arith.constant 16 : i32
        %parallel_loop3A_913 = vector.broadcast %parallel_loop3A_912 : i32 to vector<16xi32>
        %parallel_loop3A_914 = arith.addi %broadcast_in_dim3A_116, %parallel_loop3A_913 : vector<16xi32>
        %parallel_loop3A_915 = arith.select %parallel_loop3A_911, %parallel_loop3A_914, %broadcast_in_dim3A_116 : vector<16xi1>, vector<16xi32>
        %parallel_loop3A_916 = vector.shape_cast %parallel_loop3A_915 : vector<16xi32> to vector<16x1xi32>
        %parallel_loop3A_917 = vector.shape_cast %parallel_loop3A_916 : vector<16x1xi32> to vector<16xi32>
        %parallel_loop3A_918 = tpu.dynamic_gather %parallel_loop3A_178[%parallel_loop3A_917] in [0] : vector<16xf32>, vector<16xi32> -> vector<16xf32>
        %parallel_loop3A_919 = arith.constant 0 : i32
        %parallel_loop3A_920 = vector.broadcast %parallel_loop3A_919 : i32 to vector<16xi32>
        %parallel_loop3A_921 = arith.cmpi slt, %broadcast_in_dim3A_116, %parallel_loop3A_920 : vector<16xi32>
        %parallel_loop3A_922 = arith.constant 16 : i32
        %parallel_loop3A_923 = vector.broadcast %parallel_loop3A_922 : i32 to vector<16xi32>
        %parallel_loop3A_924 = arith.addi %broadcast_in_dim3A_116, %parallel_loop3A_923 : vector<16xi32>
        %parallel_loop3A_925 = arith.select %parallel_loop3A_921, %parallel_loop3A_924, %broadcast_in_dim3A_116 : vector<16xi1>, vector<16xi32>
        %parallel_loop3A_926 = vector.shape_cast %parallel_loop3A_925 : vector<16xi32> to vector<16x1xi32>
        %parallel_loop3A_927 = vector.shape_cast %parallel_loop3A_926 : vector<16x1xi32> to vector<16xi32>
        %parallel_loop3A_928 = tpu.dynamic_gather %parallel_loop3A_180[%parallel_loop3A_927] in [0] : vector<16xf32>, vector<16xi32> -> vector<16xf32>
        %parallel_loop3A_929 = arith.constant 0 : i32
        %parallel_loop3A_930 = vector.broadcast %parallel_loop3A_929 : i32 to vector<16xi32>
        %parallel_loop3A_931 = arith.cmpi slt, %broadcast_in_dim3A_116, %parallel_loop3A_930 : vector<16xi32>
        %parallel_loop3A_932 = arith.constant 16 : i32
        %parallel_loop3A_933 = vector.broadcast %parallel_loop3A_932 : i32 to vector<16xi32>
        %parallel_loop3A_934 = arith.addi %broadcast_in_dim3A_116, %parallel_loop3A_933 : vector<16xi32>
        %parallel_loop3A_935 = arith.select %parallel_loop3A_931, %parallel_loop3A_934, %broadcast_in_dim3A_116 : vector<16xi1>, vector<16xi32>
        %parallel_loop3A_936 = vector.shape_cast %parallel_loop3A_935 : vector<16xi32> to vector<16x1xi32>
        %parallel_loop3A_937 = vector.shape_cast %parallel_loop3A_936 : vector<16x1xi32> to vector<16xi32>
        %parallel_loop3A_938 = tpu.dynamic_gather %parallel_loop3A_182[%parallel_loop3A_937] in [0] : vector<16xf32>, vector<16xi32> -> vector<16xf32>
        %parallel_loop3A_939 = arith.subf %parallel_loop3A_928, %parallel_loop3A_908 : vector<16xf32>
        %parallel_loop3A_940 = arith.subf %parallel_loop3A_938, %parallel_loop3A_918 : vector<16xf32>
        %parallel_loop3A_941 = arith.mulf %parallel_loop3A_939, %parallel_loop3A_940 : vector<16xf32>
        %parallel_loop3A_942 = arith.maximumf %parallel_loop3A_908, %get3A_140 : vector<16xf32>
        %parallel_loop3A_943 = arith.maximumf %parallel_loop3A_918, %get3A_142 : vector<16xf32>
        %parallel_loop3A_944 = arith.minimumf %parallel_loop3A_928, %get3A_144 : vector<16xf32>
        %parallel_loop3A_945 = arith.minimumf %parallel_loop3A_938, %get3A_146 : vector<16xf32>
        %parallel_loop3A_946 = arith.subf %parallel_loop3A_944, %parallel_loop3A_942 : vector<16xf32>
        %parallel_loop3A_947 = arith.constant 0.000000e+00 : f32
        %parallel_loop3A_948 = vector.broadcast %parallel_loop3A_947 : f32 to vector<16xf32>
        %parallel_loop3A_949 = arith.maximumf %parallel_loop3A_946, %parallel_loop3A_948 : vector<16xf32>
        %parallel_loop3A_950 = arith.subf %parallel_loop3A_945, %parallel_loop3A_943 : vector<16xf32>
        %parallel_loop3A_951 = arith.constant 0.000000e+00 : f32
        %parallel_loop3A_952 = vector.broadcast %parallel_loop3A_951 : f32 to vector<16xf32>
        %parallel_loop3A_953 = arith.maximumf %parallel_loop3A_950, %parallel_loop3A_952 : vector<16xf32>
        %parallel_loop3A_954 = arith.mulf %parallel_loop3A_949, %parallel_loop3A_953 : vector<16xf32>
        %parallel_loop3A_955 = arith.addf %parallel_loop3A_941, %mul3A_153 : vector<16xf32>
        %parallel_loop3A_956 = arith.subf %parallel_loop3A_955, %parallel_loop3A_954 : vector<16xf32>
        %parallel_loop3A_957 = arith.divf %parallel_loop3A_954, %parallel_loop3A_956 : vector<16xf32>
        %parallel_loop3A_958 = arith.constant 10 : i32
        %parallel_loop3A_959 = arith.addi %parallel_loop3A_174, %parallel_loop3A_958 : i32
        %parallel_loop3A_960 = vector.broadcast %parallel_loop3A_959 : i32 to vector<16xi32>
        %parallel_loop3A_961 = arith.addi %mul3A_94, %parallel_loop3A_960 : vector<16xi32>
        %parallel_loop3A_962 = tpu.vector_load_idx %arg27[%parallel_loop3A_961] masked %parallel_loop3A_898 : memref<22544xf32, #tpu.memory_space<vmem>>[vector<16xi32>], vector<16xf32>, vector<16xi1>
        %parallel_loop3A_963 = arith.maximumf %parallel_loop3A_962, %parallel_loop3A_957 : vector<16xf32>
        tpu.vector_store_idx %arg27[%parallel_loop3A_961], %parallel_loop3A_963 masked %parallel_loop3A_898 : memref<22544xf32, #tpu.memory_space<vmem>>[vector<16xi32>], vector<16xf32>, vector<16xi1>
        %parallel_loop3A_964 = arith.constant 16 : i32
        %parallel_loop3A_965 = arith.muli %parallel_loop3A_171, %parallel_loop3A_964 : i32
        %parallel_loop3A_966 = arith.constant 11 : i32
        %parallel_loop3A_967 = arith.addi %parallel_loop3A_965, %parallel_loop3A_966 : i32
        %parallel_loop3A_968 = vector.broadcast %parallel_loop3A_967 : i32 to vector<16xi32>
        %parallel_loop3A_969 = arith.cmpi sgt, %and3A_150, %parallel_loop3A_968 : vector<16xi32>
        %parallel_loop3A_970 = arith.constant 0 : i32
        %parallel_loop3A_971 = vector.broadcast %parallel_loop3A_970 : i32 to vector<16xi32>
        %parallel_loop3A_972 = arith.cmpi slt, %broadcast_in_dim3A_118, %parallel_loop3A_971 : vector<16xi32>
        %parallel_loop3A_973 = arith.constant 16 : i32
        %parallel_loop3A_974 = vector.broadcast %parallel_loop3A_973 : i32 to vector<16xi32>
        %parallel_loop3A_975 = arith.addi %broadcast_in_dim3A_118, %parallel_loop3A_974 : vector<16xi32>
        %parallel_loop3A_976 = arith.select %parallel_loop3A_972, %parallel_loop3A_975, %broadcast_in_dim3A_118 : vector<16xi1>, vector<16xi32>
        %parallel_loop3A_977 = vector.shape_cast %parallel_loop3A_976 : vector<16xi32> to vector<16x1xi32>
        %parallel_loop3A_978 = vector.shape_cast %parallel_loop3A_977 : vector<16x1xi32> to vector<16xi32>
        %parallel_loop3A_979 = tpu.dynamic_gather %parallel_loop3A_176[%parallel_loop3A_978] in [0] : vector<16xf32>, vector<16xi32> -> vector<16xf32>
        %parallel_loop3A_980 = arith.constant 0 : i32
        %parallel_loop3A_981 = vector.broadcast %parallel_loop3A_980 : i32 to vector<16xi32>
        %parallel_loop3A_982 = arith.cmpi slt, %broadcast_in_dim3A_118, %parallel_loop3A_981 : vector<16xi32>
        %parallel_loop3A_983 = arith.constant 16 : i32
        %parallel_loop3A_984 = vector.broadcast %parallel_loop3A_983 : i32 to vector<16xi32>
        %parallel_loop3A_985 = arith.addi %broadcast_in_dim3A_118, %parallel_loop3A_984 : vector<16xi32>
        %parallel_loop3A_986 = arith.select %parallel_loop3A_982, %parallel_loop3A_985, %broadcast_in_dim3A_118 : vector<16xi1>, vector<16xi32>
        %parallel_loop3A_987 = vector.shape_cast %parallel_loop3A_986 : vector<16xi32> to vector<16x1xi32>
        %parallel_loop3A_988 = vector.shape_cast %parallel_loop3A_987 : vector<16x1xi32> to vector<16xi32>
        %parallel_loop3A_989 = tpu.dynamic_gather %parallel_loop3A_178[%parallel_loop3A_988] in [0] : vector<16xf32>, vector<16xi32> -> vector<16xf32>
        %parallel_loop3A_990 = arith.constant 0 : i32
        %parallel_loop3A_991 = vector.broadcast %parallel_loop3A_990 : i32 to vector<16xi32>
        %parallel_loop3A_992 = arith.cmpi slt, %broadcast_in_dim3A_118, %parallel_loop3A_991 : vector<16xi32>
        %parallel_loop3A_993 = arith.constant 16 : i32
        %parallel_loop3A_994 = vector.broadcast %parallel_loop3A_993 : i32 to vector<16xi32>
        %parallel_loop3A_995 = arith.addi %broadcast_in_dim3A_118, %parallel_loop3A_994 : vector<16xi32>
        %parallel_loop3A_996 = arith.select %parallel_loop3A_992, %parallel_loop3A_995, %broadcast_in_dim3A_118 : vector<16xi1>, vector<16xi32>
        %parallel_loop3A_997 = vector.shape_cast %parallel_loop3A_996 : vector<16xi32> to vector<16x1xi32>
        %parallel_loop3A_998 = vector.shape_cast %parallel_loop3A_997 : vector<16x1xi32> to vector<16xi32>
        %parallel_loop3A_999 = tpu.dynamic_gather %parallel_loop3A_180[%parallel_loop3A_998] in [0] : vector<16xf32>, vector<16xi32> -> vector<16xf32>
        %parallel_loop3A_1000 = arith.constant 0 : i32
        %parallel_loop3A_1001 = vector.broadcast %parallel_loop3A_1000 : i32 to vector<16xi32>
        %parallel_loop3A_1002 = arith.cmpi slt, %broadcast_in_dim3A_118, %parallel_loop3A_1001 : vector<16xi32>
        %parallel_loop3A_1003 = arith.constant 16 : i32
        %parallel_loop3A_1004 = vector.broadcast %parallel_loop3A_1003 : i32 to vector<16xi32>
        %parallel_loop3A_1005 = arith.addi %broadcast_in_dim3A_118, %parallel_loop3A_1004 : vector<16xi32>
        %parallel_loop3A_1006 = arith.select %parallel_loop3A_1002, %parallel_loop3A_1005, %broadcast_in_dim3A_118 : vector<16xi1>, vector<16xi32>
        %parallel_loop3A_1007 = vector.shape_cast %parallel_loop3A_1006 : vector<16xi32> to vector<16x1xi32>
        %parallel_loop3A_1008 = vector.shape_cast %parallel_loop3A_1007 : vector<16x1xi32> to vector<16xi32>
        %parallel_loop3A_1009 = tpu.dynamic_gather %parallel_loop3A_182[%parallel_loop3A_1008] in [0] : vector<16xf32>, vector<16xi32> -> vector<16xf32>
        %parallel_loop3A_1010 = arith.subf %parallel_loop3A_999, %parallel_loop3A_979 : vector<16xf32>
        %parallel_loop3A_1011 = arith.subf %parallel_loop3A_1009, %parallel_loop3A_989 : vector<16xf32>
        %parallel_loop3A_1012 = arith.mulf %parallel_loop3A_1010, %parallel_loop3A_1011 : vector<16xf32>
        %parallel_loop3A_1013 = arith.maximumf %parallel_loop3A_979, %get3A_140 : vector<16xf32>
        %parallel_loop3A_1014 = arith.maximumf %parallel_loop3A_989, %get3A_142 : vector<16xf32>
        %parallel_loop3A_1015 = arith.minimumf %parallel_loop3A_999, %get3A_144 : vector<16xf32>
        %parallel_loop3A_1016 = arith.minimumf %parallel_loop3A_1009, %get3A_146 : vector<16xf32>
        %parallel_loop3A_1017 = arith.subf %parallel_loop3A_1015, %parallel_loop3A_1013 : vector<16xf32>
        %parallel_loop3A_1018 = arith.constant 0.000000e+00 : f32
        %parallel_loop3A_1019 = vector.broadcast %parallel_loop3A_1018 : f32 to vector<16xf32>
        %parallel_loop3A_1020 = arith.maximumf %parallel_loop3A_1017, %parallel_loop3A_1019 : vector<16xf32>
        %parallel_loop3A_1021 = arith.subf %parallel_loop3A_1016, %parallel_loop3A_1014 : vector<16xf32>
        %parallel_loop3A_1022 = arith.constant 0.000000e+00 : f32
        %parallel_loop3A_1023 = vector.broadcast %parallel_loop3A_1022 : f32 to vector<16xf32>
        %parallel_loop3A_1024 = arith.maximumf %parallel_loop3A_1021, %parallel_loop3A_1023 : vector<16xf32>
        %parallel_loop3A_1025 = arith.mulf %parallel_loop3A_1020, %parallel_loop3A_1024 : vector<16xf32>
        %parallel_loop3A_1026 = arith.addf %parallel_loop3A_1012, %mul3A_153 : vector<16xf32>
        %parallel_loop3A_1027 = arith.subf %parallel_loop3A_1026, %parallel_loop3A_1025 : vector<16xf32>
        %parallel_loop3A_1028 = arith.divf %parallel_loop3A_1025, %parallel_loop3A_1027 : vector<16xf32>
        %parallel_loop3A_1029 = arith.constant 11 : i32
        %parallel_loop3A_1030 = arith.addi %parallel_loop3A_174, %parallel_loop3A_1029 : i32
        %parallel_loop3A_1031 = vector.broadcast %parallel_loop3A_1030 : i32 to vector<16xi32>
        %parallel_loop3A_1032 = arith.addi %mul3A_94, %parallel_loop3A_1031 : vector<16xi32>
        %parallel_loop3A_1033 = tpu.vector_load_idx %arg27[%parallel_loop3A_1032] masked %parallel_loop3A_969 : memref<22544xf32, #tpu.memory_space<vmem>>[vector<16xi32>], vector<16xf32>, vector<16xi1>
        %parallel_loop3A_1034 = arith.maximumf %parallel_loop3A_1033, %parallel_loop3A_1028 : vector<16xf32>
        tpu.vector_store_idx %arg27[%parallel_loop3A_1032], %parallel_loop3A_1034 masked %parallel_loop3A_969 : memref<22544xf32, #tpu.memory_space<vmem>>[vector<16xi32>], vector<16xf32>, vector<16xi1>
        %parallel_loop3A_1035 = arith.constant 16 : i32
        %parallel_loop3A_1036 = arith.muli %parallel_loop3A_171, %parallel_loop3A_1035 : i32
        %parallel_loop3A_1037 = arith.constant 12 : i32
        %parallel_loop3A_1038 = arith.addi %parallel_loop3A_1036, %parallel_loop3A_1037 : i32
        %parallel_loop3A_1039 = vector.broadcast %parallel_loop3A_1038 : i32 to vector<16xi32>
        %parallel_loop3A_1040 = arith.cmpi sgt, %and3A_150, %parallel_loop3A_1039 : vector<16xi32>
        %parallel_loop3A_1041 = arith.constant 0 : i32
        %parallel_loop3A_1042 = vector.broadcast %parallel_loop3A_1041 : i32 to vector<16xi32>
        %parallel_loop3A_1043 = arith.cmpi slt, %broadcast_in_dim3A_120, %parallel_loop3A_1042 : vector<16xi32>
        %parallel_loop3A_1044 = arith.constant 16 : i32
        %parallel_loop3A_1045 = vector.broadcast %parallel_loop3A_1044 : i32 to vector<16xi32>
        %parallel_loop3A_1046 = arith.addi %broadcast_in_dim3A_120, %parallel_loop3A_1045 : vector<16xi32>
        %parallel_loop3A_1047 = arith.select %parallel_loop3A_1043, %parallel_loop3A_1046, %broadcast_in_dim3A_120 : vector<16xi1>, vector<16xi32>
        %parallel_loop3A_1048 = vector.shape_cast %parallel_loop3A_1047 : vector<16xi32> to vector<16x1xi32>
        %parallel_loop3A_1049 = vector.shape_cast %parallel_loop3A_1048 : vector<16x1xi32> to vector<16xi32>
        %parallel_loop3A_1050 = tpu.dynamic_gather %parallel_loop3A_176[%parallel_loop3A_1049] in [0] : vector<16xf32>, vector<16xi32> -> vector<16xf32>
        %parallel_loop3A_1051 = arith.constant 0 : i32
        %parallel_loop3A_1052 = vector.broadcast %parallel_loop3A_1051 : i32 to vector<16xi32>
        %parallel_loop3A_1053 = arith.cmpi slt, %broadcast_in_dim3A_120, %parallel_loop3A_1052 : vector<16xi32>
        %parallel_loop3A_1054 = arith.constant 16 : i32
        %parallel_loop3A_1055 = vector.broadcast %parallel_loop3A_1054 : i32 to vector<16xi32>
        %parallel_loop3A_1056 = arith.addi %broadcast_in_dim3A_120, %parallel_loop3A_1055 : vector<16xi32>
        %parallel_loop3A_1057 = arith.select %parallel_loop3A_1053, %parallel_loop3A_1056, %broadcast_in_dim3A_120 : vector<16xi1>, vector<16xi32>
        %parallel_loop3A_1058 = vector.shape_cast %parallel_loop3A_1057 : vector<16xi32> to vector<16x1xi32>
        %parallel_loop3A_1059 = vector.shape_cast %parallel_loop3A_1058 : vector<16x1xi32> to vector<16xi32>
        %parallel_loop3A_1060 = tpu.dynamic_gather %parallel_loop3A_178[%parallel_loop3A_1059] in [0] : vector<16xf32>, vector<16xi32> -> vector<16xf32>
        %parallel_loop3A_1061 = arith.constant 0 : i32
        %parallel_loop3A_1062 = vector.broadcast %parallel_loop3A_1061 : i32 to vector<16xi32>
        %parallel_loop3A_1063 = arith.cmpi slt, %broadcast_in_dim3A_120, %parallel_loop3A_1062 : vector<16xi32>
        %parallel_loop3A_1064 = arith.constant 16 : i32
        %parallel_loop3A_1065 = vector.broadcast %parallel_loop3A_1064 : i32 to vector<16xi32>
        %parallel_loop3A_1066 = arith.addi %broadcast_in_dim3A_120, %parallel_loop3A_1065 : vector<16xi32>
        %parallel_loop3A_1067 = arith.select %parallel_loop3A_1063, %parallel_loop3A_1066, %broadcast_in_dim3A_120 : vector<16xi1>, vector<16xi32>
        %parallel_loop3A_1068 = vector.shape_cast %parallel_loop3A_1067 : vector<16xi32> to vector<16x1xi32>
        %parallel_loop3A_1069 = vector.shape_cast %parallel_loop3A_1068 : vector<16x1xi32> to vector<16xi32>
        %parallel_loop3A_1070 = tpu.dynamic_gather %parallel_loop3A_180[%parallel_loop3A_1069] in [0] : vector<16xf32>, vector<16xi32> -> vector<16xf32>
        %parallel_loop3A_1071 = arith.constant 0 : i32
        %parallel_loop3A_1072 = vector.broadcast %parallel_loop3A_1071 : i32 to vector<16xi32>
        %parallel_loop3A_1073 = arith.cmpi slt, %broadcast_in_dim3A_120, %parallel_loop3A_1072 : vector<16xi32>
        %parallel_loop3A_1074 = arith.constant 16 : i32
        %parallel_loop3A_1075 = vector.broadcast %parallel_loop3A_1074 : i32 to vector<16xi32>
        %parallel_loop3A_1076 = arith.addi %broadcast_in_dim3A_120, %parallel_loop3A_1075 : vector<16xi32>
        %parallel_loop3A_1077 = arith.select %parallel_loop3A_1073, %parallel_loop3A_1076, %broadcast_in_dim3A_120 : vector<16xi1>, vector<16xi32>
        %parallel_loop3A_1078 = vector.shape_cast %parallel_loop3A_1077 : vector<16xi32> to vector<16x1xi32>
        %parallel_loop3A_1079 = vector.shape_cast %parallel_loop3A_1078 : vector<16x1xi32> to vector<16xi32>
        %parallel_loop3A_1080 = tpu.dynamic_gather %parallel_loop3A_182[%parallel_loop3A_1079] in [0] : vector<16xf32>, vector<16xi32> -> vector<16xf32>
        %parallel_loop3A_1081 = arith.subf %parallel_loop3A_1070, %parallel_loop3A_1050 : vector<16xf32>
        %parallel_loop3A_1082 = arith.subf %parallel_loop3A_1080, %parallel_loop3A_1060 : vector<16xf32>
        %parallel_loop3A_1083 = arith.mulf %parallel_loop3A_1081, %parallel_loop3A_1082 : vector<16xf32>
        %parallel_loop3A_1084 = arith.maximumf %parallel_loop3A_1050, %get3A_140 : vector<16xf32>
        %parallel_loop3A_1085 = arith.maximumf %parallel_loop3A_1060, %get3A_142 : vector<16xf32>
        %parallel_loop3A_1086 = arith.minimumf %parallel_loop3A_1070, %get3A_144 : vector<16xf32>
        %parallel_loop3A_1087 = arith.minimumf %parallel_loop3A_1080, %get3A_146 : vector<16xf32>
        %parallel_loop3A_1088 = arith.subf %parallel_loop3A_1086, %parallel_loop3A_1084 : vector<16xf32>
        %parallel_loop3A_1089 = arith.constant 0.000000e+00 : f32
        %parallel_loop3A_1090 = vector.broadcast %parallel_loop3A_1089 : f32 to vector<16xf32>
        %parallel_loop3A_1091 = arith.maximumf %parallel_loop3A_1088, %parallel_loop3A_1090 : vector<16xf32>
        %parallel_loop3A_1092 = arith.subf %parallel_loop3A_1087, %parallel_loop3A_1085 : vector<16xf32>
        %parallel_loop3A_1093 = arith.constant 0.000000e+00 : f32
        %parallel_loop3A_1094 = vector.broadcast %parallel_loop3A_1093 : f32 to vector<16xf32>
        %parallel_loop3A_1095 = arith.maximumf %parallel_loop3A_1092, %parallel_loop3A_1094 : vector<16xf32>
        %parallel_loop3A_1096 = arith.mulf %parallel_loop3A_1091, %parallel_loop3A_1095 : vector<16xf32>
        %parallel_loop3A_1097 = arith.addf %parallel_loop3A_1083, %mul3A_153 : vector<16xf32>
        %parallel_loop3A_1098 = arith.subf %parallel_loop3A_1097, %parallel_loop3A_1096 : vector<16xf32>
        %parallel_loop3A_1099 = arith.divf %parallel_loop3A_1096, %parallel_loop3A_1098 : vector<16xf32>
        %parallel_loop3A_1100 = arith.constant 12 : i32
        %parallel_loop3A_1101 = arith.addi %parallel_loop3A_174, %parallel_loop3A_1100 : i32
        %parallel_loop3A_1102 = vector.broadcast %parallel_loop3A_1101 : i32 to vector<16xi32>
        %parallel_loop3A_1103 = arith.addi %mul3A_94, %parallel_loop3A_1102 : vector<16xi32>
        %parallel_loop3A_1104 = tpu.vector_load_idx %arg27[%parallel_loop3A_1103] masked %parallel_loop3A_1040 : memref<22544xf32, #tpu.memory_space<vmem>>[vector<16xi32>], vector<16xf32>, vector<16xi1>
        %parallel_loop3A_1105 = arith.maximumf %parallel_loop3A_1104, %parallel_loop3A_1099 : vector<16xf32>
        tpu.vector_store_idx %arg27[%parallel_loop3A_1103], %parallel_loop3A_1105 masked %parallel_loop3A_1040 : memref<22544xf32, #tpu.memory_space<vmem>>[vector<16xi32>], vector<16xf32>, vector<16xi1>
        %parallel_loop3A_1106 = arith.constant 16 : i32
        %parallel_loop3A_1107 = arith.muli %parallel_loop3A_171, %parallel_loop3A_1106 : i32
        %parallel_loop3A_1108 = arith.constant 13 : i32
        %parallel_loop3A_1109 = arith.addi %parallel_loop3A_1107, %parallel_loop3A_1108 : i32
        %parallel_loop3A_1110 = vector.broadcast %parallel_loop3A_1109 : i32 to vector<16xi32>
        %parallel_loop3A_1111 = arith.cmpi sgt, %and3A_150, %parallel_loop3A_1110 : vector<16xi32>
        %parallel_loop3A_1112 = arith.constant 0 : i32
        %parallel_loop3A_1113 = vector.broadcast %parallel_loop3A_1112 : i32 to vector<16xi32>
        %parallel_loop3A_1114 = arith.cmpi slt, %broadcast_in_dim3A_122, %parallel_loop3A_1113 : vector<16xi32>
        %parallel_loop3A_1115 = arith.constant 16 : i32
        %parallel_loop3A_1116 = vector.broadcast %parallel_loop3A_1115 : i32 to vector<16xi32>
        %parallel_loop3A_1117 = arith.addi %broadcast_in_dim3A_122, %parallel_loop3A_1116 : vector<16xi32>
        %parallel_loop3A_1118 = arith.select %parallel_loop3A_1114, %parallel_loop3A_1117, %broadcast_in_dim3A_122 : vector<16xi1>, vector<16xi32>
        %parallel_loop3A_1119 = vector.shape_cast %parallel_loop3A_1118 : vector<16xi32> to vector<16x1xi32>
        %parallel_loop3A_1120 = vector.shape_cast %parallel_loop3A_1119 : vector<16x1xi32> to vector<16xi32>
        %parallel_loop3A_1121 = tpu.dynamic_gather %parallel_loop3A_176[%parallel_loop3A_1120] in [0] : vector<16xf32>, vector<16xi32> -> vector<16xf32>
        %parallel_loop3A_1122 = arith.constant 0 : i32
        %parallel_loop3A_1123 = vector.broadcast %parallel_loop3A_1122 : i32 to vector<16xi32>
        %parallel_loop3A_1124 = arith.cmpi slt, %broadcast_in_dim3A_122, %parallel_loop3A_1123 : vector<16xi32>
        %parallel_loop3A_1125 = arith.constant 16 : i32
        %parallel_loop3A_1126 = vector.broadcast %parallel_loop3A_1125 : i32 to vector<16xi32>
        %parallel_loop3A_1127 = arith.addi %broadcast_in_dim3A_122, %parallel_loop3A_1126 : vector<16xi32>
        %parallel_loop3A_1128 = arith.select %parallel_loop3A_1124, %parallel_loop3A_1127, %broadcast_in_dim3A_122 : vector<16xi1>, vector<16xi32>
        %parallel_loop3A_1129 = vector.shape_cast %parallel_loop3A_1128 : vector<16xi32> to vector<16x1xi32>
        %parallel_loop3A_1130 = vector.shape_cast %parallel_loop3A_1129 : vector<16x1xi32> to vector<16xi32>
        %parallel_loop3A_1131 = tpu.dynamic_gather %parallel_loop3A_178[%parallel_loop3A_1130] in [0] : vector<16xf32>, vector<16xi32> -> vector<16xf32>
        %parallel_loop3A_1132 = arith.constant 0 : i32
        %parallel_loop3A_1133 = vector.broadcast %parallel_loop3A_1132 : i32 to vector<16xi32>
        %parallel_loop3A_1134 = arith.cmpi slt, %broadcast_in_dim3A_122, %parallel_loop3A_1133 : vector<16xi32>
        %parallel_loop3A_1135 = arith.constant 16 : i32
        %parallel_loop3A_1136 = vector.broadcast %parallel_loop3A_1135 : i32 to vector<16xi32>
        %parallel_loop3A_1137 = arith.addi %broadcast_in_dim3A_122, %parallel_loop3A_1136 : vector<16xi32>
        %parallel_loop3A_1138 = arith.select %parallel_loop3A_1134, %parallel_loop3A_1137, %broadcast_in_dim3A_122 : vector<16xi1>, vector<16xi32>
        %parallel_loop3A_1139 = vector.shape_cast %parallel_loop3A_1138 : vector<16xi32> to vector<16x1xi32>
        %parallel_loop3A_1140 = vector.shape_cast %parallel_loop3A_1139 : vector<16x1xi32> to vector<16xi32>
        %parallel_loop3A_1141 = tpu.dynamic_gather %parallel_loop3A_180[%parallel_loop3A_1140] in [0] : vector<16xf32>, vector<16xi32> -> vector<16xf32>
        %parallel_loop3A_1142 = arith.constant 0 : i32
        %parallel_loop3A_1143 = vector.broadcast %parallel_loop3A_1142 : i32 to vector<16xi32>
        %parallel_loop3A_1144 = arith.cmpi slt, %broadcast_in_dim3A_122, %parallel_loop3A_1143 : vector<16xi32>
        %parallel_loop3A_1145 = arith.constant 16 : i32
        %parallel_loop3A_1146 = vector.broadcast %parallel_loop3A_1145 : i32 to vector<16xi32>
        %parallel_loop3A_1147 = arith.addi %broadcast_in_dim3A_122, %parallel_loop3A_1146 : vector<16xi32>
        %parallel_loop3A_1148 = arith.select %parallel_loop3A_1144, %parallel_loop3A_1147, %broadcast_in_dim3A_122 : vector<16xi1>, vector<16xi32>
        %parallel_loop3A_1149 = vector.shape_cast %parallel_loop3A_1148 : vector<16xi32> to vector<16x1xi32>
        %parallel_loop3A_1150 = vector.shape_cast %parallel_loop3A_1149 : vector<16x1xi32> to vector<16xi32>
        %parallel_loop3A_1151 = tpu.dynamic_gather %parallel_loop3A_182[%parallel_loop3A_1150] in [0] : vector<16xf32>, vector<16xi32> -> vector<16xf32>
        %parallel_loop3A_1152 = arith.subf %parallel_loop3A_1141, %parallel_loop3A_1121 : vector<16xf32>
        %parallel_loop3A_1153 = arith.subf %parallel_loop3A_1151, %parallel_loop3A_1131 : vector<16xf32>
        %parallel_loop3A_1154 = arith.mulf %parallel_loop3A_1152, %parallel_loop3A_1153 : vector<16xf32>
        %parallel_loop3A_1155 = arith.maximumf %parallel_loop3A_1121, %get3A_140 : vector<16xf32>
        %parallel_loop3A_1156 = arith.maximumf %parallel_loop3A_1131, %get3A_142 : vector<16xf32>
        %parallel_loop3A_1157 = arith.minimumf %parallel_loop3A_1141, %get3A_144 : vector<16xf32>
        %parallel_loop3A_1158 = arith.minimumf %parallel_loop3A_1151, %get3A_146 : vector<16xf32>
        %parallel_loop3A_1159 = arith.subf %parallel_loop3A_1157, %parallel_loop3A_1155 : vector<16xf32>
        %parallel_loop3A_1160 = arith.constant 0.000000e+00 : f32
        %parallel_loop3A_1161 = vector.broadcast %parallel_loop3A_1160 : f32 to vector<16xf32>
        %parallel_loop3A_1162 = arith.maximumf %parallel_loop3A_1159, %parallel_loop3A_1161 : vector<16xf32>
        %parallel_loop3A_1163 = arith.subf %parallel_loop3A_1158, %parallel_loop3A_1156 : vector<16xf32>
        %parallel_loop3A_1164 = arith.constant 0.000000e+00 : f32
        %parallel_loop3A_1165 = vector.broadcast %parallel_loop3A_1164 : f32 to vector<16xf32>
        %parallel_loop3A_1166 = arith.maximumf %parallel_loop3A_1163, %parallel_loop3A_1165 : vector<16xf32>
        %parallel_loop3A_1167 = arith.mulf %parallel_loop3A_1162, %parallel_loop3A_1166 : vector<16xf32>
        %parallel_loop3A_1168 = arith.addf %parallel_loop3A_1154, %mul3A_153 : vector<16xf32>
        %parallel_loop3A_1169 = arith.subf %parallel_loop3A_1168, %parallel_loop3A_1167 : vector<16xf32>
        %parallel_loop3A_1170 = arith.divf %parallel_loop3A_1167, %parallel_loop3A_1169 : vector<16xf32>
        %parallel_loop3A_1171 = arith.constant 13 : i32
        %parallel_loop3A_1172 = arith.addi %parallel_loop3A_174, %parallel_loop3A_1171 : i32
        %parallel_loop3A_1173 = vector.broadcast %parallel_loop3A_1172 : i32 to vector<16xi32>
        %parallel_loop3A_1174 = arith.addi %mul3A_94, %parallel_loop3A_1173 : vector<16xi32>
        %parallel_loop3A_1175 = tpu.vector_load_idx %arg27[%parallel_loop3A_1174] masked %parallel_loop3A_1111 : memref<22544xf32, #tpu.memory_space<vmem>>[vector<16xi32>], vector<16xf32>, vector<16xi1>
        %parallel_loop3A_1176 = arith.maximumf %parallel_loop3A_1175, %parallel_loop3A_1170 : vector<16xf32>
        tpu.vector_store_idx %arg27[%parallel_loop3A_1174], %parallel_loop3A_1176 masked %parallel_loop3A_1111 : memref<22544xf32, #tpu.memory_space<vmem>>[vector<16xi32>], vector<16xf32>, vector<16xi1>
        %parallel_loop3A_1177 = arith.constant 16 : i32
        %parallel_loop3A_1178 = arith.muli %parallel_loop3A_171, %parallel_loop3A_1177 : i32
        %parallel_loop3A_1179 = arith.constant 14 : i32
        %parallel_loop3A_1180 = arith.addi %parallel_loop3A_1178, %parallel_loop3A_1179 : i32
        %parallel_loop3A_1181 = vector.broadcast %parallel_loop3A_1180 : i32 to vector<16xi32>
        %parallel_loop3A_1182 = arith.cmpi sgt, %and3A_150, %parallel_loop3A_1181 : vector<16xi32>
        %parallel_loop3A_1183 = arith.constant 0 : i32
        %parallel_loop3A_1184 = vector.broadcast %parallel_loop3A_1183 : i32 to vector<16xi32>
        %parallel_loop3A_1185 = arith.cmpi slt, %broadcast_in_dim3A_124, %parallel_loop3A_1184 : vector<16xi32>
        %parallel_loop3A_1186 = arith.constant 16 : i32
        %parallel_loop3A_1187 = vector.broadcast %parallel_loop3A_1186 : i32 to vector<16xi32>
        %parallel_loop3A_1188 = arith.addi %broadcast_in_dim3A_124, %parallel_loop3A_1187 : vector<16xi32>
        %parallel_loop3A_1189 = arith.select %parallel_loop3A_1185, %parallel_loop3A_1188, %broadcast_in_dim3A_124 : vector<16xi1>, vector<16xi32>
        %parallel_loop3A_1190 = vector.shape_cast %parallel_loop3A_1189 : vector<16xi32> to vector<16x1xi32>
        %parallel_loop3A_1191 = vector.shape_cast %parallel_loop3A_1190 : vector<16x1xi32> to vector<16xi32>
        %parallel_loop3A_1192 = tpu.dynamic_gather %parallel_loop3A_176[%parallel_loop3A_1191] in [0] : vector<16xf32>, vector<16xi32> -> vector<16xf32>
        %parallel_loop3A_1193 = arith.constant 0 : i32
        %parallel_loop3A_1194 = vector.broadcast %parallel_loop3A_1193 : i32 to vector<16xi32>
        %parallel_loop3A_1195 = arith.cmpi slt, %broadcast_in_dim3A_124, %parallel_loop3A_1194 : vector<16xi32>
        %parallel_loop3A_1196 = arith.constant 16 : i32
        %parallel_loop3A_1197 = vector.broadcast %parallel_loop3A_1196 : i32 to vector<16xi32>
        %parallel_loop3A_1198 = arith.addi %broadcast_in_dim3A_124, %parallel_loop3A_1197 : vector<16xi32>
        %parallel_loop3A_1199 = arith.select %parallel_loop3A_1195, %parallel_loop3A_1198, %broadcast_in_dim3A_124 : vector<16xi1>, vector<16xi32>
        %parallel_loop3A_1200 = vector.shape_cast %parallel_loop3A_1199 : vector<16xi32> to vector<16x1xi32>
        %parallel_loop3A_1201 = vector.shape_cast %parallel_loop3A_1200 : vector<16x1xi32> to vector<16xi32>
        %parallel_loop3A_1202 = tpu.dynamic_gather %parallel_loop3A_178[%parallel_loop3A_1201] in [0] : vector<16xf32>, vector<16xi32> -> vector<16xf32>
        %parallel_loop3A_1203 = arith.constant 0 : i32
        %parallel_loop3A_1204 = vector.broadcast %parallel_loop3A_1203 : i32 to vector<16xi32>
        %parallel_loop3A_1205 = arith.cmpi slt, %broadcast_in_dim3A_124, %parallel_loop3A_1204 : vector<16xi32>
        %parallel_loop3A_1206 = arith.constant 16 : i32
        %parallel_loop3A_1207 = vector.broadcast %parallel_loop3A_1206 : i32 to vector<16xi32>
        %parallel_loop3A_1208 = arith.addi %broadcast_in_dim3A_124, %parallel_loop3A_1207 : vector<16xi32>
        %parallel_loop3A_1209 = arith.select %parallel_loop3A_1205, %parallel_loop3A_1208, %broadcast_in_dim3A_124 : vector<16xi1>, vector<16xi32>
        %parallel_loop3A_1210 = vector.shape_cast %parallel_loop3A_1209 : vector<16xi32> to vector<16x1xi32>
        %parallel_loop3A_1211 = vector.shape_cast %parallel_loop3A_1210 : vector<16x1xi32> to vector<16xi32>
        %parallel_loop3A_1212 = tpu.dynamic_gather %parallel_loop3A_180[%parallel_loop3A_1211] in [0] : vector<16xf32>, vector<16xi32> -> vector<16xf32>
        %parallel_loop3A_1213 = arith.constant 0 : i32
        %parallel_loop3A_1214 = vector.broadcast %parallel_loop3A_1213 : i32 to vector<16xi32>
        %parallel_loop3A_1215 = arith.cmpi slt, %broadcast_in_dim3A_124, %parallel_loop3A_1214 : vector<16xi32>
        %parallel_loop3A_1216 = arith.constant 16 : i32
        %parallel_loop3A_1217 = vector.broadcast %parallel_loop3A_1216 : i32 to vector<16xi32>
        %parallel_loop3A_1218 = arith.addi %broadcast_in_dim3A_124, %parallel_loop3A_1217 : vector<16xi32>
        %parallel_loop3A_1219 = arith.select %parallel_loop3A_1215, %parallel_loop3A_1218, %broadcast_in_dim3A_124 : vector<16xi1>, vector<16xi32>
        %parallel_loop3A_1220 = vector.shape_cast %parallel_loop3A_1219 : vector<16xi32> to vector<16x1xi32>
        %parallel_loop3A_1221 = vector.shape_cast %parallel_loop3A_1220 : vector<16x1xi32> to vector<16xi32>
        %parallel_loop3A_1222 = tpu.dynamic_gather %parallel_loop3A_182[%parallel_loop3A_1221] in [0] : vector<16xf32>, vector<16xi32> -> vector<16xf32>
        %parallel_loop3A_1223 = arith.subf %parallel_loop3A_1212, %parallel_loop3A_1192 : vector<16xf32>
        %parallel_loop3A_1224 = arith.subf %parallel_loop3A_1222, %parallel_loop3A_1202 : vector<16xf32>
        %parallel_loop3A_1225 = arith.mulf %parallel_loop3A_1223, %parallel_loop3A_1224 : vector<16xf32>
        %parallel_loop3A_1226 = arith.maximumf %parallel_loop3A_1192, %get3A_140 : vector<16xf32>
        %parallel_loop3A_1227 = arith.maximumf %parallel_loop3A_1202, %get3A_142 : vector<16xf32>
        %parallel_loop3A_1228 = arith.minimumf %parallel_loop3A_1212, %get3A_144 : vector<16xf32>
        %parallel_loop3A_1229 = arith.minimumf %parallel_loop3A_1222, %get3A_146 : vector<16xf32>
        %parallel_loop3A_1230 = arith.subf %parallel_loop3A_1228, %parallel_loop3A_1226 : vector<16xf32>
        %parallel_loop3A_1231 = arith.constant 0.000000e+00 : f32
        %parallel_loop3A_1232 = vector.broadcast %parallel_loop3A_1231 : f32 to vector<16xf32>
        %parallel_loop3A_1233 = arith.maximumf %parallel_loop3A_1230, %parallel_loop3A_1232 : vector<16xf32>
        %parallel_loop3A_1234 = arith.subf %parallel_loop3A_1229, %parallel_loop3A_1227 : vector<16xf32>
        %parallel_loop3A_1235 = arith.constant 0.000000e+00 : f32
        %parallel_loop3A_1236 = vector.broadcast %parallel_loop3A_1235 : f32 to vector<16xf32>
        %parallel_loop3A_1237 = arith.maximumf %parallel_loop3A_1234, %parallel_loop3A_1236 : vector<16xf32>
        %parallel_loop3A_1238 = arith.mulf %parallel_loop3A_1233, %parallel_loop3A_1237 : vector<16xf32>
        %parallel_loop3A_1239 = arith.addf %parallel_loop3A_1225, %mul3A_153 : vector<16xf32>
        %parallel_loop3A_1240 = arith.subf %parallel_loop3A_1239, %parallel_loop3A_1238 : vector<16xf32>
        %parallel_loop3A_1241 = arith.divf %parallel_loop3A_1238, %parallel_loop3A_1240 : vector<16xf32>
        %parallel_loop3A_1242 = arith.constant 14 : i32
        %parallel_loop3A_1243 = arith.addi %parallel_loop3A_174, %parallel_loop3A_1242 : i32
        %parallel_loop3A_1244 = vector.broadcast %parallel_loop3A_1243 : i32 to vector<16xi32>
        %parallel_loop3A_1245 = arith.addi %mul3A_94, %parallel_loop3A_1244 : vector<16xi32>
        %parallel_loop3A_1246 = tpu.vector_load_idx %arg27[%parallel_loop3A_1245] masked %parallel_loop3A_1182 : memref<22544xf32, #tpu.memory_space<vmem>>[vector<16xi32>], vector<16xf32>, vector<16xi1>
        %parallel_loop3A_1247 = arith.maximumf %parallel_loop3A_1246, %parallel_loop3A_1241 : vector<16xf32>
        tpu.vector_store_idx %arg27[%parallel_loop3A_1245], %parallel_loop3A_1247 masked %parallel_loop3A_1182 : memref<22544xf32, #tpu.memory_space<vmem>>[vector<16xi32>], vector<16xf32>, vector<16xi1>
        %parallel_loop3A_1248 = arith.constant 16 : i32
        %parallel_loop3A_1249 = arith.muli %parallel_loop3A_171, %parallel_loop3A_1248 : i32
        %parallel_loop3A_1250 = arith.constant 15 : i32
        %parallel_loop3A_1251 = arith.addi %parallel_loop3A_1249, %parallel_loop3A_1250 : i32
        %parallel_loop3A_1252 = vector.broadcast %parallel_loop3A_1251 : i32 to vector<16xi32>
        %parallel_loop3A_1253 = arith.cmpi sgt, %and3A_150, %parallel_loop3A_1252 : vector<16xi32>
        %parallel_loop3A_1254 = arith.constant 0 : i32
        %parallel_loop3A_1255 = vector.broadcast %parallel_loop3A_1254 : i32 to vector<16xi32>
        %parallel_loop3A_1256 = arith.cmpi slt, %broadcast_in_dim3A_126, %parallel_loop3A_1255 : vector<16xi32>
        %parallel_loop3A_1257 = arith.constant 16 : i32
        %parallel_loop3A_1258 = vector.broadcast %parallel_loop3A_1257 : i32 to vector<16xi32>
        %parallel_loop3A_1259 = arith.addi %broadcast_in_dim3A_126, %parallel_loop3A_1258 : vector<16xi32>
        %parallel_loop3A_1260 = arith.select %parallel_loop3A_1256, %parallel_loop3A_1259, %broadcast_in_dim3A_126 : vector<16xi1>, vector<16xi32>
        %parallel_loop3A_1261 = vector.shape_cast %parallel_loop3A_1260 : vector<16xi32> to vector<16x1xi32>
        %parallel_loop3A_1262 = vector.shape_cast %parallel_loop3A_1261 : vector<16x1xi32> to vector<16xi32>
        %parallel_loop3A_1263 = tpu.dynamic_gather %parallel_loop3A_176[%parallel_loop3A_1262] in [0] : vector<16xf32>, vector<16xi32> -> vector<16xf32>
        %parallel_loop3A_1264 = arith.constant 0 : i32
        %parallel_loop3A_1265 = vector.broadcast %parallel_loop3A_1264 : i32 to vector<16xi32>
        %parallel_loop3A_1266 = arith.cmpi slt, %broadcast_in_dim3A_126, %parallel_loop3A_1265 : vector<16xi32>
        %parallel_loop3A_1267 = arith.constant 16 : i32
        %parallel_loop3A_1268 = vector.broadcast %parallel_loop3A_1267 : i32 to vector<16xi32>
        %parallel_loop3A_1269 = arith.addi %broadcast_in_dim3A_126, %parallel_loop3A_1268 : vector<16xi32>
        %parallel_loop3A_1270 = arith.select %parallel_loop3A_1266, %parallel_loop3A_1269, %broadcast_in_dim3A_126 : vector<16xi1>, vector<16xi32>
        %parallel_loop3A_1271 = vector.shape_cast %parallel_loop3A_1270 : vector<16xi32> to vector<16x1xi32>
        %parallel_loop3A_1272 = vector.shape_cast %parallel_loop3A_1271 : vector<16x1xi32> to vector<16xi32>
        %parallel_loop3A_1273 = tpu.dynamic_gather %parallel_loop3A_178[%parallel_loop3A_1272] in [0] : vector<16xf32>, vector<16xi32> -> vector<16xf32>
        %parallel_loop3A_1274 = arith.constant 0 : i32
        %parallel_loop3A_1275 = vector.broadcast %parallel_loop3A_1274 : i32 to vector<16xi32>
        %parallel_loop3A_1276 = arith.cmpi slt, %broadcast_in_dim3A_126, %parallel_loop3A_1275 : vector<16xi32>
        %parallel_loop3A_1277 = arith.constant 16 : i32
        %parallel_loop3A_1278 = vector.broadcast %parallel_loop3A_1277 : i32 to vector<16xi32>
        %parallel_loop3A_1279 = arith.addi %broadcast_in_dim3A_126, %parallel_loop3A_1278 : vector<16xi32>
        %parallel_loop3A_1280 = arith.select %parallel_loop3A_1276, %parallel_loop3A_1279, %broadcast_in_dim3A_126 : vector<16xi1>, vector<16xi32>
        %parallel_loop3A_1281 = vector.shape_cast %parallel_loop3A_1280 : vector<16xi32> to vector<16x1xi32>
        %parallel_loop3A_1282 = vector.shape_cast %parallel_loop3A_1281 : vector<16x1xi32> to vector<16xi32>
        %parallel_loop3A_1283 = tpu.dynamic_gather %parallel_loop3A_180[%parallel_loop3A_1282] in [0] : vector<16xf32>, vector<16xi32> -> vector<16xf32>
        %parallel_loop3A_1284 = arith.constant 0 : i32
        %parallel_loop3A_1285 = vector.broadcast %parallel_loop3A_1284 : i32 to vector<16xi32>
        %parallel_loop3A_1286 = arith.cmpi slt, %broadcast_in_dim3A_126, %parallel_loop3A_1285 : vector<16xi32>
        %parallel_loop3A_1287 = arith.constant 16 : i32
        %parallel_loop3A_1288 = vector.broadcast %parallel_loop3A_1287 : i32 to vector<16xi32>
        %parallel_loop3A_1289 = arith.addi %broadcast_in_dim3A_126, %parallel_loop3A_1288 : vector<16xi32>
        %parallel_loop3A_1290 = arith.select %parallel_loop3A_1286, %parallel_loop3A_1289, %broadcast_in_dim3A_126 : vector<16xi1>, vector<16xi32>
        %parallel_loop3A_1291 = vector.shape_cast %parallel_loop3A_1290 : vector<16xi32> to vector<16x1xi32>
        %parallel_loop3A_1292 = vector.shape_cast %parallel_loop3A_1291 : vector<16x1xi32> to vector<16xi32>
        %parallel_loop3A_1293 = tpu.dynamic_gather %parallel_loop3A_182[%parallel_loop3A_1292] in [0] : vector<16xf32>, vector<16xi32> -> vector<16xf32>
        %parallel_loop3A_1294 = arith.subf %parallel_loop3A_1283, %parallel_loop3A_1263 : vector<16xf32>
        %parallel_loop3A_1295 = arith.subf %parallel_loop3A_1293, %parallel_loop3A_1273 : vector<16xf32>
        %parallel_loop3A_1296 = arith.mulf %parallel_loop3A_1294, %parallel_loop3A_1295 : vector<16xf32>
        %parallel_loop3A_1297 = arith.maximumf %parallel_loop3A_1263, %get3A_140 : vector<16xf32>
        %parallel_loop3A_1298 = arith.maximumf %parallel_loop3A_1273, %get3A_142 : vector<16xf32>
        %parallel_loop3A_1299 = arith.minimumf %parallel_loop3A_1283, %get3A_144 : vector<16xf32>
        %parallel_loop3A_1300 = arith.minimumf %parallel_loop3A_1293, %get3A_146 : vector<16xf32>
        %parallel_loop3A_1301 = arith.subf %parallel_loop3A_1299, %parallel_loop3A_1297 : vector<16xf32>
        %parallel_loop3A_1302 = arith.constant 0.000000e+00 : f32
        %parallel_loop3A_1303 = vector.broadcast %parallel_loop3A_1302 : f32 to vector<16xf32>
        %parallel_loop3A_1304 = arith.maximumf %parallel_loop3A_1301, %parallel_loop3A_1303 : vector<16xf32>
        %parallel_loop3A_1305 = arith.subf %parallel_loop3A_1300, %parallel_loop3A_1298 : vector<16xf32>
        %parallel_loop3A_1306 = arith.constant 0.000000e+00 : f32
        %parallel_loop3A_1307 = vector.broadcast %parallel_loop3A_1306 : f32 to vector<16xf32>
        %parallel_loop3A_1308 = arith.maximumf %parallel_loop3A_1305, %parallel_loop3A_1307 : vector<16xf32>
        %parallel_loop3A_1309 = arith.mulf %parallel_loop3A_1304, %parallel_loop3A_1308 : vector<16xf32>
        %parallel_loop3A_1310 = arith.addf %parallel_loop3A_1296, %mul3A_153 : vector<16xf32>
        %parallel_loop3A_1311 = arith.subf %parallel_loop3A_1310, %parallel_loop3A_1309 : vector<16xf32>
        %parallel_loop3A_1312 = arith.divf %parallel_loop3A_1309, %parallel_loop3A_1311 : vector<16xf32>
        %parallel_loop3A_1313 = arith.constant 15 : i32
        %parallel_loop3A_1314 = arith.addi %parallel_loop3A_174, %parallel_loop3A_1313 : i32
        %parallel_loop3A_1315 = vector.broadcast %parallel_loop3A_1314 : i32 to vector<16xi32>
        %parallel_loop3A_1316 = arith.addi %mul3A_94, %parallel_loop3A_1315 : vector<16xi32>
        %parallel_loop3A_1317 = tpu.vector_load_idx %arg27[%parallel_loop3A_1316] masked %parallel_loop3A_1253 : memref<22544xf32, #tpu.memory_space<vmem>>[vector<16xi32>], vector<16xf32>, vector<16xi1>
        %parallel_loop3A_1318 = arith.maximumf %parallel_loop3A_1317, %parallel_loop3A_1312 : vector<16xf32>
        tpu.vector_store_idx %arg27[%parallel_loop3A_1316], %parallel_loop3A_1318 masked %parallel_loop3A_1253 : memref<22544xf32, #tpu.memory_space<vmem>>[vector<16xi32>], vector<16xf32>, vector<16xi1>
      } {sc.loop_unroll_factor = 1 : i64, sc.parallel_access}
    }
    %scan3A_132 = arith.constant 60 : i32
    %parallel_loop3A_133 = arith.constant 0 : i32
    %parallel_loop3A_134 = arith.constant 88 : i32
    %parallel_loop3A_135 = arith.constant 1 : i32
    scf.for %parallel_loop3A_136 = %parallel_loop3A_133 to %parallel_loop3A_134 step %parallel_loop3A_135  : i32 {
      %parallel_loop3A_137 = arith.constant 16 : i32
      %parallel_loop3A_138 = arith.muli %parallel_loop3A_136, %parallel_loop3A_137 : i32
      %parallel_loop3A_139 = arith.index_cast %parallel_loop3A_138 : i32 to index
      %parallel_loop3A_140 = tpu.vector_load %arg27[%parallel_loop3A_139] {strides = array<i32>} : memref<22544xf32, #tpu.memory_space<vmem>>, vector<16xf32>,
      %parallel_loop3A_141 = arith.constant 1409 : i32
      %parallel_loop3A_142 = arith.addi %parallel_loop3A_141, %parallel_loop3A_138 : i32
      %parallel_loop3A_143 = arith.index_cast %parallel_loop3A_142 : i32 to index
      %parallel_loop3A_144 = tpu.vector_load %arg27[%parallel_loop3A_143] {strides = array<i32>} : memref<22544xf32, #tpu.memory_space<vmem>>, vector<16xf32>,
      %parallel_loop3A_145 = arith.maximumf %parallel_loop3A_140, %parallel_loop3A_144 : vector<16xf32>
      %parallel_loop3A_146 = arith.constant 2818 : i32
      %parallel_loop3A_147 = arith.addi %parallel_loop3A_146, %parallel_loop3A_138 : i32
      %parallel_loop3A_148 = arith.index_cast %parallel_loop3A_147 : i32 to index
      %parallel_loop3A_149 = tpu.vector_load %arg27[%parallel_loop3A_148] {strides = array<i32>} : memref<22544xf32, #tpu.memory_space<vmem>>, vector<16xf32>,
      %parallel_loop3A_150 = arith.maximumf %parallel_loop3A_145, %parallel_loop3A_149 : vector<16xf32>
      %parallel_loop3A_151 = arith.constant 4227 : i32
      %parallel_loop3A_152 = arith.addi %parallel_loop3A_151, %parallel_loop3A_138 : i32
      %parallel_loop3A_153 = arith.index_cast %parallel_loop3A_152 : i32 to index
      %parallel_loop3A_154 = tpu.vector_load %arg27[%parallel_loop3A_153] {strides = array<i32>} : memref<22544xf32, #tpu.memory_space<vmem>>, vector<16xf32>,
      %parallel_loop3A_155 = arith.maximumf %parallel_loop3A_150, %parallel_loop3A_154 : vector<16xf32>
      %parallel_loop3A_156 = arith.constant 5636 : i32
      %parallel_loop3A_157 = arith.addi %parallel_loop3A_156, %parallel_loop3A_138 : i32
      %parallel_loop3A_158 = arith.index_cast %parallel_loop3A_157 : i32 to index
      %parallel_loop3A_159 = tpu.vector_load %arg27[%parallel_loop3A_158] {strides = array<i32>} : memref<22544xf32, #tpu.memory_space<vmem>>, vector<16xf32>,
      %parallel_loop3A_160 = arith.maximumf %parallel_loop3A_155, %parallel_loop3A_159 : vector<16xf32>
      %parallel_loop3A_161 = arith.constant 7045 : i32
      %parallel_loop3A_162 = arith.addi %parallel_loop3A_161, %parallel_loop3A_138 : i32
      %parallel_loop3A_163 = arith.index_cast %parallel_loop3A_162 : i32 to index
      %parallel_loop3A_164 = tpu.vector_load %arg27[%parallel_loop3A_163] {strides = array<i32>} : memref<22544xf32, #tpu.memory_space<vmem>>, vector<16xf32>,
      %parallel_loop3A_165 = arith.maximumf %parallel_loop3A_160, %parallel_loop3A_164 : vector<16xf32>
      %parallel_loop3A_166 = arith.constant 8454 : i32
      %parallel_loop3A_167 = arith.addi %parallel_loop3A_166, %parallel_loop3A_138 : i32
      %parallel_loop3A_168 = arith.index_cast %parallel_loop3A_167 : i32 to index
      %parallel_loop3A_169 = tpu.vector_load %arg27[%parallel_loop3A_168] {strides = array<i32>} : memref<22544xf32, #tpu.memory_space<vmem>>, vector<16xf32>,
      %parallel_loop3A_170 = arith.maximumf %parallel_loop3A_165, %parallel_loop3A_169 : vector<16xf32>
      %parallel_loop3A_171 = arith.constant 9863 : i32
      %parallel_loop3A_172 = arith.addi %parallel_loop3A_171, %parallel_loop3A_138 : i32
      %parallel_loop3A_173 = arith.index_cast %parallel_loop3A_172 : i32 to index
      %parallel_loop3A_174 = tpu.vector_load %arg27[%parallel_loop3A_173] {strides = array<i32>} : memref<22544xf32, #tpu.memory_space<vmem>>, vector<16xf32>,
      %parallel_loop3A_175 = arith.maximumf %parallel_loop3A_170, %parallel_loop3A_174 : vector<16xf32>
      %parallel_loop3A_176 = arith.constant 11272 : i32
      %parallel_loop3A_177 = arith.addi %parallel_loop3A_176, %parallel_loop3A_138 : i32
      %parallel_loop3A_178 = arith.index_cast %parallel_loop3A_177 : i32 to index
      %parallel_loop3A_179 = tpu.vector_load %arg27[%parallel_loop3A_178] {strides = array<i32>} : memref<22544xf32, #tpu.memory_space<vmem>>, vector<16xf32>,
      %parallel_loop3A_180 = arith.maximumf %parallel_loop3A_175, %parallel_loop3A_179 : vector<16xf32>
      %parallel_loop3A_181 = arith.constant 12681 : i32
      %parallel_loop3A_182 = arith.addi %parallel_loop3A_181, %parallel_loop3A_138 : i32
      %parallel_loop3A_183 = arith.index_cast %parallel_loop3A_182 : i32 to index
      %parallel_loop3A_184 = tpu.vector_load %arg27[%parallel_loop3A_183] {strides = array<i32>} : memref<22544xf32, #tpu.memory_space<vmem>>, vector<16xf32>,
      %parallel_loop3A_185 = arith.maximumf %parallel_loop3A_180, %parallel_loop3A_184 : vector<16xf32>
      %parallel_loop3A_186 = arith.constant 14090 : i32
      %parallel_loop3A_187 = arith.addi %parallel_loop3A_186, %parallel_loop3A_138 : i32
      %parallel_loop3A_188 = arith.index_cast %parallel_loop3A_187 : i32 to index
      %parallel_loop3A_189 = tpu.vector_load %arg27[%parallel_loop3A_188] {strides = array<i32>} : memref<22544xf32, #tpu.memory_space<vmem>>, vector<16xf32>,
      %parallel_loop3A_190 = arith.maximumf %parallel_loop3A_185, %parallel_loop3A_189 : vector<16xf32>
      %parallel_loop3A_191 = arith.constant 15499 : i32
      %parallel_loop3A_192 = arith.addi %parallel_loop3A_191, %parallel_loop3A_138 : i32
      %parallel_loop3A_193 = arith.index_cast %parallel_loop3A_192 : i32 to index
      %parallel_loop3A_194 = tpu.vector_load %arg27[%parallel_loop3A_193] {strides = array<i32>} : memref<22544xf32, #tpu.memory_space<vmem>>, vector<16xf32>,
      %parallel_loop3A_195 = arith.maximumf %parallel_loop3A_190, %parallel_loop3A_194 : vector<16xf32>
      %parallel_loop3A_196 = arith.constant 16908 : i32
      %parallel_loop3A_197 = arith.addi %parallel_loop3A_196, %parallel_loop3A_138 : i32
      %parallel_loop3A_198 = arith.index_cast %parallel_loop3A_197 : i32 to index
      %parallel_loop3A_199 = tpu.vector_load %arg27[%parallel_loop3A_198] {strides = array<i32>} : memref<22544xf32, #tpu.memory_space<vmem>>, vector<16xf32>,
      %parallel_loop3A_200 = arith.maximumf %parallel_loop3A_195, %parallel_loop3A_199 : vector<16xf32>
      %parallel_loop3A_201 = arith.constant 18317 : i32
      %parallel_loop3A_202 = arith.addi %parallel_loop3A_201, %parallel_loop3A_138 : i32
      %parallel_loop3A_203 = arith.index_cast %parallel_loop3A_202 : i32 to index
      %parallel_loop3A_204 = tpu.vector_load %arg27[%parallel_loop3A_203] {strides = array<i32>} : memref<22544xf32, #tpu.memory_space<vmem>>, vector<16xf32>,
      %parallel_loop3A_205 = arith.maximumf %parallel_loop3A_200, %parallel_loop3A_204 : vector<16xf32>
      %parallel_loop3A_206 = arith.constant 19726 : i32
      %parallel_loop3A_207 = arith.addi %parallel_loop3A_206, %parallel_loop3A_138 : i32
      %parallel_loop3A_208 = arith.index_cast %parallel_loop3A_207 : i32 to index
      %parallel_loop3A_209 = tpu.vector_load %arg27[%parallel_loop3A_208] {strides = array<i32>} : memref<22544xf32, #tpu.memory_space<vmem>>, vector<16xf32>,
      %parallel_loop3A_210 = arith.maximumf %parallel_loop3A_205, %parallel_loop3A_209 : vector<16xf32>
      %parallel_loop3A_211 = arith.constant 21135 : i32
      %parallel_loop3A_212 = arith.addi %parallel_loop3A_211, %parallel_loop3A_138 : i32
      %parallel_loop3A_213 = arith.index_cast %parallel_loop3A_212 : i32 to index
      %parallel_loop3A_214 = tpu.vector_load %arg27[%parallel_loop3A_213] {strides = array<i32>} : memref<22544xf32, #tpu.memory_space<vmem>>, vector<16xf32>,
      %parallel_loop3A_215 = arith.maximumf %parallel_loop3A_210, %parallel_loop3A_214 : vector<16xf32>
      %parallel_loop3A_216 = arith.index_cast %parallel_loop3A_138 : i32 to index
      %parallel_loop3A_217 = tpu.vector_load %arg28[%parallel_loop3A_216] {strides = array<i32>} : memref<1408xf32, #tpu.memory_space<vmem>>, vector<16xf32>,
      tpu.vector_store %arg28[%parallel_loop3A_216], %parallel_loop3A_215 {strides = array<i32>} : memref<1408xf32, #tpu.memory_space<vmem>>, vector<16xf32>,
    } {sc.loop_unroll_factor = 2 : i64, sc.parallel_access}
    "tpu.region"() ({
      %run_scoped3A = tpu.sem_alloc : memref<!tpu.dma_semaphore, #tpu.memory_space<semaphore_mem>>
      %dma_start3A_136 = arith.constant 0 : i32
      %dma_start3A_137 = tpu.memref_slice %arg9[%add3A, %dma_start3A_136] : memref<32x1408xf32, #tpu.memory_space<hbm>> -> memref<1x1408xf32, #tpu.memory_space<hbm>>
      %dma_start3A_138 = tpu.memref_squeeze %dma_start3A_137 : memref<1x1408xf32, #tpu.memory_space<hbm>> -> memref<1408xf32, #tpu.memory_space<hbm>>
      %dma_start3A_139 = arith.constant 0 : i32
      %dma_start3A_140 = tpu.memref_slice %arg9[%add3A, %dma_start3A_139] : memref<32x1408xf32, #tpu.memory_space<hbm>> -> memref<1x1408xf32, #tpu.memory_space<hbm>>
      %dma_start3A_141 = tpu.memref_squeeze %dma_start3A_140 : memref<1x1408xf32, #tpu.memory_space<hbm>> -> memref<1408xf32, #tpu.memory_space<hbm>>
      tpu.enqueue_dma source(%arg28 : memref<1408xf32, #tpu.memory_space<vmem>>) target(%dma_start3A_141 : memref<1408xf32, #tpu.memory_space<hbm>>) target_semaphore(%run_scoped3A : memref<!tpu.dma_semaphore, #tpu.memory_space<semaphore_mem>>)
      %dma_wait3A_142 = arith.constant 0 : i32
      %dma_wait3A_143 = tpu.memref_slice %arg9[%add3A, %dma_wait3A_142] : memref<32x1408xf32, #tpu.memory_space<hbm>> -> memref<1x1408xf32, #tpu.memory_space<hbm>>
      %dma_wait3A_144 = tpu.memref_squeeze %dma_wait3A_143 : memref<1x1408xf32, #tpu.memory_space<hbm>> -> memref<1408xf32, #tpu.memory_space<hbm>>
      %dma_wait3A_145 = arith.constant 0 : i32
      %dma_wait3A_146 = tpu.memref_slice %arg9[%add3A, %dma_wait3A_145] : memref<32x1408xf32, #tpu.memory_space<hbm>> -> memref<1x1408xf32, #tpu.memory_space<hbm>>
      %dma_wait3A_147 = tpu.memref_squeeze %dma_wait3A_146 : memref<1x1408xf32, #tpu.memory_space<hbm>> -> memref<1408xf32, #tpu.memory_space<hbm>>
      tpu.wait_dma2 semaphore(%run_scoped3A : memref<!tpu.dma_semaphore, #tpu.memory_space<semaphore_mem>>) src(%arg28 : memref<1408xf32, #tpu.memory_space<vmem>>) dst(%dma_wait3A_147 : memref<1408xf32, #tpu.memory_space<hbm>>)
      tpu.yield
    }) : () -> ()
    return
  }
}

module attributes {stable_mosaic.version = 14 : i64} {
  func.func @_fin_body(%arg0: memref<32x1408xf32, #tpu.memory_space<vmem>>, %arg1: memref<1x1xf32, #tpu.memory_space<smem>>, %arg2: memref<1x1xf32, #tpu.memory_space<smem>>) attributes {dimension_semantics = [], scalar_prefetch = 0 : i64, scratch_operands = 0 : i64, tpu.core_type = #tpu.core_type<tc>} {
    %get3A = arith.constant 0 : index
    %get3A_0 = arith.constant 0 : index
    %get3A_1 = vector.load %arg0[%get3A, %get3A_0] : memref<32x1408xf32, #tpu.memory_space<vmem>>, vector<32x1408xf32>
    %reduce_max3A = arith.constant dense<0xFF800000> : vector<1408xf32>
    %reduce_max3A_2 = vector.multi_reduction <maximumf>, %get3A_1, %reduce_max3A [0] : vector<32x1408xf32> to vector<1408xf32>
    %reduce_sum3A = vector.shape_cast %reduce_max3A_2 : vector<1408xf32> to vector<1x1408xf32>
    %reduce_sum3A_3 = arith.constant dense<0.000000e+00> : vector<1xf32>
    %reduce_sum3A_4 = vector.multi_reduction <add>, %reduce_sum3A, %reduce_sum3A_3 [1] : vector<1x1408xf32> to vector<1xf32>
    %reduce_sum3A_5 = vector.shape_cast %reduce_sum3A_4 : vector<1xf32> to vector<1x1xf32>
    %reduce_sum3A_6 = vector.extract %reduce_sum3A_5[0, 0] : f32 from vector<1x1xf32>
    %get3A_7 = arith.constant 0 : index
    %get3A_8 = arith.constant 0 : index
    %get3A_9 = memref.load %arg1[%get3A_7, %get3A_8] : memref<1x1xf32, #tpu.memory_space<smem>>
    %sub3A = arith.subf %get3A_9, %reduce_sum3A_6 : f32
    %div3A = arith.divf %sub3A, %get3A_9 : f32
    %swap3A = arith.constant 0 : index
    %swap3A_10 = arith.constant 0 : index
    %swap3A_11 = memref.load %arg2[%swap3A, %swap3A_10] : memref<1x1xf32, #tpu.memory_space<smem>>
    memref.store %div3A, %arg2[%swap3A, %swap3A_10] : memref<1x1xf32, #tpu.memory_space<smem>>
    return
  }
}

module attributes {stable_mosaic.version = 14 : i64} {
  func.func @_prep_body(%arg0: memref<1000x1xi32, #tpu.memory_space<vmem>>, %arg1: memref<1x1000xi32, #tpu.memory_space<vmem>>, %arg2: memref<4x1000xf32, #tpu.memory_space<vmem>>, %arg3: memref<160x128xi32, #tpu.memory_space<vmem>>, %arg4: memref<1408x1xf32, #tpu.memory_space<vmem>>, %arg5: memref<1408x1xf32, #tpu.memory_space<vmem>>, %arg6: memref<1408x1xf32, #tpu.memory_space<vmem>>, %arg7: memref<1408x1xf32, #tpu.memory_space<vmem>>, %arg8: memref<160x128xi32, #tpu.memory_space<vmem>>, %arg9: memref<1x1xf32, #tpu.memory_space<smem>>) attributes {dimension_semantics = [], scalar_prefetch = 0 : i64, scratch_operands = 0 : i64, tpu.core_type = #tpu.core_type<tc>} {
    %get3A = arith.constant 0 : index
    %get3A_0 = arith.constant 0 : index
    %get3A_1 = vector.load %arg0[%get3A, %get3A_0] : memref<1000x1xi32, #tpu.memory_space<vmem>>, vector<1000x1xi32>
    %get3A_2 = arith.constant 0 : index
    %get3A_3 = arith.constant 0 : index
    %get3A_4 = vector.load %arg1[%get3A_2, %get3A_3] : memref<1x1000xi32, #tpu.memory_space<vmem>>, vector<1x1000xi32>
    %get3A_5 = arith.constant 0 : index
    %get3A_6 = arith.constant 0 : index
    %get3A_7 = vector.load %arg2[%get3A_5, %get3A_6] : memref<4x1000xf32, #tpu.memory_space<vmem>>, vector<4x1000xf32>
    %get3A_8 = arith.constant 0 : index
    %get3A_9 = arith.constant 0 : index
    %get3A_10 = vector.load %arg3[%get3A_8, %get3A_9] : memref<160x128xi32, #tpu.memory_space<vmem>>, vector<160x128xi32>
    %broadcast_in_dim3A = arith.constant 0 : i32
    %broadcast_in_dim3A_11 = vector.broadcast %broadcast_in_dim3A : i32 to vector<1x1000xi32>
    %broadcast_in_dim3A_12 = arith.constant 0 : i32
    %broadcast_in_dim3A_13 = vector.broadcast %broadcast_in_dim3A_12 : i32 to vector<160x128xi32>
    %broadcast_in_dim3A_14 = arith.constant 0 : i32
    %broadcast_in_dim3A_15 = vector.broadcast %broadcast_in_dim3A_14 : i32 to vector<160x128xi32>
    %eq3A = arith.constant 0 : i32
    %eq3A_16 = vector.broadcast %eq3A : i32 to vector<1x1000xi32>
    %eq3A_17 = arith.cmpi eq, %get3A_4, %eq3A_16 : vector<1x1000xi32>
    %convert_element_type3A = arith.extui %eq3A_17 : vector<1x1000xi1> to vector<1x1000xi32>
    %reduce_sum3A = vector.shape_cast %convert_element_type3A : vector<1x1000xi32> to vector<1x1x1000xi32>
    %reduce_sum3A_18 = arith.constant dense<0> : vector<1xi32>
    %reduce_sum3A_19 = vector.multi_reduction <add>, %reduce_sum3A, %reduce_sum3A_18 [1, 2] : vector<1x1x1000xi32> to vector<1xi32>
    %reduce_sum3A_20 = vector.shape_cast %reduce_sum3A_19 : vector<1xi32> to vector<1x1x1xi32>
    %reduce_sum3A_21 = vector.extract %reduce_sum3A_20[0, 0, 0] : i32 from vector<1x1x1xi32>
    %add3A = arith.constant 15 : i32
    %add3A_22 = arith.addi %reduce_sum3A_21, %add3A : i32
    %jit3A = arith.constant 16 : i32
    %div3A = arith.divsi %add3A_22, %jit3A : i32
    %sign3A = arith.constant 0 : i32
    %sign3A_23 = arith.cmpi sgt, %add3A_22, %sign3A : i32
    %sign3A_24 = arith.extui %sign3A_23 : i1 to i32
    %sign3A_25 = arith.constant 0 : i32
    %sign3A_26 = arith.cmpi slt, %add3A_22, %sign3A_25 : i32
    %sign3A_27 = arith.extui %sign3A_26 : i1 to i32
    %sign3A_28 = arith.subi %sign3A_24, %sign3A_27 : i32
    %sign3A_29 = arith.constant 0 : i32
    %sign3A_30 = arith.cmpi sgt, %jit3A, %sign3A_29 : i32
    %sign3A_31 = arith.extui %sign3A_30 : i1 to i32
    %sign3A_32 = arith.constant 0 : i32
    %sign3A_33 = arith.cmpi slt, %jit3A, %sign3A_32 : i32
    %sign3A_34 = arith.extui %sign3A_33 : i1 to i32
    %sign3A_35 = arith.subi %sign3A_31, %sign3A_34 : i32
    %ne3A = arith.cmpi ne, %sign3A_28, %sign3A_35 : i32
    %rem3A = arith.remsi %add3A_22, %jit3A : i32
    %ne3A_36 = arith.constant 0 : i32
    %ne3A_37 = arith.cmpi ne, %rem3A, %ne3A_36 : i32
    %and3A = arith.andi %ne3A, %ne3A_37 : i1
    %sub3A = arith.constant 1 : i32
    %sub3A_38 = arith.subi %div3A, %sub3A : i32
    %select_n3A = arith.select %and3A, %sub3A_38, %div3A : i32
    %jit3A_39 = arith.constant 0 : i32
    %broadcast_in_dim3A_40 = vector.broadcast %jit3A_39 : i32 to vector<1x1000xi32>
    %select_n3A_41 = arith.select %eq3A_17, %broadcast_in_dim3A_40, %broadcast_in_dim3A_11 : vector<1x1000xi1>, vector<1x1000xi32>
    %eq3A_42 = arith.constant 0 : i32
    %eq3A_43 = vector.broadcast %eq3A_42 : i32 to vector<160x128xi32>
    %eq3A_44 = arith.cmpi eq, %get3A_10, %eq3A_43 : vector<160x128xi32>
    %convert_element_type3A_45 = arith.extui %eq3A_44 : vector<160x128xi1> to vector<160x128xi32>
    %reduce_sum3A_46 = vector.shape_cast %convert_element_type3A_45 : vector<160x128xi32> to vector<1x160x128xi32>
    %reduce_sum3A_47 = arith.constant dense<0> : vector<1xi32>
    %reduce_sum3A_48 = vector.multi_reduction <add>, %reduce_sum3A_46, %reduce_sum3A_47 [1, 2] : vector<1x160x128xi32> to vector<1xi32>
    %reduce_sum3A_49 = vector.shape_cast %reduce_sum3A_48 : vector<1xi32> to vector<1x1x1xi32>
    %reduce_sum3A_50 = vector.extract %reduce_sum3A_49[0, 0, 0] : i32 from vector<1x1x1xi32>
    %jit3A_51 = arith.constant 0 : i32
    %broadcast_in_dim3A_52 = vector.broadcast %jit3A_51 : i32 to vector<160x128xi32>
    %select_n3A_53 = arith.select %eq3A_44, %broadcast_in_dim3A_52, %broadcast_in_dim3A_13 : vector<160x128xi1>, vector<160x128xi32>
    %broadcast_in_dim3A_54 = vector.broadcast %reduce_sum3A_21 : i32 to vector<160x128xi32>
    %select_n3A_55 = arith.select %eq3A_44, %broadcast_in_dim3A_54, %broadcast_in_dim3A_15 : vector<160x128xi1>, vector<160x128xi32>
    %gt3A = arith.constant 0 : i32
    %gt3A_56 = arith.cmpi sgt, %reduce_sum3A_50, %gt3A : i32
    %jit3A_57 = arith.constant 0 : i32
    %select_n3A_58 = arith.select %gt3A_56, %reduce_sum3A_21, %jit3A_57 : i32
    %add3A_59 = arith.constant 0 : i32
    %add3A_60 = arith.addi %add3A_59, %select_n3A_58 : i32
    %mul3A = arith.constant 16 : i32
    %mul3A_61 = arith.muli %mul3A, %select_n3A : i32
    %add3A_62 = arith.constant 0 : i32
    %add3A_63 = arith.addi %add3A_62, %mul3A_61 : i32
    %eq3A_64 = arith.constant 1 : i32
    %eq3A_65 = vector.broadcast %eq3A_64 : i32 to vector<1x1000xi32>
    %eq3A_66 = arith.cmpi eq, %get3A_4, %eq3A_65 : vector<1x1000xi32>
    %convert_element_type3A_67 = arith.extui %eq3A_66 : vector<1x1000xi1> to vector<1x1000xi32>
    %reduce_sum3A_68 = vector.shape_cast %convert_element_type3A_67 : vector<1x1000xi32> to vector<1x1x1000xi32>
    %reduce_sum3A_69 = arith.constant dense<0> : vector<1xi32>
    %reduce_sum3A_70 = vector.multi_reduction <add>, %reduce_sum3A_68, %reduce_sum3A_69 [1, 2] : vector<1x1x1000xi32> to vector<1xi32>
    %reduce_sum3A_71 = vector.shape_cast %reduce_sum3A_70 : vector<1xi32> to vector<1x1x1xi32>
    %reduce_sum3A_72 = vector.extract %reduce_sum3A_71[0, 0, 0] : i32 from vector<1x1x1xi32>
    %add3A_73 = arith.constant 15 : i32
    %add3A_74 = arith.addi %reduce_sum3A_72, %add3A_73 : i32
    %jit3A_75 = arith.constant 16 : i32
    %div3A_76 = arith.divsi %add3A_74, %jit3A_75 : i32
    %sign3A_77 = arith.constant 0 : i32
    %sign3A_78 = arith.cmpi sgt, %add3A_74, %sign3A_77 : i32
    %sign3A_79 = arith.extui %sign3A_78 : i1 to i32
    %sign3A_80 = arith.constant 0 : i32
    %sign3A_81 = arith.cmpi slt, %add3A_74, %sign3A_80 : i32
    %sign3A_82 = arith.extui %sign3A_81 : i1 to i32
    %sign3A_83 = arith.subi %sign3A_79, %sign3A_82 : i32
    %sign3A_84 = arith.constant 0 : i32
    %sign3A_85 = arith.cmpi sgt, %jit3A_75, %sign3A_84 : i32
    %sign3A_86 = arith.extui %sign3A_85 : i1 to i32
    %sign3A_87 = arith.constant 0 : i32
    %sign3A_88 = arith.cmpi slt, %jit3A_75, %sign3A_87 : i32
    %sign3A_89 = arith.extui %sign3A_88 : i1 to i32
    %sign3A_90 = arith.subi %sign3A_86, %sign3A_89 : i32
    %ne3A_91 = arith.cmpi ne, %sign3A_83, %sign3A_90 : i32
    %rem3A_92 = arith.remsi %add3A_74, %jit3A_75 : i32
    %ne3A_93 = arith.constant 0 : i32
    %ne3A_94 = arith.cmpi ne, %rem3A_92, %ne3A_93 : i32
    %and3A_95 = arith.andi %ne3A_91, %ne3A_94 : i1
    %sub3A_96 = arith.constant 1 : i32
    %sub3A_97 = arith.subi %div3A_76, %sub3A_96 : i32
    %select_n3A_98 = arith.select %and3A_95, %sub3A_97, %div3A_76 : i32
    %broadcast_in_dim3A_99 = vector.broadcast %add3A_63 : i32 to vector<1x1000xi32>
    %select_n3A_100 = arith.select %eq3A_66, %broadcast_in_dim3A_99, %select_n3A_41 : vector<1x1000xi1>, vector<1x1000xi32>
    %eq3A_101 = arith.constant 1 : i32
    %eq3A_102 = vector.broadcast %eq3A_101 : i32 to vector<160x128xi32>
    %eq3A_103 = arith.cmpi eq, %get3A_10, %eq3A_102 : vector<160x128xi32>
    %convert_element_type3A_104 = arith.extui %eq3A_103 : vector<160x128xi1> to vector<160x128xi32>
    %reduce_sum3A_105 = vector.shape_cast %convert_element_type3A_104 : vector<160x128xi32> to vector<1x160x128xi32>
    %reduce_sum3A_106 = arith.constant dense<0> : vector<1xi32>
    %reduce_sum3A_107 = vector.multi_reduction <add>, %reduce_sum3A_105, %reduce_sum3A_106 [1, 2] : vector<1x160x128xi32> to vector<1xi32>
    %reduce_sum3A_108 = vector.shape_cast %reduce_sum3A_107 : vector<1xi32> to vector<1x1x1xi32>
    %reduce_sum3A_109 = vector.extract %reduce_sum3A_108[0, 0, 0] : i32 from vector<1x1x1xi32>
    %broadcast_in_dim3A_110 = vector.broadcast %add3A_63 : i32 to vector<160x128xi32>
    %select_n3A_111 = arith.select %eq3A_103, %broadcast_in_dim3A_110, %select_n3A_53 : vector<160x128xi1>, vector<160x128xi32>
    %broadcast_in_dim3A_112 = vector.broadcast %reduce_sum3A_72 : i32 to vector<160x128xi32>
    %select_n3A_113 = arith.select %eq3A_103, %broadcast_in_dim3A_112, %select_n3A_55 : vector<160x128xi1>, vector<160x128xi32>
    %gt3A_114 = arith.constant 0 : i32
    %gt3A_115 = arith.cmpi sgt, %reduce_sum3A_109, %gt3A_114 : i32
    %jit3A_116 = arith.constant 0 : i32
    %select_n3A_117 = arith.select %gt3A_115, %reduce_sum3A_72, %jit3A_116 : i32
    %add3A_118 = arith.addi %add3A_60, %select_n3A_117 : i32
    %mul3A_119 = arith.constant 16 : i32
    %mul3A_120 = arith.muli %mul3A_119, %select_n3A_98 : i32
    %add3A_121 = arith.addi %add3A_63, %mul3A_120 : i32
    %eq3A_122 = arith.constant 2 : i32
    %eq3A_123 = vector.broadcast %eq3A_122 : i32 to vector<1x1000xi32>
    %eq3A_124 = arith.cmpi eq, %get3A_4, %eq3A_123 : vector<1x1000xi32>
    %convert_element_type3A_125 = arith.extui %eq3A_124 : vector<1x1000xi1> to vector<1x1000xi32>
    %reduce_sum3A_126 = vector.shape_cast %convert_element_type3A_125 : vector<1x1000xi32> to vector<1x1x1000xi32>
    %reduce_sum3A_127 = arith.constant dense<0> : vector<1xi32>
    %reduce_sum3A_128 = vector.multi_reduction <add>, %reduce_sum3A_126, %reduce_sum3A_127 [1, 2] : vector<1x1x1000xi32> to vector<1xi32>
    %reduce_sum3A_129 = vector.shape_cast %reduce_sum3A_128 : vector<1xi32> to vector<1x1x1xi32>
    %reduce_sum3A_130 = vector.extract %reduce_sum3A_129[0, 0, 0] : i32 from vector<1x1x1xi32>
    %add3A_131 = arith.constant 15 : i32
    %add3A_132 = arith.addi %reduce_sum3A_130, %add3A_131 : i32
    %jit3A_133 = arith.constant 16 : i32
    %div3A_134 = arith.divsi %add3A_132, %jit3A_133 : i32
    %sign3A_135 = arith.constant 0 : i32
    %sign3A_136 = arith.cmpi sgt, %add3A_132, %sign3A_135 : i32
    %sign3A_137 = arith.extui %sign3A_136 : i1 to i32
    %sign3A_138 = arith.constant 0 : i32
    %sign3A_139 = arith.cmpi slt, %add3A_132, %sign3A_138 : i32
    %sign3A_140 = arith.extui %sign3A_139 : i1 to i32
    %sign3A_141 = arith.subi %sign3A_137, %sign3A_140 : i32
    %sign3A_142 = arith.constant 0 : i32
    %sign3A_143 = arith.cmpi sgt, %jit3A_133, %sign3A_142 : i32
    %sign3A_144 = arith.extui %sign3A_143 : i1 to i32
    %sign3A_145 = arith.constant 0 : i32
    %sign3A_146 = arith.cmpi slt, %jit3A_133, %sign3A_145 : i32
    %sign3A_147 = arith.extui %sign3A_146 : i1 to i32
    %sign3A_148 = arith.subi %sign3A_144, %sign3A_147 : i32
    %ne3A_149 = arith.cmpi ne, %sign3A_141, %sign3A_148 : i32
    %rem3A_150 = arith.remsi %add3A_132, %jit3A_133 : i32
    %ne3A_151 = arith.constant 0 : i32
    %ne3A_152 = arith.cmpi ne, %rem3A_150, %ne3A_151 : i32
    %and3A_153 = arith.andi %ne3A_149, %ne3A_152 : i1
    %sub3A_154 = arith.constant 1 : i32
    %sub3A_155 = arith.subi %div3A_134, %sub3A_154 : i32
    %select_n3A_156 = arith.select %and3A_153, %sub3A_155, %div3A_134 : i32
    %broadcast_in_dim3A_157 = vector.broadcast %add3A_121 : i32 to vector<1x1000xi32>
    %select_n3A_158 = arith.select %eq3A_124, %broadcast_in_dim3A_157, %select_n3A_100 : vector<1x1000xi1>, vector<1x1000xi32>
    %eq3A_159 = arith.constant 2 : i32
    %eq3A_160 = vector.broadcast %eq3A_159 : i32 to vector<160x128xi32>
    %eq3A_161 = arith.cmpi eq, %get3A_10, %eq3A_160 : vector<160x128xi32>
    %convert_element_type3A_162 = arith.extui %eq3A_161 : vector<160x128xi1> to vector<160x128xi32>
    %reduce_sum3A_163 = vector.shape_cast %convert_element_type3A_162 : vector<160x128xi32> to vector<1x160x128xi32>
    %reduce_sum3A_164 = arith.constant dense<0> : vector<1xi32>
    %reduce_sum3A_165 = vector.multi_reduction <add>, %reduce_sum3A_163, %reduce_sum3A_164 [1, 2] : vector<1x160x128xi32> to vector<1xi32>
    %reduce_sum3A_166 = vector.shape_cast %reduce_sum3A_165 : vector<1xi32> to vector<1x1x1xi32>
    %reduce_sum3A_167 = vector.extract %reduce_sum3A_166[0, 0, 0] : i32 from vector<1x1x1xi32>
    %broadcast_in_dim3A_168 = vector.broadcast %add3A_121 : i32 to vector<160x128xi32>
    %select_n3A_169 = arith.select %eq3A_161, %broadcast_in_dim3A_168, %select_n3A_111 : vector<160x128xi1>, vector<160x128xi32>
    %broadcast_in_dim3A_170 = vector.broadcast %reduce_sum3A_130 : i32 to vector<160x128xi32>
    %select_n3A_171 = arith.select %eq3A_161, %broadcast_in_dim3A_170, %select_n3A_113 : vector<160x128xi1>, vector<160x128xi32>
    %gt3A_172 = arith.constant 0 : i32
    %gt3A_173 = arith.cmpi sgt, %reduce_sum3A_167, %gt3A_172 : i32
    %jit3A_174 = arith.constant 0 : i32
    %select_n3A_175 = arith.select %gt3A_173, %reduce_sum3A_130, %jit3A_174 : i32
    %add3A_176 = arith.addi %add3A_118, %select_n3A_175 : i32
    %mul3A_177 = arith.constant 16 : i32
    %mul3A_178 = arith.muli %mul3A_177, %select_n3A_156 : i32
    %add3A_179 = arith.addi %add3A_121, %mul3A_178 : i32
    %eq3A_180 = arith.constant 3 : i32
    %eq3A_181 = vector.broadcast %eq3A_180 : i32 to vector<1x1000xi32>
    %eq3A_182 = arith.cmpi eq, %get3A_4, %eq3A_181 : vector<1x1000xi32>
    %convert_element_type3A_183 = arith.extui %eq3A_182 : vector<1x1000xi1> to vector<1x1000xi32>
    %reduce_sum3A_184 = vector.shape_cast %convert_element_type3A_183 : vector<1x1000xi32> to vector<1x1x1000xi32>
    %reduce_sum3A_185 = arith.constant dense<0> : vector<1xi32>
    %reduce_sum3A_186 = vector.multi_reduction <add>, %reduce_sum3A_184, %reduce_sum3A_185 [1, 2] : vector<1x1x1000xi32> to vector<1xi32>
    %reduce_sum3A_187 = vector.shape_cast %reduce_sum3A_186 : vector<1xi32> to vector<1x1x1xi32>
    %reduce_sum3A_188 = vector.extract %reduce_sum3A_187[0, 0, 0] : i32 from vector<1x1x1xi32>
    %add3A_189 = arith.constant 15 : i32
    %add3A_190 = arith.addi %reduce_sum3A_188, %add3A_189 : i32
    %jit3A_191 = arith.constant 16 : i32
    %div3A_192 = arith.divsi %add3A_190, %jit3A_191 : i32
    %sign3A_193 = arith.constant 0 : i32
    %sign3A_194 = arith.cmpi sgt, %add3A_190, %sign3A_193 : i32
    %sign3A_195 = arith.extui %sign3A_194 : i1 to i32
    %sign3A_196 = arith.constant 0 : i32
    %sign3A_197 = arith.cmpi slt, %add3A_190, %sign3A_196 : i32
    %sign3A_198 = arith.extui %sign3A_197 : i1 to i32
    %sign3A_199 = arith.subi %sign3A_195, %sign3A_198 : i32
    %sign3A_200 = arith.constant 0 : i32
    %sign3A_201 = arith.cmpi sgt, %jit3A_191, %sign3A_200 : i32
    %sign3A_202 = arith.extui %sign3A_201 : i1 to i32
    %sign3A_203 = arith.constant 0 : i32
    %sign3A_204 = arith.cmpi slt, %jit3A_191, %sign3A_203 : i32
    %sign3A_205 = arith.extui %sign3A_204 : i1 to i32
    %sign3A_206 = arith.subi %sign3A_202, %sign3A_205 : i32
    %ne3A_207 = arith.cmpi ne, %sign3A_199, %sign3A_206 : i32
    %rem3A_208 = arith.remsi %add3A_190, %jit3A_191 : i32
    %ne3A_209 = arith.constant 0 : i32
    %ne3A_210 = arith.cmpi ne, %rem3A_208, %ne3A_209 : i32
    %and3A_211 = arith.andi %ne3A_207, %ne3A_210 : i1
    %sub3A_212 = arith.constant 1 : i32
    %sub3A_213 = arith.subi %div3A_192, %sub3A_212 : i32
    %select_n3A_214 = arith.select %and3A_211, %sub3A_213, %div3A_192 : i32
    %broadcast_in_dim3A_215 = vector.broadcast %add3A_179 : i32 to vector<1x1000xi32>
    %select_n3A_216 = arith.select %eq3A_182, %broadcast_in_dim3A_215, %select_n3A_158 : vector<1x1000xi1>, vector<1x1000xi32>
    %eq3A_217 = arith.constant 3 : i32
    %eq3A_218 = vector.broadcast %eq3A_217 : i32 to vector<160x128xi32>
    %eq3A_219 = arith.cmpi eq, %get3A_10, %eq3A_218 : vector<160x128xi32>
    %convert_element_type3A_220 = arith.extui %eq3A_219 : vector<160x128xi1> to vector<160x128xi32>
    %reduce_sum3A_221 = vector.shape_cast %convert_element_type3A_220 : vector<160x128xi32> to vector<1x160x128xi32>
    %reduce_sum3A_222 = arith.constant dense<0> : vector<1xi32>
    %reduce_sum3A_223 = vector.multi_reduction <add>, %reduce_sum3A_221, %reduce_sum3A_222 [1, 2] : vector<1x160x128xi32> to vector<1xi32>
    %reduce_sum3A_224 = vector.shape_cast %reduce_sum3A_223 : vector<1xi32> to vector<1x1x1xi32>
    %reduce_sum3A_225 = vector.extract %reduce_sum3A_224[0, 0, 0] : i32 from vector<1x1x1xi32>
    %broadcast_in_dim3A_226 = vector.broadcast %add3A_179 : i32 to vector<160x128xi32>
    %select_n3A_227 = arith.select %eq3A_219, %broadcast_in_dim3A_226, %select_n3A_169 : vector<160x128xi1>, vector<160x128xi32>
    %broadcast_in_dim3A_228 = vector.broadcast %reduce_sum3A_188 : i32 to vector<160x128xi32>
    %select_n3A_229 = arith.select %eq3A_219, %broadcast_in_dim3A_228, %select_n3A_171 : vector<160x128xi1>, vector<160x128xi32>
    %gt3A_230 = arith.constant 0 : i32
    %gt3A_231 = arith.cmpi sgt, %reduce_sum3A_225, %gt3A_230 : i32
    %jit3A_232 = arith.constant 0 : i32
    %select_n3A_233 = arith.select %gt3A_231, %reduce_sum3A_188, %jit3A_232 : i32
    %add3A_234 = arith.addi %add3A_176, %select_n3A_233 : i32
    %mul3A_235 = arith.constant 16 : i32
    %mul3A_236 = arith.muli %mul3A_235, %select_n3A_214 : i32
    %add3A_237 = arith.addi %add3A_179, %mul3A_236 : i32
    %eq3A_238 = arith.constant 4 : i32
    %eq3A_239 = vector.broadcast %eq3A_238 : i32 to vector<1x1000xi32>
    %eq3A_240 = arith.cmpi eq, %get3A_4, %eq3A_239 : vector<1x1000xi32>
    %convert_element_type3A_241 = arith.extui %eq3A_240 : vector<1x1000xi1> to vector<1x1000xi32>
    %reduce_sum3A_242 = vector.shape_cast %convert_element_type3A_241 : vector<1x1000xi32> to vector<1x1x1000xi32>
    %reduce_sum3A_243 = arith.constant dense<0> : vector<1xi32>
    %reduce_sum3A_244 = vector.multi_reduction <add>, %reduce_sum3A_242, %reduce_sum3A_243 [1, 2] : vector<1x1x1000xi32> to vector<1xi32>
    %reduce_sum3A_245 = vector.shape_cast %reduce_sum3A_244 : vector<1xi32> to vector<1x1x1xi32>
    %reduce_sum3A_246 = vector.extract %reduce_sum3A_245[0, 0, 0] : i32 from vector<1x1x1xi32>
    %add3A_247 = arith.constant 15 : i32
    %add3A_248 = arith.addi %reduce_sum3A_246, %add3A_247 : i32
    %jit3A_249 = arith.constant 16 : i32
    %div3A_250 = arith.divsi %add3A_248, %jit3A_249 : i32
    %sign3A_251 = arith.constant 0 : i32
    %sign3A_252 = arith.cmpi sgt, %add3A_248, %sign3A_251 : i32
    %sign3A_253 = arith.extui %sign3A_252 : i1 to i32
    %sign3A_254 = arith.constant 0 : i32
    %sign3A_255 = arith.cmpi slt, %add3A_248, %sign3A_254 : i32
    %sign3A_256 = arith.extui %sign3A_255 : i1 to i32
    %sign3A_257 = arith.subi %sign3A_253, %sign3A_256 : i32
    %sign3A_258 = arith.constant 0 : i32
    %sign3A_259 = arith.cmpi sgt, %jit3A_249, %sign3A_258 : i32
    %sign3A_260 = arith.extui %sign3A_259 : i1 to i32
    %sign3A_261 = arith.constant 0 : i32
    %sign3A_262 = arith.cmpi slt, %jit3A_249, %sign3A_261 : i32
    %sign3A_263 = arith.extui %sign3A_262 : i1 to i32
    %sign3A_264 = arith.subi %sign3A_260, %sign3A_263 : i32
    %ne3A_265 = arith.cmpi ne, %sign3A_257, %sign3A_264 : i32
    %rem3A_266 = arith.remsi %add3A_248, %jit3A_249 : i32
    %ne3A_267 = arith.constant 0 : i32
    %ne3A_268 = arith.cmpi ne, %rem3A_266, %ne3A_267 : i32
    %and3A_269 = arith.andi %ne3A_265, %ne3A_268 : i1
    %sub3A_270 = arith.constant 1 : i32
    %sub3A_271 = arith.subi %div3A_250, %sub3A_270 : i32
    %select_n3A_272 = arith.select %and3A_269, %sub3A_271, %div3A_250 : i32
    %broadcast_in_dim3A_273 = vector.broadcast %add3A_237 : i32 to vector<1x1000xi32>
    %select_n3A_274 = arith.select %eq3A_240, %broadcast_in_dim3A_273, %select_n3A_216 : vector<1x1000xi1>, vector<1x1000xi32>
    %eq3A_275 = arith.constant 4 : i32
    %eq3A_276 = vector.broadcast %eq3A_275 : i32 to vector<160x128xi32>
    %eq3A_277 = arith.cmpi eq, %get3A_10, %eq3A_276 : vector<160x128xi32>
    %convert_element_type3A_278 = arith.extui %eq3A_277 : vector<160x128xi1> to vector<160x128xi32>
    %reduce_sum3A_279 = vector.shape_cast %convert_element_type3A_278 : vector<160x128xi32> to vector<1x160x128xi32>
    %reduce_sum3A_280 = arith.constant dense<0> : vector<1xi32>
    %reduce_sum3A_281 = vector.multi_reduction <add>, %reduce_sum3A_279, %reduce_sum3A_280 [1, 2] : vector<1x160x128xi32> to vector<1xi32>
    %reduce_sum3A_282 = vector.shape_cast %reduce_sum3A_281 : vector<1xi32> to vector<1x1x1xi32>
    %reduce_sum3A_283 = vector.extract %reduce_sum3A_282[0, 0, 0] : i32 from vector<1x1x1xi32>
    %broadcast_in_dim3A_284 = vector.broadcast %add3A_237 : i32 to vector<160x128xi32>
    %select_n3A_285 = arith.select %eq3A_277, %broadcast_in_dim3A_284, %select_n3A_227 : vector<160x128xi1>, vector<160x128xi32>
    %broadcast_in_dim3A_286 = vector.broadcast %reduce_sum3A_246 : i32 to vector<160x128xi32>
    %select_n3A_287 = arith.select %eq3A_277, %broadcast_in_dim3A_286, %select_n3A_229 : vector<160x128xi1>, vector<160x128xi32>
    %gt3A_288 = arith.constant 0 : i32
    %gt3A_289 = arith.cmpi sgt, %reduce_sum3A_283, %gt3A_288 : i32
    %jit3A_290 = arith.constant 0 : i32
    %select_n3A_291 = arith.select %gt3A_289, %reduce_sum3A_246, %jit3A_290 : i32
    %add3A_292 = arith.addi %add3A_234, %select_n3A_291 : i32
    %mul3A_293 = arith.constant 16 : i32
    %mul3A_294 = arith.muli %mul3A_293, %select_n3A_272 : i32
    %add3A_295 = arith.addi %add3A_237, %mul3A_294 : i32
    %eq3A_296 = arith.constant 5 : i32
    %eq3A_297 = vector.broadcast %eq3A_296 : i32 to vector<1x1000xi32>
    %eq3A_298 = arith.cmpi eq, %get3A_4, %eq3A_297 : vector<1x1000xi32>
    %convert_element_type3A_299 = arith.extui %eq3A_298 : vector<1x1000xi1> to vector<1x1000xi32>
    %reduce_sum3A_300 = vector.shape_cast %convert_element_type3A_299 : vector<1x1000xi32> to vector<1x1x1000xi32>
    %reduce_sum3A_301 = arith.constant dense<0> : vector<1xi32>
    %reduce_sum3A_302 = vector.multi_reduction <add>, %reduce_sum3A_300, %reduce_sum3A_301 [1, 2] : vector<1x1x1000xi32> to vector<1xi32>
    %reduce_sum3A_303 = vector.shape_cast %reduce_sum3A_302 : vector<1xi32> to vector<1x1x1xi32>
    %reduce_sum3A_304 = vector.extract %reduce_sum3A_303[0, 0, 0] : i32 from vector<1x1x1xi32>
    %add3A_305 = arith.constant 15 : i32
    %add3A_306 = arith.addi %reduce_sum3A_304, %add3A_305 : i32
    %jit3A_307 = arith.constant 16 : i32
    %div3A_308 = arith.divsi %add3A_306, %jit3A_307 : i32
    %sign3A_309 = arith.constant 0 : i32
    %sign3A_310 = arith.cmpi sgt, %add3A_306, %sign3A_309 : i32
    %sign3A_311 = arith.extui %sign3A_310 : i1 to i32
    %sign3A_312 = arith.constant 0 : i32
    %sign3A_313 = arith.cmpi slt, %add3A_306, %sign3A_312 : i32
    %sign3A_314 = arith.extui %sign3A_313 : i1 to i32
    %sign3A_315 = arith.subi %sign3A_311, %sign3A_314 : i32
    %sign3A_316 = arith.constant 0 : i32
    %sign3A_317 = arith.cmpi sgt, %jit3A_307, %sign3A_316 : i32
    %sign3A_318 = arith.extui %sign3A_317 : i1 to i32
    %sign3A_319 = arith.constant 0 : i32
    %sign3A_320 = arith.cmpi slt, %jit3A_307, %sign3A_319 : i32
    %sign3A_321 = arith.extui %sign3A_320 : i1 to i32
    %sign3A_322 = arith.subi %sign3A_318, %sign3A_321 : i32
    %ne3A_323 = arith.cmpi ne, %sign3A_315, %sign3A_322 : i32
    %rem3A_324 = arith.remsi %add3A_306, %jit3A_307 : i32
    %ne3A_325 = arith.constant 0 : i32
    %ne3A_326 = arith.cmpi ne, %rem3A_324, %ne3A_325 : i32
    %and3A_327 = arith.andi %ne3A_323, %ne3A_326 : i1
    %sub3A_328 = arith.constant 1 : i32
    %sub3A_329 = arith.subi %div3A_308, %sub3A_328 : i32
    %select_n3A_330 = arith.select %and3A_327, %sub3A_329, %div3A_308 : i32
    %broadcast_in_dim3A_331 = vector.broadcast %add3A_295 : i32 to vector<1x1000xi32>
    %select_n3A_332 = arith.select %eq3A_298, %broadcast_in_dim3A_331, %select_n3A_274 : vector<1x1000xi1>, vector<1x1000xi32>
    %eq3A_333 = arith.constant 5 : i32
    %eq3A_334 = vector.broadcast %eq3A_333 : i32 to vector<160x128xi32>
    %eq3A_335 = arith.cmpi eq, %get3A_10, %eq3A_334 : vector<160x128xi32>
    %convert_element_type3A_336 = arith.extui %eq3A_335 : vector<160x128xi1> to vector<160x128xi32>
    %reduce_sum3A_337 = vector.shape_cast %convert_element_type3A_336 : vector<160x128xi32> to vector<1x160x128xi32>
    %reduce_sum3A_338 = arith.constant dense<0> : vector<1xi32>
    %reduce_sum3A_339 = vector.multi_reduction <add>, %reduce_sum3A_337, %reduce_sum3A_338 [1, 2] : vector<1x160x128xi32> to vector<1xi32>
    %reduce_sum3A_340 = vector.shape_cast %reduce_sum3A_339 : vector<1xi32> to vector<1x1x1xi32>
    %reduce_sum3A_341 = vector.extract %reduce_sum3A_340[0, 0, 0] : i32 from vector<1x1x1xi32>
    %broadcast_in_dim3A_342 = vector.broadcast %add3A_295 : i32 to vector<160x128xi32>
    %select_n3A_343 = arith.select %eq3A_335, %broadcast_in_dim3A_342, %select_n3A_285 : vector<160x128xi1>, vector<160x128xi32>
    %broadcast_in_dim3A_344 = vector.broadcast %reduce_sum3A_304 : i32 to vector<160x128xi32>
    %select_n3A_345 = arith.select %eq3A_335, %broadcast_in_dim3A_344, %select_n3A_287 : vector<160x128xi1>, vector<160x128xi32>
    %gt3A_346 = arith.constant 0 : i32
    %gt3A_347 = arith.cmpi sgt, %reduce_sum3A_341, %gt3A_346 : i32
    %jit3A_348 = arith.constant 0 : i32
    %select_n3A_349 = arith.select %gt3A_347, %reduce_sum3A_304, %jit3A_348 : i32
    %add3A_350 = arith.addi %add3A_292, %select_n3A_349 : i32
    %mul3A_351 = arith.constant 16 : i32
    %mul3A_352 = arith.muli %mul3A_351, %select_n3A_330 : i32
    %add3A_353 = arith.addi %add3A_295, %mul3A_352 : i32
    %eq3A_354 = arith.constant 6 : i32
    %eq3A_355 = vector.broadcast %eq3A_354 : i32 to vector<1x1000xi32>
    %eq3A_356 = arith.cmpi eq, %get3A_4, %eq3A_355 : vector<1x1000xi32>
    %convert_element_type3A_357 = arith.extui %eq3A_356 : vector<1x1000xi1> to vector<1x1000xi32>
    %reduce_sum3A_358 = vector.shape_cast %convert_element_type3A_357 : vector<1x1000xi32> to vector<1x1x1000xi32>
    %reduce_sum3A_359 = arith.constant dense<0> : vector<1xi32>
    %reduce_sum3A_360 = vector.multi_reduction <add>, %reduce_sum3A_358, %reduce_sum3A_359 [1, 2] : vector<1x1x1000xi32> to vector<1xi32>
    %reduce_sum3A_361 = vector.shape_cast %reduce_sum3A_360 : vector<1xi32> to vector<1x1x1xi32>
    %reduce_sum3A_362 = vector.extract %reduce_sum3A_361[0, 0, 0] : i32 from vector<1x1x1xi32>
    %add3A_363 = arith.constant 15 : i32
    %add3A_364 = arith.addi %reduce_sum3A_362, %add3A_363 : i32
    %jit3A_365 = arith.constant 16 : i32
    %div3A_366 = arith.divsi %add3A_364, %jit3A_365 : i32
    %sign3A_367 = arith.constant 0 : i32
    %sign3A_368 = arith.cmpi sgt, %add3A_364, %sign3A_367 : i32
    %sign3A_369 = arith.extui %sign3A_368 : i1 to i32
    %sign3A_370 = arith.constant 0 : i32
    %sign3A_371 = arith.cmpi slt, %add3A_364, %sign3A_370 : i32
    %sign3A_372 = arith.extui %sign3A_371 : i1 to i32
    %sign3A_373 = arith.subi %sign3A_369, %sign3A_372 : i32
    %sign3A_374 = arith.constant 0 : i32
    %sign3A_375 = arith.cmpi sgt, %jit3A_365, %sign3A_374 : i32
    %sign3A_376 = arith.extui %sign3A_375 : i1 to i32
    %sign3A_377 = arith.constant 0 : i32
    %sign3A_378 = arith.cmpi slt, %jit3A_365, %sign3A_377 : i32
    %sign3A_379 = arith.extui %sign3A_378 : i1 to i32
    %sign3A_380 = arith.subi %sign3A_376, %sign3A_379 : i32
    %ne3A_381 = arith.cmpi ne, %sign3A_373, %sign3A_380 : i32
    %rem3A_382 = arith.remsi %add3A_364, %jit3A_365 : i32
    %ne3A_383 = arith.constant 0 : i32
    %ne3A_384 = arith.cmpi ne, %rem3A_382, %ne3A_383 : i32
    %and3A_385 = arith.andi %ne3A_381, %ne3A_384 : i1
    %sub3A_386 = arith.constant 1 : i32
    %sub3A_387 = arith.subi %div3A_366, %sub3A_386 : i32
    %select_n3A_388 = arith.select %and3A_385, %sub3A_387, %div3A_366 : i32
    %broadcast_in_dim3A_389 = vector.broadcast %add3A_353 : i32 to vector<1x1000xi32>
    %select_n3A_390 = arith.select %eq3A_356, %broadcast_in_dim3A_389, %select_n3A_332 : vector<1x1000xi1>, vector<1x1000xi32>
    %eq3A_391 = arith.constant 6 : i32
    %eq3A_392 = vector.broadcast %eq3A_391 : i32 to vector<160x128xi32>
    %eq3A_393 = arith.cmpi eq, %get3A_10, %eq3A_392 : vector<160x128xi32>
    %convert_element_type3A_394 = arith.extui %eq3A_393 : vector<160x128xi1> to vector<160x128xi32>
    %reduce_sum3A_395 = vector.shape_cast %convert_element_type3A_394 : vector<160x128xi32> to vector<1x160x128xi32>
    %reduce_sum3A_396 = arith.constant dense<0> : vector<1xi32>
    %reduce_sum3A_397 = vector.multi_reduction <add>, %reduce_sum3A_395, %reduce_sum3A_396 [1, 2] : vector<1x160x128xi32> to vector<1xi32>
    %reduce_sum3A_398 = vector.shape_cast %reduce_sum3A_397 : vector<1xi32> to vector<1x1x1xi32>
    %reduce_sum3A_399 = vector.extract %reduce_sum3A_398[0, 0, 0] : i32 from vector<1x1x1xi32>
    %broadcast_in_dim3A_400 = vector.broadcast %add3A_353 : i32 to vector<160x128xi32>
    %select_n3A_401 = arith.select %eq3A_393, %broadcast_in_dim3A_400, %select_n3A_343 : vector<160x128xi1>, vector<160x128xi32>
    %broadcast_in_dim3A_402 = vector.broadcast %reduce_sum3A_362 : i32 to vector<160x128xi32>
    %select_n3A_403 = arith.select %eq3A_393, %broadcast_in_dim3A_402, %select_n3A_345 : vector<160x128xi1>, vector<160x128xi32>
    %gt3A_404 = arith.constant 0 : i32
    %gt3A_405 = arith.cmpi sgt, %reduce_sum3A_399, %gt3A_404 : i32
    %jit3A_406 = arith.constant 0 : i32
    %select_n3A_407 = arith.select %gt3A_405, %reduce_sum3A_362, %jit3A_406 : i32
    %add3A_408 = arith.addi %add3A_350, %select_n3A_407 : i32
    %mul3A_409 = arith.constant 16 : i32
    %mul3A_410 = arith.muli %mul3A_409, %select_n3A_388 : i32
    %add3A_411 = arith.addi %add3A_353, %mul3A_410 : i32
    %eq3A_412 = arith.constant 7 : i32
    %eq3A_413 = vector.broadcast %eq3A_412 : i32 to vector<1x1000xi32>
    %eq3A_414 = arith.cmpi eq, %get3A_4, %eq3A_413 : vector<1x1000xi32>
    %convert_element_type3A_415 = arith.extui %eq3A_414 : vector<1x1000xi1> to vector<1x1000xi32>
    %reduce_sum3A_416 = vector.shape_cast %convert_element_type3A_415 : vector<1x1000xi32> to vector<1x1x1000xi32>
    %reduce_sum3A_417 = arith.constant dense<0> : vector<1xi32>
    %reduce_sum3A_418 = vector.multi_reduction <add>, %reduce_sum3A_416, %reduce_sum3A_417 [1, 2] : vector<1x1x1000xi32> to vector<1xi32>
    %reduce_sum3A_419 = vector.shape_cast %reduce_sum3A_418 : vector<1xi32> to vector<1x1x1xi32>
    %reduce_sum3A_420 = vector.extract %reduce_sum3A_419[0, 0, 0] : i32 from vector<1x1x1xi32>
    %add3A_421 = arith.constant 15 : i32
    %add3A_422 = arith.addi %reduce_sum3A_420, %add3A_421 : i32
    %jit3A_423 = arith.constant 16 : i32
    %div3A_424 = arith.divsi %add3A_422, %jit3A_423 : i32
    %sign3A_425 = arith.constant 0 : i32
    %sign3A_426 = arith.cmpi sgt, %add3A_422, %sign3A_425 : i32
    %sign3A_427 = arith.extui %sign3A_426 : i1 to i32
    %sign3A_428 = arith.constant 0 : i32
    %sign3A_429 = arith.cmpi slt, %add3A_422, %sign3A_428 : i32
    %sign3A_430 = arith.extui %sign3A_429 : i1 to i32
    %sign3A_431 = arith.subi %sign3A_427, %sign3A_430 : i32
    %sign3A_432 = arith.constant 0 : i32
    %sign3A_433 = arith.cmpi sgt, %jit3A_423, %sign3A_432 : i32
    %sign3A_434 = arith.extui %sign3A_433 : i1 to i32
    %sign3A_435 = arith.constant 0 : i32
    %sign3A_436 = arith.cmpi slt, %jit3A_423, %sign3A_435 : i32
    %sign3A_437 = arith.extui %sign3A_436 : i1 to i32
    %sign3A_438 = arith.subi %sign3A_434, %sign3A_437 : i32
    %ne3A_439 = arith.cmpi ne, %sign3A_431, %sign3A_438 : i32
    %rem3A_440 = arith.remsi %add3A_422, %jit3A_423 : i32
    %ne3A_441 = arith.constant 0 : i32
    %ne3A_442 = arith.cmpi ne, %rem3A_440, %ne3A_441 : i32
    %and3A_443 = arith.andi %ne3A_439, %ne3A_442 : i1
    %sub3A_444 = arith.constant 1 : i32
    %sub3A_445 = arith.subi %div3A_424, %sub3A_444 : i32
    %select_n3A_446 = arith.select %and3A_443, %sub3A_445, %div3A_424 : i32
    %broadcast_in_dim3A_447 = vector.broadcast %add3A_411 : i32 to vector<1x1000xi32>
    %select_n3A_448 = arith.select %eq3A_414, %broadcast_in_dim3A_447, %select_n3A_390 : vector<1x1000xi1>, vector<1x1000xi32>
    %eq3A_449 = arith.constant 7 : i32
    %eq3A_450 = vector.broadcast %eq3A_449 : i32 to vector<160x128xi32>
    %eq3A_451 = arith.cmpi eq, %get3A_10, %eq3A_450 : vector<160x128xi32>
    %convert_element_type3A_452 = arith.extui %eq3A_451 : vector<160x128xi1> to vector<160x128xi32>
    %reduce_sum3A_453 = vector.shape_cast %convert_element_type3A_452 : vector<160x128xi32> to vector<1x160x128xi32>
    %reduce_sum3A_454 = arith.constant dense<0> : vector<1xi32>
    %reduce_sum3A_455 = vector.multi_reduction <add>, %reduce_sum3A_453, %reduce_sum3A_454 [1, 2] : vector<1x160x128xi32> to vector<1xi32>
    %reduce_sum3A_456 = vector.shape_cast %reduce_sum3A_455 : vector<1xi32> to vector<1x1x1xi32>
    %reduce_sum3A_457 = vector.extract %reduce_sum3A_456[0, 0, 0] : i32 from vector<1x1x1xi32>
    %broadcast_in_dim3A_458 = vector.broadcast %add3A_411 : i32 to vector<160x128xi32>
    %select_n3A_459 = arith.select %eq3A_451, %broadcast_in_dim3A_458, %select_n3A_401 : vector<160x128xi1>, vector<160x128xi32>
    %broadcast_in_dim3A_460 = vector.broadcast %reduce_sum3A_420 : i32 to vector<160x128xi32>
    %select_n3A_461 = arith.select %eq3A_451, %broadcast_in_dim3A_460, %select_n3A_403 : vector<160x128xi1>, vector<160x128xi32>
    %gt3A_462 = arith.constant 0 : i32
    %gt3A_463 = arith.cmpi sgt, %reduce_sum3A_457, %gt3A_462 : i32
    %jit3A_464 = arith.constant 0 : i32
    %select_n3A_465 = arith.select %gt3A_463, %reduce_sum3A_420, %jit3A_464 : i32
    %add3A_466 = arith.addi %add3A_408, %select_n3A_465 : i32
    %mul3A_467 = arith.constant 16 : i32
    %mul3A_468 = arith.muli %mul3A_467, %select_n3A_446 : i32
    %add3A_469 = arith.addi %add3A_411, %mul3A_468 : i32
    %eq3A_470 = arith.constant 8 : i32
    %eq3A_471 = vector.broadcast %eq3A_470 : i32 to vector<1x1000xi32>
    %eq3A_472 = arith.cmpi eq, %get3A_4, %eq3A_471 : vector<1x1000xi32>
    %convert_element_type3A_473 = arith.extui %eq3A_472 : vector<1x1000xi1> to vector<1x1000xi32>
    %reduce_sum3A_474 = vector.shape_cast %convert_element_type3A_473 : vector<1x1000xi32> to vector<1x1x1000xi32>
    %reduce_sum3A_475 = arith.constant dense<0> : vector<1xi32>
    %reduce_sum3A_476 = vector.multi_reduction <add>, %reduce_sum3A_474, %reduce_sum3A_475 [1, 2] : vector<1x1x1000xi32> to vector<1xi32>
    %reduce_sum3A_477 = vector.shape_cast %reduce_sum3A_476 : vector<1xi32> to vector<1x1x1xi32>
    %reduce_sum3A_478 = vector.extract %reduce_sum3A_477[0, 0, 0] : i32 from vector<1x1x1xi32>
    %add3A_479 = arith.constant 15 : i32
    %add3A_480 = arith.addi %reduce_sum3A_478, %add3A_479 : i32
    %jit3A_481 = arith.constant 16 : i32
    %div3A_482 = arith.divsi %add3A_480, %jit3A_481 : i32
    %sign3A_483 = arith.constant 0 : i32
    %sign3A_484 = arith.cmpi sgt, %add3A_480, %sign3A_483 : i32
    %sign3A_485 = arith.extui %sign3A_484 : i1 to i32
    %sign3A_486 = arith.constant 0 : i32
    %sign3A_487 = arith.cmpi slt, %add3A_480, %sign3A_486 : i32
    %sign3A_488 = arith.extui %sign3A_487 : i1 to i32
    %sign3A_489 = arith.subi %sign3A_485, %sign3A_488 : i32
    %sign3A_490 = arith.constant 0 : i32
    %sign3A_491 = arith.cmpi sgt, %jit3A_481, %sign3A_490 : i32
    %sign3A_492 = arith.extui %sign3A_491 : i1 to i32
    %sign3A_493 = arith.constant 0 : i32
    %sign3A_494 = arith.cmpi slt, %jit3A_481, %sign3A_493 : i32
    %sign3A_495 = arith.extui %sign3A_494 : i1 to i32
    %sign3A_496 = arith.subi %sign3A_492, %sign3A_495 : i32
    %ne3A_497 = arith.cmpi ne, %sign3A_489, %sign3A_496 : i32
    %rem3A_498 = arith.remsi %add3A_480, %jit3A_481 : i32
    %ne3A_499 = arith.constant 0 : i32
    %ne3A_500 = arith.cmpi ne, %rem3A_498, %ne3A_499 : i32
    %and3A_501 = arith.andi %ne3A_497, %ne3A_500 : i1
    %sub3A_502 = arith.constant 1 : i32
    %sub3A_503 = arith.subi %div3A_482, %sub3A_502 : i32
    %select_n3A_504 = arith.select %and3A_501, %sub3A_503, %div3A_482 : i32
    %broadcast_in_dim3A_505 = vector.broadcast %add3A_469 : i32 to vector<1x1000xi32>
    %select_n3A_506 = arith.select %eq3A_472, %broadcast_in_dim3A_505, %select_n3A_448 : vector<1x1000xi1>, vector<1x1000xi32>
    %eq3A_507 = arith.constant 8 : i32
    %eq3A_508 = vector.broadcast %eq3A_507 : i32 to vector<160x128xi32>
    %eq3A_509 = arith.cmpi eq, %get3A_10, %eq3A_508 : vector<160x128xi32>
    %convert_element_type3A_510 = arith.extui %eq3A_509 : vector<160x128xi1> to vector<160x128xi32>
    %reduce_sum3A_511 = vector.shape_cast %convert_element_type3A_510 : vector<160x128xi32> to vector<1x160x128xi32>
    %reduce_sum3A_512 = arith.constant dense<0> : vector<1xi32>
    %reduce_sum3A_513 = vector.multi_reduction <add>, %reduce_sum3A_511, %reduce_sum3A_512 [1, 2] : vector<1x160x128xi32> to vector<1xi32>
    %reduce_sum3A_514 = vector.shape_cast %reduce_sum3A_513 : vector<1xi32> to vector<1x1x1xi32>
    %reduce_sum3A_515 = vector.extract %reduce_sum3A_514[0, 0, 0] : i32 from vector<1x1x1xi32>
    %broadcast_in_dim3A_516 = vector.broadcast %add3A_469 : i32 to vector<160x128xi32>
    %select_n3A_517 = arith.select %eq3A_509, %broadcast_in_dim3A_516, %select_n3A_459 : vector<160x128xi1>, vector<160x128xi32>
    %broadcast_in_dim3A_518 = vector.broadcast %reduce_sum3A_478 : i32 to vector<160x128xi32>
    %select_n3A_519 = arith.select %eq3A_509, %broadcast_in_dim3A_518, %select_n3A_461 : vector<160x128xi1>, vector<160x128xi32>
    %gt3A_520 = arith.constant 0 : i32
    %gt3A_521 = arith.cmpi sgt, %reduce_sum3A_515, %gt3A_520 : i32
    %jit3A_522 = arith.constant 0 : i32
    %select_n3A_523 = arith.select %gt3A_521, %reduce_sum3A_478, %jit3A_522 : i32
    %add3A_524 = arith.addi %add3A_466, %select_n3A_523 : i32
    %mul3A_525 = arith.constant 16 : i32
    %mul3A_526 = arith.muli %mul3A_525, %select_n3A_504 : i32
    %add3A_527 = arith.addi %add3A_469, %mul3A_526 : i32
    %eq3A_528 = arith.constant 9 : i32
    %eq3A_529 = vector.broadcast %eq3A_528 : i32 to vector<1x1000xi32>
    %eq3A_530 = arith.cmpi eq, %get3A_4, %eq3A_529 : vector<1x1000xi32>
    %convert_element_type3A_531 = arith.extui %eq3A_530 : vector<1x1000xi1> to vector<1x1000xi32>
    %reduce_sum3A_532 = vector.shape_cast %convert_element_type3A_531 : vector<1x1000xi32> to vector<1x1x1000xi32>
    %reduce_sum3A_533 = arith.constant dense<0> : vector<1xi32>
    %reduce_sum3A_534 = vector.multi_reduction <add>, %reduce_sum3A_532, %reduce_sum3A_533 [1, 2] : vector<1x1x1000xi32> to vector<1xi32>
    %reduce_sum3A_535 = vector.shape_cast %reduce_sum3A_534 : vector<1xi32> to vector<1x1x1xi32>
    %reduce_sum3A_536 = vector.extract %reduce_sum3A_535[0, 0, 0] : i32 from vector<1x1x1xi32>
    %add3A_537 = arith.constant 15 : i32
    %add3A_538 = arith.addi %reduce_sum3A_536, %add3A_537 : i32
    %jit3A_539 = arith.constant 16 : i32
    %div3A_540 = arith.divsi %add3A_538, %jit3A_539 : i32
    %sign3A_541 = arith.constant 0 : i32
    %sign3A_542 = arith.cmpi sgt, %add3A_538, %sign3A_541 : i32
    %sign3A_543 = arith.extui %sign3A_542 : i1 to i32
    %sign3A_544 = arith.constant 0 : i32
    %sign3A_545 = arith.cmpi slt, %add3A_538, %sign3A_544 : i32
    %sign3A_546 = arith.extui %sign3A_545 : i1 to i32
    %sign3A_547 = arith.subi %sign3A_543, %sign3A_546 : i32
    %sign3A_548 = arith.constant 0 : i32
    %sign3A_549 = arith.cmpi sgt, %jit3A_539, %sign3A_548 : i32
    %sign3A_550 = arith.extui %sign3A_549 : i1 to i32
    %sign3A_551 = arith.constant 0 : i32
    %sign3A_552 = arith.cmpi slt, %jit3A_539, %sign3A_551 : i32
    %sign3A_553 = arith.extui %sign3A_552 : i1 to i32
    %sign3A_554 = arith.subi %sign3A_550, %sign3A_553 : i32
    %ne3A_555 = arith.cmpi ne, %sign3A_547, %sign3A_554 : i32
    %rem3A_556 = arith.remsi %add3A_538, %jit3A_539 : i32
    %ne3A_557 = arith.constant 0 : i32
    %ne3A_558 = arith.cmpi ne, %rem3A_556, %ne3A_557 : i32
    %and3A_559 = arith.andi %ne3A_555, %ne3A_558 : i1
    %sub3A_560 = arith.constant 1 : i32
    %sub3A_561 = arith.subi %div3A_540, %sub3A_560 : i32
    %select_n3A_562 = arith.select %and3A_559, %sub3A_561, %div3A_540 : i32
    %broadcast_in_dim3A_563 = vector.broadcast %add3A_527 : i32 to vector<1x1000xi32>
    %select_n3A_564 = arith.select %eq3A_530, %broadcast_in_dim3A_563, %select_n3A_506 : vector<1x1000xi1>, vector<1x1000xi32>
    %eq3A_565 = arith.constant 9 : i32
    %eq3A_566 = vector.broadcast %eq3A_565 : i32 to vector<160x128xi32>
    %eq3A_567 = arith.cmpi eq, %get3A_10, %eq3A_566 : vector<160x128xi32>
    %convert_element_type3A_568 = arith.extui %eq3A_567 : vector<160x128xi1> to vector<160x128xi32>
    %reduce_sum3A_569 = vector.shape_cast %convert_element_type3A_568 : vector<160x128xi32> to vector<1x160x128xi32>
    %reduce_sum3A_570 = arith.constant dense<0> : vector<1xi32>
    %reduce_sum3A_571 = vector.multi_reduction <add>, %reduce_sum3A_569, %reduce_sum3A_570 [1, 2] : vector<1x160x128xi32> to vector<1xi32>
    %reduce_sum3A_572 = vector.shape_cast %reduce_sum3A_571 : vector<1xi32> to vector<1x1x1xi32>
    %reduce_sum3A_573 = vector.extract %reduce_sum3A_572[0, 0, 0] : i32 from vector<1x1x1xi32>
    %broadcast_in_dim3A_574 = vector.broadcast %add3A_527 : i32 to vector<160x128xi32>
    %select_n3A_575 = arith.select %eq3A_567, %broadcast_in_dim3A_574, %select_n3A_517 : vector<160x128xi1>, vector<160x128xi32>
    %broadcast_in_dim3A_576 = vector.broadcast %reduce_sum3A_536 : i32 to vector<160x128xi32>
    %select_n3A_577 = arith.select %eq3A_567, %broadcast_in_dim3A_576, %select_n3A_519 : vector<160x128xi1>, vector<160x128xi32>
    %gt3A_578 = arith.constant 0 : i32
    %gt3A_579 = arith.cmpi sgt, %reduce_sum3A_573, %gt3A_578 : i32
    %jit3A_580 = arith.constant 0 : i32
    %select_n3A_581 = arith.select %gt3A_579, %reduce_sum3A_536, %jit3A_580 : i32
    %add3A_582 = arith.addi %add3A_524, %select_n3A_581 : i32
    %mul3A_583 = arith.constant 16 : i32
    %mul3A_584 = arith.muli %mul3A_583, %select_n3A_562 : i32
    %add3A_585 = arith.addi %add3A_527, %mul3A_584 : i32
    %eq3A_586 = arith.constant 10 : i32
    %eq3A_587 = vector.broadcast %eq3A_586 : i32 to vector<1x1000xi32>
    %eq3A_588 = arith.cmpi eq, %get3A_4, %eq3A_587 : vector<1x1000xi32>
    %convert_element_type3A_589 = arith.extui %eq3A_588 : vector<1x1000xi1> to vector<1x1000xi32>
    %reduce_sum3A_590 = vector.shape_cast %convert_element_type3A_589 : vector<1x1000xi32> to vector<1x1x1000xi32>
    %reduce_sum3A_591 = arith.constant dense<0> : vector<1xi32>
    %reduce_sum3A_592 = vector.multi_reduction <add>, %reduce_sum3A_590, %reduce_sum3A_591 [1, 2] : vector<1x1x1000xi32> to vector<1xi32>
    %reduce_sum3A_593 = vector.shape_cast %reduce_sum3A_592 : vector<1xi32> to vector<1x1x1xi32>
    %reduce_sum3A_594 = vector.extract %reduce_sum3A_593[0, 0, 0] : i32 from vector<1x1x1xi32>
    %add3A_595 = arith.constant 15 : i32
    %add3A_596 = arith.addi %reduce_sum3A_594, %add3A_595 : i32
    %jit3A_597 = arith.constant 16 : i32
    %div3A_598 = arith.divsi %add3A_596, %jit3A_597 : i32
    %sign3A_599 = arith.constant 0 : i32
    %sign3A_600 = arith.cmpi sgt, %add3A_596, %sign3A_599 : i32
    %sign3A_601 = arith.extui %sign3A_600 : i1 to i32
    %sign3A_602 = arith.constant 0 : i32
    %sign3A_603 = arith.cmpi slt, %add3A_596, %sign3A_602 : i32
    %sign3A_604 = arith.extui %sign3A_603 : i1 to i32
    %sign3A_605 = arith.subi %sign3A_601, %sign3A_604 : i32
    %sign3A_606 = arith.constant 0 : i32
    %sign3A_607 = arith.cmpi sgt, %jit3A_597, %sign3A_606 : i32
    %sign3A_608 = arith.extui %sign3A_607 : i1 to i32
    %sign3A_609 = arith.constant 0 : i32
    %sign3A_610 = arith.cmpi slt, %jit3A_597, %sign3A_609 : i32
    %sign3A_611 = arith.extui %sign3A_610 : i1 to i32
    %sign3A_612 = arith.subi %sign3A_608, %sign3A_611 : i32
    %ne3A_613 = arith.cmpi ne, %sign3A_605, %sign3A_612 : i32
    %rem3A_614 = arith.remsi %add3A_596, %jit3A_597 : i32
    %ne3A_615 = arith.constant 0 : i32
    %ne3A_616 = arith.cmpi ne, %rem3A_614, %ne3A_615 : i32
    %and3A_617 = arith.andi %ne3A_613, %ne3A_616 : i1
    %sub3A_618 = arith.constant 1 : i32
    %sub3A_619 = arith.subi %div3A_598, %sub3A_618 : i32
    %select_n3A_620 = arith.select %and3A_617, %sub3A_619, %div3A_598 : i32
    %broadcast_in_dim3A_621 = vector.broadcast %add3A_585 : i32 to vector<1x1000xi32>
    %select_n3A_622 = arith.select %eq3A_588, %broadcast_in_dim3A_621, %select_n3A_564 : vector<1x1000xi1>, vector<1x1000xi32>
    %eq3A_623 = arith.constant 10 : i32
    %eq3A_624 = vector.broadcast %eq3A_623 : i32 to vector<160x128xi32>
    %eq3A_625 = arith.cmpi eq, %get3A_10, %eq3A_624 : vector<160x128xi32>
    %convert_element_type3A_626 = arith.extui %eq3A_625 : vector<160x128xi1> to vector<160x128xi32>
    %reduce_sum3A_627 = vector.shape_cast %convert_element_type3A_626 : vector<160x128xi32> to vector<1x160x128xi32>
    %reduce_sum3A_628 = arith.constant dense<0> : vector<1xi32>
    %reduce_sum3A_629 = vector.multi_reduction <add>, %reduce_sum3A_627, %reduce_sum3A_628 [1, 2] : vector<1x160x128xi32> to vector<1xi32>
    %reduce_sum3A_630 = vector.shape_cast %reduce_sum3A_629 : vector<1xi32> to vector<1x1x1xi32>
    %reduce_sum3A_631 = vector.extract %reduce_sum3A_630[0, 0, 0] : i32 from vector<1x1x1xi32>
    %broadcast_in_dim3A_632 = vector.broadcast %add3A_585 : i32 to vector<160x128xi32>
    %select_n3A_633 = arith.select %eq3A_625, %broadcast_in_dim3A_632, %select_n3A_575 : vector<160x128xi1>, vector<160x128xi32>
    %broadcast_in_dim3A_634 = vector.broadcast %reduce_sum3A_594 : i32 to vector<160x128xi32>
    %select_n3A_635 = arith.select %eq3A_625, %broadcast_in_dim3A_634, %select_n3A_577 : vector<160x128xi1>, vector<160x128xi32>
    %gt3A_636 = arith.constant 0 : i32
    %gt3A_637 = arith.cmpi sgt, %reduce_sum3A_631, %gt3A_636 : i32
    %jit3A_638 = arith.constant 0 : i32
    %select_n3A_639 = arith.select %gt3A_637, %reduce_sum3A_594, %jit3A_638 : i32
    %add3A_640 = arith.addi %add3A_582, %select_n3A_639 : i32
    %mul3A_641 = arith.constant 16 : i32
    %mul3A_642 = arith.muli %mul3A_641, %select_n3A_620 : i32
    %add3A_643 = arith.addi %add3A_585, %mul3A_642 : i32
    %eq3A_644 = arith.constant 11 : i32
    %eq3A_645 = vector.broadcast %eq3A_644 : i32 to vector<1x1000xi32>
    %eq3A_646 = arith.cmpi eq, %get3A_4, %eq3A_645 : vector<1x1000xi32>
    %convert_element_type3A_647 = arith.extui %eq3A_646 : vector<1x1000xi1> to vector<1x1000xi32>
    %reduce_sum3A_648 = vector.shape_cast %convert_element_type3A_647 : vector<1x1000xi32> to vector<1x1x1000xi32>
    %reduce_sum3A_649 = arith.constant dense<0> : vector<1xi32>
    %reduce_sum3A_650 = vector.multi_reduction <add>, %reduce_sum3A_648, %reduce_sum3A_649 [1, 2] : vector<1x1x1000xi32> to vector<1xi32>
    %reduce_sum3A_651 = vector.shape_cast %reduce_sum3A_650 : vector<1xi32> to vector<1x1x1xi32>
    %reduce_sum3A_652 = vector.extract %reduce_sum3A_651[0, 0, 0] : i32 from vector<1x1x1xi32>
    %add3A_653 = arith.constant 15 : i32
    %add3A_654 = arith.addi %reduce_sum3A_652, %add3A_653 : i32
    %jit3A_655 = arith.constant 16 : i32
    %div3A_656 = arith.divsi %add3A_654, %jit3A_655 : i32
    %sign3A_657 = arith.constant 0 : i32
    %sign3A_658 = arith.cmpi sgt, %add3A_654, %sign3A_657 : i32
    %sign3A_659 = arith.extui %sign3A_658 : i1 to i32
    %sign3A_660 = arith.constant 0 : i32
    %sign3A_661 = arith.cmpi slt, %add3A_654, %sign3A_660 : i32
    %sign3A_662 = arith.extui %sign3A_661 : i1 to i32
    %sign3A_663 = arith.subi %sign3A_659, %sign3A_662 : i32
    %sign3A_664 = arith.constant 0 : i32
    %sign3A_665 = arith.cmpi sgt, %jit3A_655, %sign3A_664 : i32
    %sign3A_666 = arith.extui %sign3A_665 : i1 to i32
    %sign3A_667 = arith.constant 0 : i32
    %sign3A_668 = arith.cmpi slt, %jit3A_655, %sign3A_667 : i32
    %sign3A_669 = arith.extui %sign3A_668 : i1 to i32
    %sign3A_670 = arith.subi %sign3A_666, %sign3A_669 : i32
    %ne3A_671 = arith.cmpi ne, %sign3A_663, %sign3A_670 : i32
    %rem3A_672 = arith.remsi %add3A_654, %jit3A_655 : i32
    %ne3A_673 = arith.constant 0 : i32
    %ne3A_674 = arith.cmpi ne, %rem3A_672, %ne3A_673 : i32
    %and3A_675 = arith.andi %ne3A_671, %ne3A_674 : i1
    %sub3A_676 = arith.constant 1 : i32
    %sub3A_677 = arith.subi %div3A_656, %sub3A_676 : i32
    %select_n3A_678 = arith.select %and3A_675, %sub3A_677, %div3A_656 : i32
    %broadcast_in_dim3A_679 = vector.broadcast %add3A_643 : i32 to vector<1x1000xi32>
    %select_n3A_680 = arith.select %eq3A_646, %broadcast_in_dim3A_679, %select_n3A_622 : vector<1x1000xi1>, vector<1x1000xi32>
    %eq3A_681 = arith.constant 11 : i32
    %eq3A_682 = vector.broadcast %eq3A_681 : i32 to vector<160x128xi32>
    %eq3A_683 = arith.cmpi eq, %get3A_10, %eq3A_682 : vector<160x128xi32>
    %convert_element_type3A_684 = arith.extui %eq3A_683 : vector<160x128xi1> to vector<160x128xi32>
    %reduce_sum3A_685 = vector.shape_cast %convert_element_type3A_684 : vector<160x128xi32> to vector<1x160x128xi32>
    %reduce_sum3A_686 = arith.constant dense<0> : vector<1xi32>
    %reduce_sum3A_687 = vector.multi_reduction <add>, %reduce_sum3A_685, %reduce_sum3A_686 [1, 2] : vector<1x160x128xi32> to vector<1xi32>
    %reduce_sum3A_688 = vector.shape_cast %reduce_sum3A_687 : vector<1xi32> to vector<1x1x1xi32>
    %reduce_sum3A_689 = vector.extract %reduce_sum3A_688[0, 0, 0] : i32 from vector<1x1x1xi32>
    %broadcast_in_dim3A_690 = vector.broadcast %add3A_643 : i32 to vector<160x128xi32>
    %select_n3A_691 = arith.select %eq3A_683, %broadcast_in_dim3A_690, %select_n3A_633 : vector<160x128xi1>, vector<160x128xi32>
    %broadcast_in_dim3A_692 = vector.broadcast %reduce_sum3A_652 : i32 to vector<160x128xi32>
    %select_n3A_693 = arith.select %eq3A_683, %broadcast_in_dim3A_692, %select_n3A_635 : vector<160x128xi1>, vector<160x128xi32>
    %gt3A_694 = arith.constant 0 : i32
    %gt3A_695 = arith.cmpi sgt, %reduce_sum3A_689, %gt3A_694 : i32
    %jit3A_696 = arith.constant 0 : i32
    %select_n3A_697 = arith.select %gt3A_695, %reduce_sum3A_652, %jit3A_696 : i32
    %add3A_698 = arith.addi %add3A_640, %select_n3A_697 : i32
    %mul3A_699 = arith.constant 16 : i32
    %mul3A_700 = arith.muli %mul3A_699, %select_n3A_678 : i32
    %add3A_701 = arith.addi %add3A_643, %mul3A_700 : i32
    %eq3A_702 = arith.constant 12 : i32
    %eq3A_703 = vector.broadcast %eq3A_702 : i32 to vector<1x1000xi32>
    %eq3A_704 = arith.cmpi eq, %get3A_4, %eq3A_703 : vector<1x1000xi32>
    %convert_element_type3A_705 = arith.extui %eq3A_704 : vector<1x1000xi1> to vector<1x1000xi32>
    %reduce_sum3A_706 = vector.shape_cast %convert_element_type3A_705 : vector<1x1000xi32> to vector<1x1x1000xi32>
    %reduce_sum3A_707 = arith.constant dense<0> : vector<1xi32>
    %reduce_sum3A_708 = vector.multi_reduction <add>, %reduce_sum3A_706, %reduce_sum3A_707 [1, 2] : vector<1x1x1000xi32> to vector<1xi32>
    %reduce_sum3A_709 = vector.shape_cast %reduce_sum3A_708 : vector<1xi32> to vector<1x1x1xi32>
    %reduce_sum3A_710 = vector.extract %reduce_sum3A_709[0, 0, 0] : i32 from vector<1x1x1xi32>
    %add3A_711 = arith.constant 15 : i32
    %add3A_712 = arith.addi %reduce_sum3A_710, %add3A_711 : i32
    %jit3A_713 = arith.constant 16 : i32
    %div3A_714 = arith.divsi %add3A_712, %jit3A_713 : i32
    %sign3A_715 = arith.constant 0 : i32
    %sign3A_716 = arith.cmpi sgt, %add3A_712, %sign3A_715 : i32
    %sign3A_717 = arith.extui %sign3A_716 : i1 to i32
    %sign3A_718 = arith.constant 0 : i32
    %sign3A_719 = arith.cmpi slt, %add3A_712, %sign3A_718 : i32
    %sign3A_720 = arith.extui %sign3A_719 : i1 to i32
    %sign3A_721 = arith.subi %sign3A_717, %sign3A_720 : i32
    %sign3A_722 = arith.constant 0 : i32
    %sign3A_723 = arith.cmpi sgt, %jit3A_713, %sign3A_722 : i32
    %sign3A_724 = arith.extui %sign3A_723 : i1 to i32
    %sign3A_725 = arith.constant 0 : i32
    %sign3A_726 = arith.cmpi slt, %jit3A_713, %sign3A_725 : i32
    %sign3A_727 = arith.extui %sign3A_726 : i1 to i32
    %sign3A_728 = arith.subi %sign3A_724, %sign3A_727 : i32
    %ne3A_729 = arith.cmpi ne, %sign3A_721, %sign3A_728 : i32
    %rem3A_730 = arith.remsi %add3A_712, %jit3A_713 : i32
    %ne3A_731 = arith.constant 0 : i32
    %ne3A_732 = arith.cmpi ne, %rem3A_730, %ne3A_731 : i32
    %and3A_733 = arith.andi %ne3A_729, %ne3A_732 : i1
    %sub3A_734 = arith.constant 1 : i32
    %sub3A_735 = arith.subi %div3A_714, %sub3A_734 : i32
    %select_n3A_736 = arith.select %and3A_733, %sub3A_735, %div3A_714 : i32
    %broadcast_in_dim3A_737 = vector.broadcast %add3A_701 : i32 to vector<1x1000xi32>
    %select_n3A_738 = arith.select %eq3A_704, %broadcast_in_dim3A_737, %select_n3A_680 : vector<1x1000xi1>, vector<1x1000xi32>
    %eq3A_739 = arith.constant 12 : i32
    %eq3A_740 = vector.broadcast %eq3A_739 : i32 to vector<160x128xi32>
    %eq3A_741 = arith.cmpi eq, %get3A_10, %eq3A_740 : vector<160x128xi32>
    %convert_element_type3A_742 = arith.extui %eq3A_741 : vector<160x128xi1> to vector<160x128xi32>
    %reduce_sum3A_743 = vector.shape_cast %convert_element_type3A_742 : vector<160x128xi32> to vector<1x160x128xi32>
    %reduce_sum3A_744 = arith.constant dense<0> : vector<1xi32>
    %reduce_sum3A_745 = vector.multi_reduction <add>, %reduce_sum3A_743, %reduce_sum3A_744 [1, 2] : vector<1x160x128xi32> to vector<1xi32>
    %reduce_sum3A_746 = vector.shape_cast %reduce_sum3A_745 : vector<1xi32> to vector<1x1x1xi32>
    %reduce_sum3A_747 = vector.extract %reduce_sum3A_746[0, 0, 0] : i32 from vector<1x1x1xi32>
    %broadcast_in_dim3A_748 = vector.broadcast %add3A_701 : i32 to vector<160x128xi32>
    %select_n3A_749 = arith.select %eq3A_741, %broadcast_in_dim3A_748, %select_n3A_691 : vector<160x128xi1>, vector<160x128xi32>
    %broadcast_in_dim3A_750 = vector.broadcast %reduce_sum3A_710 : i32 to vector<160x128xi32>
    %select_n3A_751 = arith.select %eq3A_741, %broadcast_in_dim3A_750, %select_n3A_693 : vector<160x128xi1>, vector<160x128xi32>
    %gt3A_752 = arith.constant 0 : i32
    %gt3A_753 = arith.cmpi sgt, %reduce_sum3A_747, %gt3A_752 : i32
    %jit3A_754 = arith.constant 0 : i32
    %select_n3A_755 = arith.select %gt3A_753, %reduce_sum3A_710, %jit3A_754 : i32
    %add3A_756 = arith.addi %add3A_698, %select_n3A_755 : i32
    %mul3A_757 = arith.constant 16 : i32
    %mul3A_758 = arith.muli %mul3A_757, %select_n3A_736 : i32
    %add3A_759 = arith.addi %add3A_701, %mul3A_758 : i32
    %eq3A_760 = arith.constant 13 : i32
    %eq3A_761 = vector.broadcast %eq3A_760 : i32 to vector<1x1000xi32>
    %eq3A_762 = arith.cmpi eq, %get3A_4, %eq3A_761 : vector<1x1000xi32>
    %convert_element_type3A_763 = arith.extui %eq3A_762 : vector<1x1000xi1> to vector<1x1000xi32>
    %reduce_sum3A_764 = vector.shape_cast %convert_element_type3A_763 : vector<1x1000xi32> to vector<1x1x1000xi32>
    %reduce_sum3A_765 = arith.constant dense<0> : vector<1xi32>
    %reduce_sum3A_766 = vector.multi_reduction <add>, %reduce_sum3A_764, %reduce_sum3A_765 [1, 2] : vector<1x1x1000xi32> to vector<1xi32>
    %reduce_sum3A_767 = vector.shape_cast %reduce_sum3A_766 : vector<1xi32> to vector<1x1x1xi32>
    %reduce_sum3A_768 = vector.extract %reduce_sum3A_767[0, 0, 0] : i32 from vector<1x1x1xi32>
    %add3A_769 = arith.constant 15 : i32
    %add3A_770 = arith.addi %reduce_sum3A_768, %add3A_769 : i32
    %jit3A_771 = arith.constant 16 : i32
    %div3A_772 = arith.divsi %add3A_770, %jit3A_771 : i32
    %sign3A_773 = arith.constant 0 : i32
    %sign3A_774 = arith.cmpi sgt, %add3A_770, %sign3A_773 : i32
    %sign3A_775 = arith.extui %sign3A_774 : i1 to i32
    %sign3A_776 = arith.constant 0 : i32
    %sign3A_777 = arith.cmpi slt, %add3A_770, %sign3A_776 : i32
    %sign3A_778 = arith.extui %sign3A_777 : i1 to i32
    %sign3A_779 = arith.subi %sign3A_775, %sign3A_778 : i32
    %sign3A_780 = arith.constant 0 : i32
    %sign3A_781 = arith.cmpi sgt, %jit3A_771, %sign3A_780 : i32
    %sign3A_782 = arith.extui %sign3A_781 : i1 to i32
    %sign3A_783 = arith.constant 0 : i32
    %sign3A_784 = arith.cmpi slt, %jit3A_771, %sign3A_783 : i32
    %sign3A_785 = arith.extui %sign3A_784 : i1 to i32
    %sign3A_786 = arith.subi %sign3A_782, %sign3A_785 : i32
    %ne3A_787 = arith.cmpi ne, %sign3A_779, %sign3A_786 : i32
    %rem3A_788 = arith.remsi %add3A_770, %jit3A_771 : i32
    %ne3A_789 = arith.constant 0 : i32
    %ne3A_790 = arith.cmpi ne, %rem3A_788, %ne3A_789 : i32
    %and3A_791 = arith.andi %ne3A_787, %ne3A_790 : i1
    %sub3A_792 = arith.constant 1 : i32
    %sub3A_793 = arith.subi %div3A_772, %sub3A_792 : i32
    %select_n3A_794 = arith.select %and3A_791, %sub3A_793, %div3A_772 : i32
    %broadcast_in_dim3A_795 = vector.broadcast %add3A_759 : i32 to vector<1x1000xi32>
    %select_n3A_796 = arith.select %eq3A_762, %broadcast_in_dim3A_795, %select_n3A_738 : vector<1x1000xi1>, vector<1x1000xi32>
    %eq3A_797 = arith.constant 13 : i32
    %eq3A_798 = vector.broadcast %eq3A_797 : i32 to vector<160x128xi32>
    %eq3A_799 = arith.cmpi eq, %get3A_10, %eq3A_798 : vector<160x128xi32>
    %convert_element_type3A_800 = arith.extui %eq3A_799 : vector<160x128xi1> to vector<160x128xi32>
    %reduce_sum3A_801 = vector.shape_cast %convert_element_type3A_800 : vector<160x128xi32> to vector<1x160x128xi32>
    %reduce_sum3A_802 = arith.constant dense<0> : vector<1xi32>
    %reduce_sum3A_803 = vector.multi_reduction <add>, %reduce_sum3A_801, %reduce_sum3A_802 [1, 2] : vector<1x160x128xi32> to vector<1xi32>
    %reduce_sum3A_804 = vector.shape_cast %reduce_sum3A_803 : vector<1xi32> to vector<1x1x1xi32>
    %reduce_sum3A_805 = vector.extract %reduce_sum3A_804[0, 0, 0] : i32 from vector<1x1x1xi32>
    %broadcast_in_dim3A_806 = vector.broadcast %add3A_759 : i32 to vector<160x128xi32>
    %select_n3A_807 = arith.select %eq3A_799, %broadcast_in_dim3A_806, %select_n3A_749 : vector<160x128xi1>, vector<160x128xi32>
    %broadcast_in_dim3A_808 = vector.broadcast %reduce_sum3A_768 : i32 to vector<160x128xi32>
    %select_n3A_809 = arith.select %eq3A_799, %broadcast_in_dim3A_808, %select_n3A_751 : vector<160x128xi1>, vector<160x128xi32>
    %gt3A_810 = arith.constant 0 : i32
    %gt3A_811 = arith.cmpi sgt, %reduce_sum3A_805, %gt3A_810 : i32
    %jit3A_812 = arith.constant 0 : i32
    %select_n3A_813 = arith.select %gt3A_811, %reduce_sum3A_768, %jit3A_812 : i32
    %add3A_814 = arith.addi %add3A_756, %select_n3A_813 : i32
    %mul3A_815 = arith.constant 16 : i32
    %mul3A_816 = arith.muli %mul3A_815, %select_n3A_794 : i32
    %add3A_817 = arith.addi %add3A_759, %mul3A_816 : i32
    %eq3A_818 = arith.constant 14 : i32
    %eq3A_819 = vector.broadcast %eq3A_818 : i32 to vector<1x1000xi32>
    %eq3A_820 = arith.cmpi eq, %get3A_4, %eq3A_819 : vector<1x1000xi32>
    %convert_element_type3A_821 = arith.extui %eq3A_820 : vector<1x1000xi1> to vector<1x1000xi32>
    %reduce_sum3A_822 = vector.shape_cast %convert_element_type3A_821 : vector<1x1000xi32> to vector<1x1x1000xi32>
    %reduce_sum3A_823 = arith.constant dense<0> : vector<1xi32>
    %reduce_sum3A_824 = vector.multi_reduction <add>, %reduce_sum3A_822, %reduce_sum3A_823 [1, 2] : vector<1x1x1000xi32> to vector<1xi32>
    %reduce_sum3A_825 = vector.shape_cast %reduce_sum3A_824 : vector<1xi32> to vector<1x1x1xi32>
    %reduce_sum3A_826 = vector.extract %reduce_sum3A_825[0, 0, 0] : i32 from vector<1x1x1xi32>
    %add3A_827 = arith.constant 15 : i32
    %add3A_828 = arith.addi %reduce_sum3A_826, %add3A_827 : i32
    %jit3A_829 = arith.constant 16 : i32
    %div3A_830 = arith.divsi %add3A_828, %jit3A_829 : i32
    %sign3A_831 = arith.constant 0 : i32
    %sign3A_832 = arith.cmpi sgt, %add3A_828, %sign3A_831 : i32
    %sign3A_833 = arith.extui %sign3A_832 : i1 to i32
    %sign3A_834 = arith.constant 0 : i32
    %sign3A_835 = arith.cmpi slt, %add3A_828, %sign3A_834 : i32
    %sign3A_836 = arith.extui %sign3A_835 : i1 to i32
    %sign3A_837 = arith.subi %sign3A_833, %sign3A_836 : i32
    %sign3A_838 = arith.constant 0 : i32
    %sign3A_839 = arith.cmpi sgt, %jit3A_829, %sign3A_838 : i32
    %sign3A_840 = arith.extui %sign3A_839 : i1 to i32
    %sign3A_841 = arith.constant 0 : i32
    %sign3A_842 = arith.cmpi slt, %jit3A_829, %sign3A_841 : i32
    %sign3A_843 = arith.extui %sign3A_842 : i1 to i32
    %sign3A_844 = arith.subi %sign3A_840, %sign3A_843 : i32
    %ne3A_845 = arith.cmpi ne, %sign3A_837, %sign3A_844 : i32
    %rem3A_846 = arith.remsi %add3A_828, %jit3A_829 : i32
    %ne3A_847 = arith.constant 0 : i32
    %ne3A_848 = arith.cmpi ne, %rem3A_846, %ne3A_847 : i32
    %and3A_849 = arith.andi %ne3A_845, %ne3A_848 : i1
    %sub3A_850 = arith.constant 1 : i32
    %sub3A_851 = arith.subi %div3A_830, %sub3A_850 : i32
    %select_n3A_852 = arith.select %and3A_849, %sub3A_851, %div3A_830 : i32
    %broadcast_in_dim3A_853 = vector.broadcast %add3A_817 : i32 to vector<1x1000xi32>
    %select_n3A_854 = arith.select %eq3A_820, %broadcast_in_dim3A_853, %select_n3A_796 : vector<1x1000xi1>, vector<1x1000xi32>
    %eq3A_855 = arith.constant 14 : i32
    %eq3A_856 = vector.broadcast %eq3A_855 : i32 to vector<160x128xi32>
    %eq3A_857 = arith.cmpi eq, %get3A_10, %eq3A_856 : vector<160x128xi32>
    %convert_element_type3A_858 = arith.extui %eq3A_857 : vector<160x128xi1> to vector<160x128xi32>
    %reduce_sum3A_859 = vector.shape_cast %convert_element_type3A_858 : vector<160x128xi32> to vector<1x160x128xi32>
    %reduce_sum3A_860 = arith.constant dense<0> : vector<1xi32>
    %reduce_sum3A_861 = vector.multi_reduction <add>, %reduce_sum3A_859, %reduce_sum3A_860 [1, 2] : vector<1x160x128xi32> to vector<1xi32>
    %reduce_sum3A_862 = vector.shape_cast %reduce_sum3A_861 : vector<1xi32> to vector<1x1x1xi32>
    %reduce_sum3A_863 = vector.extract %reduce_sum3A_862[0, 0, 0] : i32 from vector<1x1x1xi32>
    %broadcast_in_dim3A_864 = vector.broadcast %add3A_817 : i32 to vector<160x128xi32>
    %select_n3A_865 = arith.select %eq3A_857, %broadcast_in_dim3A_864, %select_n3A_807 : vector<160x128xi1>, vector<160x128xi32>
    %broadcast_in_dim3A_866 = vector.broadcast %reduce_sum3A_826 : i32 to vector<160x128xi32>
    %select_n3A_867 = arith.select %eq3A_857, %broadcast_in_dim3A_866, %select_n3A_809 : vector<160x128xi1>, vector<160x128xi32>
    %gt3A_868 = arith.constant 0 : i32
    %gt3A_869 = arith.cmpi sgt, %reduce_sum3A_863, %gt3A_868 : i32
    %jit3A_870 = arith.constant 0 : i32
    %select_n3A_871 = arith.select %gt3A_869, %reduce_sum3A_826, %jit3A_870 : i32
    %add3A_872 = arith.addi %add3A_814, %select_n3A_871 : i32
    %mul3A_873 = arith.constant 16 : i32
    %mul3A_874 = arith.muli %mul3A_873, %select_n3A_852 : i32
    %add3A_875 = arith.addi %add3A_817, %mul3A_874 : i32
    %eq3A_876 = arith.constant 15 : i32
    %eq3A_877 = vector.broadcast %eq3A_876 : i32 to vector<1x1000xi32>
    %eq3A_878 = arith.cmpi eq, %get3A_4, %eq3A_877 : vector<1x1000xi32>
    %convert_element_type3A_879 = arith.extui %eq3A_878 : vector<1x1000xi1> to vector<1x1000xi32>
    %reduce_sum3A_880 = vector.shape_cast %convert_element_type3A_879 : vector<1x1000xi32> to vector<1x1x1000xi32>
    %reduce_sum3A_881 = arith.constant dense<0> : vector<1xi32>
    %reduce_sum3A_882 = vector.multi_reduction <add>, %reduce_sum3A_880, %reduce_sum3A_881 [1, 2] : vector<1x1x1000xi32> to vector<1xi32>
    %reduce_sum3A_883 = vector.shape_cast %reduce_sum3A_882 : vector<1xi32> to vector<1x1x1xi32>
    %reduce_sum3A_884 = vector.extract %reduce_sum3A_883[0, 0, 0] : i32 from vector<1x1x1xi32>
    %add3A_885 = arith.constant 15 : i32
    %add3A_886 = arith.addi %reduce_sum3A_884, %add3A_885 : i32
    %jit3A_887 = arith.constant 16 : i32
    %div3A_888 = arith.divsi %add3A_886, %jit3A_887 : i32
    %sign3A_889 = arith.constant 0 : i32
    %sign3A_890 = arith.cmpi sgt, %add3A_886, %sign3A_889 : i32
    %sign3A_891 = arith.extui %sign3A_890 : i1 to i32
    %sign3A_892 = arith.constant 0 : i32
    %sign3A_893 = arith.cmpi slt, %add3A_886, %sign3A_892 : i32
    %sign3A_894 = arith.extui %sign3A_893 : i1 to i32
    %sign3A_895 = arith.subi %sign3A_891, %sign3A_894 : i32
    %sign3A_896 = arith.constant 0 : i32
    %sign3A_897 = arith.cmpi sgt, %jit3A_887, %sign3A_896 : i32
    %sign3A_898 = arith.extui %sign3A_897 : i1 to i32
    %sign3A_899 = arith.constant 0 : i32
    %sign3A_900 = arith.cmpi slt, %jit3A_887, %sign3A_899 : i32
    %sign3A_901 = arith.extui %sign3A_900 : i1 to i32
    %sign3A_902 = arith.subi %sign3A_898, %sign3A_901 : i32
    %ne3A_903 = arith.cmpi ne, %sign3A_895, %sign3A_902 : i32
    %rem3A_904 = arith.remsi %add3A_886, %jit3A_887 : i32
    %ne3A_905 = arith.constant 0 : i32
    %ne3A_906 = arith.cmpi ne, %rem3A_904, %ne3A_905 : i32
    %and3A_907 = arith.andi %ne3A_903, %ne3A_906 : i1
    %sub3A_908 = arith.constant 1 : i32
    %sub3A_909 = arith.subi %div3A_888, %sub3A_908 : i32
    %select_n3A_910 = arith.select %and3A_907, %sub3A_909, %div3A_888 : i32
    %broadcast_in_dim3A_911 = vector.broadcast %add3A_875 : i32 to vector<1x1000xi32>
    %select_n3A_912 = arith.select %eq3A_878, %broadcast_in_dim3A_911, %select_n3A_854 : vector<1x1000xi1>, vector<1x1000xi32>
    %eq3A_913 = arith.constant 15 : i32
    %eq3A_914 = vector.broadcast %eq3A_913 : i32 to vector<160x128xi32>
    %eq3A_915 = arith.cmpi eq, %get3A_10, %eq3A_914 : vector<160x128xi32>
    %convert_element_type3A_916 = arith.extui %eq3A_915 : vector<160x128xi1> to vector<160x128xi32>
    %reduce_sum3A_917 = vector.shape_cast %convert_element_type3A_916 : vector<160x128xi32> to vector<1x160x128xi32>
    %reduce_sum3A_918 = arith.constant dense<0> : vector<1xi32>
    %reduce_sum3A_919 = vector.multi_reduction <add>, %reduce_sum3A_917, %reduce_sum3A_918 [1, 2] : vector<1x160x128xi32> to vector<1xi32>
    %reduce_sum3A_920 = vector.shape_cast %reduce_sum3A_919 : vector<1xi32> to vector<1x1x1xi32>
    %reduce_sum3A_921 = vector.extract %reduce_sum3A_920[0, 0, 0] : i32 from vector<1x1x1xi32>
    %broadcast_in_dim3A_922 = vector.broadcast %add3A_875 : i32 to vector<160x128xi32>
    %select_n3A_923 = arith.select %eq3A_915, %broadcast_in_dim3A_922, %select_n3A_865 : vector<160x128xi1>, vector<160x128xi32>
    %broadcast_in_dim3A_924 = vector.broadcast %reduce_sum3A_884 : i32 to vector<160x128xi32>
    %select_n3A_925 = arith.select %eq3A_915, %broadcast_in_dim3A_924, %select_n3A_867 : vector<160x128xi1>, vector<160x128xi32>
    %gt3A_926 = arith.constant 0 : i32
    %gt3A_927 = arith.cmpi sgt, %reduce_sum3A_921, %gt3A_926 : i32
    %jit3A_928 = arith.constant 0 : i32
    %select_n3A_929 = arith.select %gt3A_927, %reduce_sum3A_884, %jit3A_928 : i32
    %add3A_930 = arith.addi %add3A_872, %select_n3A_929 : i32
    %mul3A_931 = arith.constant 16 : i32
    %mul3A_932 = arith.muli %mul3A_931, %select_n3A_910 : i32
    %add3A_933 = arith.addi %add3A_875, %mul3A_932 : i32
    %eq3A_934 = arith.constant 16 : i32
    %eq3A_935 = vector.broadcast %eq3A_934 : i32 to vector<1x1000xi32>
    %eq3A_936 = arith.cmpi eq, %get3A_4, %eq3A_935 : vector<1x1000xi32>
    %convert_element_type3A_937 = arith.extui %eq3A_936 : vector<1x1000xi1> to vector<1x1000xi32>
    %reduce_sum3A_938 = vector.shape_cast %convert_element_type3A_937 : vector<1x1000xi32> to vector<1x1x1000xi32>
    %reduce_sum3A_939 = arith.constant dense<0> : vector<1xi32>
    %reduce_sum3A_940 = vector.multi_reduction <add>, %reduce_sum3A_938, %reduce_sum3A_939 [1, 2] : vector<1x1x1000xi32> to vector<1xi32>
    %reduce_sum3A_941 = vector.shape_cast %reduce_sum3A_940 : vector<1xi32> to vector<1x1x1xi32>
    %reduce_sum3A_942 = vector.extract %reduce_sum3A_941[0, 0, 0] : i32 from vector<1x1x1xi32>
    %add3A_943 = arith.constant 15 : i32
    %add3A_944 = arith.addi %reduce_sum3A_942, %add3A_943 : i32
    %jit3A_945 = arith.constant 16 : i32
    %div3A_946 = arith.divsi %add3A_944, %jit3A_945 : i32
    %sign3A_947 = arith.constant 0 : i32
    %sign3A_948 = arith.cmpi sgt, %add3A_944, %sign3A_947 : i32
    %sign3A_949 = arith.extui %sign3A_948 : i1 to i32
    %sign3A_950 = arith.constant 0 : i32
    %sign3A_951 = arith.cmpi slt, %add3A_944, %sign3A_950 : i32
    %sign3A_952 = arith.extui %sign3A_951 : i1 to i32
    %sign3A_953 = arith.subi %sign3A_949, %sign3A_952 : i32
    %sign3A_954 = arith.constant 0 : i32
    %sign3A_955 = arith.cmpi sgt, %jit3A_945, %sign3A_954 : i32
    %sign3A_956 = arith.extui %sign3A_955 : i1 to i32
    %sign3A_957 = arith.constant 0 : i32
    %sign3A_958 = arith.cmpi slt, %jit3A_945, %sign3A_957 : i32
    %sign3A_959 = arith.extui %sign3A_958 : i1 to i32
    %sign3A_960 = arith.subi %sign3A_956, %sign3A_959 : i32
    %ne3A_961 = arith.cmpi ne, %sign3A_953, %sign3A_960 : i32
    %rem3A_962 = arith.remsi %add3A_944, %jit3A_945 : i32
    %ne3A_963 = arith.constant 0 : i32
    %ne3A_964 = arith.cmpi ne, %rem3A_962, %ne3A_963 : i32
    %and3A_965 = arith.andi %ne3A_961, %ne3A_964 : i1
    %sub3A_966 = arith.constant 1 : i32
    %sub3A_967 = arith.subi %div3A_946, %sub3A_966 : i32
    %select_n3A_968 = arith.select %and3A_965, %sub3A_967, %div3A_946 : i32
    %broadcast_in_dim3A_969 = vector.broadcast %add3A_933 : i32 to vector<1x1000xi32>
    %select_n3A_970 = arith.select %eq3A_936, %broadcast_in_dim3A_969, %select_n3A_912 : vector<1x1000xi1>, vector<1x1000xi32>
    %eq3A_971 = arith.constant 16 : i32
    %eq3A_972 = vector.broadcast %eq3A_971 : i32 to vector<160x128xi32>
    %eq3A_973 = arith.cmpi eq, %get3A_10, %eq3A_972 : vector<160x128xi32>
    %convert_element_type3A_974 = arith.extui %eq3A_973 : vector<160x128xi1> to vector<160x128xi32>
    %reduce_sum3A_975 = vector.shape_cast %convert_element_type3A_974 : vector<160x128xi32> to vector<1x160x128xi32>
    %reduce_sum3A_976 = arith.constant dense<0> : vector<1xi32>
    %reduce_sum3A_977 = vector.multi_reduction <add>, %reduce_sum3A_975, %reduce_sum3A_976 [1, 2] : vector<1x160x128xi32> to vector<1xi32>
    %reduce_sum3A_978 = vector.shape_cast %reduce_sum3A_977 : vector<1xi32> to vector<1x1x1xi32>
    %reduce_sum3A_979 = vector.extract %reduce_sum3A_978[0, 0, 0] : i32 from vector<1x1x1xi32>
    %broadcast_in_dim3A_980 = vector.broadcast %add3A_933 : i32 to vector<160x128xi32>
    %select_n3A_981 = arith.select %eq3A_973, %broadcast_in_dim3A_980, %select_n3A_923 : vector<160x128xi1>, vector<160x128xi32>
    %broadcast_in_dim3A_982 = vector.broadcast %reduce_sum3A_942 : i32 to vector<160x128xi32>
    %select_n3A_983 = arith.select %eq3A_973, %broadcast_in_dim3A_982, %select_n3A_925 : vector<160x128xi1>, vector<160x128xi32>
    %gt3A_984 = arith.constant 0 : i32
    %gt3A_985 = arith.cmpi sgt, %reduce_sum3A_979, %gt3A_984 : i32
    %jit3A_986 = arith.constant 0 : i32
    %select_n3A_987 = arith.select %gt3A_985, %reduce_sum3A_942, %jit3A_986 : i32
    %add3A_988 = arith.addi %add3A_930, %select_n3A_987 : i32
    %mul3A_989 = arith.constant 16 : i32
    %mul3A_990 = arith.muli %mul3A_989, %select_n3A_968 : i32
    %add3A_991 = arith.addi %add3A_933, %mul3A_990 : i32
    %eq3A_992 = arith.constant 17 : i32
    %eq3A_993 = vector.broadcast %eq3A_992 : i32 to vector<1x1000xi32>
    %eq3A_994 = arith.cmpi eq, %get3A_4, %eq3A_993 : vector<1x1000xi32>
    %convert_element_type3A_995 = arith.extui %eq3A_994 : vector<1x1000xi1> to vector<1x1000xi32>
    %reduce_sum3A_996 = vector.shape_cast %convert_element_type3A_995 : vector<1x1000xi32> to vector<1x1x1000xi32>
    %reduce_sum3A_997 = arith.constant dense<0> : vector<1xi32>
    %reduce_sum3A_998 = vector.multi_reduction <add>, %reduce_sum3A_996, %reduce_sum3A_997 [1, 2] : vector<1x1x1000xi32> to vector<1xi32>
    %reduce_sum3A_999 = vector.shape_cast %reduce_sum3A_998 : vector<1xi32> to vector<1x1x1xi32>
    %reduce_sum3A_1000 = vector.extract %reduce_sum3A_999[0, 0, 0] : i32 from vector<1x1x1xi32>
    %add3A_1001 = arith.constant 15 : i32
    %add3A_1002 = arith.addi %reduce_sum3A_1000, %add3A_1001 : i32
    %jit3A_1003 = arith.constant 16 : i32
    %div3A_1004 = arith.divsi %add3A_1002, %jit3A_1003 : i32
    %sign3A_1005 = arith.constant 0 : i32
    %sign3A_1006 = arith.cmpi sgt, %add3A_1002, %sign3A_1005 : i32
    %sign3A_1007 = arith.extui %sign3A_1006 : i1 to i32
    %sign3A_1008 = arith.constant 0 : i32
    %sign3A_1009 = arith.cmpi slt, %add3A_1002, %sign3A_1008 : i32
    %sign3A_1010 = arith.extui %sign3A_1009 : i1 to i32
    %sign3A_1011 = arith.subi %sign3A_1007, %sign3A_1010 : i32
    %sign3A_1012 = arith.constant 0 : i32
    %sign3A_1013 = arith.cmpi sgt, %jit3A_1003, %sign3A_1012 : i32
    %sign3A_1014 = arith.extui %sign3A_1013 : i1 to i32
    %sign3A_1015 = arith.constant 0 : i32
    %sign3A_1016 = arith.cmpi slt, %jit3A_1003, %sign3A_1015 : i32
    %sign3A_1017 = arith.extui %sign3A_1016 : i1 to i32
    %sign3A_1018 = arith.subi %sign3A_1014, %sign3A_1017 : i32
    %ne3A_1019 = arith.cmpi ne, %sign3A_1011, %sign3A_1018 : i32
    %rem3A_1020 = arith.remsi %add3A_1002, %jit3A_1003 : i32
    %ne3A_1021 = arith.constant 0 : i32
    %ne3A_1022 = arith.cmpi ne, %rem3A_1020, %ne3A_1021 : i32
    %and3A_1023 = arith.andi %ne3A_1019, %ne3A_1022 : i1
    %sub3A_1024 = arith.constant 1 : i32
    %sub3A_1025 = arith.subi %div3A_1004, %sub3A_1024 : i32
    %select_n3A_1026 = arith.select %and3A_1023, %sub3A_1025, %div3A_1004 : i32
    %broadcast_in_dim3A_1027 = vector.broadcast %add3A_991 : i32 to vector<1x1000xi32>
    %select_n3A_1028 = arith.select %eq3A_994, %broadcast_in_dim3A_1027, %select_n3A_970 : vector<1x1000xi1>, vector<1x1000xi32>
    %eq3A_1029 = arith.constant 17 : i32
    %eq3A_1030 = vector.broadcast %eq3A_1029 : i32 to vector<160x128xi32>
    %eq3A_1031 = arith.cmpi eq, %get3A_10, %eq3A_1030 : vector<160x128xi32>
    %convert_element_type3A_1032 = arith.extui %eq3A_1031 : vector<160x128xi1> to vector<160x128xi32>
    %reduce_sum3A_1033 = vector.shape_cast %convert_element_type3A_1032 : vector<160x128xi32> to vector<1x160x128xi32>
    %reduce_sum3A_1034 = arith.constant dense<0> : vector<1xi32>
    %reduce_sum3A_1035 = vector.multi_reduction <add>, %reduce_sum3A_1033, %reduce_sum3A_1034 [1, 2] : vector<1x160x128xi32> to vector<1xi32>
    %reduce_sum3A_1036 = vector.shape_cast %reduce_sum3A_1035 : vector<1xi32> to vector<1x1x1xi32>
    %reduce_sum3A_1037 = vector.extract %reduce_sum3A_1036[0, 0, 0] : i32 from vector<1x1x1xi32>
    %broadcast_in_dim3A_1038 = vector.broadcast %add3A_991 : i32 to vector<160x128xi32>
    %select_n3A_1039 = arith.select %eq3A_1031, %broadcast_in_dim3A_1038, %select_n3A_981 : vector<160x128xi1>, vector<160x128xi32>
    %broadcast_in_dim3A_1040 = vector.broadcast %reduce_sum3A_1000 : i32 to vector<160x128xi32>
    %select_n3A_1041 = arith.select %eq3A_1031, %broadcast_in_dim3A_1040, %select_n3A_983 : vector<160x128xi1>, vector<160x128xi32>
    %gt3A_1042 = arith.constant 0 : i32
    %gt3A_1043 = arith.cmpi sgt, %reduce_sum3A_1037, %gt3A_1042 : i32
    %jit3A_1044 = arith.constant 0 : i32
    %select_n3A_1045 = arith.select %gt3A_1043, %reduce_sum3A_1000, %jit3A_1044 : i32
    %add3A_1046 = arith.addi %add3A_988, %select_n3A_1045 : i32
    %mul3A_1047 = arith.constant 16 : i32
    %mul3A_1048 = arith.muli %mul3A_1047, %select_n3A_1026 : i32
    %add3A_1049 = arith.addi %add3A_991, %mul3A_1048 : i32
    %eq3A_1050 = arith.constant 18 : i32
    %eq3A_1051 = vector.broadcast %eq3A_1050 : i32 to vector<1x1000xi32>
    %eq3A_1052 = arith.cmpi eq, %get3A_4, %eq3A_1051 : vector<1x1000xi32>
    %convert_element_type3A_1053 = arith.extui %eq3A_1052 : vector<1x1000xi1> to vector<1x1000xi32>
    %reduce_sum3A_1054 = vector.shape_cast %convert_element_type3A_1053 : vector<1x1000xi32> to vector<1x1x1000xi32>
    %reduce_sum3A_1055 = arith.constant dense<0> : vector<1xi32>
    %reduce_sum3A_1056 = vector.multi_reduction <add>, %reduce_sum3A_1054, %reduce_sum3A_1055 [1, 2] : vector<1x1x1000xi32> to vector<1xi32>
    %reduce_sum3A_1057 = vector.shape_cast %reduce_sum3A_1056 : vector<1xi32> to vector<1x1x1xi32>
    %reduce_sum3A_1058 = vector.extract %reduce_sum3A_1057[0, 0, 0] : i32 from vector<1x1x1xi32>
    %add3A_1059 = arith.constant 15 : i32
    %add3A_1060 = arith.addi %reduce_sum3A_1058, %add3A_1059 : i32
    %jit3A_1061 = arith.constant 16 : i32
    %div3A_1062 = arith.divsi %add3A_1060, %jit3A_1061 : i32
    %sign3A_1063 = arith.constant 0 : i32
    %sign3A_1064 = arith.cmpi sgt, %add3A_1060, %sign3A_1063 : i32
    %sign3A_1065 = arith.extui %sign3A_1064 : i1 to i32
    %sign3A_1066 = arith.constant 0 : i32
    %sign3A_1067 = arith.cmpi slt, %add3A_1060, %sign3A_1066 : i32
    %sign3A_1068 = arith.extui %sign3A_1067 : i1 to i32
    %sign3A_1069 = arith.subi %sign3A_1065, %sign3A_1068 : i32
    %sign3A_1070 = arith.constant 0 : i32
    %sign3A_1071 = arith.cmpi sgt, %jit3A_1061, %sign3A_1070 : i32
    %sign3A_1072 = arith.extui %sign3A_1071 : i1 to i32
    %sign3A_1073 = arith.constant 0 : i32
    %sign3A_1074 = arith.cmpi slt, %jit3A_1061, %sign3A_1073 : i32
    %sign3A_1075 = arith.extui %sign3A_1074 : i1 to i32
    %sign3A_1076 = arith.subi %sign3A_1072, %sign3A_1075 : i32
    %ne3A_1077 = arith.cmpi ne, %sign3A_1069, %sign3A_1076 : i32
    %rem3A_1078 = arith.remsi %add3A_1060, %jit3A_1061 : i32
    %ne3A_1079 = arith.constant 0 : i32
    %ne3A_1080 = arith.cmpi ne, %rem3A_1078, %ne3A_1079 : i32
    %and3A_1081 = arith.andi %ne3A_1077, %ne3A_1080 : i1
    %sub3A_1082 = arith.constant 1 : i32
    %sub3A_1083 = arith.subi %div3A_1062, %sub3A_1082 : i32
    %select_n3A_1084 = arith.select %and3A_1081, %sub3A_1083, %div3A_1062 : i32
    %broadcast_in_dim3A_1085 = vector.broadcast %add3A_1049 : i32 to vector<1x1000xi32>
    %select_n3A_1086 = arith.select %eq3A_1052, %broadcast_in_dim3A_1085, %select_n3A_1028 : vector<1x1000xi1>, vector<1x1000xi32>
    %eq3A_1087 = arith.constant 18 : i32
    %eq3A_1088 = vector.broadcast %eq3A_1087 : i32 to vector<160x128xi32>
    %eq3A_1089 = arith.cmpi eq, %get3A_10, %eq3A_1088 : vector<160x128xi32>
    %convert_element_type3A_1090 = arith.extui %eq3A_1089 : vector<160x128xi1> to vector<160x128xi32>
    %reduce_sum3A_1091 = vector.shape_cast %convert_element_type3A_1090 : vector<160x128xi32> to vector<1x160x128xi32>
    %reduce_sum3A_1092 = arith.constant dense<0> : vector<1xi32>
    %reduce_sum3A_1093 = vector.multi_reduction <add>, %reduce_sum3A_1091, %reduce_sum3A_1092 [1, 2] : vector<1x160x128xi32> to vector<1xi32>
    %reduce_sum3A_1094 = vector.shape_cast %reduce_sum3A_1093 : vector<1xi32> to vector<1x1x1xi32>
    %reduce_sum3A_1095 = vector.extract %reduce_sum3A_1094[0, 0, 0] : i32 from vector<1x1x1xi32>
    %broadcast_in_dim3A_1096 = vector.broadcast %add3A_1049 : i32 to vector<160x128xi32>
    %select_n3A_1097 = arith.select %eq3A_1089, %broadcast_in_dim3A_1096, %select_n3A_1039 : vector<160x128xi1>, vector<160x128xi32>
    %broadcast_in_dim3A_1098 = vector.broadcast %reduce_sum3A_1058 : i32 to vector<160x128xi32>
    %select_n3A_1099 = arith.select %eq3A_1089, %broadcast_in_dim3A_1098, %select_n3A_1041 : vector<160x128xi1>, vector<160x128xi32>
    %gt3A_1100 = arith.constant 0 : i32
    %gt3A_1101 = arith.cmpi sgt, %reduce_sum3A_1095, %gt3A_1100 : i32
    %jit3A_1102 = arith.constant 0 : i32
    %select_n3A_1103 = arith.select %gt3A_1101, %reduce_sum3A_1058, %jit3A_1102 : i32
    %add3A_1104 = arith.addi %add3A_1046, %select_n3A_1103 : i32
    %mul3A_1105 = arith.constant 16 : i32
    %mul3A_1106 = arith.muli %mul3A_1105, %select_n3A_1084 : i32
    %add3A_1107 = arith.addi %add3A_1049, %mul3A_1106 : i32
    %eq3A_1108 = arith.constant 19 : i32
    %eq3A_1109 = vector.broadcast %eq3A_1108 : i32 to vector<1x1000xi32>
    %eq3A_1110 = arith.cmpi eq, %get3A_4, %eq3A_1109 : vector<1x1000xi32>
    %convert_element_type3A_1111 = arith.extui %eq3A_1110 : vector<1x1000xi1> to vector<1x1000xi32>
    %reduce_sum3A_1112 = vector.shape_cast %convert_element_type3A_1111 : vector<1x1000xi32> to vector<1x1x1000xi32>
    %reduce_sum3A_1113 = arith.constant dense<0> : vector<1xi32>
    %reduce_sum3A_1114 = vector.multi_reduction <add>, %reduce_sum3A_1112, %reduce_sum3A_1113 [1, 2] : vector<1x1x1000xi32> to vector<1xi32>
    %reduce_sum3A_1115 = vector.shape_cast %reduce_sum3A_1114 : vector<1xi32> to vector<1x1x1xi32>
    %reduce_sum3A_1116 = vector.extract %reduce_sum3A_1115[0, 0, 0] : i32 from vector<1x1x1xi32>
    %add3A_1117 = arith.constant 15 : i32
    %add3A_1118 = arith.addi %reduce_sum3A_1116, %add3A_1117 : i32
    %jit3A_1119 = arith.constant 16 : i32
    %div3A_1120 = arith.divsi %add3A_1118, %jit3A_1119 : i32
    %sign3A_1121 = arith.constant 0 : i32
    %sign3A_1122 = arith.cmpi sgt, %add3A_1118, %sign3A_1121 : i32
    %sign3A_1123 = arith.extui %sign3A_1122 : i1 to i32
    %sign3A_1124 = arith.constant 0 : i32
    %sign3A_1125 = arith.cmpi slt, %add3A_1118, %sign3A_1124 : i32
    %sign3A_1126 = arith.extui %sign3A_1125 : i1 to i32
    %sign3A_1127 = arith.subi %sign3A_1123, %sign3A_1126 : i32
    %sign3A_1128 = arith.constant 0 : i32
    %sign3A_1129 = arith.cmpi sgt, %jit3A_1119, %sign3A_1128 : i32
    %sign3A_1130 = arith.extui %sign3A_1129 : i1 to i32
    %sign3A_1131 = arith.constant 0 : i32
    %sign3A_1132 = arith.cmpi slt, %jit3A_1119, %sign3A_1131 : i32
    %sign3A_1133 = arith.extui %sign3A_1132 : i1 to i32
    %sign3A_1134 = arith.subi %sign3A_1130, %sign3A_1133 : i32
    %ne3A_1135 = arith.cmpi ne, %sign3A_1127, %sign3A_1134 : i32
    %rem3A_1136 = arith.remsi %add3A_1118, %jit3A_1119 : i32
    %ne3A_1137 = arith.constant 0 : i32
    %ne3A_1138 = arith.cmpi ne, %rem3A_1136, %ne3A_1137 : i32
    %and3A_1139 = arith.andi %ne3A_1135, %ne3A_1138 : i1
    %sub3A_1140 = arith.constant 1 : i32
    %sub3A_1141 = arith.subi %div3A_1120, %sub3A_1140 : i32
    %select_n3A_1142 = arith.select %and3A_1139, %sub3A_1141, %div3A_1120 : i32
    %broadcast_in_dim3A_1143 = vector.broadcast %add3A_1107 : i32 to vector<1x1000xi32>
    %select_n3A_1144 = arith.select %eq3A_1110, %broadcast_in_dim3A_1143, %select_n3A_1086 : vector<1x1000xi1>, vector<1x1000xi32>
    %eq3A_1145 = arith.constant 19 : i32
    %eq3A_1146 = vector.broadcast %eq3A_1145 : i32 to vector<160x128xi32>
    %eq3A_1147 = arith.cmpi eq, %get3A_10, %eq3A_1146 : vector<160x128xi32>
    %convert_element_type3A_1148 = arith.extui %eq3A_1147 : vector<160x128xi1> to vector<160x128xi32>
    %reduce_sum3A_1149 = vector.shape_cast %convert_element_type3A_1148 : vector<160x128xi32> to vector<1x160x128xi32>
    %reduce_sum3A_1150 = arith.constant dense<0> : vector<1xi32>
    %reduce_sum3A_1151 = vector.multi_reduction <add>, %reduce_sum3A_1149, %reduce_sum3A_1150 [1, 2] : vector<1x160x128xi32> to vector<1xi32>
    %reduce_sum3A_1152 = vector.shape_cast %reduce_sum3A_1151 : vector<1xi32> to vector<1x1x1xi32>
    %reduce_sum3A_1153 = vector.extract %reduce_sum3A_1152[0, 0, 0] : i32 from vector<1x1x1xi32>
    %broadcast_in_dim3A_1154 = vector.broadcast %add3A_1107 : i32 to vector<160x128xi32>
    %select_n3A_1155 = arith.select %eq3A_1147, %broadcast_in_dim3A_1154, %select_n3A_1097 : vector<160x128xi1>, vector<160x128xi32>
    %broadcast_in_dim3A_1156 = vector.broadcast %reduce_sum3A_1116 : i32 to vector<160x128xi32>
    %select_n3A_1157 = arith.select %eq3A_1147, %broadcast_in_dim3A_1156, %select_n3A_1099 : vector<160x128xi1>, vector<160x128xi32>
    %gt3A_1158 = arith.constant 0 : i32
    %gt3A_1159 = arith.cmpi sgt, %reduce_sum3A_1153, %gt3A_1158 : i32
    %jit3A_1160 = arith.constant 0 : i32
    %select_n3A_1161 = arith.select %gt3A_1159, %reduce_sum3A_1116, %jit3A_1160 : i32
    %add3A_1162 = arith.addi %add3A_1104, %select_n3A_1161 : i32
    %mul3A_1163 = arith.constant 16 : i32
    %mul3A_1164 = arith.muli %mul3A_1163, %select_n3A_1142 : i32
    %add3A_1165 = arith.addi %add3A_1107, %mul3A_1164 : i32
    %eq3A_1166 = arith.constant 20 : i32
    %eq3A_1167 = vector.broadcast %eq3A_1166 : i32 to vector<1x1000xi32>
    %eq3A_1168 = arith.cmpi eq, %get3A_4, %eq3A_1167 : vector<1x1000xi32>
    %convert_element_type3A_1169 = arith.extui %eq3A_1168 : vector<1x1000xi1> to vector<1x1000xi32>
    %reduce_sum3A_1170 = vector.shape_cast %convert_element_type3A_1169 : vector<1x1000xi32> to vector<1x1x1000xi32>
    %reduce_sum3A_1171 = arith.constant dense<0> : vector<1xi32>
    %reduce_sum3A_1172 = vector.multi_reduction <add>, %reduce_sum3A_1170, %reduce_sum3A_1171 [1, 2] : vector<1x1x1000xi32> to vector<1xi32>
    %reduce_sum3A_1173 = vector.shape_cast %reduce_sum3A_1172 : vector<1xi32> to vector<1x1x1xi32>
    %reduce_sum3A_1174 = vector.extract %reduce_sum3A_1173[0, 0, 0] : i32 from vector<1x1x1xi32>
    %broadcast_in_dim3A_1175 = vector.broadcast %add3A_1165 : i32 to vector<1x1000xi32>
    %select_n3A_1176 = arith.select %eq3A_1168, %broadcast_in_dim3A_1175, %select_n3A_1144 : vector<1x1000xi1>, vector<1x1000xi32>
    %eq3A_1177 = arith.constant 20 : i32
    %eq3A_1178 = vector.broadcast %eq3A_1177 : i32 to vector<160x128xi32>
    %eq3A_1179 = arith.cmpi eq, %get3A_10, %eq3A_1178 : vector<160x128xi32>
    %convert_element_type3A_1180 = arith.extui %eq3A_1179 : vector<160x128xi1> to vector<160x128xi32>
    %reduce_sum3A_1181 = vector.shape_cast %convert_element_type3A_1180 : vector<160x128xi32> to vector<1x160x128xi32>
    %reduce_sum3A_1182 = arith.constant dense<0> : vector<1xi32>
    %reduce_sum3A_1183 = vector.multi_reduction <add>, %reduce_sum3A_1181, %reduce_sum3A_1182 [1, 2] : vector<1x160x128xi32> to vector<1xi32>
    %reduce_sum3A_1184 = vector.shape_cast %reduce_sum3A_1183 : vector<1xi32> to vector<1x1x1xi32>
    %reduce_sum3A_1185 = vector.extract %reduce_sum3A_1184[0, 0, 0] : i32 from vector<1x1x1xi32>
    %broadcast_in_dim3A_1186 = vector.broadcast %add3A_1165 : i32 to vector<160x128xi32>
    %select_n3A_1187 = arith.select %eq3A_1179, %broadcast_in_dim3A_1186, %select_n3A_1155 : vector<160x128xi1>, vector<160x128xi32>
    %broadcast_in_dim3A_1188 = vector.broadcast %reduce_sum3A_1174 : i32 to vector<160x128xi32>
    %select_n3A_1189 = arith.select %eq3A_1179, %broadcast_in_dim3A_1188, %select_n3A_1157 : vector<160x128xi1>, vector<160x128xi32>
    %gt3A_1190 = arith.constant 0 : i32
    %gt3A_1191 = arith.cmpi sgt, %reduce_sum3A_1185, %gt3A_1190 : i32
    %jit3A_1192 = arith.constant 0 : i32
    %select_n3A_1193 = arith.select %gt3A_1191, %reduce_sum3A_1174, %jit3A_1192 : i32
    %add3A_1194 = arith.addi %add3A_1162, %select_n3A_1193 : i32
    %iota3A = tpu.iota {dimensions = array<i32: 0>} : vector<1000x1000xi32>
    %iota3A_1195 = tpu.iota {dimensions = array<i32: 1>} : vector<1000x1000xi32>
    %eq3A_1196 = vector.broadcast %get3A_1 : vector<1000x1xi32> to vector<1000x1000xi32>
    %eq3A_1197 = vector.broadcast %get3A_4 : vector<1x1000xi32> to vector<1000x1000xi32>
    %eq3A_1198 = arith.cmpi eq, %eq3A_1196, %eq3A_1197 : vector<1000x1000xi32>
    %lt3A = arith.cmpi slt, %iota3A, %iota3A_1195 : vector<1000x1000xi32>
    %and3A_1199 = arith.andi %eq3A_1198, %lt3A : vector<1000x1000xi1>
    %convert_element_type3A_1200 = arith.extui %and3A_1199 : vector<1000x1000xi1> to vector<1000x1000xi32>
    %reduce_sum3A_1201 = arith.constant dense<0> : vector<1000xi32>
    %reduce_sum3A_1202 = vector.multi_reduction <add>, %convert_element_type3A_1200, %reduce_sum3A_1201 [0] : vector<1000x1000xi32> to vector<1000xi32>
    %broadcast_in_dim3A_1203 = vector.shape_cast %reduce_sum3A_1202 : vector<1000xi32> to vector<1x1000xi32>
    %add3A_1204 = arith.addi %select_n3A_1176, %broadcast_in_dim3A_1203 : vector<1x1000xi32>
    %iota3A_1205 = tpu.iota {dimensions = array<i32: 0>} : vector<1408x1000xi32>
    %eq3A_1206 = vector.broadcast %add3A_1204 : vector<1x1000xi32> to vector<1408x1000xi32>
    %eq3A_1207 = arith.cmpi eq, %iota3A_1205, %eq3A_1206 : vector<1408x1000xi32>
    %slice3A = vector.extract_strided_slice %get3A_7 {offsets = [0, 0], sizes = [1, 1000], strides = [1, 1]} : vector<4x1000xf32> to vector<1x1000xf32>
    %jit3A_1208 = arith.constant 0.000000e+00 : f32
    %broadcast_in_dim3A_1209 = vector.shape_cast %slice3A : vector<1x1000xf32> to vector<1x1000xf32>
    %broadcast_in_dim3A_1210 = vector.broadcast %broadcast_in_dim3A_1209 : vector<1x1000xf32> to vector<1408x1000xf32>
    %broadcast_in_dim3A_1211 = vector.broadcast %jit3A_1208 : f32 to vector<1408x1000xf32>
    %select_n3A_1212 = arith.select %eq3A_1207, %broadcast_in_dim3A_1210, %broadcast_in_dim3A_1211 : vector<1408x1000xi1>, vector<1408x1000xf32>
    %reduce_sum3A_1213 = arith.constant dense<0.000000e+00> : vector<1408xf32>
    %reduce_sum3A_1214 = vector.multi_reduction <add>, %select_n3A_1212, %reduce_sum3A_1213 [1] : vector<1408x1000xf32> to vector<1408xf32>
    %broadcast_in_dim3A_1215 = vector.shape_cast %reduce_sum3A_1214 : vector<1408xf32> to vector<1408x1xf32>
    %swap3A = arith.constant 0 : index
    %swap3A_1216 = arith.constant 0 : index
    %swap3A_1217 = vector.load %arg4[%swap3A, %swap3A_1216] : memref<1408x1xf32, #tpu.memory_space<vmem>>, vector<1408x1xf32>
    tpu.vector_store %arg4[%swap3A, %swap3A_1216], %broadcast_in_dim3A_1215 {strides = array<i32>} : memref<1408x1xf32, #tpu.memory_space<vmem>>, vector<1408x1xf32>,
    %slice3A_1218 = vector.extract_strided_slice %get3A_7 {offsets = [1, 0], sizes = [1, 1000], strides = [1, 1]} : vector<4x1000xf32> to vector<1x1000xf32>
    %jit3A_1219 = arith.constant 0.000000e+00 : f32
    %broadcast_in_dim3A_1220 = vector.shape_cast %slice3A_1218 : vector<1x1000xf32> to vector<1x1000xf32>
    %broadcast_in_dim3A_1221 = vector.broadcast %broadcast_in_dim3A_1220 : vector<1x1000xf32> to vector<1408x1000xf32>
    %broadcast_in_dim3A_1222 = vector.broadcast %jit3A_1219 : f32 to vector<1408x1000xf32>
    %select_n3A_1223 = arith.select %eq3A_1207, %broadcast_in_dim3A_1221, %broadcast_in_dim3A_1222 : vector<1408x1000xi1>, vector<1408x1000xf32>
    %reduce_sum3A_1224 = arith.constant dense<0.000000e+00> : vector<1408xf32>
    %reduce_sum3A_1225 = vector.multi_reduction <add>, %select_n3A_1223, %reduce_sum3A_1224 [1] : vector<1408x1000xf32> to vector<1408xf32>
    %broadcast_in_dim3A_1226 = vector.shape_cast %reduce_sum3A_1225 : vector<1408xf32> to vector<1408x1xf32>
    %swap3A_1227 = arith.constant 0 : index
    %swap3A_1228 = arith.constant 0 : index
    %swap3A_1229 = vector.load %arg5[%swap3A_1227, %swap3A_1228] : memref<1408x1xf32, #tpu.memory_space<vmem>>, vector<1408x1xf32>
    tpu.vector_store %arg5[%swap3A_1227, %swap3A_1228], %broadcast_in_dim3A_1226 {strides = array<i32>} : memref<1408x1xf32, #tpu.memory_space<vmem>>, vector<1408x1xf32>,
    %slice3A_1230 = vector.extract_strided_slice %get3A_7 {offsets = [2, 0], sizes = [1, 1000], strides = [1, 1]} : vector<4x1000xf32> to vector<1x1000xf32>
    %jit3A_1231 = arith.constant 0.000000e+00 : f32
    %broadcast_in_dim3A_1232 = vector.shape_cast %slice3A_1230 : vector<1x1000xf32> to vector<1x1000xf32>
    %broadcast_in_dim3A_1233 = vector.broadcast %broadcast_in_dim3A_1232 : vector<1x1000xf32> to vector<1408x1000xf32>
    %broadcast_in_dim3A_1234 = vector.broadcast %jit3A_1231 : f32 to vector<1408x1000xf32>
    %select_n3A_1235 = arith.select %eq3A_1207, %broadcast_in_dim3A_1233, %broadcast_in_dim3A_1234 : vector<1408x1000xi1>, vector<1408x1000xf32>
    %reduce_sum3A_1236 = arith.constant dense<0.000000e+00> : vector<1408xf32>
    %reduce_sum3A_1237 = vector.multi_reduction <add>, %select_n3A_1235, %reduce_sum3A_1236 [1] : vector<1408x1000xf32> to vector<1408xf32>
    %broadcast_in_dim3A_1238 = vector.shape_cast %reduce_sum3A_1237 : vector<1408xf32> to vector<1408x1xf32>
    %swap3A_1239 = arith.constant 0 : index
    %swap3A_1240 = arith.constant 0 : index
    %swap3A_1241 = vector.load %arg6[%swap3A_1239, %swap3A_1240] : memref<1408x1xf32, #tpu.memory_space<vmem>>, vector<1408x1xf32>
    tpu.vector_store %arg6[%swap3A_1239, %swap3A_1240], %broadcast_in_dim3A_1238 {strides = array<i32>} : memref<1408x1xf32, #tpu.memory_space<vmem>>, vector<1408x1xf32>,
    %slice3A_1242 = vector.extract_strided_slice %get3A_7 {offsets = [3, 0], sizes = [1, 1000], strides = [1, 1]} : vector<4x1000xf32> to vector<1x1000xf32>
    %jit3A_1243 = arith.constant 0.000000e+00 : f32
    %broadcast_in_dim3A_1244 = vector.shape_cast %slice3A_1242 : vector<1x1000xf32> to vector<1x1000xf32>
    %broadcast_in_dim3A_1245 = vector.broadcast %broadcast_in_dim3A_1244 : vector<1x1000xf32> to vector<1408x1000xf32>
    %broadcast_in_dim3A_1246 = vector.broadcast %jit3A_1243 : f32 to vector<1408x1000xf32>
    %select_n3A_1247 = arith.select %eq3A_1207, %broadcast_in_dim3A_1245, %broadcast_in_dim3A_1246 : vector<1408x1000xi1>, vector<1408x1000xf32>
    %reduce_sum3A_1248 = arith.constant dense<0.000000e+00> : vector<1408xf32>
    %reduce_sum3A_1249 = vector.multi_reduction <add>, %select_n3A_1247, %reduce_sum3A_1248 [1] : vector<1408x1000xf32> to vector<1408xf32>
    %broadcast_in_dim3A_1250 = vector.shape_cast %reduce_sum3A_1249 : vector<1408xf32> to vector<1408x1xf32>
    %swap3A_1251 = arith.constant 0 : index
    %swap3A_1252 = arith.constant 0 : index
    %swap3A_1253 = vector.load %arg7[%swap3A_1251, %swap3A_1252] : memref<1408x1xf32, #tpu.memory_space<vmem>>, vector<1408x1xf32>
    tpu.vector_store %arg7[%swap3A_1251, %swap3A_1252], %broadcast_in_dim3A_1250 {strides = array<i32>} : memref<1408x1xf32, #tpu.memory_space<vmem>>, vector<1408x1xf32>,
    %shift_left3A = arith.constant 11 : i32
    %shift_left3A_1254 = vector.broadcast %shift_left3A : i32 to vector<160x128xi32>
    %shift_left3A_1255 = arith.shli %select_n3A_1187, %shift_left3A_1254 : vector<160x128xi32>
    %or3A = arith.ori %shift_left3A_1255, %select_n3A_1189 : vector<160x128xi32>
    %swap3A_1256 = arith.constant 0 : index
    %swap3A_1257 = arith.constant 0 : index
    %swap3A_1258 = vector.load %arg8[%swap3A_1256, %swap3A_1257] : memref<160x128xi32, #tpu.memory_space<vmem>>, vector<160x128xi32>
    tpu.vector_store %arg8[%swap3A_1256, %swap3A_1257], %or3A {strides = array<i32>} : memref<160x128xi32, #tpu.memory_space<vmem>>, vector<160x128xi32>,
    %convert_element_type3A_1259 = arith.sitofp %add3A_1194 : i32 to f32
    %swap3A_1260 = arith.constant 0 : index
    %swap3A_1261 = arith.constant 0 : index
    %swap3A_1262 = memref.load %arg9[%swap3A_1260, %swap3A_1261] : memref<1x1xf32, #tpu.memory_space<smem>>
    memref.store %convert_element_type3A_1259, %arg9[%swap3A_1260, %swap3A_1261] : memref<1x1xf32, #tpu.memory_space<smem>>
    return
  }
}

</mosaic_0001>

<sc_bundles>
// kernel: kernel.5.cloned.1.call-start
scs
__scs_entry_jumppad:
0x0: {  	(pc) =	sbr.rel $0x88, $3  }
0x1: {  	(tag) =	ssettag $0x0;
	lr =	simm.s32 $0x1  }
0x2: {  	[smem:$0x3F9D] =	sst lr;
	_ =	strace $0xD0000000  }
0x3: {  	_ = 	snop  }
0x4: {  	_ = 	snop  }
0x5: {  	_ = 	snop  }
0x6: {  	_ = 	snop  }
0x7: {  	_ = 	snop  }
__scs_overlays_trampoline_lowered:
0x8: {  	[smem:$0x3FAC] =	sst s0  }
0x9: {  	[smem:$0x3FAD] =	sst s1  }
0xa: {  	[smem:$0x3FAE] =	sst s2  }
0xb: {  	[smem:$0x3FAF] =	sst s3  }
0xc: {  	[smem:$0x3FB0] =	sst s4  }
0xd: {  	[smem:$0x3FB1] =	sst s5  }
0xe: {  	[smem:$0x3FB2] =	sst s6  }
0xf: {  	[smem:$0x3FB3] =	sst s7  }
0x10: {  	[smem:$0x3FB4] =	sst s8  }
0x11: {  	[smem:$0x3FB5] =	sst s9;
	s0 =	simm.s32 @!p0 $0x0  }
0x12: {  	s1 =	sld [smem:$0x3F9B];
	s0 =	simm.s32 @p0 $0x1  }
0x13: {  	[smem:$0x3FB6] =	sst s0;
	s0 =	simm.s32 @!p1 $0x0  }
0x14: {  	s2 =	sld [smem:$0x3F9A];
	s0 =	simm.s32 @p1 $0x1  }
0x15: {  	[smem:$0x3FB7] =	sst s0;
	s0 =	simm.s32 @!p2 $0x0  }
0x16: {  	s3 =	sld [smem:$0x3FDB];
	s0 =	simm.s32 @p2 $0x1  }
0x17: {  	s4 =	simm.s32 $0x1BF5;
	[smem:$0x3FB9] =	sst s0  }
0x18: {  	s0 =	sld [smem:$0x3F9C];
	_ =	swait.ge [sflag:s4], $0x0  }
0x19: {  	s7 =	sld [smem:$0x3F9D]  }
0x1a: {  	s8 =	sadd.s32 $0xFFFFE003, lr  }
0x1b: {  	s9 =	sadd.s32 $0xFFFFFEF7, lr;
	s5 =	simm.s32 $0xFFFFFFFF;
	p2 =	slt.u32 s8, $0xFFFFF086  }
0x1c: {  	p1 =	slt.u32 s9, $0xF7A;
	s5 =	simm.s32 @!p2 $0x0  }
0x1d: {  	s5 =	simm.s32 @p1 $0x1;
	p0 =	seq.s32 s7, s2  }
0x1e: {  	s7 =	smul.u32 @!p0 $0xF7A, s2;
	p2 =	seq.s32 @!p0 s5, $0x0  }
0x1f: {  	s9 =	smul.u32 $0xF7A, s1;
	s8 =	simm.s32 @!p0 $0x1BF5;
	p2 =	por !p2, p0  }
0x20: {  	[sflag:s8] =	ssyncset.s32 @!p0 $0xFFFFF086;
	s6 =	sadd.s32 @!p0 s3, s7;
	s7 =	simm.s32 @!p0 $0x108  }
0x21: {  	s3 =	sadd.s32 s3, s9;
	s6 =	sadd.s32 @!p0 $0x88, s6;
	s7 =	simm.s32 @p2 $0x1082  }
0x22: {  	[simem:s7], [sflag:s8] =	dma.local @!p0 [hbm:s6], $0xF7A  }
0x23: {  	s9 =	sor.u32 $0xD0000000, s2;
	s6 =	simm.s32 $0x108;
	_ =	swait.ge @!p0 [sflag:s8], $0x0  }
0x24: {  	s3 =	sadd.s32 $0x88, s3;
	s6 =	simm.s32 @!p1 $0x1082;
	[sflag:s4] =	ssyncset.s32 $0xFFFFF086  }
0x25: {  	[simem:s6], [sflag:s4] =	dma.local [hbm:s3], $0xF7A  }
0x26: {  	[smem:$0x3F9D] =	sst s1;
	(tag) =	ssettag s2;
	_ =	strace s9  }
0x27: {  	s1 =	sld [smem:$0x3FAD]  }
0x28: {  	s2 =	sld [smem:$0x3FAE]  }
0x29: {  	s4 =	sld [smem:$0x3FB0]  }
0x2a: {  	p0 =	seq.s32 s5, $0x0;
	s5 =	sld [smem:$0x3FB1]  }
0x2b: {  	s6 =	sld [smem:$0x3FB2]  }
0x2c: {  	s7 =	sld [smem:$0x3FB3]  }
0x2d: {  	s3 =	simm.s32 $0x108;
	s8 =	sld [smem:$0x3FB4]  }
0x2e: {  	s3 =	simm.s32 @!p0 $0x1082;
	s9 =	sld [smem:$0x3FB5]  }
0x2f: {  	lr =	sadd.s32 s0, s3;
	s0 =	sld [smem:$0x3FAC]  }
0x30: {  	s3 =	sld [smem:$0x3FAF]  }
0x31: {  	[smem:$0x3FB8] =	sst s10  }
0x32: {  	s10 =	sld [smem:$0x3FB6];
	_ =	sdelay $0x3  }
0x33: {  	p0 =	seq.s32 s10, $0x1;
	s10 =	sld [smem:$0x3FB8];
	_ =	sdelay $0x3  }
0x34: {  	[smem:$0x3FB8] =	sst s10  }
0x35: {  	s10 =	sld [smem:$0x3FB7];
	_ =	sdelay $0x3  }
0x36: {  	p1 =	seq.s32 s10, $0x1;
	s10 =	sld [smem:$0x3FB8];
	_ =	sdelay $0x3  }
0x37: {  	[smem:$0x3FB8] =	sst s10  }
0x38: {  	s10 =	sld [smem:$0x3FB9]  }
0x39: {  	_ = 	snop;
	(pc) =	sbr.ind lr, $3  }
0x3a: {  	_ = 	snop  }
0x3b: {  	_ = 	snop  }
0x3c: {  	p2 =	seq.s32 s10, $0x1;
	s10 =	sld [smem:$0x3FB8]  }
0x3d: {  	_ =	shalt  }
0x3e: {  	_ =	shalt  }
0x3f: {  	_ =	shalt  }
0x40: {  	_ =	shalt  }
0x41: {  	_ =	shalt  }
0x42: {  	_ =	shalt  }
0x43: {  	_ =	shalt  }
0x44: {  	_ =	shalt  }
0x45: {  	_ =	shalt  }
0x46: {  	_ =	shalt  }
0x47: {  	_ =	shalt  }
0x48: {  	_ =	shalt  }
0x49: {  	_ =	shalt  }
0x4a: {  	_ =	shalt  }
0x4b: {  	_ =	shalt  }
0x4c: {  	_ =	shalt  }
0x4d: {  	_ =	shalt  }
0x4e: {  	_ =	shalt  }
0x4f: {  	_ =	shalt  }
0x50: {  	_ =	shalt  }
0x51: {  	_ =	shalt  }
0x52: {  	_ =	shalt  }
0x53: {  	_ =	shalt  }
0x54: {  	_ =	shalt  }
0x55: {  	_ =	shalt  }
0x56: {  	_ =	shalt  }
0x57: {  	_ =	shalt  }
0x58: {  	_ =	shalt  }
0x59: {  	_ =	shalt  }
0x5a: {  	_ =	shalt  }
0x5b: {  	_ =	shalt  }
0x5c: {  	_ =	shalt  }
0x5d: {  	_ =	shalt  }
0x5e: {  	_ =	shalt  }
0x5f: {  	_ =	shalt  }
0x60: {  	_ =	shalt  }
0x61: {  	_ =	shalt  }
0x62: {  	_ =	shalt  }
0x63: {  	_ =	shalt  }
0x64: {  	_ =	shalt  }
0x65: {  	_ =	shalt  }
0x66: {  	_ =	shalt  }
0x67: {  	_ =	shalt  }
0x68: {  	_ =	shalt  }
0x69: {  	_ =	shalt  }
0x6a: {  	_ =	shalt  }
0x6b: {  	_ =	shalt  }
0x6c: {  	_ =	shalt  }
0x6d: {  	_ =	shalt  }
0x6e: {  	_ =	shalt  }
0x6f: {  	_ =	shalt  }
0x70: {  	_ =	shalt  }
0x71: {  	_ =	shalt  }
0x72: {  	_ =	shalt  }
0x73: {  	_ =	shalt  }
0x74: {  	_ =	shalt  }
0x75: {  	_ =	shalt  }
0x76: {  	_ =	shalt  }
0x77: {  	_ =	shalt  }
0x78: {  	_ =	shalt  }
0x79: {  	_ =	shalt  }
0x7a: {  	_ =	shalt  }
0x7b: {  	_ =	shalt  }
0x7c: {  	_ =	shalt  }
0x7d: {  	_ =	shalt  }
0x7e: {  	_ =	shalt  }
0x7f: {  	_ =	shalt  }
0x80: {  	_ =	shalt  }
0x81: {  	_ =	shalt  }
0x82: {  	_ =	shalt  }
0x83: {  	_ =	shalt  }
0x84: {  	_ =	shalt  }
0x85: {  	_ =	shalt  }
0x86: {  	_ =	shalt  }
0x87: {  	_ =	shalt  }
.Lfunc_end0:
.L_simem_size_0:
called_computation_lowered:
.L_overlay_start_0:
0x88: {  	s2 =	sld [smem:$0x3FD9]  }
0x89: {  	s3 =	sld [smem:$0x3FFE];
	_ =	sdelay $0x1  }
0x8a: {  	s1 =	srdreg.scid  }
0x8b: {  	s0 =	sand.u32 $0x1, s1  }
0x8c: {  	s16 =	sshll.u32 s0, $0xA;
	s2 =	sadd.s32 s3, s2  }
0x8d: {  	s2 =	sadd.s32 s2, s16  }
0x8e: {  	[smem:$0x3FC4] =	sst s2  }
0x8f: {  	_ = 	snop  }
0x90: {  	(tm) =	ssettm $0x1  }
0x91: {  	s17 =	sld [smem:$0x3FFB];
	_ =	sdelay $0x3  }
0x92: {  	_ =	strace s17  }
0x93: {  	s2 =	sld [smem:$0x3FFC];
	_ =	sdelay $0x3  }
0x94: {  	_ =	strace s2  }
0x95: {  	s2 =	sld [smem:$0x3FFD];
	_ =	sdelay $0x3  }
0x96: {  	_ =	strace s2  }
0x97: {  	_ =	strace $0x8FFFFFFF  }
0x98: {  	s18 =	sld [smem:$0x3FDB];
	_ =	sdelay $0x1  }
0x99: {  	s19 =	simm.s32 $_scs_section_size  }
0x9a: {  	s4 =	simm.s32 $_size__tile_overlayer_lowered;
	s5 =	simm.s32 $_tile_overlayer_lowered  }
0x9b: {  	s22 =	simm.s32 $0x1BFF;
	s21 =	sshll.u32 s5, $0x1;
	s2 =	sadd.s32 s19, s18  }
0x9c: {  	s6 =	simm.s32 $0x0;
	s20 =	sshll.u32 s4, $0x1;
	s4 =	sadd.s32 s21, s2  }
0x9d: {  	[timem:s6], [sflag:s22] =	dma.local [hbm:s4], s20  }
0x9e: {  	_ =	swait.ge [sflag:s22], s20  }
0x9f: {  	s3 =	ssub.s32 $0x0, s20;
	[sflag:s22] =	ssyncset.done $0x0  }
0xa0: {  	[sflag:s22] =	ssyncadd.s32 s3;
	_ =	sdelay $0x1  }
0xa1: {  	s23 =	simm.s32 $0x1B8B  }
0xa2: {  	_ =	swait.ge [sflag:s23], $0x1  }
0xa3: {  	[sflag:s23] =	ssyncset.done $0x0  }
0xa4: {  	s25 =	simm.s32 $0x1B8E;
	s24 =	sld [smem:$0x3FFE];
	[sflag:s23] =	ssyncadd.s32 $0xFFFFFFFF  }
0xa5: {  	s26 =	simm.s32 $execute0_lowered;
	[smem:$0x3FD2] =	sst s25  }
0xa6: {  	s4 =	sshll.u32 s26, $0x1;
	_ =	strace $0x80000046;
	[dreg:$0x1] =	wrdreg $0xFFFFFFFF  }
0xa7: {  	s28 =	simm.s32 $_size_execute0_lowered;
	s2 =	sadd.s32 s2, s4;
	[dreg:$0x0] =	wrdreg $0x0  }
0xa8: {  	s4 =	sshll.u32 s28, $0x1;
	[dreg:$0x2] =	wrdreg s2  }
0xa9: {  	[dreg:$0x3] =	wrdreg s4  }
0xaa: {  	[dreg:$0x4] =	wrdreg $0xC0  }
0xab: {  	_ =	task [dreg:s6], $0x5FFFF  }
0xac: {  	[dreg:$0x1] =	wrdreg $0xFFFFFFFF  }
0xad: {  	[dreg:$0x0] =	wrdreg $0x60  }
0xae: {  	[dreg:$0x2] =	wrdreg s24  }
0xaf: {  	[dreg:$0x3] =	wrdreg $0x9  }
0xb0: {  	_ =	task.clear_ibuf [dreg:s6], $0x4FFFF;
	_ =	strace $0x90000046  }
0xb1: {  	s29 =	simm.s32 $0x9;
	_ =	strace $0x80000048  }
0xb2: {  	_ =	swait.ge [sflag:s29], $0x1  }
0xb3: {  	[sflag:s29] =	ssyncadd.s32 $0xFFFFFFFF  }
0xb4: {  	_ =	strace $0x90000048  }
0xb5: {  	_ =	sfence  }
0xb6: {  	s30 =	sld [smem:$0x0];
	_ =	sdelay $0x2  }
0xb7: {  	s31 =	sshll.u32 s1, $0xD;
	s1 =	sshrl.u32 s1, $0x2  }
0xb8: {  	s3 =	sand.u32 $0x4000, s31;
	s1 =	sadd.s32 s1, s30  }
0xb9: {  	s0 =	sor.u32 s3, s0;
	s1 =	sshll.u32 s1, $0x11  }
0xba: {  	s0 =	sor.u32 s1, s0  }
0xbb: {  	s0 =	sadd.s32 $0x8F2B, s0  }
0xbc: {  	[sflag:s0] =	ssyncadd.remote.s32 $0x1  }
0xbd: {  	_ =	sfence.sel $0xFFFF  }
0xbe: {  	[dreg:$0x0] =	wrdreg $0xFFFFFFFF;
	(pc) =	sbr.abs _section_cstart, $3  }
0xbf: {  	[dreg:$0x1] =	wrdreg $0xFFFFFFFF  }
0xc0: {  	_ =	task.clear_ibuf [dreg:s6], $0x2FFFF;
	_ =	strace $0x9FFFFFFF  }
0xc1: {  	(tm) =	ssettm $0x7FFFFFFF  }
tec
execute0_lowered:
.L_overlay_start_1:
0x0: {  	(tag) =	ssettag $0x1  }
0x1: {  	s0 =	rddreg [dreg:$0x0];
	s2 =	simm.s32 $0x0  }
0x2: {  	s1 =	srdreg.scid;
	s4 =	stileid.u32;
	s28 =	simm.s32 $0x2500  }
0x3: {  	s29 =	simm.s32 $0x2900;
	s30 =	simm.s32 $0x2D00;
	s31 =	simm.s32 $0x3100  }
0x4: {  	s17 =	simm.s32 $0x2;
	s18 =	simm.s32 $0x3A00;
	s19 =	simm.s32 $0x0  }
0x5: {  	[smem:$0x7FF] =	sst s2;
	s1 =	sand.u32 $0x1, s1;
	s5 =	sadd.s32 $0x1600, s0  }
0x6: {  	s23 =	sadd.s32 $0x1800, s0;
	_ =	strace $0x80000047;
	[dreg:$0x3] =	wrdreg s5  }
0x7: {  	s3 =	sshll.u32 s4, $0x1;
	s6 =	sadd.s32 $0x1A00, s0;
	[dreg:$0x4] =	wrdreg s23  }
0x8: {  	s4 =	sshrl.u32 s4, $0x2;
	s25 =	sadd.s32 $0x1C00, s0;
	[dreg:$0x5] =	wrdreg s6  }
0x9: {  	s3 =	sor.u32 s1, s3;
	s4 =	smul.u32 $0x2C00, s4;
	[dreg:$0x6] =	wrdreg s25  }
0xa: {  	s1 =	ssub.s32 $0x2, s1;
	s24 =	sshll.u32 s3, $0x7;
	s3 =	smul.u32 $0x280, s3  }
0xb: {  	v2 =	vlaneseq.u32;
	s25 =	simm.s32 $0x3900;
	s26 =	sshrl.u32 s1, $0x1;
	s5 =	sand.u32 $0x380, s24  }
0xc: {  	v0 =	vimm.f32 $0.0e+00;
	v1 =	vimm.s32 $0x0;
	v3 =	vimm.s32 $0x1;
	s1 =	ssub.s32 s1, s26;
	s24 =	simm.s32 $0x1;
	s3 =	smin.u32 s3, $0x4BA0  }
0xd: {  	v4 =	vimm.s32 $0x2;
	v5 =	vimm.s32 $0x3;
	v6 =	vimm.s32 $0x4;
	s26 =	simm.s32 $0x3980;
	s4 =	sor.u32 s4, s5;
	s3 =	sshrl.u32 s3, $0x3  }
0xe: {  	v7 =	vimm.s32 $0x5;
	v8 =	vimm.s32 $0x6;
	v9 =	vimm.s32 $0x7;
	s14 =	smax.u32 s1, $0x1;
	s4 =	sshrl.u32 s4, $0x3;
	s7 =	sadd.s32 s0, s3  }
0xf: {  	v10 =	vimm.s32 $0x8;
	v11 =	vimm.s32 $0x9;
	v12 =	vimm.s32 $0xA;
	s4 =	sadd.s32 s4, s0;
	s0 =	sadd.s32 $0x1E00, s7;
	s9 =	sadd.s32 $0x27C4, s7  }
0x10: {  	v13 =	vimm.s32 $0xB;
	v14 =	vimm.s32 $0xC;
	v15 =	vimm.s32 $0xD;
	s10 =	sadd.s32 $0x3188, s7;
	s11 =	sadd.s32 $0x3B4C, s7;
	s12 =	sadd.s32 $0xC00, s7  }
0x11: {  	v16 =	vimm.s32 $0xE;
	v17 =	vimm.s32 $0xF;
	v2 =	vmul.u32 $0x581, v2;
	s13 =	sadd.s32 $0x4600, s4;
	[dreg:$0x7] =	wrdreg s0;
	s0 =	simm.s32 $0x3500  }
.LBB2_1:
0x12: {  	s1 =	rddreg [dreg:$0x3]  }
0x13: {  	[tilespmem:s2], [sflag:$0x1] =	stream.linear.gather [hbm4b:s1+s2], $0x580, $0x38;
	[tilespmem:$0x9800] =	vst v63  }
0x14: {  	s23 =	rddreg [dreg:$0x4];
	s3 =	simm.s32 $0x580  }
0x15: {  	[tilespmem:s3], [sflag:$0x1] =	stream.linear.gather [hbm4b:s23+s2], $0x580, $0x38;
	[tilespmem:$0x9800] =	vst v63  }
0x16: {  	s4 =	simm.s32 $0xB00;
	s3 =	rddreg [dreg:$0x5]  }
0x17: {  	[tilespmem:s4], [sflag:$0x1] =	stream.linear.gather [hbm4b:s3+s2], $0x580, $0x38;
	[tilespmem:$0x9800] =	vst v63  }
0x18: {  	s5 =	rddreg [dreg:$0x6];
	s6 =	simm.s32 $0x1080  }
0x19: {  	[tilespmem:s6], [sflag:$0x1] =	stream.linear.gather [hbm4b:s5+s2], $0x580, $0x38;
	[tilespmem:$0x9800] =	vst v63  }
0x1a: {  	s8 =	rddreg [dreg:$0x7];
	s15 =	simm.s32 $0x1600  }
0x1b: {  	[tilespmem:s15], [sflag:$0x1] =	stream.linear.gather [hbm4b:s8+s2], $0x280, $0x38;
	[tilespmem:$0x9800] =	vst v63  }
0x1c: {  	s16 =	simm.s32 $0x1880  }
0x1d: {  	[tilespmem:s16], [sflag:$0x1] =	stream.linear.gather [hbm4b:s9+s2], $0x280, $0x38;
	[tilespmem:$0x9800] =	vst v63  }
0x1e: {  	s20 =	simm.s32 $0x1B00  }
0x1f: {  	[tilespmem:s20], [sflag:$0x1] =	stream.linear.gather [hbm4b:s10+s2], $0x280, $0x38;
	[tilespmem:$0x9800] =	vst v63  }
0x20: {  	s21 =	simm.s32 $0x1D80  }
0x21: {  	[tilespmem:s21], [sflag:$0x1] =	stream.linear.gather [hbm4b:s11+s2], $0x280, $0x38;
	[tilespmem:$0x9800] =	vst v63  }
0x22: {  	s22 =	simm.s32 $0x2000  }
0x23: {  	[tilespmem:s22], [sflag:$0x1] =	stream.linear.gather [hbm4b:s7+s2], $0x280, $0x38;
	[tilespmem:$0x9800] =	vst v63  }
0x24: {  	s1 =	simm.s32 $0x3A20;
	s23 =	simm.s32 $0x2280  }
0x25: {  	[tilespmem:s23], [sflag:$0x1] =	stream.linear.gather [hbm4b:s12+s2], $0x280, $0x38;
	[tilespmem:$0x9800] =	vst v63  }
0x26: {  	[tilespmem:s1+$0xFFFFFFE0] =	vst v0  }
0x27: {  	[tilespmem:s1+$0x10] =	vst v0  }
0x28: {  	s3 =	simm.s32 $0x0;
	[tilespmem:s1+$0x0] =	vst v0  }
.LBB2_2:
0x29: {  	s3 =	sadd.s32 $0x4, s3  }
0x2a: {  	[tilespmem:s1+$0xFFFFFFF0] =	vst v0;
	s1 =	sadd.s32 $0x40, s1;
	p0 =	slt.u32 s3, $0x57C  }
.Ltmp0:
0x2b: {  	[tilespmem:s1+$0xFFFFFFE0] =	vst v0;
	(pc) =	sbr.rel @p0 .LBB2_2-.Ltmp0, $3  }
0x2c: {  	_ =	sdelay $0x1  }
0x2d: {  	[tilespmem:s1+$0x10] =	vst v0  }
0x2e: {  	[tilespmem:s1+$0x0] =	vst v0  }
0x2f: {  	[tilespmem:s1+$0xFFFFFFF0] =	vst v0  }
0x30: {  	s1 =	simm.s32 $0x3520;
	[tilespmem:$0x9200] =	vst v0  }
0x31: {  	[tilespmem:s1+$0xFFFFFFE0] =	vst v1  }
0x32: {  	[tilespmem:s1+$0x10] =	vst v1  }
0x33: {  	s3 =	simm.s32 $0x0;
	[tilespmem:s1+$0x0] =	vst v1  }
.LBB2_4:
0x34: {  	s3 =	sadd.s32 $0x4, s3  }
0x35: {  	[tilespmem:s1+$0xFFFFFFF0] =	vst v1;
	s1 =	sadd.s32 $0x40, s1;
	p0 =	slt.u32 s3, $0x38  }
.Ltmp1:
0x36: {  	[tilespmem:s1+$0xFFFFFFE0] =	vst v1;
	(pc) =	sbr.rel @p0 .LBB2_4-.Ltmp1, $3  }
0x37: {  	_ =	sdelay $0x1  }
0x38: {  	[tilespmem:s1+$0x10] =	vst v1  }
0x39: {  	[tilespmem:s1+$0x0] =	vst v1  }
0x3a: {  	[tilespmem:s1+$0xFFFFFFF0] =	vst v1  }
0x3b: {  	[tilespmem:$0x3900] =	vst v1  }
0x3c: {  	[tilespmem:$0x3910] =	vst v1  }
0x3d: {  	_ =	swait.ge [sflag:s24], $0x580  }
0x3e: {  	[sflag:s24] =	ssyncset.done $0x0  }
0x3f: {  	[sflag:s24] =	ssyncadd.s32 $0xFFFFFA80  }
0x40: {  	_ =	swait.ge [sflag:s24], $0x580  }
0x41: {  	[sflag:s24] =	ssyncset.done $0x0  }
0x42: {  	[sflag:s24] =	ssyncadd.s32 $0xFFFFFA80  }
0x43: {  	_ =	swait.ge [sflag:s24], $0x580  }
0x44: {  	[sflag:s24] =	ssyncset.done $0x0  }
0x45: {  	[sflag:s24] =	ssyncadd.s32 $0xFFFFFA80  }
0x46: {  	_ =	swait.ge [sflag:s24], $0x580  }
0x47: {  	[sflag:s24] =	ssyncset.done $0x0  }
0x48: {  	[sflag:s24] =	ssyncadd.s32 $0xFFFFFA80  }
0x49: {  	_ =	swait.ge [sflag:s24], $0x280  }
0x4a: {  	[sflag:s24] =	ssyncset.done $0x0  }
0x4b: {  	[sflag:s24] =	ssyncadd.s32 $0xFFFFFD80  }
0x4c: {  	_ =	swait.ge [sflag:s24], $0x280  }
0x4d: {  	[sflag:s24] =	ssyncset.done $0x0  }
0x4e: {  	[sflag:s24] =	ssyncadd.s32 $0xFFFFFD80  }
0x4f: {  	_ =	swait.ge [sflag:s24], $0x280  }
0x50: {  	[sflag:s24] =	ssyncset.done $0x0  }
0x51: {  	[sflag:s24] =	ssyncadd.s32 $0xFFFFFD80  }
0x52: {  	_ =	swait.ge [sflag:s24], $0x280  }
0x53: {  	[sflag:s24] =	ssyncset.done $0x0  }
0x54: {  	[sflag:s24] =	ssyncadd.s32 $0xFFFFFD80  }
0x55: {  	_ =	swait.ge [sflag:s24], $0x280  }
0x56: {  	[sflag:s24] =	ssyncset.done $0x0  }
0x57: {  	[sflag:s24] =	ssyncadd.s32 $0xFFFFFD80  }
0x58: {  	_ =	swait.ge [sflag:s24], $0x280  }
0x59: {  	[sflag:s24] =	ssyncset.done $0x0  }
0x5a: {  	s3 =	simm.s32 $0x0;
	s1 =	simm.s32 $0x40;
	[sflag:s24] =	ssyncadd.s32 $0xFFFFFD80  }
.LBB2_6:
0x5b: {  	p0 =	sne.s32 s1, $0x9C0;
	v18 =	vld [tilespmem:s3+$0x2000];
	_ =	sdelay $0x4  }
0x5c: {  	(xrf1) =	vunique.msk.u32 $0xffff, v18;
	_ =	sdelay $0xc  }
0x5d: {  	v19 =	vld.idx.msk [tilespmem:v18+s25+$0x0], $0xffff  }
0x5e: {  	_, v20, vm0 =	vpop (xrf1);
	_ =	sdelay $0x1  }
.Ltmp2:
0x5f: {  	(pc) =	sbr.rel @p0 .LBB2_6-.Ltmp2, $3  }
0x60: {  	_ =	sdelay $0x1  }
0x61: {  	v19 =	vadd.s32 v19, v20  }
0x62: {  	s3 =	sshra.s32 s1, $0x2;
	s1 =	sadd.s32 $0x40, s1;
	[tilespmem:v18+s25+$0x0] =	vst.idx.msk vm0, v19  }
0x63: {  	v18 =	vld [tilespmem:s3+$0x2000];
	_ =	sdelay $0x4  }
0x64: {  	(xrf1) =	vunique.msk.u32 $0xffff, v18;
	_ =	sdelay $0xd  }
0x65: {  	v19 =	vld.idx.msk [tilespmem:v18+s25+$0x0], $0xffff;
	_, v20, vm0 =	vpop (xrf1);
	_ =	sdelay $0x4  }
0x66: {  	v19 =	vadd.s32 v19, v20  }
0x67: {  	[tilespmem:v18+s25+$0x0] =	vst.idx.msk vm0, v19  }
0x68: {  	v18 =	vld [tilespmem:$0x3900]  }
0x69: {  	v19 =	vld [tilespmem:$0x3910];
	_ =	sdelay $0x3  }
0x6a: {  	v18 =	vadd.s32 $0xF, v18  }
0x6b: {  	v19 =	vadd.s32 $0xF, v19;
	v18 =	vand.u32 $0xFFFFFFF0, v18  }
0x6c: {  	v19 =	vand.u32 $0xFFFFFFF0, v19;
	(xrf0) =	vadd.scan.msk.s32 $0xffff, v18  }
0x6d: {  	(xrf0) =	vadd.scan.msk.s32 $0xffff, v19;
	_ =	sdelay $0x4  }
0x6e: {  	v20, _, _ =	vpop (xrf0)  }
0x6f: {  	[tilespmem:$0x3900] =	vst v1;
	v21, _, _ =	vpop (xrf0);
	v22 =	vbroadcast v20, $0xF  }
0x70: {  	[tilespmem:$0x3910] =	vst v1;
	v18 =	vsub.s32 v20, v18;
	v19 =	vsub.s32 v21, v19  }
0x71: {  	[tilespmem:$0x3980] =	vst v18;
	v19 =	vadd.s32 v22, v19  }
0x72: {  	s1 =	simm.s32 $0x0;
	[tilespmem:$0x3990] =	vst v19  }
0x73: {  	s20 =	simm.s32 $0x0;
	s3 =	simm.s32 $0x40;
	v18 =	vld [tilespmem:s1+$0x2000]  }
.LBB2_8:
0x74: {  	p0 =	sne.s32 s3, $0x9C0;
	v19 =	vld [tilespmem:s1+$0x1600];
	_ =	sdelay $0x3  }
0x75: {  	(xrf1) =	vunique.msk.u32 $0xffff, v18;
	_ =	sdelay $0x8  }
0x76: {  	v20 =	vld.idx.msk [tilespmem:v18+s25+$0x0], $0xffff  }
0x77: {  	v21 =	vld.idx.msk [tilespmem:v18+s26+$0x0], $0xffff;
	_ =	sdelay $0x3  }
0x78: {  	_, v22, vm0 =	vpop (xrf1)  }
0x79: {  	v20 =	vadd.s32 v20, v22  }
0x7a: {  	v21 =	vadd.s32 v21, v20  }
0x7b: {  	v21 =	vadd.s32 $0xFFFFFFFF, v21;
	_ =	sdelay $0x4  }
0x7c: {  	[tilespmem:v21+s28+$0x0] =	vst.idx.msk $0xffff, v19  }
0x7d: {  	v19 =	vld [tilespmem:s1+$0x1880];
	_ =	sdelay $0x4  }
0x7e: {  	[tilespmem:v21+s29+$0x0] =	vst.idx.msk $0xffff, v19  }
0x7f: {  	v19 =	vld [tilespmem:s1+$0x1B00];
	_ =	sdelay $0x4  }
0x80: {  	[tilespmem:v21+s30+$0x0] =	vst.idx.msk $0xffff, v19  }
0x81: {  	v19 =	vld [tilespmem:s1+$0x1D80];
	_ =	sdelay $0x4  }
0x82: {  	[tilespmem:v21+s31+$0x0] =	vst.idx.msk $0xffff, v19  }
0x83: {  	v19 =	vld [tilespmem:s1+$0x2280];
	_ =	sdelay $0x2  }
.Ltmp3:
0x84: {  	(pc) =	sbr.rel @p0 .LBB2_8-.Ltmp3, $4  }
0x85: {  	_ = 	snop  }
0x86: {  	[tilespmem:v21+s0+$0x0] =	vst.idx.msk $0xffff, v19  }
0x87: {  	s1 =	sshra.s32 s3, $0x2;
	[tilespmem:v18+s25+$0x0] =	vst.idx.msk vm0, v20  }
0x88: {  	s3 =	sadd.s32 $0x40, s3;
	v18 =	vld [tilespmem:s1+$0x2000]  }
0x89: {  	_ =	sdelay $0x3  }
0x8a: {  	(xrf1) =	vunique.msk.u32 $0xffff, v18;
	_ =	sdelay $0x9  }
0x8b: {  	v19 =	vld.idx.msk [tilespmem:v18+s25+$0x0], $0xffff  }
0x8c: {  	v20 =	vld.idx.msk [tilespmem:v18+s26+$0x0], $0xffff;
	_ =	sdelay $0x2  }
0x8d: {  	_, v21, vm0 =	vpop (xrf1)  }
0x8e: {  	v19 =	vadd.s32 v19, v21  }
0x8f: {  	v20 =	vadd.s32 v20, v19  }
0x90: {  	v63 =	vld [tilespmem:s1+$0x1600];
	v20 =	vadd.s32 $0xFFFFFFFF, v20;
	_ =	sdelay $0x4  }
0x91: {  	[tilespmem:v20+s28+$0x0] =	vst.idx.msk $0xffff, v63  }
0x92: {  	v21 =	vld [tilespmem:s1+$0x1880];
	_ =	sdelay $0x4  }
0x93: {  	[tilespmem:v20+s29+$0x0] =	vst.idx.msk $0xffff, v21  }
0x94: {  	v21 =	vld [tilespmem:s1+$0x1B00];
	_ =	sdelay $0x4  }
0x95: {  	[tilespmem:v20+s30+$0x0] =	vst.idx.msk $0xffff, v21  }
0x96: {  	v21 =	vld [tilespmem:s1+$0x1D80];
	_ =	sdelay $0x4  }
0x97: {  	[tilespmem:v20+s31+$0x0] =	vst.idx.msk $0xffff, v21  }
0x98: {  	v21 =	vld [tilespmem:s1+$0x2280];
	_ =	sdelay $0x1  }
.Ltmp4:
0x99: {  	_ = 	snop;
	(pc) =	sbr.rel .LBB2_10-.Ltmp4, $3  }
0x9a: {  	_ =	sdelay $0x1  }
0x9b: {  	[tilespmem:v20+s0+$0x0] =	vst.idx.msk $0xffff, v21  }
0x9c: {  	[tilespmem:v18+s25+$0x0] =	vst.idx.msk vm0, v19  }
.LBB2_12:
0x9d: {  	_ = 	snop  }
.LBB2_22:
0x9e: {  	v35 =	vmul.f32 v37, v35;
	v33 =	vmul.f32 v40, v33  }
0x9f: {  	v62 =	vperm.xlane v26, v5;
	v63 =	vperm.xlane v27, v5  }
0xa0: {  	v60 =	vmax.f32 v38, $0.0e+00;
	v44 =	vperm.xlane v25, v5;
	v53 =	vperm.xlane v24, v6  }
0xa1: {  	v61 =	vmax.f32 v39, $0.0e+00;
	v55 =	vperm.xlane v26, v6;
	v56 =	vperm.xlane v27, v6  }
0xa2: {  	s3 =	sadd.s32 $0x2, s1;
	v48 =	vmax.f32 v34, v20;
	v57 =	vperm.xlane v25, v6;
	v42 =	vperm.xlane v24, v7  }
0xa3: {  	s21 =	sadd.s32 $0x2, s4;
	s22 =	sadd.s32 $0x3, s1;
	s5 =	sadd.s32 $0x4, s1;
	v40 =	vperm.xlane v24, v17;
	v37 =	vmul.f32 v61, v60;
	vm1 =	vgt.s32 v18, s3  }
0xa4: {  	s8 =	sadd.s32 $0x5, s1;
	s16 =	sadd.s32 $0x6, s1;
	v52 =	vadd.s32 s21, v2;
	vm13 =	vgt.s32 v18, s22;
	vm14 =	vgt.s32 v18, s5  }
0xa5: {  	vm15 =	vgt.s32 v18, s8;
	vm8 =	vgt.s32 v18, s16;
	v35 =	vadd.f32 v35, v19  }
0xa6: {  	v46 =	vsub.f32 v62, v34;
	v47 =	vsub.f32 v44, v63;
	v39 =	vmin.f32 v62, v22  }
0xa7: {  	s22 =	sadd.s32 $0x7, s1;
	s5 =	sadd.s32 $0x8, s1;
	s8 =	sadd.s32 $0x9, s1;
	v38 =	vmin.f32 v44, v23;
	v59 =	vsub.f32 v55, v53;
	v60 =	vsub.f32 v57, v56  }
0xa8: {  	vm4 =	vgt.s32 v18, s22;
	vm5 =	vgt.s32 v18, s5;
	vm9 =	vgt.s32 v18, s8  }
0xa9: {  	s23 =	sadd.s32 $0x3, s4;
	v33 =	vmax.f32 v36, v33;
	v36 =	vmax.f32 v63, v21;
	v50 =	vsub.f32 v39, v48  }
0xaa: {  	v39 =	vmin.f32 v57, v23;
	v63 =	vadd.s32 s23, v2;
	v57 =	vperm.xlane v25, v8;
	[tilespmem:v30+s18+$0x0] =	vst.idx.msk vm3, v33  }
0xab: {  	v45 =	vsub.f32 v35, v37;
	v51 =	vsub.f32 v38, v36;
	v33 =	vmul.f32 v47, v46  }
0xac: {  	v38 =	vmax.f32 v53, v20;
	v46 =	vperm.xlane v27, v7;
	v47 =	vperm.xlane v25, v7  }
0xad: {  	v35 =	vmin.f32 v55, v22;
	v53 =	vperm.xlane v24, v8;
	v49 =	vld.idx.msk [tilespmem:v31+s18+$0x0], vm2;
	(erf) = vrcp.f32 v45  }
0xae: {  	v55 =	vperm.xlane v26, v8;
	v30 =	vmax.f32 v50, $0.0e+00;
	v62 =	vsub.f32 v35, v38  }
0xaf: {  	v38 =	vmax.f32 v42, v20;
	v34 =	vmax.f32 v51, $0.0e+00;
	v33 =	vadd.f32 v33, v19;
	v54 =	vpop (erf)  }
0xb0: {  	v30 =	vmul.f32 v34, v30;
	v34 =	vmax.f32 v56, v21;
	v32 =	vmul.f32 v54, v32  }
0xb1: {  	v45 =	vperm.xlane v26, v7;
	v36 =	vmin.f32 v55, v22;
	v34 =	vsub.f32 v39, v34  }
0xb2: {  	v56 =	vperm.xlane v27, v8;
	v58 =	vsub.f32 v33, v30;
	v32 =	vmax.f32 v49, v32  }
0xb3: {  	v48 =	vsub.f32 v45, v42;
	v39 =	vmin.f32 v47, v23;
	v34 =	vmax.f32 v34, $0.0e+00;
	[tilespmem:v31+s18+$0x0] =	vst.idx.msk vm2, v32  }
0xb4: {  	v49 =	vsub.f32 v47, v46;
	v47 =	vperm.xlane v27, v9;
	(erf) = vrcp.f32 v58;
	v61 =	vld.idx.msk [tilespmem:v52+s18+$0x0], vm1  }
0xb5: {  	v32 =	vmul.f32 v60, v59;
	v31 =	vmax.f32 v62, $0.0e+00;
	v59 =	vsub.f32 v55, v53  }
0xb6: {  	v60 =	vsub.f32 v57, v56;
	v55 =	vperm.xlane v24, v10;
	v31 =	vmul.f32 v34, v31;
	v43 =	vpop (erf)  }
0xb7: {  	v34 =	vmax.f32 v46, v21;
	v32 =	vadd.f32 v32, v19;
	v44 =	vmul.f32 v43, v37  }
0xb8: {  	v46 =	vperm.xlane v26, v9;
	v34 =	vsub.f32 v39, v34;
	v39 =	vmin.f32 v57, v23  }
0xb9: {  	s16 =	sadd.s32 $0xA, s1;
	v57 =	vperm.xlane v26, v10;
	v32 =	vsub.f32 v32, v31;
	v33 =	vmax.f32 v61, v44  }
0xba: {  	vm10 =	vgt.s32 v18, s16;
	v35 =	vmin.f32 v46, v22;
	v37 =	vmin.f32 v45, v22;
	[tilespmem:v52+s18+$0x0] =	vst.idx.msk vm1, v33  }
0xbb: {  	v34 =	vmax.f32 v34, $0.0e+00;
	(erf) = vrcp.f32 v32;
	v51 =	vsub.f32 v37, v38;
	v50 =	vld.idx.msk [tilespmem:v63+s18+$0x0], vm13  }
0xbc: {  	s6 =	sadd.s32 $0x4, s4;
	v43 =	vperm.xlane v26, v17;
	v38 =	vmax.f32 v53, v20;
	v33 =	vmul.f32 v49, v48  }
0xbd: {  	v37 =	vmin.f32 v57, v22;
	v52 =	vadd.s32 s6, v2;
	v32 =	vmax.f32 v51, $0.0e+00;
	v54 =	vpop (erf)  }
0xbe: {  	v32 =	vmul.f32 v34, v32;
	v30 =	vmul.f32 v54, v30;
	v33 =	vadd.f32 v33, v19  }
0xbf: {  	v62 =	vsub.f32 v36, v38;
	v44 =	vperm.xlane v24, v9;
	v48 =	vperm.xlane v25, v9  }
0xc0: {  	s22 =	sadd.s32 $0xB, s1;
	v34 =	vmax.f32 v56, v21;
	v58 =	vsub.f32 v33, v32;
	v30 =	vmax.f32 v50, v30  }
0xc1: {  	vm11 =	vgt.s32 v18, s22;
	v38 =	vmax.f32 v44, v20;
	v34 =	vsub.f32 v39, v34;
	[tilespmem:v63+s18+$0x0] =	vst.idx.msk vm13, v30  }
0xc2: {  	v51 =	vsub.f32 v48, v47;
	v39 =	vmin.f32 v48, v23;
	(erf) = vrcp.f32 v58;
	v61 =	vld.idx.msk [tilespmem:v52+s18+$0x0], vm14  }
0xc3: {  	s15 =	sadd.s32 $0x5, s4;
	v53 =	vsub.f32 v35, v38;
	v48 =	vperm.xlane v26, v11;
	v33 =	vmul.f32 v60, v59  }
0xc4: {  	v34 =	vmax.f32 v34, $0.0e+00;
	v63 =	vadd.s32 s15, v2;
	v45 =	vpop (erf);
	v30 =	vmax.f32 v62, $0.0e+00  }
0xc5: {  	v33 =	vadd.f32 v33, v19;
	v31 =	vmul.f32 v45, v31;
	v30 =	vmul.f32 v34, v30  }
0xc6: {  	v38 =	vmax.f32 v55, v20;
	v59 =	vperm.xlane v25, v10;
	v36 =	vmin.f32 v48, v22  }
0xc7: {  	s21 =	sadd.s32 $0x6, s4;
	v50 =	vsub.f32 v46, v44;
	v49 =	vsub.f32 v33, v30;
	v31 =	vmax.f32 v61, v31  }
0xc8: {  	v54 =	vadd.s32 s21, v2;
	v58 =	vperm.xlane v27, v10;
	v34 =	vmax.f32 v47, v21;
	[tilespmem:v52+s18+$0x0] =	vst.idx.msk vm14, v31  }
0xc9: {  	v46 =	vperm.xlane v24, v11;
	v34 =	vsub.f32 v39, v34;
	(erf) = vrcp.f32 v49;
	v52 =	vld.idx.msk [tilespmem:v63+s18+$0x0], vm15  }
0xca: {  	v62 =	vsub.f32 v59, v58;
	v39 =	vmin.f32 v59, v23;
	v33 =	vmul.f32 v51, v50  }
0xcb: {  	v59 =	vperm.xlane v26, v12;
	v34 =	vmax.f32 v34, $0.0e+00;
	v31 =	vmax.f32 v53, $0.0e+00;
	v56 =	vpop (erf)  }
0xcc: {  	v33 =	vadd.f32 v33, v19;
	v31 =	vmul.f32 v34, v31;
	v32 =	vmul.f32 v56, v32  }
0xcd: {  	v44 =	vsub.f32 v37, v38;
	v38 =	vmax.f32 v46, v20;
	v50 =	vperm.xlane v25, v11  }
0xce: {  	s23 =	sadd.s32 $0x7, s4;
	v35 =	vmin.f32 v59, v22;
	v60 =	vsub.f32 v33, v31;
	v32 =	vmax.f32 v52, v32  }
0xcf: {  	v45 =	vadd.s32 s23, v2;
	v61 =	vsub.f32 v57, v55;
	v34 =	vmax.f32 v58, v21;
	[tilespmem:v63+s18+$0x0] =	vst.idx.msk vm15, v32  }
0xd0: {  	v49 =	vperm.xlane v27, v11;
	v34 =	vsub.f32 v39, v34;
	(erf) = vrcp.f32 v60;
	v63 =	vld.idx.msk [tilespmem:v54+s18+$0x0], vm8  }
0xd1: {  	v55 =	vsub.f32 v36, v38;
	v57 =	vperm.xlane v24, v12;
	v33 =	vmul.f32 v62, v61  }
0xd2: {  	v53 =	vsub.f32 v50, v49;
	v34 =	vmax.f32 v34, $0.0e+00;
	v47 =	vpop (erf);
	v32 =	vmax.f32 v44, $0.0e+00  }
0xd3: {  	v33 =	vadd.f32 v33, v19;
	v30 =	vmul.f32 v47, v30;
	v32 =	vmul.f32 v34, v32  }
0xd4: {  	v38 =	vmax.f32 v57, v20;
	v39 =	vmin.f32 v50, v23;
	v50 =	vperm.xlane v26, v13  }
0xd5: {  	s6 =	sadd.s32 $0x8, s4;
	v61 =	vperm.xlane v25, v12;
	v51 =	vsub.f32 v33, v32;
	v30 =	vmax.f32 v63, v30  }
0xd6: {  	v56 =	vadd.s32 s6, v2;
	v52 =	vsub.f32 v48, v46;
	v34 =	vmax.f32 v49, v21;
	[tilespmem:v54+s18+$0x0] =	vst.idx.msk vm8, v30  }
0xd7: {  	v37 =	vmin.f32 v50, v22;
	v34 =	vsub.f32 v39, v34;
	(erf) = vrcp.f32 v51;
	v54 =	vld.idx.msk [tilespmem:v45+s18+$0x0], vm4  }
0xd8: {  	v60 =	vperm.xlane v27, v12;
	v46 =	vsub.f32 v35, v38;
	v33 =	vmul.f32 v53, v52  }
0xd9: {  	v48 =	vperm.xlane v24, v13;
	v34 =	vmax.f32 v34, $0.0e+00;
	v58 =	vpop (erf);
	v30 =	vmax.f32 v55, $0.0e+00  }
0xda: {  	v33 =	vadd.f32 v33, v19;
	v31 =	vmul.f32 v58, v31;
	v30 =	vmul.f32 v34, v30  }
0xdb: {  	v44 =	vsub.f32 v61, v60;
	v38 =	vmax.f32 v48, v20;
	v39 =	vmin.f32 v61, v23  }
0xdc: {  	s15 =	sadd.s32 $0x9, s4;
	v61 =	vperm.xlane v26, v14;
	v62 =	vsub.f32 v33, v30;
	v31 =	vmax.f32 v54, v31  }
0xdd: {  	v47 =	vadd.s32 s15, v2;
	v63 =	vsub.f32 v59, v57;
	v34 =	vmax.f32 v60, v21;
	[tilespmem:v45+s18+$0x0] =	vst.idx.msk vm4, v31  }
0xde: {  	v52 =	vperm.xlane v25, v13;
	v34 =	vsub.f32 v39, v34;
	(erf) = vrcp.f32 v62;
	v45 =	vld.idx.msk [tilespmem:v56+s18+$0x0], vm5  }
0xdf: {  	v36 =	vmin.f32 v61, v22;
	v51 =	vperm.xlane v27, v13;
	v33 =	vmul.f32 v44, v63  }
0xe0: {  	v57 =	vsub.f32 v37, v38;
	v34 =	vmax.f32 v34, $0.0e+00;
	v49 =	vpop (erf);
	v31 =	vmax.f32 v46, $0.0e+00  }
0xe1: {  	v33 =	vadd.f32 v33, v19;
	v32 =	vmul.f32 v49, v32;
	v31 =	vmul.f32 v34, v31  }
0xe2: {  	v59 =	vperm.xlane v24, v14;
	v55 =	vsub.f32 v52, v51;
	v39 =	vmin.f32 v52, v23  }
0xe3: {  	s21 =	sadd.s32 $0xA, s4;
	v63 =	vperm.xlane v25, v14;
	v53 =	vsub.f32 v33, v31;
	v32 =	vmax.f32 v45, v32  }
0xe4: {  	v58 =	vadd.s32 s21, v2;
	v54 =	vsub.f32 v50, v48;
	v34 =	vmax.f32 v51, v21;
	[tilespmem:v56+s18+$0x0] =	vst.idx.msk vm5, v32  }
0xe5: {  	v62 =	vperm.xlane v27, v14;
	v34 =	vsub.f32 v39, v34;
	(erf) = vrcp.f32 v53;
	v56 =	vld.idx.msk [tilespmem:v47+s18+$0x0], vm9  }
0xe6: {  	v38 =	vmax.f32 v59, v20;
	v52 =	vperm.xlane v27, v15;
	v33 =	vmul.f32 v55, v54  }
0xe7: {  	v46 =	vsub.f32 v63, v62;
	v34 =	vmax.f32 v34, $0.0e+00;
	v60 =	vpop (erf);
	v32 =	vmax.f32 v57, $0.0e+00  }
0xe8: {  	v33 =	vadd.f32 v33, v19;
	v30 =	vmul.f32 v60, v30;
	v32 =	vmul.f32 v34, v32  }
0xe9: {  	v49 =	vperm.xlane v24, v15;
	v51 =	vperm.xlane v26, v15;
	v39 =	vmin.f32 v63, v23  }
0xea: {  	s23 =	sadd.s32 $0xB, s4;
	v63 =	vperm.xlane v25, v16;
	v44 =	vsub.f32 v33, v32;
	v30 =	vmax.f32 v56, v30  }
0xeb: {  	v48 =	vadd.s32 s23, v2;
	v45 =	vsub.f32 v61, v59;
	v34 =	vmax.f32 v62, v21;
	[tilespmem:v47+s18+$0x0] =	vst.idx.msk vm9, v30  }
0xec: {  	v34 =	vsub.f32 v39, v34;
	(erf) = vrcp.f32 v44;
	v47 =	vsub.f32 v36, v38;
	v41 =	vld.idx.msk [tilespmem:v58+s18+$0x0], vm10  }
0xed: {  	v55 =	vsub.f32 v51, v49;
	v35 =	vmin.f32 v51, v22;
	v33 =	vmul.f32 v46, v45  }
0xee: {  	v53 =	vperm.xlane v25, v15;
	v34 =	vmax.f32 v34, $0.0e+00;
	v50 =	vpop (erf);
	v30 =	vmax.f32 v47, $0.0e+00  }
0xef: {  	v33 =	vadd.f32 v33, v19;
	v31 =	vmul.f32 v50, v31;
	v30 =	vmul.f32 v34, v30  }
0xf0: {  	v37 =	vmin.f32 v63, v23;
	v61 =	vperm.xlane v27, v16;
	v39 =	vmin.f32 v53, v23  }
0xf1: {  	s5 =	sadd.s32 $0xC, s1;
	v56 =	vsub.f32 v53, v52;
	v54 =	vsub.f32 v33, v30;
	v31 =	vmax.f32 v41, v31  }
0xf2: {  	vm12 =	vgt.s32 v18, s5;
	v38 =	vmax.f32 v49, v20;
	v34 =	vmax.f32 v52, v21;
	[tilespmem:v58+s18+$0x0] =	vst.idx.msk vm10, v31  }
0xf3: {  	s6 =	sadd.s32 $0xC, s4;
	v57 =	vsub.f32 v35, v38;
	v34 =	vsub.f32 v39, v34;
	(erf) = vrcp.f32 v54;
	v42 =	vld.idx.msk [tilespmem:v48+s18+$0x0], vm11  }
0xf4: {  	v59 =	vadd.s32 s6, v2;
	v62 =	vperm.xlane v26, v16;
	v33 =	vmul.f32 v56, v55  }
0xf5: {  	v46 =	vsub.f32 v63, v61;
	v34 =	vmax.f32 v34, $0.0e+00;
	v60 =	vpop (erf);
	v31 =	vmax.f32 v57, $0.0e+00  }
0xf6: {  	v33 =	vadd.f32 v33, v19;
	v32 =	vmul.f32 v60, v32;
	v31 =	vmul.f32 v34, v31  }
0xf7: {  	v41 =	vperm.xlane v27, v17;
	v27 =	vmax.f32 v61, v21;
	v58 =	vperm.xlane v24, v16  }
0xf8: {  	v34 =	vmin.f32 v62, v22;
	v44 =	vsub.f32 v33, v31;
	v32 =	vmax.f32 v42, v32  }
0xf9: {  	v45 =	vsub.f32 v62, v58;
	v24 =	vmax.f32 v58, v20;
	[tilespmem:v48+s18+$0x0] =	vst.idx.msk vm11, v32  }
0xfa: {  	s8 =	sadd.s32 $0xD, s1;
	s15 =	sadd.s32 $0xD, s4;
	v27 =	vsub.f32 v37, v27;
	v24 =	vsub.f32 v34, v24;
	(erf) = vrcp.f32 v44;
	v47 =	vld.idx.msk [tilespmem:v59+s18+$0x0], vm12  }
0xfb: {  	vm13 =	vgt.s32 v18, s8;
	v49 =	vadd.s32 s15, v2;
	v33 =	vmul.f32 v46, v45  }
0xfc: {  	v52 =	vsub.f32 v43, v40;
	v27 =	vmax.f32 v27, $0.0e+00;
	v24 =	vmax.f32 v24, $0.0e+00;
	v50 =	vpop (erf)  }
0xfd: {  	v24 =	vmul.f32 v27, v24;
	v51 =	vadd.f32 v33, v19;
	v30 =	vmul.f32 v50, v30  }
0xfe: {  	v56 =	vmin.f32 v43, v22;
	v54 =	vmax.f32 v40, v20;
	v48 =	vperm.xlane v25, v17  }
0xff: {  	v55 =	vmax.f32 v41, v21;
	v27 =	vsub.f32 v51, v24;
	v30 =	vmax.f32 v47, v30  }
0x100: {  	v53 =	vsub.f32 v48, v41;
	v57 =	vmin.f32 v48, v23;
	[tilespmem:v59+s18+$0x0] =	vst.idx.msk vm12, v30  }
0x101: {  	s16 =	sadd.s32 $0xE, s1;
	v20 =	vsub.f32 v56, v54;
	(erf) = vrcp.f32 v27;
	v21 =	vsub.f32 v57, v55;
	v58 =	vld.idx.msk [tilespmem:v49+s18+$0x0], vm13  }
0x102: {  	vm14 =	vgt.s32 v18, s16;
	s21 =	sadd.s32 $0xE, s4;
	v59 =	vmul.f32 v53, v52  }
0x103: {  	v60 =	vadd.s32 s21, v2;
	v20 =	vmax.f32 v20, $0.0e+00;
	v21 =	vmax.f32 v21, $0.0e+00;
	v61 =	vpop (erf)  }
0x104: {  	v20 =	vmul.f32 v21, v20;
	v26 =	vmul.f32 v61, v31;
	v19 =	vadd.f32 v59, v19;
	_ =	sdelay $0x1  }
0x105: {  	v19 =	vsub.f32 v19, v20;
	v62 =	vmax.f32 v58, v26  }
0x106: {  	[tilespmem:v49+s18+$0x0] =	vst.idx.msk vm13, v62  }
0x107: {  	s22 =	sadd.s32 $0xF, s1;
	(erf) = vrcp.f32 v19;
	v21 =	vld.idx.msk [tilespmem:v60+s18+$0x0], vm14  }
0x108: {  	vm15 =	vgt.s32 v18, s22;
	s23 =	sadd.s32 $0xF, s4  }
0x109: {  	v18 =	vadd.s32 s23, v2;
	v19 =	vpop (erf)  }
0x10a: {  	v19 =	vmul.f32 v19, v24;
	_ =	sdelay $0x1  }
0x10b: {  	v19 =	vmax.f32 v21, v19  }
0x10c: {  	[tilespmem:v60+s18+$0x0] =	vst.idx.msk vm14, v19  }
0x10d: {  	v19 =	vld.idx.msk [tilespmem:v18+s18+$0x0], vm15;
	_ =	sdelay $0x1  }
0x10e: {  	v63 =	vpop (erf)  }
0x10f: {  	v20 =	vmul.f32 v63, v20;
	_ =	sdelay $0x1  }
0x110: {  	[tilespmem:v28+s18+$0x0] =	vst.idx.msk @p0 vm0, v29;
	v19 =	vmax.f32 v19, v20  }
0x111: {  	[tilespmem:v18+s18+$0x0] =	vst.idx.msk vm15, v19  }
.LBB2_13:
0x112: {  	s20 =	sadd.s32 $0x1, s20  }
0x113: {  	p0 =	seq.s32 s20, $0x3C  }
.Ltmp5:
0x114: {  	_ = 	snop;
	(pc) =	sbr.rel @p0 .LBB2_14-.Ltmp5, $1  }
0x115: {  	_ =	sdelay $0x3  }
.LBB2_10:
0x116: {  	s4 =	sshll.u32 s20, $0x4  }
0x117: {  	v18 =	vld [tilespmem:s4+$0x3500];
	_ =	sdelay $0x4  }
0x118: {  	v19 =	vxor.u32 $0x80000000, v18  }
0x119: {  	(xrf0) =	vmax.scan.msk.u32 $0xffff, v19;
	_ =	sdelay $0x5  }
0x11a: {  	v19, _, _ =	vpop (xrf0)  }
0x11b: {  	(v2sf) =	vpush v19, $0xF;
	_ =	sdelay $0xe  }
0x11c: {  	s1 =	spop (v2sf)  }
0x11d: {  	s3 =	sand.u32 $0x7FF, s1  }
0x11e: {  	s3 =	sadd.s32 $0xF, s3  }
0x11f: {  	s3 =	sshrl.u32 s3, $0x4  }
0x120: {  	p0 =	seq.s32 s3, $0x0  }
.Ltmp6:
0x121: {  	_ = 	snop;
	(pc) =	sbr.rel @p0 .LBB2_13-.Ltmp6, $4  }
0x122: {  	v20 =	vld [tilespmem:s4+$0x2500]  }
0x123: {  	v21 =	vld [tilespmem:s4+$0x2900]  }
0x124: {  	v22 =	vld [tilespmem:s4+$0x2D00]  }
0x125: {  	v23 =	vld [tilespmem:s4+$0x3100]  }
0x126: {  	s1 =	sshra.s32 s1, $0xB  }
0x127: {  	s23 =	sshll.u32 s3, $0x4;
	s21 =	sxor.u32 $0xFFF00000, s1  }
0x128: {  	[dreg:$0x2] =	wrdreg s23;
	s15 =	sadd.s32 $0x580, s21  }
0x129: {  	s5 =	sadd.s32 $0xB00, s21;
	v27 =	vld [tilespmem:s15+$0x0]  }
0x12a: {  	s3 =	sadd.s32 $0x1080, s21;
	v19 =	vsub.f32 v22, v20;
	v26 =	vld [tilespmem:s5+$0x0];
	v24 =	vsub.f32 v23, v21  }
0x12b: {  	v25 =	vld [tilespmem:s3+$0x0]  }
0x12c: {  	v19 =	vmul.f32 v24, v19;
	v24 =	vld [tilespmem:s21+$0x0];
	_ =	sdelay $0x3  }
0x12d: {  	v29 =	vperm.xlane v27, v1;
	v31 =	vperm.xlane v25, v1  }
0x12e: {  	v30 =	vperm.xlane v26, v1;
	v28 =	vperm.xlane v24, v1  }
0x12f: {  	v33 =	vsub.f32 v31, v29;
	v29 =	vmax.f32 v29, v21;
	v31 =	vmin.f32 v31, v23  }
0x130: {  	v32 =	vsub.f32 v30, v28;
	v28 =	vmax.f32 v28, v20;
	v30 =	vmin.f32 v30, v22  }
0x131: {  	v29 =	vsub.f32 v31, v29;
	v28 =	vsub.f32 v30, v28  }
0x132: {  	v30 =	vmul.f32 v33, v32  }
0x133: {  	v29 =	vmax.f32 v29, $0.0e+00;
	v28 =	vmax.f32 v28, $0.0e+00  }
0x134: {  	v18 =	vand.u32 $0x7FF, v18;
	s16 =	simm.s32 $0x1;
	v33 =	vmul.f32 v29, v28;
	v28 =	vadd.f32 v30, v19  }
0x135: {  	s1 =	simm.s32 $0x0;
	vm2 =	vgt.s32 v18, s16;
	v62 =	vperm.xlane v26, v3;
	v31 =	vperm.xlane v24, v3  }
0x136: {  	vm0 =	vgt.s32 v18, s1;
	v38 =	vperm.xlane v27, v4;
	v28 =	vsub.f32 v28, v33  }
0x137: {  	v34 =	vsub.f32 v62, v31;
	v29 =	vperm.xlane v27, v3;
	v30 =	vperm.xlane v25, v3  }
0x138: {  	v31 =	vmax.f32 v31, v20;
	v32 =	vmin.f32 v62, v22;
	(erf) = vrcp.f32 v28  }
0x139: {  	v35 =	vsub.f32 v30, v29;
	v29 =	vmax.f32 v29, v21;
	v30 =	vmin.f32 v30, v23  }
0x13a: {  	v39 =	vperm.xlane v26, v4;
	v29 =	vsub.f32 v30, v29;
	v28 =	vsub.f32 v32, v31  }
0x13b: {  	s4 =	sadd.s32 $0x0, s21;
	s22 =	rddreg [dreg:$0x2];
	vm3 =	vmmov vm0;
	v36 =	vperm.xlane v24, v4;
	v31 =	vmul.f32 v35, v34  }
0x13c: {  	p1 =	seq.s32 s22, $0x10;
	v30 =	vadd.s32 s4, v2;
	v29 =	vmax.f32 v29, $0.0e+00;
	v28 =	vmax.f32 v28, $0.0e+00  }
.Ltmp7:
0x13d: {  	v41 =	vmax.f32 v38, v21;
	v32 =	vmul.f32 v29, v28;
	v28 =	vadd.f32 v31, v19;
	(pc) =	sbr.rel @p1 .LBB2_12-.Ltmp7, $4  }
0x13e: {  	v63 =	vmin.f32 v39, v22;
	v40 =	vmax.f32 v36, v20;
	v29 =	vperm.xlane v25, v4  }
0x13f: {  	s23 =	sadd.s32 $0x1, s4;
	v35 =	vsub.f32 v39, v36;
	v34 =	vperm.xlane v24, v5;
	v28 =	vsub.f32 v28, v32  }
0x140: {  	v31 =	vadd.s32 s23, v2;
	v37 =	vsub.f32 v29, v38;
	v29 =	vmin.f32 v29, v23  }
0x141: {  	p0 =	por $0x0, $0x0;
	s22 =	simm.s32 $0x10;
	v36 =	vld.idx.msk [tilespmem:v30+s18+$0x0], vm0;
	v38 =	vsub.f32 v63, v40;
	v39 =	vsub.f32 v29, v41;
	(erf) = vrcp.f32 v28;
	v40 =	vpop (erf)  }
0x142: {  	v28 =	vmul.f32 v40, v33  }
0x143: {  	v29 =	vmul.f32 v37, v35;
	v43 =	vperm.xlane v26, v5  }
0x144: {  	v44 =	vperm.xlane v27, v5;
	v45 =	vperm.xlane v25, v5  }
0x145: {  	v50 =	vperm.xlane v24, v6;
	v52 =	vperm.xlane v26, v6  }
0x146: {  	v53 =	vperm.xlane v27, v6;
	v54 =	vperm.xlane v25, v6  }
0x147: {  	v48 =	vmax.f32 v34, v20;
	v58 =	vperm.xlane v24, v7;
	v60 =	vperm.xlane v26, v7  }
0x148: {  	s1 =	simm.s32 $0x2;
	s6 =	simm.s32 $0xF;
	v61 =	vperm.xlane v27, v7;
	v62 =	vperm.xlane v25, v7;
	v41 =	vmax.f32 v38, $0.0e+00  }
0x149: {  	s8 =	simm.s32 $0x3;
	v42 =	vmax.f32 v39, $0.0e+00;
	vm4 =	vgt.s32 v18, s1;
	vm0 =	vgt.s32 v18, s6  }
0x14a: {  	vm5 =	vgt.s32 v18, s8;
	v33 =	vmul.f32 v42, v41;
	v29 =	vadd.f32 v29, v19  }
0x14b: {  	s6 =	simm.s32 $0x4;
	v47 =	vsub.f32 v45, v44;
	v35 =	vmax.f32 v44, v21;
	v37 =	vmin.f32 v43, v22  }
0x14c: {  	s8 =	sadd.s32 $0x4, s4;
	v55 =	vsub.f32 v52, v50;
	v57 =	vsub.f32 v54, v53;
	vm6 =	vgt.s32 v18, s6  }
0x14d: {  	s23 =	sadd.s32 $0x2, s4;
	v63 =	vadd.s32 s8, v2;
	v28 =	vmax.f32 v36, v28;
	v36 =	vmin.f32 v45, v23  }
0x14e: {  	v45 =	vsub.f32 v62, v61;
	[tilespmem:v30+s18+$0x0] =	vst.idx.msk vm3, v28;
	v28 =	vsub.f32 v29, v33;
	v29 =	vadd.s32 s23, v2  }
0x14f: {  	v30 =	vsub.f32 v43, v34;
	v49 =	vsub.f32 v36, v35;
	v35 =	vmax.f32 v50, v20  }
0x150: {  	v36 =	vmin.f32 v52, v22;
	v43 =	vsub.f32 v60, v58;
	v50 =	vperm.xlane v25, v8;
	v46 =	vld.idx.msk [tilespmem:v31+s18+$0x0], vm2  }
0x151: {  	(erf) = vrcp.f32 v28;
	v28 =	vsub.f32 v37, v48;
	v30 =	vmul.f32 v47, v30  }
0x152: {  	v34 =	vmax.f32 v49, $0.0e+00;
	v37 =	vmin.f32 v54, v23;
	v48 =	vperm.xlane v26, v8;
	v51 =	vpop (erf)  }
0x153: {  	v49 =	vperm.xlane v27, v8;
	v32 =	vmul.f32 v51, v32;
	v28 =	vmax.f32 v28, $0.0e+00  }
0x154: {  	v54 =	vperm.xlane v24, v9;
	v30 =	vadd.f32 v30, v19;
	v28 =	vmul.f32 v34, v28  }
0x155: {  	v34 =	vmax.f32 v53, v21;
	v53 =	vsub.f32 v50, v49;
	v32 =	vmax.f32 v46, v32  }
0x156: {  	s16 =	sadd.s32 $0x3, s4;
	v34 =	vsub.f32 v37, v34;
	v37 =	vmin.f32 v62, v23;
	v46 =	vperm.xlane v24, v8  }
0x157: {  	s23 =	simm.s32 $0xE;
	[tilespmem:v31+s18+$0x0] =	vst.idx.msk vm2, v32;
	v30 =	vsub.f32 v30, v28;
	v31 =	vadd.s32 s16, v2;
	v32 =	vmul.f32 v57, v55  }
0x158: {  	vm2 =	vgt.s32 v18, s23;
	s16 =	simm.s32 $0x5;
	v57 =	vperm.xlane v26, v9;
	v56 =	vld.idx.msk [tilespmem:v29+s18+$0x0], vm4;
	v34 =	vmax.f32 v34, $0.0e+00  }
0x159: {  	vm3 =	vgt.s32 v18, s16;
	(erf) = vrcp.f32 v30;
	v30 =	vsub.f32 v36, v35  }
0x15a: {  	v51 =	vsub.f32 v48, v46;
	v32 =	vadd.f32 v32, v19;
	v35 =	vmax.f32 v58, v20;
	v59 =	vpop (erf)  }
0x15b: {  	v36 =	vmin.f32 v60, v22;
	v30 =	vmax.f32 v30, $0.0e+00;
	v33 =	vmul.f32 v59, v33  }
0x15c: {  	v30 =	vmul.f32 v34, v30;
	v34 =	vmax.f32 v61, v21;
	v59 =	vperm.xlane v25, v9  }
0x15d: {  	s8 =	sadd.s32 $0x6, s4;
	v61 =	vsub.f32 v57, v54;
	v34 =	vsub.f32 v37, v34;
	v33 =	vmax.f32 v56, v33  }
0x15e: {  	v58 =	vadd.s32 s8, v2;
	v56 =	vmul.f32 v53, v51;
	[tilespmem:v29+s18+$0x0] =	vst.idx.msk vm4, v33;
	v29 =	vsub.f32 v32, v30  }
0x15f: {  	v37 =	vmin.f32 v50, v23;
	v51 =	vperm.xlane v24, v11;
	v33 =	vmul.f32 v45, v43  }
0x160: {  	s6 =	simm.s32 $0x6;
	s8 =	sadd.s32 $0x8, s4;
	v34 =	vmax.f32 v34, $0.0e+00;
	v44 =	vld.idx.msk [tilespmem:v31+s18+$0x0], vm5;
	(erf) = vrcp.f32 v29;
	v29 =	vsub.f32 v36, v35  }
0x161: {  	vm4 =	vgt.s32 v18, s6;
	v45 =	vperm.xlane v26, v10;
	v32 =	vadd.s32 s8, v2  }
0x162: {  	v35 =	vmax.f32 v46, v20;
	v36 =	vmin.f32 v48, v22;
	v47 =	vpop (erf);
	v29 =	vmax.f32 v29, $0.0e+00  }
0x163: {  	v28 =	vmul.f32 v47, v28;
	v34 =	vmul.f32 v34, v29;
	v29 =	vadd.f32 v33, v19  }
0x164: {  	v38 =	vmin.f32 v45, v22;
	v47 =	vperm.xlane v25, v10;
	v33 =	vmax.f32 v49, v21  }
0x165: {  	s23 =	sadd.s32 $0x5, s4;
	v28 =	vmax.f32 v44, v28;
	v33 =	vsub.f32 v37, v33;
	v29 =	vsub.f32 v29, v34  }
0x166: {  	s16 =	simm.s32 $0x7;
	v37 =	vmin.f32 v57, v22;
	[tilespmem:v31+s18+$0x0] =	vst.idx.msk vm5, v28;
	v31 =	vadd.s32 s23, v2;
	v28 =	vperm.xlane v24, v17  }
0x167: {  	vm5 =	vgt.s32 v18, s16;
	v52 =	vld.idx.msk [tilespmem:v63+s18+$0x0], vm6;
	(erf) = vrcp.f32 v29;
	v29 =	vsub.f32 v36, v35  }
0x168: {  	v33 =	vmax.f32 v33, $0.0e+00;
	v35 =	vmax.f32 v54, v20;
	v36 =	vmin.f32 v59, v23  }
0x169: {  	v54 =	vperm.xlane v26, v11;
	v35 =	vsub.f32 v37, v35;
	v55 =	vpop (erf);
	v29 =	vmax.f32 v29, $0.0e+00  }
0x16a: {  	v30 =	vmul.f32 v55, v30;
	v33 =	vmul.f32 v33, v29;
	v29 =	vadd.f32 v56, v19  }
0x16b: {  	v37 =	vmin.f32 v47, v23;
	v55 =	vperm.xlane v27, v11;
	v56 =	vperm.xlane v25, v11  }
0x16c: {  	s23 =	sadd.s32 $0x7, s4;
	v30 =	vmax.f32 v52, v30;
	v60 =	vsub.f32 v29, v33;
	v29 =	vperm.xlane v27, v17  }
0x16d: {  	v46 =	vadd.s32 s23, v2;
	[tilespmem:v63+s18+$0x0] =	vst.idx.msk vm6, v30;
	v30 =	vperm.xlane v27, v9;
	v63 =	vperm.xlane v24, v10  }
0x16e: {  	v39 =	vmin.f32 v54, v22;
	(erf) = vrcp.f32 v60;
	v60 =	vperm.xlane v24, v12  }
0x16f: {  	v62 =	vld.idx.msk [tilespmem:v31+s18+$0x0], vm3;
	v41 =	vsub.f32 v59, v30;
	v30 =	vmax.f32 v30, v21;
	v49 =	vsub.f32 v45, v63  }
0x170: {  	v30 =	vsub.f32 v36, v30;
	v43 =	vpop (erf);
	v36 =	vmax.f32 v63, v20;
	v63 =	vperm.xlane v26, v12  }
0x171: {  	v35 =	vmax.f32 v35, $0.0e+00;
	v34 =	vmul.f32 v43, v34;
	v44 =	vmul.f32 v41, v61  }
0x172: {  	v36 =	vsub.f32 v38, v36;
	v43 =	vsub.f32 v56, v55;
	v30 =	vmax.f32 v30, $0.0e+00  }
0x173: {  	v38 =	vmin.f32 v56, v23;
	v35 =	vmul.f32 v30, v35;
	v30 =	vadd.f32 v44, v19  }
0x174: {  	v56 =	vperm.xlane v26, v13;
	v40 =	vmin.f32 v63, v22;
	v34 =	vmax.f32 v62, v34  }
0x175: {  	s6 =	simm.s32 $0x8;
	s23 =	sadd.s32 $0x9, s4;
	v36 =	vmax.f32 v36, $0.0e+00;
	[tilespmem:v31+s18+$0x0] =	vst.idx.msk vm3, v34;
	v31 =	vperm.xlane v27, v10;
	v48 =	vsub.f32 v30, v35  }
0x176: {  	vm3 =	vgt.s32 v18, s6;
	v34 =	vadd.s32 s23, v2;
	v30 =	vperm.xlane v26, v17;
	v50 =	vld.idx.msk [tilespmem:v58+s18+$0x0], vm4  }
0x177: {  	v42 =	vsub.f32 v47, v31;
	v31 =	vmax.f32 v31, v21;
	(erf) = vrcp.f32 v48  }
0x178: {  	v31 =	vsub.f32 v37, v31;
	v52 =	vpop (erf);
	v37 =	vmax.f32 v51, v20;
	v48 =	vperm.xlane v27, v12  }
0x179: {  	v33 =	vmul.f32 v52, v33;
	v53 =	vmul.f32 v42, v49;
	v37 =	vsub.f32 v39, v37  }
0x17a: {  	v49 =	vperm.xlane v25, v12;
	v42 =	vperm.xlane v24, v16;
	v31 =	vmax.f32 v31, $0.0e+00  }
0x17b: {  	v33 =	vmax.f32 v50, v33;
	v36 =	vmul.f32 v31, v36;
	v31 =	vadd.f32 v53, v19  }
0x17c: {  	v50 =	vsub.f32 v63, v60;
	v44 =	vsub.f32 v49, v48;
	v39 =	vmin.f32 v49, v23  }
0x17d: {  	v37 =	vmax.f32 v37, $0.0e+00;
	v53 =	vperm.xlane v24, v13;
	v63 =	vperm.xlane v24, v14;
	[tilespmem:v58+s18+$0x0] =	vst.idx.msk vm4, v33  }
0x17e: {  	v58 =	vsub.f32 v54, v51;
	v33 =	vmax.f32 v55, v21;
	v57 =	vsub.f32 v31, v36  }
0x17f: {  	v31 =	vperm.xlane v25, v17;
	v33 =	vsub.f32 v38, v33;
	v38 =	vmax.f32 v60, v20  }
0x180: {  	v55 =	vmul.f32 v44, v50;
	v60 =	vsub.f32 v56, v53;
	v50 =	vperm.xlane v27, v14  }
0x181: {  	v59 =	vld.idx.msk [tilespmem:v46+s18+$0x0], vm5;
	v62 =	vmul.f32 v43, v58;
	v52 =	vsub.f32 v40, v38;
	(erf) = vrcp.f32 v57  }
0x182: {  	v58 =	vperm.xlane v27, v13;
	v43 =	vperm.xlane v27, v16;
	v38 =	vmax.f32 v53, v20  }
0x183: {  	v40 =	vmin.f32 v56, v22;
	v53 =	vperm.xlane v26, v16;
	v33 =	vmax.f32 v33, $0.0e+00;
	v61 =	vpop (erf)  }
0x184: {  	v33 =	vmul.f32 v33, v37;
	v47 =	vadd.f32 v62, v19;
	v35 =	vmul.f32 v61, v35  }
0x185: {  	v56 =	vperm.xlane v24, v15;
	v57 =	vadd.f32 v55, v19;
	v62 =	vsub.f32 v40, v38  }
0x186: {  	s16 =	simm.s32 $0x9;
	v38 =	vmax.f32 v63, v20;
	v37 =	vsub.f32 v47, v33;
	v35 =	vmax.f32 v59, v35  }
0x187: {  	vm4 =	vgt.s32 v18, s16;
	v59 =	vperm.xlane v25, v13;
	[tilespmem:v46+s18+$0x0] =	vst.idx.msk vm5, v35;
	v35 =	vmax.f32 v48, v21  }
0x188: {  	(erf) = vrcp.f32 v37;
	v37 =	vmax.f32 v52, $0.0e+00;
	v51 =	vld.idx.msk [tilespmem:v32+s18+$0x0], vm3;
	v35 =	vsub.f32 v39, v35  }
0x189: {  	v48 =	vperm.xlane v26, v14;
	v26 =	vperm.xlane v26, v15;
	v45 =	vsub.f32 v59, v58  }
0x18a: {  	v39 =	vmin.f32 v59, v23;
	v59 =	vperm.xlane v27, v15;
	v54 =	vpop (erf);
	v35 =	vmax.f32 v35, $0.0e+00  }
0x18b: {  	v44 =	vmin.f32 v53, v22;
	v36 =	vmul.f32 v54, v36;
	v35 =	vmul.f32 v35, v37  }
0x18c: {  	v52 =	vsub.f32 v48, v63;
	v40 =	vmin.f32 v48, v22;
	v48 =	vmin.f32 v26, v22  }
0x18d: {  	s15 =	sadd.s32 $0x10, s15;
	s6 =	simm.s32 $0xA;
	v47 =	vmul.f32 v45, v60;
	v36 =	vmax.f32 v51, v36;
	v37 =	vsub.f32 v57, v35  }
0x18e: {  	vm5 =	vgt.s32 v18, s6;
	v27 =	vld [tilespmem:s15+$0x0];
	v55 =	vsub.f32 v40, v38;
	[tilespmem:v32+s18+$0x0] =	vst.idx.msk vm3, v36;
	v36 =	vmax.f32 v58, v21  }
0x18f: {  	v38 =	vmax.f32 v56, v20;
	v61 =	vld.idx.msk [tilespmem:v34+s18+$0x0], vm4;
	(erf) = vrcp.f32 v37;
	v36 =	vsub.f32 v39, v36  }
0x190: {  	s8 =	sadd.s32 $0xA, s4;
	v60 =	vperm.xlane v25, v15;
	v38 =	vsub.f32 v48, v38;
	v51 =	vperm.xlane v25, v14  }
0x191: {  	v32 =	vadd.s32 s8, v2;
	v46 =	vpop (erf);
	v37 =	vmax.f32 v62, $0.0e+00;
	v36 =	vmax.f32 v36, $0.0e+00  }
0x192: {  	v49 =	vadd.f32 v47, v19;
	v33 =	vmul.f32 v46, v33;
	v36 =	vmul.f32 v36, v37  }
0x193: {  	v40 =	vperm.xlane v27, v3;
	v45 =	vperm.xlane v27, v1;
	v39 =	vmin.f32 v51, v23  }
0x194: {  	s16 =	simm.s32 $0xB;
	v62 =	vperm.xlane v25, v16;
	v33 =	vmax.f32 v61, v33;
	v37 =	vsub.f32 v49, v36  }
0x195: {  	vm3 =	vgt.s32 v18, s16;
	v46 =	vsub.f32 v51, v50;
	[tilespmem:v34+s18+$0x0] =	vst.idx.msk vm4, v33;
	v34 =	vmax.f32 v50, v21  }
0x196: {  	v25 =	vsub.f32 v60, v59;
	v54 =	vld.idx.msk [tilespmem:v32+s18+$0x0], vm5;
	(erf) = vrcp.f32 v37;
	v34 =	vsub.f32 v39, v34  }
0x197: {  	s23 =	sadd.s32 $0xB, s4;
	v48 =	vsub.f32 v62, v43;
	v43 =	vmax.f32 v43, v21;
	v57 =	vmul.f32 v46, v52  }
0x198: {  	v33 =	vadd.s32 s23, v2;
	v37 =	vmax.f32 v55, $0.0e+00;
	v24 =	vpop (erf);
	v34 =	vmax.f32 v34, $0.0e+00  }
0x199: {  	v58 =	vadd.f32 v57, v19;
	v35 =	vmul.f32 v24, v35;
	v34 =	vmul.f32 v34, v37  }
0x19a: {  	v41 =	vmin.f32 v62, v23;
	v52 =	vsub.f32 v53, v42;
	v42 =	vmax.f32 v42, v20  }
0x19b: {  	v61 =	vsub.f32 v26, v56;
	v35 =	vmax.f32 v54, v35;
	v37 =	vsub.f32 v58, v34  }
0x19c: {  	v38 =	vmax.f32 v38, $0.0e+00;
	v39 =	vmin.f32 v60, v23;
	[tilespmem:v32+s18+$0x0] =	vst.idx.msk vm5, v35;
	v35 =	vmax.f32 v59, v21  }
0x19d: {  	s6 =	simm.s32 $0xC;
	v41 =	vsub.f32 v41, v43;
	v63 =	vld.idx.msk [tilespmem:v33+s18+$0x0], vm3;
	(erf) = vrcp.f32 v37;
	v35 =	vsub.f32 v39, v35  }
0x19e: {  	s16 =	sadd.s32 $0xC, s4;
	v42 =	vsub.f32 v44, v42;
	vm4 =	vgt.s32 v18, s6;
	v50 =	vmul.f32 v25, v61  }
0x19f: {  	v56 =	vsub.f32 v30, v28;
	v32 =	vadd.s32 s16, v2;
	v49 =	vpop (erf);
	v35 =	vmax.f32 v35, $0.0e+00  }
0x1a0: {  	v51 =	vadd.f32 v50, v19;
	v36 =	vmul.f32 v49, v36;
	v35 =	vmul.f32 v35, v38  }
0x1a1: {  	v41 =	vmax.f32 v41, $0.0e+00;
	v57 =	vsub.f32 v31, v29;
	v28 =	vmax.f32 v28, v20  }
0x1a2: {  	s3 =	sadd.s32 $0x10, s3;
	v29 =	vmax.f32 v29, v21;
	v36 =	vmax.f32 v63, v36;
	v38 =	vsub.f32 v51, v35  }
0x1a3: {  	v30 =	vmin.f32 v30, v22;
	v31 =	vmin.f32 v31, v23;
	v42 =	vmax.f32 v42, $0.0e+00;
	v25 =	vld [tilespmem:s3+$0x0];
	[tilespmem:v33+s18+$0x0] =	vst.idx.msk vm3, v36  }
0x1a4: {  	s1 =	sadd.s32 $0x10, s21;
	s8 =	simm.s32 $0xD;
	v28 =	vsub.f32 v30, v28;
	v29 =	vsub.f32 v31, v29;
	v47 =	vld.idx.msk [tilespmem:v32+s18+$0x0], vm4;
	(erf) = vrcp.f32 v38  }
0x1a5: {  	s23 =	sadd.s32 $0xD, s4;
	v55 =	vmul.f32 v48, v52;
	v41 =	vmul.f32 v41, v42;
	v24 =	vld [tilespmem:s1+$0x0];
	s16 =	sadd.s32 $0x10, s5;
	vm5 =	vgt.s32 v18, s8  }
0x1a6: {  	v44 =	vmul.f32 v57, v56;
	v28 =	vmax.f32 v28, $0.0e+00;
	v26 =	vld [tilespmem:s16+$0x0];
	v33 =	vadd.s32 s23, v2;
	v54 =	vpop (erf)  }
0x1a7: {  	v29 =	vmax.f32 v29, $0.0e+00;
	v58 =	vadd.f32 v55, v19;
	v34 =	vmul.f32 v54, v34  }
0x1a8: {  	v29 =	vmul.f32 v29, v28;
	v28 =	vadd.f32 v44, v19;
	v53 =	vperm.xlane v25, v1  }
0x1a9: {  	v50 =	vperm.xlane v25, v3;
	v60 =	vsub.f32 v58, v41;
	v34 =	vmax.f32 v47, v34  }
0x1aa: {  	vm1 =	vgt.s32 v18, s22;
	s6 =	sadd.s32 $0xE, s4;
	v55 =	vperm.xlane v27, v4;
	v39 =	vperm.xlane v24, v1;
	[tilespmem:v32+s18+$0x0] =	vst.idx.msk vm4, v34  }
0x1ab: {  	v59 =	vadd.s32 s6, v2;
	v36 =	vperm.xlane v26, v1;
	(erf) = vrcp.f32 v60;
	v61 =	vld.idx.msk [tilespmem:v33+s18+$0x0], vm5  }
0x1ac: {  	v63 =	vsub.f32 v53, v45;
	v45 =	vmax.f32 v45, v21;
	v38 =	vmin.f32 v53, v23  }
0x1ad: {  	v62 =	vsub.f32 v36, v39;
	v39 =	vmax.f32 v39, v20;
	v36 =	vmin.f32 v36, v22;
	v30 =	vpop (erf)  }
0x1ae: {  	v31 =	vsub.f32 v36, v39;
	v34 =	vsub.f32 v38, v45;
	v30 =	vmul.f32 v30, v35  }
0x1af: {  	v52 =	vsub.f32 v50, v40;
	v49 =	vsub.f32 v28, v29;
	v46 =	vmul.f32 v63, v62  }
0x1b0: {  	v31 =	vmax.f32 v31, $0.0e+00;
	v48 =	vmax.f32 v34, $0.0e+00;
	v45 =	vmax.f32 v61, v30  }
0x1b1: {  	(erf) = vrcp.f32 v49;
	[tilespmem:v33+s18+$0x0] =	vst.idx.msk vm5, v45;
	v33 =	vmul.f32 v48, v31;
	v31 =	vadd.f32 v46, v19  }
0x1b2: {  	s8 =	sadd.s32 $0xF, s4;
	v40 =	vmax.f32 v40, v21;
	v37 =	vperm.xlane v24, v3;
	v53 =	vperm.xlane v24, v4;
	v36 =	vld.idx.msk [tilespmem:v59+s18+$0x0], vm2  }
0x1b3: {  	v28 =	vadd.s32 s8, v2;
	v47 =	vperm.xlane v26, v3;
	v31 =	vsub.f32 v31, v33  }
0x1b4: {  	v57 =	vperm.xlane v26, v4;
	v42 =	vmax.f32 v53, v20;
	v62 =	vmax.f32 v55, v21;
	v54 =	vpop (erf)  }
0x1b5: {  	v51 =	vsub.f32 v47, v37;
	v41 =	vmul.f32 v54, v41;
	(erf) = vrcp.f32 v31  }
0x1b6: {  	v37 =	vmax.f32 v37, v20;
	v38 =	vmin.f32 v47, v22;
	v35 =	vmin.f32 v50, v23  }
0x1b7: {  	v35 =	vsub.f32 v35, v40;
	v31 =	vsub.f32 v38, v37;
	v36 =	vmax.f32 v36, v41  }
0x1b8: {  	s6 =	rddreg [dreg:$0x2];
	s23 =	sadd.s32 $0x10, s21;
	vm3 =	vmmov vm1;
	v63 =	vmin.f32 v57, v22;
	v34 =	vmul.f32 v52, v51;
	[tilespmem:v59+s18+$0x0] =	vst.idx.msk vm2, v36  }
0x1b9: {  	p1 =	seq.s32 s6, $0x20;
	v30 =	vadd.s32 s23, v2;
	v56 =	vmax.f32 v35, $0.0e+00;
	v31 =	vmax.f32 v31, $0.0e+00;
	v58 =	vld.idx.msk [tilespmem:v28+s18+$0x0], vm0  }
.Ltmp8:
0x1ba: {  	v34 =	vadd.f32 v34, v19;
	v35 =	vsub.f32 v57, v53;
	v61 =	vpop (erf);
	v32 =	vmul.f32 v56, v31;
	(pc) =	sbr.rel @p1 .LBB2_19-.Ltmp8, $4  }
0x1bb: {  	s5 =	simm.s32 $0x11;
	s8 =	sadd.s32 $0x1, s23;
	v38 =	vsub.f32 v63, v42;
	v29 =	vmul.f32 v61, v29;
	v59 =	vperm.xlane v25, v4  }
0x1bc: {  	vm2 =	vgt.s32 v18, s5;
	v31 =	vadd.s32 s8, v2;
	v60 =	vsub.f32 v34, v32  }
0x1bd: {  	v37 =	vsub.f32 v59, v55;
	v34 =	vperm.xlane v24, v5;
	v39 =	vmin.f32 v59, v23  }
0x1be: {  	p0 =	por $0x1, $0x1;
	s4 =	simm.s32 $0x20;
	v36 =	vld.idx.msk [tilespmem:v30+s18+$0x0], vm1;
	v39 =	vsub.f32 v39, v62;
	(erf) = vrcp.f32 v60;
	v40 =	vpop (erf);
	v29 =	vmax.f32 v58, v29  }
.LBB2_20:
0x1bf: {  	v33 =	vmul.f32 v40, v33;
	v59 =	vperm.xlane v26, v5  }
0x1c0: {  	v60 =	vperm.xlane v25, v5;
	v46 =	vperm.xlane v24, v6  }
0x1c1: {  	v49 =	vperm.xlane v26, v6;
	v50 =	vperm.xlane v25, v6  }
0x1c2: {  	[tilespmem:v28+s18+$0x0] =	vst.idx.msk vm0, v29;
	v56 =	vperm.xlane v24, v7;
	v28 =	vmax.f32 v38, $0.0e+00;
	v29 =	vmax.f32 v39, $0.0e+00  }
0x1c3: {  	v35 =	vmul.f32 v37, v35;
	v45 =	vmax.f32 v34, v20;
	v28 =	vmul.f32 v29, v28  }
0x1c4: {  	v63 =	vsub.f32 v59, v34;
	v37 =	vmin.f32 v59, v22;
	v53 =	vsub.f32 v49, v46  }
0x1c5: {  	v55 =	vmax.f32 v46, v20;
	v29 =	vadd.f32 v35, v19;
	v33 =	vmax.f32 v36, v33  }
0x1c6: {  	s8 =	sadd.s32 $0x2, s22;
	v59 =	vperm.xlane v26, v7;
	[tilespmem:v30+s18+$0x0] =	vst.idx.msk vm3, v33;
	v30 =	vperm.xlane v27, v5  }
0x1c7: {  	v46 =	vperm.xlane v24, v8;
	vm3 =	vgt.s32 v18, s8;
	s8 =	sadd.s32 $0x2, s23;
	v29 =	vsub.f32 v29, v28  }
0x1c8: {  	v33 =	vmin.f32 v60, v23;
	v62 =	vadd.s32 s8, v2;
	v44 =	vsub.f32 v60, v30  }
0x1c9: {  	v61 =	vld.idx.msk [tilespmem:v31+s18+$0x0], vm2;
	s8 =	sadd.s32 $0xF, s22;
	v30 =	vmax.f32 v30, v21;
	(erf) = vrcp.f32 v29;
	v29 =	vsub.f32 v37, v45  }
0x1ca: {  	vm0 =	vgt.s32 v18, s8;
	v60 =	vperm.xlane v25, v7;
	v30 =	vsub.f32 v33, v30  }
0x1cb: {  	v37 =	vmin.f32 v49, v22;
	v49 =	vperm.xlane v26, v8;
	v47 =	vpop (erf);
	v48 =	vmul.f32 v44, v63  }
0x1cc: {  	s8 =	sadd.s32 $0x3, s22;
	v32 =	vmul.f32 v47, v32;
	v29 =	vmax.f32 v29, $0.0e+00;
	v30 =	vmax.f32 v30, $0.0e+00  }
0x1cd: {  	vm4 =	vgt.s32 v18, s8;
	v29 =	vmul.f32 v30, v29;
	v30 =	vadd.f32 v48, v19  }
0x1ce: {  	s8 =	sadd.s32 $0x3, s23;
	v63 =	vsub.f32 v59, v56;
	v45 =	vmin.f32 v60, v23;
	v32 =	vmax.f32 v61, v32  }
0x1cf: {  	v52 =	vadd.s32 s8, v2;
	s8 =	sadd.s32 $0xE, s22;
	[tilespmem:v31+s18+$0x0] =	vst.idx.msk vm2, v32;
	v31 =	vperm.xlane v27, v6;
	v30 =	vsub.f32 v30, v29  }
0x1d0: {  	v41 =	vmin.f32 v49, v22;
	v32 =	vmin.f32 v50, v23;
	vm2 =	vgt.s32 v18, s8  }
0x1d1: {  	v51 =	vld.idx.msk [tilespmem:v62+s18+$0x0], vm3;
	v54 =	vsub.f32 v50, v31;
	v31 =	vmax.f32 v31, v21;
	(erf) = vrcp.f32 v30  }
0x1d2: {  	v30 =	vsub.f32 v37, v55;
	v31 =	vsub.f32 v32, v31;
	v32 =	vmax.f32 v56, v20  }
0x1d3: {  	v37 =	vmin.f32 v59, v22;
	v55 =	vperm.xlane v24, v9;
	v57 =	vpop (erf);
	v58 =	vmul.f32 v54, v53  }
0x1d4: {  	v28 =	vmul.f32 v57, v28;
	v30 =	vmax.f32 v30, $0.0e+00;
	v31 =	vmax.f32 v31, $0.0e+00  }
0x1d5: {  	v53 =	vsub.f32 v49, v46;
	v49 =	vperm.xlane v26, v10;
	v30 =	vmul.f32 v31, v30  }
0x1d6: {  	s8 =	sadd.s32 $0x4, s22;
	v31 =	vadd.f32 v58, v19;
	v58 =	vperm.xlane v26, v9;
	v28 =	vmax.f32 v51, v28  }
0x1d7: {  	vm5 =	vgt.s32 v18, s8;
	s8 =	sadd.s32 $0x4, s23;
	v43 =	vmin.f32 v49, v22;
	[tilespmem:v62+s18+$0x0] =	vst.idx.msk vm3, v28;
	v28 =	vperm.xlane v27, v7  }
0x1d8: {  	v51 =	vperm.xlane v25, v8;
	v31 =	vsub.f32 v31, v30;
	v62 =	vadd.s32 s8, v2  }
0x1d9: {  	v42 =	vmin.f32 v58, v22;
	v61 =	vld.idx.msk [tilespmem:v52+s18+$0x0], vm4;
	v44 =	vsub.f32 v60, v28;
	v28 =	vmax.f32 v28, v21  }
0x1da: {  	s8 =	sadd.s32 $0x5, s22;
	(erf) = vrcp.f32 v31;
	v31 =	vsub.f32 v37, v32;
	v28 =	vsub.f32 v45, v28  }
0x1db: {  	vm3 =	vgt.s32 v18, s8;
	v34 =	vmin.f32 v51, v23;
	v47 =	vpop (erf);
	v48 =	vmul.f32 v44, v63  }
0x1dc: {  	v31 =	vmax.f32 v31, $0.0e+00;
	v29 =	vmul.f32 v47, v29;
	v28 =	vmax.f32 v28, $0.0e+00  }
0x1dd: {  	v32 =	vmax.f32 v46, v20;
	v31 =	vmul.f32 v28, v31;
	v28 =	vadd.f32 v48, v19  }
0x1de: {  	s8 =	sadd.s32 $0x5, s23;
	v60 =	vperm.xlane v25, v9;
	v46 =	vperm.xlane v24, v10;
	v29 =	vmax.f32 v61, v29  }
0x1df: {  	v50 =	vadd.s32 s8, v2;
	v32 =	vsub.f32 v41, v32;
	[tilespmem:v52+s18+$0x0] =	vst.idx.msk vm4, v29;
	v52 =	vsub.f32 v28, v31  }
0x1e0: {  	v63 =	vsub.f32 v58, v55;
	v58 =	vperm.xlane v26, v11;
	v29 =	vperm.xlane v27, v8  }
0x1e1: {  	v36 =	vmin.f32 v60, v23;
	v32 =	vmax.f32 v32, $0.0e+00;
	v35 =	vld.idx.msk [tilespmem:v62+s18+$0x0], vm5;
	(erf) = vrcp.f32 v52  }
0x1e2: {  	s8 =	sadd.s32 $0x6, s22;
	v44 =	vmin.f32 v58, v22;
	v54 =	vsub.f32 v51, v29;
	v29 =	vmax.f32 v29, v21  }
0x1e3: {  	v28 =	vperm.xlane v24, v17;
	vm4 =	vgt.s32 v18, s8;
	v29 =	vsub.f32 v34, v29;
	v56 =	vpop (erf)  }
0x1e4: {  	v34 =	vmax.f32 v55, v20;
	v30 =	vmul.f32 v56, v30;
	v57 =	vmul.f32 v54, v53  }
0x1e5: {  	v55 =	vperm.xlane v24, v11;
	v34 =	vsub.f32 v42, v34;
	v29 =	vmax.f32 v29, $0.0e+00  }
0x1e6: {  	s8 =	sadd.s32 $0x6, s23;
	v30 =	vmax.f32 v35, v30;
	v32 =	vmul.f32 v29, v32;
	v29 =	vadd.f32 v57, v19  }
0x1e7: {  	v59 =	vadd.s32 s8, v2;
	v53 =	vsub.f32 v49, v46;
	[tilespmem:v62+s18+$0x0] =	vst.idx.msk vm5, v30;
	v30 =	vperm.xlane v27, v9  }
0x1e8: {  	s8 =	sadd.s32 $0x7, s22;
	v49 =	vperm.xlane v24, v12;
	v34 =	vmax.f32 v34, $0.0e+00;
	v61 =	vld.idx.msk [tilespmem:v50+s18+$0x0], vm3;
	v62 =	vsub.f32 v29, v32  }
0x1e9: {  	vm5 =	vgt.s32 v18, s8;
	v45 =	vsub.f32 v60, v30;
	v30 =	vmax.f32 v30, v21  }
0x1ea: {  	v29 =	vperm.xlane v27, v17;
	(erf) = vrcp.f32 v62;
	v30 =	vsub.f32 v36, v30;
	v47 =	vpop (erf)  }
0x1eb: {  	v36 =	vmax.f32 v46, v20;
	v48 =	vmul.f32 v45, v63;
	v31 =	vmul.f32 v47, v31  }
0x1ec: {  	v60 =	vperm.xlane v25, v11;
	v36 =	vsub.f32 v43, v36;
	v30 =	vmax.f32 v30, $0.0e+00  }
0x1ed: {  	s8 =	sadd.s32 $0x7, s23;
	v34 =	vmul.f32 v30, v34;
	v30 =	vadd.f32 v48, v19;
	v31 =	vmax.f32 v61, v31  }
0x1ee: {  	v33 =	vadd.s32 s8, v2;
	[tilespmem:v50+s18+$0x0] =	vst.idx.msk vm3, v31;
	v31 =	vperm.xlane v27, v10;
	v50 =	vperm.xlane v25, v10  }
0x1ef: {  	v63 =	vsub.f32 v58, v55;
	v38 =	vmin.f32 v60, v23;
	v52 =	vsub.f32 v30, v34  }
0x1f0: {  	v36 =	vmax.f32 v36, $0.0e+00;
	v30 =	vperm.xlane v26, v17;
	v54 =	vsub.f32 v50, v31  }
0x1f1: {  	s8 =	sadd.s32 $0x8, s22;
	v51 =	vld.idx.msk [tilespmem:v59+s18+$0x0], vm4;
	v31 =	vmax.f32 v31, v21;
	v37 =	vmin.f32 v50, v23;
	(erf) = vrcp.f32 v52  }
0x1f2: {  	vm3 =	vgt.s32 v18, s8;
	v52 =	vperm.xlane v26, v12;
	v31 =	vsub.f32 v37, v31  }
0x1f3: {  	v37 =	vmax.f32 v55, v20;
	v55 =	vperm.xlane v25, v12;
	v56 =	vpop (erf);
	v57 =	vmul.f32 v54, v53  }
0x1f4: {  	v37 =	vsub.f32 v44, v37;
	v32 =	vmul.f32 v56, v32;
	v31 =	vmax.f32 v31, $0.0e+00  }
0x1f5: {  	v54 =	vperm.xlane v27, v12;
	v36 =	vmul.f32 v31, v36;
	v31 =	vadd.f32 v57, v19  }
0x1f6: {  	s8 =	sadd.s32 $0x8, s23;
	v58 =	vsub.f32 v52, v49;
	v45 =	vmin.f32 v52, v22;
	v32 =	vmax.f32 v51, v32  }
0x1f7: {  	v35 =	vadd.s32 s8, v2;
	[tilespmem:v59+s18+$0x0] =	vst.idx.msk vm4, v32;
	v59 =	vperm.xlane v27, v11;
	v62 =	vsub.f32 v31, v36  }
0x1f8: {  	v44 =	vperm.xlane v27, v16;
	v39 =	vmin.f32 v55, v23;
	v31 =	vperm.xlane v25, v17  }
0x1f9: {  	v48 =	vsub.f32 v60, v59;
	v32 =	vmax.f32 v59, v21;
	(erf) = vrcp.f32 v62  }
0x1fa: {  	v61 =	vld.idx.msk [tilespmem:v33+s18+$0x0], vm5;
	v59 =	vsub.f32 v55, v54;
	v60 =	vperm.xlane v24, v13;
	v32 =	vsub.f32 v38, v32;
	v50 =	vpop (erf)  }
0x1fb: {  	v38 =	vmax.f32 v49, v20;
	v49 =	vperm.xlane v25, v13;
	v34 =	vmul.f32 v50, v34  }
0x1fc: {  	s8 =	sadd.s32 $0x9, s22;
	v37 =	vmax.f32 v37, $0.0e+00;
	v51 =	vmul.f32 v48, v63;
	v62 =	vmul.f32 v59, v58  }
0x1fd: {  	vm4 =	vgt.s32 v18, s8;
	v63 =	vperm.xlane v26, v13;
	v48 =	vperm.xlane v27, v13  }
0x1fe: {  	v38 =	vsub.f32 v45, v38;
	v59 =	vperm.xlane v27, v14;
	v45 =	vperm.xlane v26, v16  }
0x1ff: {  	v32 =	vmax.f32 v32, $0.0e+00;
	v46 =	vmin.f32 v49, v23;
	v34 =	vmax.f32 v61, v34  }
0x200: {  	v37 =	vmul.f32 v32, v37;
	v53 =	vadd.f32 v51, v19;
	v32 =	vperm.xlane v24, v16  }
0x201: {  	s8 =	sadd.s32 $0x9, s23;
	v38 =	vmax.f32 v38, $0.0e+00;
	v47 =	vadd.f32 v62, v19;
	v51 =	vsub.f32 v63, v60  }
0x202: {  	v52 =	vsub.f32 v49, v48;
	v42 =	vmin.f32 v63, v22;
	[tilespmem:v33+s18+$0x0] =	vst.idx.msk vm5, v34;
	v33 =	vadd.s32 s8, v2  }
0x203: {  	v34 =	vmax.f32 v54, v21;
	v54 =	vperm.xlane v24, v14;
	v57 =	vsub.f32 v53, v37  }
0x204: {  	v56 =	vld.idx.msk [tilespmem:v35+s18+$0x0], vm3;
	v34 =	vsub.f32 v39, v34;
	v39 =	vmax.f32 v60, v20;
	v60 =	vperm.xlane v25, v14  }
0x205: {  	v53 =	vsub.f32 v42, v39;
	v39 =	vmax.f32 v54, v20;
	(erf) = vrcp.f32 v57  }
0x206: {  	v34 =	vmax.f32 v34, $0.0e+00;
	v57 =	vperm.xlane v26, v14;
	v63 =	vsub.f32 v60, v59;
	v61 =	vpop (erf)  }
0x207: {  	v40 =	vmin.f32 v60, v23;
	v34 =	vmul.f32 v34, v38;
	v36 =	vmul.f32 v61, v36  }
0x208: {  	v26 =	vperm.xlane v26, v15;
	v62 =	vsub.f32 v57, v54;
	v42 =	vmin.f32 v57, v22  }
0x209: {  	v38 =	vsub.f32 v47, v34;
	v36 =	vmax.f32 v56, v36;
	v56 =	vmul.f32 v52, v51  }
0x20a: {  	s8 =	sadd.s32 $0xA, s22;
	v47 =	vsub.f32 v42, v39;
	v49 =	vmul.f32 v63, v62;
	v51 =	vperm.xlane v27, v15  }
0x20b: {  	vm5 =	vgt.s32 v18, s8;
	v52 =	vperm.xlane v25, v15;
	[tilespmem:v35+s18+$0x0] =	vst.idx.msk vm3, v36;
	v36 =	vmax.f32 v48, v21  }
0x20c: {  	s8 =	sadd.s32 $0xA, s23;
	v63 =	vsub.f32 v45, v32;
	(erf) = vrcp.f32 v38;
	v50 =	vld.idx.msk [tilespmem:v33+s18+$0x0], vm4;
	v36 =	vsub.f32 v46, v36  }
0x20d: {  	v32 =	vmax.f32 v32, v20;
	v45 =	vmin.f32 v45, v22;
	v35 =	vadd.s32 s8, v2  }
0x20e: {  	v38 =	vmax.f32 v53, $0.0e+00;
	v48 =	vperm.xlane v24, v15;
	v36 =	vmax.f32 v36, $0.0e+00;
	v55 =	vpop (erf)  }
0x20f: {  	v58 =	vadd.f32 v56, v19;
	v36 =	vmul.f32 v36, v38;
	v37 =	vmul.f32 v55, v37  }
0x210: {  	v32 =	vsub.f32 v45, v32;
	v56 =	vmin.f32 v26, v22;
	v54 =	vsub.f32 v26, v48  }
0x211: {  	v55 =	vperm.xlane v25, v16;
	v38 =	vsub.f32 v58, v36;
	v37 =	vmax.f32 v50, v37  }
0x212: {  	vm1 =	vgt.s32 v18, s4;
	v25 =	vsub.f32 v52, v51;
	[tilespmem:v33+s18+$0x0] =	vst.idx.msk vm4, v37;
	v37 =	vmax.f32 v59, v21  }
0x213: {  	s8 =	sadd.s32 $0xB, s22;
	v39 =	vmax.f32 v48, v20;
	(erf) = vrcp.f32 v38;
	v61 =	vld.idx.msk [tilespmem:v35+s18+$0x0], vm5;
	v37 =	vsub.f32 v40, v37  }
0x214: {  	vm3 =	vgt.s32 v18, s8;
	s8 =	sadd.s32 $0xB, s23;
	v39 =	vsub.f32 v56, v39;
	v58 =	vmul.f32 v25, v54  }
0x215: {  	v33 =	vadd.s32 s8, v2;
	v38 =	vmax.f32 v47, $0.0e+00;
	v24 =	vpop (erf);
	v37 =	vmax.f32 v37, $0.0e+00  }
0x216: {  	v50 =	vadd.f32 v49, v19;
	v34 =	vmul.f32 v24, v34;
	v37 =	vmul.f32 v37, v38  }
0x217: {  	v48 =	vsub.f32 v55, v44;
	v49 =	vmax.f32 v44, v21;
	v43 =	vmin.f32 v55, v23  }
0x218: {  	s1 =	sadd.s32 $0x10, s1;
	v54 =	vsub.f32 v30, v28;
	v34 =	vmax.f32 v61, v34;
	v38 =	vsub.f32 v50, v37  }
0x219: {  	v39 =	vmax.f32 v39, $0.0e+00;
	v47 =	vmin.f32 v52, v23;
	v24 =	vld [tilespmem:s1+$0x0];
	[tilespmem:v35+s18+$0x0] =	vst.idx.msk vm5, v34;
	v35 =	vmax.f32 v51, v21  }
0x21a: {  	v55 =	vsub.f32 v31, v29;
	s8 =	sadd.s32 $0xC, s22;
	v53 =	vld.idx.msk [tilespmem:v33+s18+$0x0], vm3;
	(erf) = vrcp.f32 v38;
	v35 =	vsub.f32 v47, v35  }
0x21b: {  	v28 =	vmax.f32 v28, v20;
	v29 =	vmax.f32 v29, v21;
	vm4 =	vgt.s32 v18, s8;
	s8 =	sadd.s32 $0xC, s23  }
0x21c: {  	v30 =	vmin.f32 v30, v22;
	v34 =	vadd.s32 s8, v2;
	v57 =	vpop (erf);
	v35 =	vmax.f32 v35, $0.0e+00  }
0x21d: {  	s15 =	sadd.s32 $0x10, s15;
	v59 =	vadd.f32 v58, v19;
	v36 =	vmul.f32 v57, v36;
	v35 =	vmul.f32 v35, v39  }
0x21e: {  	s16 =	sadd.s32 $0x10, s16;
	v31 =	vmin.f32 v31, v23;
	v43 =	vsub.f32 v43, v49;
	v28 =	vsub.f32 v30, v28;
	v27 =	vld [tilespmem:s15+$0x0]  }
0x21f: {  	s3 =	sadd.s32 $0x10, s3;
	v29 =	vsub.f32 v31, v29;
	v26 =	vld [tilespmem:s16+$0x0];
	v36 =	vmax.f32 v53, v36;
	v39 =	vsub.f32 v59, v35  }
0x220: {  	s6 =	rddreg [dreg:$0x2];
	v32 =	vmax.f32 v32, $0.0e+00;
	v43 =	vmax.f32 v43, $0.0e+00;
	v28 =	vmax.f32 v28, $0.0e+00;
	v25 =	vld [tilespmem:s3+$0x0];
	[tilespmem:v33+s18+$0x0] =	vst.idx.msk vm3, v36  }
0x221: {  	s5 =	smov.u32 s4;
	s4 =	sadd.s32 $0x10, s4;
	v29 =	vmax.f32 v29, $0.0e+00;
	v32 =	vmul.f32 v43, v32;
	s8 =	sadd.s32 $0xD, s22;
	v62 =	vld.idx.msk [tilespmem:v34+s18+$0x0], vm4;
	(erf) = vrcp.f32 v39  }
0x222: {  	p1 =	seq.s32 s6, s4;
	s6 =	sadd.s32 $0xD, s23;
	v29 =	vmul.f32 v29, v28;
	vm5 =	vgt.s32 v18, s8;
	v53 =	vmul.f32 v48, v63  }
0x223: {  	v40 =	vperm.xlane v24, v1;
	v38 =	vperm.xlane v24, v3;
	v33 =	vadd.s32 s6, v2;
	v52 =	vpop (erf)  }
0x224: {  	v42 =	vperm.xlane v27, v3;
	v56 =	vadd.f32 v53, v19;
	v37 =	vmul.f32 v52, v37  }
0x225: {  	v60 =	vperm.xlane v27, v1;
	v61 =	vperm.xlane v26, v1  }
0x226: {  	s8 =	sadd.s32 $0xE, s23;
	v51 =	vperm.xlane v25, v1;
	v43 =	vsub.f32 v56, v32;
	v37 =	vmax.f32 v62, v37  }
0x227: {  	v57 =	vadd.s32 s8, v2;
	v63 =	vperm.xlane v26, v3;
	v58 =	vsub.f32 v61, v40;
	[tilespmem:v34+s18+$0x0] =	vst.idx.msk vm4, v37  }
0x228: {  	v59 =	vsub.f32 v51, v60;
	v40 =	vmax.f32 v40, v20;
	(erf) = vrcp.f32 v43;
	v37 =	vld.idx.msk [tilespmem:v33+s18+$0x0], vm5  }
0x229: {  	v41 =	vmax.f32 v60, v21;
	v36 =	vmin.f32 v61, v22;
	v60 =	vmul.f32 v55, v54  }
0x22a: {  	v48 =	vperm.xlane v25, v3;
	v39 =	vmin.f32 v51, v23;
	v31 =	vsub.f32 v36, v40;
	v30 =	vpop (erf)  }
0x22b: {  	v61 =	vsub.f32 v39, v41;
	v28 =	vadd.f32 v60, v19;
	v30 =	vmul.f32 v30, v35  }
0x22c: {  	v49 =	vsub.f32 v63, v38;
	v31 =	vmax.f32 v31, $0.0e+00;
	v62 =	vmul.f32 v59, v58  }
0x22d: {  	v45 =	vmax.f32 v61, $0.0e+00;
	v47 =	vsub.f32 v28, v29;
	v37 =	vmax.f32 v37, v30  }
0x22e: {  	[tilespmem:v33+s18+$0x0] =	vst.idx.msk vm5, v37;
	v33 =	vmul.f32 v45, v31;
	v31 =	vadd.f32 v62, v19  }
0x22f: {  	v50 =	vsub.f32 v48, v42;
	v51 =	vperm.xlane v24, v4;
	(erf) = vrcp.f32 v47;
	v46 =	vld.idx.msk [tilespmem:v57+s18+$0x0], vm2  }
0x230: {  	s8 =	sadd.s32 $0xF, s23;
	v38 =	vmax.f32 v38, v20;
	v42 =	vmax.f32 v42, v21;
	v31 =	vsub.f32 v31, v33  }
0x231: {  	v53 =	vperm.xlane v27, v4;
	v55 =	vperm.xlane v26, v4;
	v28 =	vadd.s32 s8, v2;
	v43 =	vpop (erf)  }
0x232: {  	v39 =	vmin.f32 v63, v22;
	v32 =	vmul.f32 v43, v32;
	(erf) = vrcp.f32 v31  }
0x233: {  	v41 =	vmax.f32 v51, v20;
	v52 =	vmul.f32 v50, v49;
	v35 =	vmin.f32 v48, v23  }
0x234: {  	s22 =	smov.u32 s5;
	v35 =	vsub.f32 v35, v42;
	v31 =	vsub.f32 v39, v38;
	v32 =	vmax.f32 v46, v32  }
0x235: {  	s6 =	sadd.s32 s22, s21;
	vm3 =	vmmov vm1;
	v61 =	vmax.f32 v53, v21;
	v58 =	vperm.xlane v25, v4;
	[tilespmem:v57+s18+$0x0] =	vst.idx.msk vm2, v32  }
0x236: {  	v30 =	vadd.s32 s6, v2;
	v54 =	vmax.f32 v35, $0.0e+00;
	v31 =	vmax.f32 v31, $0.0e+00;
	v56 =	vld.idx.msk [tilespmem:v28+s18+$0x0], vm0  }
.Ltmp9:
0x237: {  	v34 =	vperm.xlane v24, v5;
	v32 =	vmul.f32 v54, v31;
	v57 =	vadd.f32 v52, v19;
	(pc) =	sbr.rel @!p1 .LBB2_20-.Ltmp9, $4  }
0x238: {  	v63 =	vmin.f32 v58, v23;
	v35 =	vsub.f32 v55, v51;
	v37 =	vsub.f32 v58, v53;
	v60 =	vpop (erf)  }
0x239: {  	s23 =	smov.u32 s6;
	s6 =	sadd.s32 $0x1, s22;
	v62 =	vmin.f32 v55, v22;
	v29 =	vmul.f32 v60, v29;
	v59 =	vsub.f32 v57, v32  }
0x23a: {  	s8 =	sadd.s32 $0x1, s23;
	v38 =	vsub.f32 v62, v41;
	v39 =	vsub.f32 v63, v61;
	vm2 =	vgt.s32 v18, s6  }
0x23b: {  	v31 =	vadd.s32 s8, v2;
	v36 =	vld.idx.msk [tilespmem:v30+s18+$0x0], vm1;
	(erf) = vrcp.f32 v59;
	v40 =	vpop (erf);
	v29 =	vmax.f32 v56, v29  }
.Ltmp10:
0x23c: {  	(pc) =	sbr.rel .LBB2_22-.Ltmp10, $2  }
0x23d: {  	_ =	sdelay $0x2  }
0x23e: {  	s1 =	smov.u32 s22;
	s4 =	smov.u32 s23  }
.LBB2_19:
.Ltmp11:
0x23f: {  	(pc) =	sbr.rel .LBB2_22-.Ltmp11, $2  }
0x240: {  	_ =	sdelay $0x2  }
0x241: {  	s1 =	simm.s32 $0x10;
	s4 =	smov.u32 s23  }
.LBB2_14:
0x242: {  	s1 =	simm.s32 $0x0  }
0x243: {  	v18 =	vld [tilespmem:s1+$0x3A10]  }
0x244: {  	v19 =	vld [tilespmem:s1+$0x3F91]  }
0x245: {  	v20 =	vld [tilespmem:s1+$0x4512]  }
0x246: {  	v21 =	vld [tilespmem:s1+$0x4A93]  }
0x247: {  	v22 =	vld [tilespmem:s1+$0x5014]  }
0x248: {  	v23 =	vld [tilespmem:s1+$0x5595]  }
0x249: {  	v24 =	vld [tilespmem:s1+$0x5B16]  }
0x24a: {  	v25 =	vld [tilespmem:s1+$0x6097]  }
0x24b: {  	v26 =	vld [tilespmem:s1+$0x6618]  }
0x24c: {  	v27 =	vld [tilespmem:s1+$0x6B99]  }
0x24d: {  	v28 =	vld [tilespmem:s1+$0x711A]  }
0x24e: {  	v29 =	vld [tilespmem:s1+$0x769B]  }
0x24f: {  	v30 =	vld [tilespmem:s1+$0x7C1C]  }
0x250: {  	v31 =	vld [tilespmem:s1+$0x819D]  }
0x251: {  	v32 =	vld [tilespmem:s1+$0x871E]  }
0x252: {  	v33 =	vld [tilespmem:s1+$0x8C9F];
	v18 =	vmax.f32 v18, v19  }
0x253: {  	v19 =	vld [tilespmem:s1+$0x3A00];
	v18 =	vmax.f32 v18, v20  }
0x254: {  	v20 =	vld [tilespmem:s1+$0x3F81];
	v18 =	vmax.f32 v18, v21  }
0x255: {  	v21 =	vld [tilespmem:s1+$0x4502];
	v18 =	vmax.f32 v18, v22  }
0x256: {  	v22 =	vld [tilespmem:s1+$0x4A83];
	v18 =	vmax.f32 v18, v23  }
0x257: {  	v23 =	vld [tilespmem:s1+$0x5004];
	v18 =	vmax.f32 v18, v24  }
0x258: {  	v61 =	vld [tilespmem:s1+$0x5585];
	v18 =	vmax.f32 v18, v25  }
0x259: {  	v19 =	vmax.f32 v19, v20;
	v20 =	vld [tilespmem:s1+$0x5B06];
	v18 =	vmax.f32 v18, v26  }
0x25a: {  	v19 =	vmax.f32 v19, v21;
	v21 =	vld [tilespmem:s1+$0x6087];
	v18 =	vmax.f32 v18, v27  }
0x25b: {  	v19 =	vmax.f32 v19, v22;
	v22 =	vld [tilespmem:s1+$0x6608];
	v18 =	vmax.f32 v18, v28  }
0x25c: {  	v19 =	vmax.f32 v19, v23;
	v23 =	vld [tilespmem:s1+$0x6B89];
	v18 =	vmax.f32 v18, v29  }
0x25d: {  	v24 =	vmax.f32 v19, v61;
	v19 =	vld [tilespmem:s1+$0x710A];
	v18 =	vmax.f32 v18, v30  }
0x25e: {  	v20 =	vmax.f32 v24, v20;
	v62 =	vmax.f32 v18, v31;
	v18 =	vld [tilespmem:s1+$0x768B]  }
0x25f: {  	v21 =	vmax.f32 v20, v21;
	v20 =	vld [tilespmem:s1+$0x7C0C];
	v63 =	vmax.f32 v62, v32  }
0x260: {  	v22 =	vmax.f32 v21, v22;
	v21 =	vld [tilespmem:s1+$0x818D];
	v24 =	vmax.f32 v63, v33  }
0x261: {  	s3 =	simm.s32 $0x0;
	s4 =	simm.s32 $0x80;
	v23 =	vmax.f32 v22, v23;
	v22 =	vld [tilespmem:s1+$0x870E];
	[tilespmem:s1+$0x9290] =	vst v24  }
.LBB2_15:
0x262: {  	s5 =	sshra.s32 s4, $0x2;
	v19 =	vmax.f32 v23, v19;
	v23 =	vld [tilespmem:s1+$0x8C8F]  }
0x263: {  	s3 =	sadd.s32 $0x2, s3;
	v24 =	vld [tilespmem:s5+$0x3A10];
	v18 =	vmax.f32 v19, v18  }
0x264: {  	p0 =	slt.u32 s3, $0x56;
	v19 =	vld [tilespmem:s5+$0x3F91];
	v18 =	vmax.f32 v18, v20  }
0x265: {  	v20 =	vld [tilespmem:s5+$0x4512];
	v18 =	vmax.f32 v18, v21  }
0x266: {  	v21 =	vld [tilespmem:s5+$0x4A93];
	v18 =	vmax.f32 v18, v22  }
0x267: {  	v22 =	vld [tilespmem:s5+$0x5014];
	v18 =	vmax.f32 v18, v23  }
0x268: {  	v23 =	vld [tilespmem:s5+$0x5595];
	[tilespmem:s1+$0x9280] =	vst v18;
	s1 =	smov.u32 s5  }
0x269: {  	v18 =	vmax.f32 v24, v19;
	v19 =	vld [tilespmem:s1+$0x5B16]  }
0x26a: {  	v18 =	vmax.f32 v18, v20;
	v20 =	vld [tilespmem:s1+$0x6097]  }
0x26b: {  	v18 =	vmax.f32 v18, v21;
	v21 =	vld [tilespmem:s1+$0x6618]  }
0x26c: {  	v18 =	vmax.f32 v18, v22;
	v22 =	vld [tilespmem:s1+$0x6B99]  }
0x26d: {  	v18 =	vmax.f32 v18, v23;
	v23 =	vld [tilespmem:s1+$0x711A]  }
0x26e: {  	v18 =	vmax.f32 v18, v19;
	v19 =	vld [tilespmem:s1+$0x769B]  }
0x26f: {  	v18 =	vmax.f32 v18, v20;
	v20 =	vld [tilespmem:s1+$0x7C1C]  }
0x270: {  	v18 =	vmax.f32 v18, v21;
	v21 =	vld [tilespmem:s1+$0x819D]  }
0x271: {  	v18 =	vmax.f32 v18, v22;
	v22 =	vld [tilespmem:s1+$0x871E]  }
0x272: {  	v18 =	vmax.f32 v18, v23;
	v23 =	vld [tilespmem:s1+$0x8C9F]  }
0x273: {  	v24 =	vld [tilespmem:s1+$0x3A00];
	v18 =	vmax.f32 v18, v19  }
0x274: {  	v19 =	vld [tilespmem:s1+$0x3F81];
	v18 =	vmax.f32 v18, v20  }
0x275: {  	v20 =	vld [tilespmem:s1+$0x4502];
	v18 =	vmax.f32 v18, v21  }
0x276: {  	v21 =	vld [tilespmem:s1+$0x4A83];
	v18 =	vmax.f32 v18, v22  }
0x277: {  	v22 =	vld [tilespmem:s1+$0x5004];
	v18 =	vmax.f32 v18, v23  }
0x278: {  	v23 =	vld [tilespmem:s1+$0x5585];
	[tilespmem:s1+$0x9290] =	vst v18  }
0x279: {  	v18 =	vmax.f32 v24, v19;
	v24 =	vld [tilespmem:s1+$0x5B06]  }
0x27a: {  	v18 =	vmax.f32 v18, v20;
	v20 =	vld [tilespmem:s1+$0x6087]  }
0x27b: {  	v18 =	vmax.f32 v18, v21;
	v21 =	vld [tilespmem:s1+$0x6608]  }
0x27c: {  	v18 =	vmax.f32 v18, v22;
	v22 =	vld [tilespmem:s1+$0x6B89]  }
.Ltmp12:
0x27d: {  	v18 =	vmax.f32 v18, v23;
	v19 =	vld [tilespmem:s1+$0x710A];
	(pc) =	sbr.rel @p0 .LBB2_15-.Ltmp12, $4  }
0x27e: {  	v23 =	vmax.f32 v18, v24;
	v18 =	vld [tilespmem:s1+$0x768B]  }
0x27f: {  	v23 =	vmax.f32 v23, v20;
	v20 =	vld [tilespmem:s1+$0x7C0C]  }
0x280: {  	v23 =	vmax.f32 v23, v21;
	v21 =	vld [tilespmem:s1+$0x818D]  }
0x281: {  	s4 =	sadd.s32 $0x80, s4;
	v23 =	vmax.f32 v23, v22;
	v22 =	vld [tilespmem:s1+$0x870E]  }
0x282: {  	v19 =	vmax.f32 v23, v19;
	v63 =	vld [tilespmem:s1+$0x8C8F]  }
0x283: {  	v18 =	vmax.f32 v19, v18  }
0x284: {  	v18 =	vmax.f32 v18, v20  }
0x285: {  	v18 =	vmax.f32 v18, v21  }
0x286: {  	s19 =	sadd.s32 $0x1, s19;
	v18 =	vmax.f32 v18, v22  }
0x287: {  	s23 =	simm.s32 $0x80;
	p0 =	sne.s32 s19, s14;
	v18 =	vmax.f32 v18, v63  }
.Ltmp13:
0x288: {  	s3 =	simm.s32 $0x400;
	s4 =	simm.s32 $0x9280;
	[tilespmem:s1+$0x9280] =	vst v18;
	(pc) =	sbr.rel @p0 .LBB2_1-.Ltmp13, $4  }
0x289: {  	[hbm4b:s13+s23] =	stream.strided.scatter [tilespmem:s4], [sflag:$0x2], $0x580, s3, s23, $0x38;
	[tilespmem:$0x9800] =	vst v63  }
0x28a: {  	_ =	swait.ge [sflag:s17], $0x580  }
0x28b: {  	[sflag:s17] =	ssyncset.done $0x0  }
0x28c: {  	[sflag:s17] =	ssyncadd.s32 $0xFFFFFA80  }
0x28d: {  	_ =	sfence.sel $0x180000  }
0x28e: {  	[bflag:$0x0] =	sbarrier.arrive $0xFFFF  }
0x28f: {  	_ =	strace $0x90000047  }
0x290: {  	s0 =	stileid.u32;
	[bflag:$0x2] =	sbarrier.arrive $0xFFFF  }
0x291: {  	p0 =	sne.s32 s0, $0x0;
	s0 =	rddreg [dreg:$0x1]  }
0x292: {  	s0 =	sadd.s32 @!p0 $0x100000, s0  }
0x293: {  	[sflag:s0] =	ssyncadd.tile.s32 @!p0 $0x1;
	_ =	shalt  }
.Lfunc_end2:
_tile_overlayer_lowered:
.L_overlay_start_2:
0x294: {  	(tag) =	ssettag $0x2  }
0x295: {  	s0 =	rddreg [dreg:$0x0];
	s2 =	stileid.u32  }
0x296: {  	s1 =	rddreg [dreg:$0x1];
	p0 =	sne.s32 s2, $0x0  }
0x297: {  	s3 =	rddreg [dreg:$0x2];
	[bflag:$0x3] =	sbarrier.arrive $0xFFFF;
	s2 =	simm.s32 @!p0 $0x1C02  }
0x298: {  	[timem:s3], [sflag:s2] =	dma.local @!p0 [hbm:s0], s1  }
0x299: {  	s0 =	simm.s32 @!p0 $0x2  }
0x29a: {  	_ =	swait.ge @!p0 [sflag:s0], s1  }
0x29b: {  	s1 =	ssub.s32 @!p0 $0x0, s1;
	[sflag:s0] =	ssyncset.done @!p0 $0x0  }
0x29c: {  	[sflag:s0] =	ssyncadd.s32 @!p0 s1  }
0x29d: {  	[bflag:$0x3] =	sbarrier.arrive $0xFFFF  }
0x29e: {  	_ =	shalt  }

</sc_bundles>
